<compile_context>
chip_gen: v7x
topology: tpu7x:2x2x1
jax: 0.10.2.dev20260603
libtpu: 0.0.44.dev20260713+nightly
codegen_flags: <defaults>
</compile_context>

<pallas_src>
import functools

import jax
import jax.numpy as jnp
from jax import lax
from jax.experimental import pallas as pl
from jax.experimental.pallas import tpu as pltpu
from jax.experimental.pallas import tpu_sc as plsc

N = 10000
E = 320000
D = 128
H = 128
C = 64
HD = D // 2

NC = 2
NS = 16
EPT = E // NS
CHUNK = 80
NCHUNK = EPT // CHUNK
RPT = 624
TAIL = N - NS * RPT
NBUF = 5
PF = 5
NGRP = NCHUNK // NBUF

_mesh = plsc.VectorSubcoreMesh(core_axis_name="c", subcore_axis_name="s",
                               num_cores=NC, num_subcores=NS)


def _zero_acc(z64, acc_sh, sid):
    pltpu.sync_copy(z64.at[pl.ds(sid * RPT, RPT)],
                    acc_sh.at[pl.ds(sid * RPT, RPT)])

    @pl.when(sid == NS - 1)
    def _():
        pltpu.sync_copy(z64.at[pl.ds(NS * RPT, TAIL)],
                        acc_sh.at[pl.ds(NS * RPT, TAIL)])


def _write_acc(acc_sh, out_hbm, cid, sid):
    pltpu.sync_copy(acc_sh.at[pl.ds(sid * RPT, RPT)],
                    out_hbm.at[pl.ds(cid * N + sid * RPT, RPT)])

    @pl.when(sid == NS - 1)
    def _():
        pltpu.sync_copy(acc_sh.at[pl.ds(NS * RPT, TAIL)],
                        out_hbm.at[pl.ds(cid * N + NS * RPT, TAIL)])


def _ring_pass(issue_fn, wait_fn, cidx, bufs, gsems, ssems, acc_sh,
               ones_v=None, deg_sh=None):

    def drain_scatter(b):
        pltpu.make_async_copy(bufs.at[b], acc_sh.at[cidx.at[0]],
                              ssems.at[b]).wait()
        if deg_sh is not None:
            pltpu.make_async_copy(ones_v, deg_sh.at[cidx.at[0]],
                                  ssems.at[b]).wait()

    for b in range(PF):
        issue_fn(b, b)

    def group(g, carry):
        for b in range(NBUF):
            j = g * NBUF + b
            wait_fn(j, b)
            pltpu.async_copy(bufs.at[b], acc_sh.at[cidx.at[j]],
                             ssems.at[b], add=True)
            if deg_sh is not None:
                pltpu.async_copy(ones_v, deg_sh.at[cidx.at[j]],
                                 ssems.at[b], add=True)

            bf = (b + PF) % NBUF

            @pl.when(j + PF < NCHUNK)
            def _():
                @pl.when(j + PF >= NBUF)
                def _():
                    drain_scatter(bf)

                issue_fn(j + PF, bf)
        return carry

    lax.fori_loop(0, NGRP, group, None)

    for b in range(NBUF):
        drain_scatter(b)


def _single_src_ring(src_hbm, ridx, cidx, bufs, gsems, ssems, acc_sh,
                     ones_v=None, deg_sh=None):
    def issue_fn(j, b):
        pltpu.async_copy(src_hbm.at[ridx.at[j]], bufs.at[b], gsems.at[b])

    def wait_fn(j, b):
        pltpu.make_async_copy(src_hbm.at[ridx.at[j]], bufs.at[b],
                              gsems.at[b]).wait()

    _ring_pass(issue_fn, wait_fn, cidx, bufs, gsems, ssems, acc_sh,
               ones_v=ones_v, deg_sh=deg_sh)


def _map_idx(ridx, mul, add):
    def row(r, carry):
        for c in range(CHUNK // 16):
            sl = ridx.at[r][pl.ds(c * 16, 16)]
            ridx.at[r][pl.ds(c * 16, 16)] = sl * mul + add
        return carry

    lax.fori_loop(0, NCHUNK, row, None)


def _stage_idx(ei0_4d, ei1_4d, ridx, cidx, cid, sid):
    @pl.when(cid == 0)
    def _():
        pltpu.sync_copy(ei0_4d.at[0].at[sid], ridx)
        pltpu.sync_copy(ei0_4d.at[1].at[sid], cidx)

    @pl.when(cid == 1)
    def _():
        pltpu.sync_copy(ei1_4d.at[0].at[sid], ridx)
        pltpu.sync_copy(ei1_4d.at[1].at[sid], cidx)


def _sc_propagate_l1(ei0_4d, ei1_4d, xf_hbm, z64,
                     a0_out, a1_out, deg_out,
                     ridx, cidx, bufs, ones_v, dbuf, acc_sh, deg_sh,
                     gsems, ssems):
    cid = lax.axis_index("c")
    sid = lax.axis_index("s")

    for i in range(RPT // 16):
        dbuf[pl.ds(i * 16, 16)] = jnp.zeros((16,), jnp.float32)
    _zero_acc(z64, acc_sh, sid)
    pltpu.sync_copy(dbuf, deg_sh.at[pl.ds(sid * RPT, RPT)])

    @pl.when(sid == NS - 1)
    def _():
        pltpu.sync_copy(dbuf.at[pl.ds(0, TAIL)],
                        deg_sh.at[pl.ds(NS * RPT, TAIL)])

    _stage_idx(ei0_4d, ei1_4d, ridx, cidx, cid, sid)

    for i in range(CHUNK // 16):
        ones_v[pl.ds(i * 16, 16)] = jnp.ones((16,), jnp.float32)

    _map_idx(ridx, 2, 0)

    plsc.subcore_barrier()

    _single_src_ring(xf_hbm, ridx, cidx, bufs, gsems, ssems, acc_sh,
                     ones_v=ones_v, deg_sh=deg_sh)

    plsc.subcore_barrier()

    _write_acc(acc_sh, a0_out, cid, sid)
    pltpu.sync_copy(deg_sh.at[pl.ds(sid * RPT, RPT)], dbuf)
    pltpu.sync_copy(dbuf, deg_out.at[pl.ds(cid * N + sid * RPT, RPT)])

    @pl.when(sid == NS - 1)
    def _():
        pltpu.sync_copy(deg_sh.at[pl.ds(NS * RPT, TAIL)],
                        dbuf.at[pl.ds(0, TAIL)])
        pltpu.sync_copy(dbuf.at[pl.ds(0, TAIL)],
                        deg_out.at[pl.ds(cid * N + NS * RPT, TAIL)])

    plsc.subcore_barrier()

    _zero_acc(z64, acc_sh, sid)
    _map_idx(ridx, 1, 1)
    plsc.subcore_barrier()

    _single_src_ring(xf_hbm, ridx, cidx, bufs, gsems, ssems, acc_sh)

    plsc.subcore_barrier()

    _write_acc(acc_sh, a1_out, cid, sid)


def _sc_propagate_l2(ei0_4d, ei1_4d, uf_hbm, z64, b_out,
                     ridx, cidx, bufs, acc_sh, gsems, ssems):
    cid = lax.axis_index("c")
    sid = lax.axis_index("s")

    _zero_acc(z64, acc_sh, sid)
    _stage_idx(ei0_4d, ei1_4d, ridx, cidx, cid, sid)
    _map_idx(ridx, 1, cid * N)

    plsc.subcore_barrier()

    _single_src_ring(uf_hbm, ridx, cidx, bufs, gsems, ssems, acc_sh)

    plsc.subcore_barrier()

    _write_acc(acc_sh, b_out, cid, sid)


_sc_params = pltpu.CompilerParams(use_tc_tiling_on_sc=False)

_sc_l1 = functools.partial(
    pl.kernel, _sc_propagate_l1, mesh=_mesh,
    compiler_params=_sc_params,
    out_type=[jax.ShapeDtypeStruct((2 * N, HD), jnp.float32),
              jax.ShapeDtypeStruct((2 * N, HD), jnp.float32),
              jax.ShapeDtypeStruct((2 * N,), jnp.float32)],
    scratch_types=[pltpu.VMEM((NCHUNK, CHUNK), jnp.int32),
                   pltpu.VMEM((NCHUNK, CHUNK), jnp.int32),
                   pltpu.VMEM((NBUF, CHUNK, HD), jnp.float32),
                   pltpu.VMEM((CHUNK,), jnp.float32),
                   pltpu.VMEM((RPT,), jnp.float32),
                   pltpu.VMEM_SHARED((N, HD), jnp.float32),
                   pltpu.VMEM_SHARED((N,), jnp.float32),
                   pltpu.SemaphoreType.DMA((NBUF,)),
                   pltpu.SemaphoreType.DMA((NBUF,))],
)()

_sc_l2 = functools.partial(
    pl.kernel, _sc_propagate_l2, mesh=_mesh,
    compiler_params=_sc_params,
    out_type=jax.ShapeDtypeStruct((2 * N, C), jnp.float32),
    scratch_types=[pltpu.VMEM((NCHUNK, CHUNK), jnp.int32),
                   pltpu.VMEM((NCHUNK, CHUNK), jnp.int32),
                   pltpu.VMEM((NBUF, CHUNK, C), jnp.float32),
                   pltpu.VMEM_SHARED((N, C), jnp.float32),
                   pltpu.SemaphoreType.DMA((NBUF,)),
                   pltpu.SemaphoreType.DMA((NBUF,))],
)()


_TB = 2000


def _tc_mid_body(a0_ref, a1_ref, deg_ref, w10_ref, w11_ref, b1_ref,
                 w20_ref, w21_ref, u_ref):
    d0 = deg_ref[0, 0:1, :].T
    d1 = deg_ref[0, 1:2, :].T
    dn0 = jnp.where(d0 > 0, 1.0 / d0, 0.0)
    dn1 = jnp.where(d1 > 0, 1.0 / d1, 0.0)
    f32 = jnp.float32
    h = (jnp.dot(a0_ref[0] * dn0, w10_ref[:HD, :], preferred_element_type=f32)
         + jnp.dot(a1_ref[0] * dn0, w10_ref[HD:, :], preferred_element_type=f32)
         + jnp.dot(a0_ref[1] * dn1, w11_ref[:HD, :], preferred_element_type=f32)
         + jnp.dot(a1_ref[1] * dn1, w11_ref[HD:, :], preferred_element_type=f32)
         ) * 0.5 + b1_ref[...]
    h = jnp.maximum(h, 0.0)
    u_ref[0] = jnp.dot(h, w20_ref[...], preferred_element_type=f32)
    u_ref[1] = jnp.dot(h, w21_ref[...], preferred_element_type=f32)


def _tc_out_body(b_ref, deg_ref, b2_ref, out_ref):
    d0 = deg_ref[0, 0:1, :].T
    d1 = deg_ref[0, 1:2, :].T
    dn0 = jnp.where(d0 > 0, 1.0 / d0, 0.0)
    dn1 = jnp.where(d1 > 0, 1.0 / d1, 0.0)
    out_ref[...] = (b_ref[0] * dn0 + b_ref[1] * dn1) * 0.5 + b2_ref[...]


def kernel(x, edge_index_0, edge_index_1, W1_0, W1_1, b1, W2_0, W2_1, b2):
    ei0_4d = edge_index_0.reshape(2, NS, NCHUNK, CHUNK)
    ei1_4d = edge_index_1.reshape(2, NS, NCHUNK, CHUNK)
    z64 = jnp.zeros((N, C), jnp.float32)
    xf = x.reshape(2 * N, HD)

    a0_cat, a1_cat, deg_cat = _sc_l1(ei0_4d, ei1_4d, xf, z64)
    a0_3 = a0_cat.reshape(2, N, HD)
    a1_3 = a1_cat.reshape(2, N, HD)
    deg3 = deg_cat.reshape(2, N // _TB, _TB).swapaxes(0, 1)

    u = pl.pallas_call(
        _tc_mid_body,
        grid=(N // _TB,),
        in_specs=[
            pl.BlockSpec((2, _TB, HD), lambda i: (0, i, 0)),
            pl.BlockSpec((2, _TB, HD), lambda i: (0, i, 0)),
            pl.BlockSpec((1, 2, _TB), lambda i: (i, 0, 0)),
            pl.BlockSpec((D, H), lambda i: (0, 0)),
            pl.BlockSpec((D, H), lambda i: (0, 0)),
            pl.BlockSpec((1, H), lambda i: (0, 0)),
            pl.BlockSpec((H, C), lambda i: (0, 0)),
            pl.BlockSpec((H, C), lambda i: (0, 0)),
        ],
        out_specs=pl.BlockSpec((2, _TB, C), lambda i: (0, i, 0)),
        out_shape=jax.ShapeDtypeStruct((2, N, C), jnp.float32),
    )(a0_3, a1_3, deg3, W1_0, W1_1, b1.reshape(1, H), W2_0, W2_1)

    b_cat = _sc_l2(ei0_4d, ei1_4d, u.reshape(2 * N, C), z64)
    b3 = b_cat.reshape(2, N, C)

    logits = pl.pallas_call(
        _tc_out_body,
        grid=(N // _TB,),
        in_specs=[
            pl.BlockSpec((2, _TB, C), lambda i: (0, i, 0)),
            pl.BlockSpec((1, 2, _TB), lambda i: (i, 0, 0)),
            pl.BlockSpec((1, C), lambda i: (0, 0)),
        ],
        out_specs=pl.BlockSpec((_TB, C), lambda i: (i, 0)),
        out_shape=jax.ShapeDtypeStruct((N, C), jnp.float32),
    )(b3, deg3, b2.reshape(1, C))

    return logits

# --- scband reference (transcript-rebuilt; emitter-appended) ---
"""Pipeline reference for scband-emp-64235530879096 (READ-ONLY COPY).

The authoritative reference and input builder live on the scoring server;
editing this copy changes nothing except your own understanding.
"""

import jax, jax.numpy as jnp
import numpy as np

N = 10000
E = 320000
D = 128
H = 128
C = 64


def _propagate(h, row, col):
    # Mirrors torch: SparseTensor(row=col, col=row, value=1/deg(col)) @ h
    # out[dst] = sum over edges (src,dst) of h[src] / deg(dst)  (mean over incoming)
    deg = jnp.zeros((N,), h.dtype).at[col].add(1.0)
    dnorm = jnp.where(deg > 0, 1.0 / deg, 0.0)
    msg = h[row] * dnorm[col][:, None]
    return jnp.zeros((N, h.shape[1]), h.dtype).at[col].add(msg)


def setup_inputs(seed: int = 0) -> dict:
    key = jax.random.key(seed)
    ks = jax.random.split(key, 10)
    x = jax.random.normal(ks[0], (N, D), dtype=jnp.float32)
    edge_index_0 = jax.random.randint(ks[1], (2, E), 0, N, dtype=jnp.int32)
    edge_index_1 = jax.random.randint(ks[2], (2, E), 0, N, dtype=jnp.int32)
    s1 = float(np.sqrt(2.0 / (D + H)))
    s2 = float(np.sqrt(2.0 / (H + C)))
    W1_0 = jax.random.normal(ks[3], (D, H), dtype=jnp.float32) * s1
    W1_1 = jax.random.normal(ks[4], (D, H), dtype=jnp.float32) * s1
    b1 = jnp.zeros((H,), dtype=jnp.float32)
    W2_0 = jax.random.normal(ks[5], (H, C), dtype=jnp.float32) * s2
    W2_1 = jax.random.normal(ks[6], (H, C), dtype=jnp.float32) * s2
    b2 = jnp.zeros((C,), dtype=jnp.float32)
    return {"x": x, "edge_index_0": edge_index_0, "edge_index_1": edge_index_1,
            "W1_0": W1_0, "W1_1": W1_1, "b1": b1,
            "W2_0": W2_0, "W2_1": W2_1, "b2": b2}


def reference(x, edge_index_0, edge_index_1, W1_0, W1_1, b1, W2_0, W2_1, b2):
    # MultiplexGCN encoder: per-layer, per-relation GCN conv with degree-normalized
    # mean aggregation, relations combined by mean; ReLU between layers (dropout=0, use_bn=False)
    adjs = [edge_index_0, edge_index_1]
    # layer 1
    h0 = _propagate(x @ W1_0, adjs[0][0], adjs[0][1])
    h1 = _propagate(x @ W1_1, adjs[1][0], adjs[1][1])
    h = (h0 + h1) / 2.0 + b1
    h = jax.nn.relu(h)
    # layer 2 (output layer, no activation)
    o0 = _propagate(h @ W2_0, adjs[0][0], adjs[0][1])
    o1 = _propagate(h @ W2_1, adjs[1][0], adjs[1][1])
    logits = (o0 + o1) / 2.0 + b2
    return logits

if __name__ == "__main__":
    import jax
    _d = setup_inputs()
    print(jax.jit(kernel)(*tuple(_d.values())))

</pallas_src>

<mosaic_0001>
#map = affine_map<(d0, d1) -> (0, 0, 0, 0)>
#map1 = affine_map<(d0, d1) -> (0, 0)>
#map2 = affine_map<(d0, d1) -> (0)>
module attributes {stable_mosaic.version = 14 : i64} {
  func.func @_sc_propagate_l1(%arg0: i32, %arg1: i32, %arg2: memref<2x16x250x80xi32, #tpu.memory_space<hbm>>, %arg3: memref<2x16x250x80xi32, #tpu.memory_space<hbm>>, %arg4: memref<20000x64xf32, #tpu.memory_space<hbm>>, %arg5: memref<10000x64xf32, #tpu.memory_space<hbm>>, %arg6: memref<20000x64xf32, #tpu.memory_space<hbm>>, %arg7: memref<20000x64xf32, #tpu.memory_space<hbm>>, %arg8: memref<20000xf32, #tpu.memory_space<hbm>>, %arg9: memref<250x80xi32, #tpu.memory_space<vmem>>, %arg10: memref<250x80xi32, #tpu.memory_space<vmem>>, %arg11: memref<5x80x64xf32, #tpu.memory_space<vmem>>, %arg12: memref<80xf32, #tpu.memory_space<vmem>>, %arg13: memref<624xf32, #tpu.memory_space<vmem>>, %arg14: memref<10000x64xf32, #tpu.memory_space<vmem_shared>>, %arg15: memref<10000xf32, #tpu.memory_space<vmem_shared>>, %arg16: memref<5x!tpu.dma_semaphore, #tpu.memory_space<semaphore_mem>>, %arg17: memref<5x!tpu.dma_semaphore, #tpu.memory_space<semaphore_mem>>) attributes {dimension_semantics = [#tpu.dimension_semantics<core_parallel>, #tpu.dimension_semantics<subcore_parallel>], iteration_bounds = array<i64: 2, 16>, scalar_prefetch = 0 : i64, scratch_operands = 9 : i64, tpu.core_type = #tpu.core_type<sc_vector_subcore>, window_params = [{transform_indices = #map}, {transform_indices = #map}, {transform_indices = #map1}, {transform_indices = #map1}, {transform_indices = #map1}, {transform_indices = #map1}, {transform_indices = #map2}]} {
    %broadcast_in_dim3A = arith.constant 0.000000e+00 : f32
    %broadcast_in_dim3A_0 = vector.broadcast %broadcast_in_dim3A : f32 to vector<16xf32>
    %swap3A = arith.constant 0 : index
    %swap3A_1 = tpu.vector_load %arg13[%swap3A] {strides = array<i32>} : memref<624xf32, #tpu.memory_space<vmem>>, vector<16xf32>,
    %swap3A_2 = vector.shape_cast %swap3A_1 : vector<16xf32> to vector<16xf32>
    %swap3A_3 = vector.shape_cast %broadcast_in_dim3A_0 : vector<16xf32> to vector<16xf32>
    tpu.vector_store %arg13[%swap3A], %swap3A_3 {strides = array<i32>} : memref<624xf32, #tpu.memory_space<vmem>>, vector<16xf32>,
    %broadcast_in_dim3A_4 = arith.constant 0.000000e+00 : f32
    %broadcast_in_dim3A_5 = vector.broadcast %broadcast_in_dim3A_4 : f32 to vector<16xf32>
    %swap3A_6 = arith.constant 16 : index
    %swap3A_7 = tpu.vector_load %arg13[%swap3A_6] {strides = array<i32>} : memref<624xf32, #tpu.memory_space<vmem>>, vector<16xf32>,
    %swap3A_8 = vector.shape_cast %swap3A_7 : vector<16xf32> to vector<16xf32>
    %swap3A_9 = vector.shape_cast %broadcast_in_dim3A_5 : vector<16xf32> to vector<16xf32>
    tpu.vector_store %arg13[%swap3A_6], %swap3A_9 {strides = array<i32>} : memref<624xf32, #tpu.memory_space<vmem>>, vector<16xf32>,
    %broadcast_in_dim3A_10 = arith.constant 0.000000e+00 : f32
    %broadcast_in_dim3A_11 = vector.broadcast %broadcast_in_dim3A_10 : f32 to vector<16xf32>
    %swap3A_12 = arith.constant 32 : index
    %swap3A_13 = tpu.vector_load %arg13[%swap3A_12] {strides = array<i32>} : memref<624xf32, #tpu.memory_space<vmem>>, vector<16xf32>,
    %swap3A_14 = vector.shape_cast %swap3A_13 : vector<16xf32> to vector<16xf32>
    %swap3A_15 = vector.shape_cast %broadcast_in_dim3A_11 : vector<16xf32> to vector<16xf32>
    tpu.vector_store %arg13[%swap3A_12], %swap3A_15 {strides = array<i32>} : memref<624xf32, #tpu.memory_space<vmem>>, vector<16xf32>,
    %broadcast_in_dim3A_16 = arith.constant 0.000000e+00 : f32
    %broadcast_in_dim3A_17 = vector.broadcast %broadcast_in_dim3A_16 : f32 to vector<16xf32>
    %swap3A_18 = arith.constant 48 : index
    %swap3A_19 = tpu.vector_load %arg13[%swap3A_18] {strides = array<i32>} : memref<624xf32, #tpu.memory_space<vmem>>, vector<16xf32>,
    %swap3A_20 = vector.shape_cast %swap3A_19 : vector<16xf32> to vector<16xf32>
    %swap3A_21 = vector.shape_cast %broadcast_in_dim3A_17 : vector<16xf32> to vector<16xf32>
    tpu.vector_store %arg13[%swap3A_18], %swap3A_21 {strides = array<i32>} : memref<624xf32, #tpu.memory_space<vmem>>, vector<16xf32>,
    %broadcast_in_dim3A_22 = arith.constant 0.000000e+00 : f32
    %broadcast_in_dim3A_23 = vector.broadcast %broadcast_in_dim3A_22 : f32 to vector<16xf32>
    %swap3A_24 = arith.constant 64 : index
    %swap3A_25 = tpu.vector_load %arg13[%swap3A_24] {strides = array<i32>} : memref<624xf32, #tpu.memory_space<vmem>>, vector<16xf32>,
    %swap3A_26 = vector.shape_cast %swap3A_25 : vector<16xf32> to vector<16xf32>
    %swap3A_27 = vector.shape_cast %broadcast_in_dim3A_23 : vector<16xf32> to vector<16xf32>
    tpu.vector_store %arg13[%swap3A_24], %swap3A_27 {strides = array<i32>} : memref<624xf32, #tpu.memory_space<vmem>>, vector<16xf32>,
    %broadcast_in_dim3A_28 = arith.constant 0.000000e+00 : f32
    %broadcast_in_dim3A_29 = vector.broadcast %broadcast_in_dim3A_28 : f32 to vector<16xf32>
    %swap3A_30 = arith.constant 80 : index
    %swap3A_31 = tpu.vector_load %arg13[%swap3A_30] {strides = array<i32>} : memref<624xf32, #tpu.memory_space<vmem>>, vector<16xf32>,
    %swap3A_32 = vector.shape_cast %swap3A_31 : vector<16xf32> to vector<16xf32>
    %swap3A_33 = vector.shape_cast %broadcast_in_dim3A_29 : vector<16xf32> to vector<16xf32>
    tpu.vector_store %arg13[%swap3A_30], %swap3A_33 {strides = array<i32>} : memref<624xf32, #tpu.memory_space<vmem>>, vector<16xf32>,
    %broadcast_in_dim3A_34 = arith.constant 0.000000e+00 : f32
    %broadcast_in_dim3A_35 = vector.broadcast %broadcast_in_dim3A_34 : f32 to vector<16xf32>
    %swap3A_36 = arith.constant 96 : index
    %swap3A_37 = tpu.vector_load %arg13[%swap3A_36] {strides = array<i32>} : memref<624xf32, #tpu.memory_space<vmem>>, vector<16xf32>,
    %swap3A_38 = vector.shape_cast %swap3A_37 : vector<16xf32> to vector<16xf32>
    %swap3A_39 = vector.shape_cast %broadcast_in_dim3A_35 : vector<16xf32> to vector<16xf32>
    tpu.vector_store %arg13[%swap3A_36], %swap3A_39 {strides = array<i32>} : memref<624xf32, #tpu.memory_space<vmem>>, vector<16xf32>,
    %broadcast_in_dim3A_40 = arith.constant 0.000000e+00 : f32
    %broadcast_in_dim3A_41 = vector.broadcast %broadcast_in_dim3A_40 : f32 to vector<16xf32>
    %swap3A_42 = arith.constant 112 : index
    %swap3A_43 = tpu.vector_load %arg13[%swap3A_42] {strides = array<i32>} : memref<624xf32, #tpu.memory_space<vmem>>, vector<16xf32>,
    %swap3A_44 = vector.shape_cast %swap3A_43 : vector<16xf32> to vector<16xf32>
    %swap3A_45 = vector.shape_cast %broadcast_in_dim3A_41 : vector<16xf32> to vector<16xf32>
    tpu.vector_store %arg13[%swap3A_42], %swap3A_45 {strides = array<i32>} : memref<624xf32, #tpu.memory_space<vmem>>, vector<16xf32>,
    %broadcast_in_dim3A_46 = arith.constant 0.000000e+00 : f32
    %broadcast_in_dim3A_47 = vector.broadcast %broadcast_in_dim3A_46 : f32 to vector<16xf32>
    %swap3A_48 = arith.constant 128 : index
    %swap3A_49 = tpu.vector_load %arg13[%swap3A_48] {strides = array<i32>} : memref<624xf32, #tpu.memory_space<vmem>>, vector<16xf32>,
    %swap3A_50 = vector.shape_cast %swap3A_49 : vector<16xf32> to vector<16xf32>
    %swap3A_51 = vector.shape_cast %broadcast_in_dim3A_47 : vector<16xf32> to vector<16xf32>
    tpu.vector_store %arg13[%swap3A_48], %swap3A_51 {strides = array<i32>} : memref<624xf32, #tpu.memory_space<vmem>>, vector<16xf32>,
    %broadcast_in_dim3A_52 = arith.constant 0.000000e+00 : f32
    %broadcast_in_dim3A_53 = vector.broadcast %broadcast_in_dim3A_52 : f32 to vector<16xf32>
    %swap3A_54 = arith.constant 144 : index
    %swap3A_55 = tpu.vector_load %arg13[%swap3A_54] {strides = array<i32>} : memref<624xf32, #tpu.memory_space<vmem>>, vector<16xf32>,
    %swap3A_56 = vector.shape_cast %swap3A_55 : vector<16xf32> to vector<16xf32>
    %swap3A_57 = vector.shape_cast %broadcast_in_dim3A_53 : vector<16xf32> to vector<16xf32>
    tpu.vector_store %arg13[%swap3A_54], %swap3A_57 {strides = array<i32>} : memref<624xf32, #tpu.memory_space<vmem>>, vector<16xf32>,
    %broadcast_in_dim3A_58 = arith.constant 0.000000e+00 : f32
    %broadcast_in_dim3A_59 = vector.broadcast %broadcast_in_dim3A_58 : f32 to vector<16xf32>
    %swap3A_60 = arith.constant 160 : index
    %swap3A_61 = tpu.vector_load %arg13[%swap3A_60] {strides = array<i32>} : memref<624xf32, #tpu.memory_space<vmem>>, vector<16xf32>,
    %swap3A_62 = vector.shape_cast %swap3A_61 : vector<16xf32> to vector<16xf32>
    %swap3A_63 = vector.shape_cast %broadcast_in_dim3A_59 : vector<16xf32> to vector<16xf32>
    tpu.vector_store %arg13[%swap3A_60], %swap3A_63 {strides = array<i32>} : memref<624xf32, #tpu.memory_space<vmem>>, vector<16xf32>,
    %broadcast_in_dim3A_64 = arith.constant 0.000000e+00 : f32
    %broadcast_in_dim3A_65 = vector.broadcast %broadcast_in_dim3A_64 : f32 to vector<16xf32>
    %swap3A_66 = arith.constant 176 : index
    %swap3A_67 = tpu.vector_load %arg13[%swap3A_66] {strides = array<i32>} : memref<624xf32, #tpu.memory_space<vmem>>, vector<16xf32>,
    %swap3A_68 = vector.shape_cast %swap3A_67 : vector<16xf32> to vector<16xf32>
    %swap3A_69 = vector.shape_cast %broadcast_in_dim3A_65 : vector<16xf32> to vector<16xf32>
    tpu.vector_store %arg13[%swap3A_66], %swap3A_69 {strides = array<i32>} : memref<624xf32, #tpu.memory_space<vmem>>, vector<16xf32>,
    %broadcast_in_dim3A_70 = arith.constant 0.000000e+00 : f32
    %broadcast_in_dim3A_71 = vector.broadcast %broadcast_in_dim3A_70 : f32 to vector<16xf32>
    %swap3A_72 = arith.constant 192 : index
    %swap3A_73 = tpu.vector_load %arg13[%swap3A_72] {strides = array<i32>} : memref<624xf32, #tpu.memory_space<vmem>>, vector<16xf32>,
    %swap3A_74 = vector.shape_cast %swap3A_73 : vector<16xf32> to vector<16xf32>
    %swap3A_75 = vector.shape_cast %broadcast_in_dim3A_71 : vector<16xf32> to vector<16xf32>
    tpu.vector_store %arg13[%swap3A_72], %swap3A_75 {strides = array<i32>} : memref<624xf32, #tpu.memory_space<vmem>>, vector<16xf32>,
    %broadcast_in_dim3A_76 = arith.constant 0.000000e+00 : f32
    %broadcast_in_dim3A_77 = vector.broadcast %broadcast_in_dim3A_76 : f32 to vector<16xf32>
    %swap3A_78 = arith.constant 208 : index
    %swap3A_79 = tpu.vector_load %arg13[%swap3A_78] {strides = array<i32>} : memref<624xf32, #tpu.memory_space<vmem>>, vector<16xf32>,
    %swap3A_80 = vector.shape_cast %swap3A_79 : vector<16xf32> to vector<16xf32>
    %swap3A_81 = vector.shape_cast %broadcast_in_dim3A_77 : vector<16xf32> to vector<16xf32>
    tpu.vector_store %arg13[%swap3A_78], %swap3A_81 {strides = array<i32>} : memref<624xf32, #tpu.memory_space<vmem>>, vector<16xf32>,
    %broadcast_in_dim3A_82 = arith.constant 0.000000e+00 : f32
    %broadcast_in_dim3A_83 = vector.broadcast %broadcast_in_dim3A_82 : f32 to vector<16xf32>
    %swap3A_84 = arith.constant 224 : index
    %swap3A_85 = tpu.vector_load %arg13[%swap3A_84] {strides = array<i32>} : memref<624xf32, #tpu.memory_space<vmem>>, vector<16xf32>,
    %swap3A_86 = vector.shape_cast %swap3A_85 : vector<16xf32> to vector<16xf32>
    %swap3A_87 = vector.shape_cast %broadcast_in_dim3A_83 : vector<16xf32> to vector<16xf32>
    tpu.vector_store %arg13[%swap3A_84], %swap3A_87 {strides = array<i32>} : memref<624xf32, #tpu.memory_space<vmem>>, vector<16xf32>,
    %broadcast_in_dim3A_88 = arith.constant 0.000000e+00 : f32
    %broadcast_in_dim3A_89 = vector.broadcast %broadcast_in_dim3A_88 : f32 to vector<16xf32>
    %swap3A_90 = arith.constant 240 : index
    %swap3A_91 = tpu.vector_load %arg13[%swap3A_90] {strides = array<i32>} : memref<624xf32, #tpu.memory_space<vmem>>, vector<16xf32>,
    %swap3A_92 = vector.shape_cast %swap3A_91 : vector<16xf32> to vector<16xf32>
    %swap3A_93 = vector.shape_cast %broadcast_in_dim3A_89 : vector<16xf32> to vector<16xf32>
    tpu.vector_store %arg13[%swap3A_90], %swap3A_93 {strides = array<i32>} : memref<624xf32, #tpu.memory_space<vmem>>, vector<16xf32>,
    %broadcast_in_dim3A_94 = arith.constant 0.000000e+00 : f32
    %broadcast_in_dim3A_95 = vector.broadcast %broadcast_in_dim3A_94 : f32 to vector<16xf32>
    %swap3A_96 = arith.constant 256 : index
    %swap3A_97 = tpu.vector_load %arg13[%swap3A_96] {strides = array<i32>} : memref<624xf32, #tpu.memory_space<vmem>>, vector<16xf32>,
    %swap3A_98 = vector.shape_cast %swap3A_97 : vector<16xf32> to vector<16xf32>
    %swap3A_99 = vector.shape_cast %broadcast_in_dim3A_95 : vector<16xf32> to vector<16xf32>
    tpu.vector_store %arg13[%swap3A_96], %swap3A_99 {strides = array<i32>} : memref<624xf32, #tpu.memory_space<vmem>>, vector<16xf32>,
    %broadcast_in_dim3A_100 = arith.constant 0.000000e+00 : f32
    %broadcast_in_dim3A_101 = vector.broadcast %broadcast_in_dim3A_100 : f32 to vector<16xf32>
    %swap3A_102 = arith.constant 272 : index
    %swap3A_103 = tpu.vector_load %arg13[%swap3A_102] {strides = array<i32>} : memref<624xf32, #tpu.memory_space<vmem>>, vector<16xf32>,
    %swap3A_104 = vector.shape_cast %swap3A_103 : vector<16xf32> to vector<16xf32>
    %swap3A_105 = vector.shape_cast %broadcast_in_dim3A_101 : vector<16xf32> to vector<16xf32>
    tpu.vector_store %arg13[%swap3A_102], %swap3A_105 {strides = array<i32>} : memref<624xf32, #tpu.memory_space<vmem>>, vector<16xf32>,
    %broadcast_in_dim3A_106 = arith.constant 0.000000e+00 : f32
    %broadcast_in_dim3A_107 = vector.broadcast %broadcast_in_dim3A_106 : f32 to vector<16xf32>
    %swap3A_108 = arith.constant 288 : index
    %swap3A_109 = tpu.vector_load %arg13[%swap3A_108] {strides = array<i32>} : memref<624xf32, #tpu.memory_space<vmem>>, vector<16xf32>,
    %swap3A_110 = vector.shape_cast %swap3A_109 : vector<16xf32> to vector<16xf32>
    %swap3A_111 = vector.shape_cast %broadcast_in_dim3A_107 : vector<16xf32> to vector<16xf32>
    tpu.vector_store %arg13[%swap3A_108], %swap3A_111 {strides = array<i32>} : memref<624xf32, #tpu.memory_space<vmem>>, vector<16xf32>,
    %broadcast_in_dim3A_112 = arith.constant 0.000000e+00 : f32
    %broadcast_in_dim3A_113 = vector.broadcast %broadcast_in_dim3A_112 : f32 to vector<16xf32>
    %swap3A_114 = arith.constant 304 : index
    %swap3A_115 = tpu.vector_load %arg13[%swap3A_114] {strides = array<i32>} : memref<624xf32, #tpu.memory_space<vmem>>, vector<16xf32>,
    %swap3A_116 = vector.shape_cast %swap3A_115 : vector<16xf32> to vector<16xf32>
    %swap3A_117 = vector.shape_cast %broadcast_in_dim3A_113 : vector<16xf32> to vector<16xf32>
    tpu.vector_store %arg13[%swap3A_114], %swap3A_117 {strides = array<i32>} : memref<624xf32, #tpu.memory_space<vmem>>, vector<16xf32>,
    %broadcast_in_dim3A_118 = arith.constant 0.000000e+00 : f32
    %broadcast_in_dim3A_119 = vector.broadcast %broadcast_in_dim3A_118 : f32 to vector<16xf32>
    %swap3A_120 = arith.constant 320 : index
    %swap3A_121 = tpu.vector_load %arg13[%swap3A_120] {strides = array<i32>} : memref<624xf32, #tpu.memory_space<vmem>>, vector<16xf32>,
    %swap3A_122 = vector.shape_cast %swap3A_121 : vector<16xf32> to vector<16xf32>
    %swap3A_123 = vector.shape_cast %broadcast_in_dim3A_119 : vector<16xf32> to vector<16xf32>
    tpu.vector_store %arg13[%swap3A_120], %swap3A_123 {strides = array<i32>} : memref<624xf32, #tpu.memory_space<vmem>>, vector<16xf32>,
    %broadcast_in_dim3A_124 = arith.constant 0.000000e+00 : f32
    %broadcast_in_dim3A_125 = vector.broadcast %broadcast_in_dim3A_124 : f32 to vector<16xf32>
    %swap3A_126 = arith.constant 336 : index
    %swap3A_127 = tpu.vector_load %arg13[%swap3A_126] {strides = array<i32>} : memref<624xf32, #tpu.memory_space<vmem>>, vector<16xf32>,
    %swap3A_128 = vector.shape_cast %swap3A_127 : vector<16xf32> to vector<16xf32>
    %swap3A_129 = vector.shape_cast %broadcast_in_dim3A_125 : vector<16xf32> to vector<16xf32>
    tpu.vector_store %arg13[%swap3A_126], %swap3A_129 {strides = array<i32>} : memref<624xf32, #tpu.memory_space<vmem>>, vector<16xf32>,
    %broadcast_in_dim3A_130 = arith.constant 0.000000e+00 : f32
    %broadcast_in_dim3A_131 = vector.broadcast %broadcast_in_dim3A_130 : f32 to vector<16xf32>
    %swap3A_132 = arith.constant 352 : index
    %swap3A_133 = tpu.vector_load %arg13[%swap3A_132] {strides = array<i32>} : memref<624xf32, #tpu.memory_space<vmem>>, vector<16xf32>,
    %swap3A_134 = vector.shape_cast %swap3A_133 : vector<16xf32> to vector<16xf32>
    %swap3A_135 = vector.shape_cast %broadcast_in_dim3A_131 : vector<16xf32> to vector<16xf32>
    tpu.vector_store %arg13[%swap3A_132], %swap3A_135 {strides = array<i32>} : memref<624xf32, #tpu.memory_space<vmem>>, vector<16xf32>,
    %broadcast_in_dim3A_136 = arith.constant 0.000000e+00 : f32
    %broadcast_in_dim3A_137 = vector.broadcast %broadcast_in_dim3A_136 : f32 to vector<16xf32>
    %swap3A_138 = arith.constant 368 : index
    %swap3A_139 = tpu.vector_load %arg13[%swap3A_138] {strides = array<i32>} : memref<624xf32, #tpu.memory_space<vmem>>, vector<16xf32>,
    %swap3A_140 = vector.shape_cast %swap3A_139 : vector<16xf32> to vector<16xf32>
    %swap3A_141 = vector.shape_cast %broadcast_in_dim3A_137 : vector<16xf32> to vector<16xf32>
    tpu.vector_store %arg13[%swap3A_138], %swap3A_141 {strides = array<i32>} : memref<624xf32, #tpu.memory_space<vmem>>, vector<16xf32>,
    %broadcast_in_dim3A_142 = arith.constant 0.000000e+00 : f32
    %broadcast_in_dim3A_143 = vector.broadcast %broadcast_in_dim3A_142 : f32 to vector<16xf32>
    %swap3A_144 = arith.constant 384 : index
    %swap3A_145 = tpu.vector_load %arg13[%swap3A_144] {strides = array<i32>} : memref<624xf32, #tpu.memory_space<vmem>>, vector<16xf32>,
    %swap3A_146 = vector.shape_cast %swap3A_145 : vector<16xf32> to vector<16xf32>
    %swap3A_147 = vector.shape_cast %broadcast_in_dim3A_143 : vector<16xf32> to vector<16xf32>
    tpu.vector_store %arg13[%swap3A_144], %swap3A_147 {strides = array<i32>} : memref<624xf32, #tpu.memory_space<vmem>>, vector<16xf32>,
    %broadcast_in_dim3A_148 = arith.constant 0.000000e+00 : f32
    %broadcast_in_dim3A_149 = vector.broadcast %broadcast_in_dim3A_148 : f32 to vector<16xf32>
    %swap3A_150 = arith.constant 400 : index
    %swap3A_151 = tpu.vector_load %arg13[%swap3A_150] {strides = array<i32>} : memref<624xf32, #tpu.memory_space<vmem>>, vector<16xf32>,
    %swap3A_152 = vector.shape_cast %swap3A_151 : vector<16xf32> to vector<16xf32>
    %swap3A_153 = vector.shape_cast %broadcast_in_dim3A_149 : vector<16xf32> to vector<16xf32>
    tpu.vector_store %arg13[%swap3A_150], %swap3A_153 {strides = array<i32>} : memref<624xf32, #tpu.memory_space<vmem>>, vector<16xf32>,
    %broadcast_in_dim3A_154 = arith.constant 0.000000e+00 : f32
    %broadcast_in_dim3A_155 = vector.broadcast %broadcast_in_dim3A_154 : f32 to vector<16xf32>
    %swap3A_156 = arith.constant 416 : index
    %swap3A_157 = tpu.vector_load %arg13[%swap3A_156] {strides = array<i32>} : memref<624xf32, #tpu.memory_space<vmem>>, vector<16xf32>,
    %swap3A_158 = vector.shape_cast %swap3A_157 : vector<16xf32> to vector<16xf32>
    %swap3A_159 = vector.shape_cast %broadcast_in_dim3A_155 : vector<16xf32> to vector<16xf32>
    tpu.vector_store %arg13[%swap3A_156], %swap3A_159 {strides = array<i32>} : memref<624xf32, #tpu.memory_space<vmem>>, vector<16xf32>,
    %broadcast_in_dim3A_160 = arith.constant 0.000000e+00 : f32
    %broadcast_in_dim3A_161 = vector.broadcast %broadcast_in_dim3A_160 : f32 to vector<16xf32>
    %swap3A_162 = arith.constant 432 : index
    %swap3A_163 = tpu.vector_load %arg13[%swap3A_162] {strides = array<i32>} : memref<624xf32, #tpu.memory_space<vmem>>, vector<16xf32>,
    %swap3A_164 = vector.shape_cast %swap3A_163 : vector<16xf32> to vector<16xf32>
    %swap3A_165 = vector.shape_cast %broadcast_in_dim3A_161 : vector<16xf32> to vector<16xf32>
    tpu.vector_store %arg13[%swap3A_162], %swap3A_165 {strides = array<i32>} : memref<624xf32, #tpu.memory_space<vmem>>, vector<16xf32>,
    %broadcast_in_dim3A_166 = arith.constant 0.000000e+00 : f32
    %broadcast_in_dim3A_167 = vector.broadcast %broadcast_in_dim3A_166 : f32 to vector<16xf32>
    %swap3A_168 = arith.constant 448 : index
    %swap3A_169 = tpu.vector_load %arg13[%swap3A_168] {strides = array<i32>} : memref<624xf32, #tpu.memory_space<vmem>>, vector<16xf32>,
    %swap3A_170 = vector.shape_cast %swap3A_169 : vector<16xf32> to vector<16xf32>
    %swap3A_171 = vector.shape_cast %broadcast_in_dim3A_167 : vector<16xf32> to vector<16xf32>
    tpu.vector_store %arg13[%swap3A_168], %swap3A_171 {strides = array<i32>} : memref<624xf32, #tpu.memory_space<vmem>>, vector<16xf32>,
    %broadcast_in_dim3A_172 = arith.constant 0.000000e+00 : f32
    %broadcast_in_dim3A_173 = vector.broadcast %broadcast_in_dim3A_172 : f32 to vector<16xf32>
    %swap3A_174 = arith.constant 464 : index
    %swap3A_175 = tpu.vector_load %arg13[%swap3A_174] {strides = array<i32>} : memref<624xf32, #tpu.memory_space<vmem>>, vector<16xf32>,
    %swap3A_176 = vector.shape_cast %swap3A_175 : vector<16xf32> to vector<16xf32>
    %swap3A_177 = vector.shape_cast %broadcast_in_dim3A_173 : vector<16xf32> to vector<16xf32>
    tpu.vector_store %arg13[%swap3A_174], %swap3A_177 {strides = array<i32>} : memref<624xf32, #tpu.memory_space<vmem>>, vector<16xf32>,
    %broadcast_in_dim3A_178 = arith.constant 0.000000e+00 : f32
    %broadcast_in_dim3A_179 = vector.broadcast %broadcast_in_dim3A_178 : f32 to vector<16xf32>
    %swap3A_180 = arith.constant 480 : index
    %swap3A_181 = tpu.vector_load %arg13[%swap3A_180] {strides = array<i32>} : memref<624xf32, #tpu.memory_space<vmem>>, vector<16xf32>,
    %swap3A_182 = vector.shape_cast %swap3A_181 : vector<16xf32> to vector<16xf32>
    %swap3A_183 = vector.shape_cast %broadcast_in_dim3A_179 : vector<16xf32> to vector<16xf32>
    tpu.vector_store %arg13[%swap3A_180], %swap3A_183 {strides = array<i32>} : memref<624xf32, #tpu.memory_space<vmem>>, vector<16xf32>,
    %broadcast_in_dim3A_184 = arith.constant 0.000000e+00 : f32
    %broadcast_in_dim3A_185 = vector.broadcast %broadcast_in_dim3A_184 : f32 to vector<16xf32>
    %swap3A_186 = arith.constant 496 : index
    %swap3A_187 = tpu.vector_load %arg13[%swap3A_186] {strides = array<i32>} : memref<624xf32, #tpu.memory_space<vmem>>, vector<16xf32>,
    %swap3A_188 = vector.shape_cast %swap3A_187 : vector<16xf32> to vector<16xf32>
    %swap3A_189 = vector.shape_cast %broadcast_in_dim3A_185 : vector<16xf32> to vector<16xf32>
    tpu.vector_store %arg13[%swap3A_186], %swap3A_189 {strides = array<i32>} : memref<624xf32, #tpu.memory_space<vmem>>, vector<16xf32>,
    %broadcast_in_dim3A_190 = arith.constant 0.000000e+00 : f32
    %broadcast_in_dim3A_191 = vector.broadcast %broadcast_in_dim3A_190 : f32 to vector<16xf32>
    %swap3A_192 = arith.constant 512 : index
    %swap3A_193 = tpu.vector_load %arg13[%swap3A_192] {strides = array<i32>} : memref<624xf32, #tpu.memory_space<vmem>>, vector<16xf32>,
    %swap3A_194 = vector.shape_cast %swap3A_193 : vector<16xf32> to vector<16xf32>
    %swap3A_195 = vector.shape_cast %broadcast_in_dim3A_191 : vector<16xf32> to vector<16xf32>
    tpu.vector_store %arg13[%swap3A_192], %swap3A_195 {strides = array<i32>} : memref<624xf32, #tpu.memory_space<vmem>>, vector<16xf32>,
    %broadcast_in_dim3A_196 = arith.constant 0.000000e+00 : f32
    %broadcast_in_dim3A_197 = vector.broadcast %broadcast_in_dim3A_196 : f32 to vector<16xf32>
    %swap3A_198 = arith.constant 528 : index
    %swap3A_199 = tpu.vector_load %arg13[%swap3A_198] {strides = array<i32>} : memref<624xf32, #tpu.memory_space<vmem>>, vector<16xf32>,
    %swap3A_200 = vector.shape_cast %swap3A_199 : vector<16xf32> to vector<16xf32>
    %swap3A_201 = vector.shape_cast %broadcast_in_dim3A_197 : vector<16xf32> to vector<16xf32>
    tpu.vector_store %arg13[%swap3A_198], %swap3A_201 {strides = array<i32>} : memref<624xf32, #tpu.memory_space<vmem>>, vector<16xf32>,
    %broadcast_in_dim3A_202 = arith.constant 0.000000e+00 : f32
    %broadcast_in_dim3A_203 = vector.broadcast %broadcast_in_dim3A_202 : f32 to vector<16xf32>
    %swap3A_204 = arith.constant 544 : index
    %swap3A_205 = tpu.vector_load %arg13[%swap3A_204] {strides = array<i32>} : memref<624xf32, #tpu.memory_space<vmem>>, vector<16xf32>,
    %swap3A_206 = vector.shape_cast %swap3A_205 : vector<16xf32> to vector<16xf32>
    %swap3A_207 = vector.shape_cast %broadcast_in_dim3A_203 : vector<16xf32> to vector<16xf32>
    tpu.vector_store %arg13[%swap3A_204], %swap3A_207 {strides = array<i32>} : memref<624xf32, #tpu.memory_space<vmem>>, vector<16xf32>,
    %broadcast_in_dim3A_208 = arith.constant 0.000000e+00 : f32
    %broadcast_in_dim3A_209 = vector.broadcast %broadcast_in_dim3A_208 : f32 to vector<16xf32>
    %swap3A_210 = arith.constant 560 : index
    %swap3A_211 = tpu.vector_load %arg13[%swap3A_210] {strides = array<i32>} : memref<624xf32, #tpu.memory_space<vmem>>, vector<16xf32>,
    %swap3A_212 = vector.shape_cast %swap3A_211 : vector<16xf32> to vector<16xf32>
    %swap3A_213 = vector.shape_cast %broadcast_in_dim3A_209 : vector<16xf32> to vector<16xf32>
    tpu.vector_store %arg13[%swap3A_210], %swap3A_213 {strides = array<i32>} : memref<624xf32, #tpu.memory_space<vmem>>, vector<16xf32>,
    %broadcast_in_dim3A_214 = arith.constant 0.000000e+00 : f32
    %broadcast_in_dim3A_215 = vector.broadcast %broadcast_in_dim3A_214 : f32 to vector<16xf32>
    %swap3A_216 = arith.constant 576 : index
    %swap3A_217 = tpu.vector_load %arg13[%swap3A_216] {strides = array<i32>} : memref<624xf32, #tpu.memory_space<vmem>>, vector<16xf32>,
    %swap3A_218 = vector.shape_cast %swap3A_217 : vector<16xf32> to vector<16xf32>
    %swap3A_219 = vector.shape_cast %broadcast_in_dim3A_215 : vector<16xf32> to vector<16xf32>
    tpu.vector_store %arg13[%swap3A_216], %swap3A_219 {strides = array<i32>} : memref<624xf32, #tpu.memory_space<vmem>>, vector<16xf32>,
    %broadcast_in_dim3A_220 = arith.constant 0.000000e+00 : f32
    %broadcast_in_dim3A_221 = vector.broadcast %broadcast_in_dim3A_220 : f32 to vector<16xf32>
    %swap3A_222 = arith.constant 592 : index
    %swap3A_223 = tpu.vector_load %arg13[%swap3A_222] {strides = array<i32>} : memref<624xf32, #tpu.memory_space<vmem>>, vector<16xf32>,
    %swap3A_224 = vector.shape_cast %swap3A_223 : vector<16xf32> to vector<16xf32>
    %swap3A_225 = vector.shape_cast %broadcast_in_dim3A_221 : vector<16xf32> to vector<16xf32>
    tpu.vector_store %arg13[%swap3A_222], %swap3A_225 {strides = array<i32>} : memref<624xf32, #tpu.memory_space<vmem>>, vector<16xf32>,
    %broadcast_in_dim3A_226 = arith.constant 0.000000e+00 : f32
    %broadcast_in_dim3A_227 = vector.broadcast %broadcast_in_dim3A_226 : f32 to vector<16xf32>
    %swap3A_228 = arith.constant 608 : index
    %swap3A_229 = tpu.vector_load %arg13[%swap3A_228] {strides = array<i32>} : memref<624xf32, #tpu.memory_space<vmem>>, vector<16xf32>,
    %swap3A_230 = vector.shape_cast %swap3A_229 : vector<16xf32> to vector<16xf32>
    %swap3A_231 = vector.shape_cast %broadcast_in_dim3A_227 : vector<16xf32> to vector<16xf32>
    tpu.vector_store %arg13[%swap3A_228], %swap3A_231 {strides = array<i32>} : memref<624xf32, #tpu.memory_space<vmem>>, vector<16xf32>,
    %mul3A = arith.constant 624 : i32
    %mul3A_232 = arith.muli %arg1, %mul3A : i32
    %mul3A_233 = arith.constant 624 : i32
    %mul3A_234 = arith.muli %arg1, %mul3A_233 : i32
    "tpu.region"() ({
      %run_scoped3A = tpu.sem_alloc : memref<!tpu.dma_semaphore, #tpu.memory_space<semaphore_mem>>
      %dma_start3A_694 = arith.constant 0 : i32
      %dma_start3A_695 = tpu.memref_slice %arg14[%mul3A_234, %dma_start3A_694] : memref<10000x64xf32, #tpu.memory_space<vmem_shared>> -> memref<624x64xf32, #tpu.memory_space<vmem_shared>>
      %dma_start3A_696 = arith.constant 0 : i32
      %dma_start3A_697 = tpu.memref_slice %arg5[%mul3A_232, %dma_start3A_696] : memref<10000x64xf32, #tpu.memory_space<hbm>> -> memref<624x64xf32, #tpu.memory_space<hbm>>
      tpu.enqueue_dma source(%dma_start3A_697 : memref<624x64xf32, #tpu.memory_space<hbm>>) target(%dma_start3A_695 : memref<624x64xf32, #tpu.memory_space<vmem_shared>>) target_semaphore(%run_scoped3A : memref<!tpu.dma_semaphore, #tpu.memory_space<semaphore_mem>>)
      %dma_wait3A_698 = arith.constant 0 : i32
      %dma_wait3A_699 = tpu.memref_slice %arg14[%mul3A_234, %dma_wait3A_698] : memref<10000x64xf32, #tpu.memory_space<vmem_shared>> -> memref<624x64xf32, #tpu.memory_space<vmem_shared>>
      %dma_wait3A_700 = arith.constant 0 : i32
      %dma_wait3A_701 = tpu.memref_slice %arg5[%mul3A_232, %dma_wait3A_700] : memref<10000x64xf32, #tpu.memory_space<hbm>> -> memref<624x64xf32, #tpu.memory_space<hbm>>
      tpu.wait_dma2 semaphore(%run_scoped3A : memref<!tpu.dma_semaphore, #tpu.memory_space<semaphore_mem>>) src(%dma_wait3A_701 : memref<624x64xf32, #tpu.memory_space<hbm>>) dst(%dma_wait3A_699 : memref<624x64xf32, #tpu.memory_space<vmem_shared>>)
      tpu.yield
    }) : () -> ()
    %eq3A = arith.constant 15 : i32
    %eq3A_235 = arith.cmpi eq, %arg1, %eq3A : i32
    %convert_element_type3A = arith.extui %eq3A_235 : i1 to i32
    %cond3A = arith.constant 0 : i32
    %cond3A_236 = arith.cmpi ne, %convert_element_type3A, %cond3A : i32
    scf.if %cond3A_236 {
      "tpu.region"() ({
        %run_scoped3A = tpu.sem_alloc : memref<!tpu.dma_semaphore, #tpu.memory_space<semaphore_mem>>
        %dma_start3A_694 = arith.constant 9984 : i32
        %dma_start3A_695 = arith.constant 0 : i32
        %dma_start3A_696 = tpu.memref_slice %arg14[%dma_start3A_694, %dma_start3A_695] : memref<10000x64xf32, #tpu.memory_space<vmem_shared>> -> memref<16x64xf32, #tpu.memory_space<vmem_shared>>
        %dma_start3A_697 = arith.constant 9984 : i32
        %dma_start3A_698 = arith.constant 0 : i32
        %dma_start3A_699 = tpu.memref_slice %arg5[%dma_start3A_697, %dma_start3A_698] : memref<10000x64xf32, #tpu.memory_space<hbm>> -> memref<16x64xf32, #tpu.memory_space<hbm>>
        tpu.enqueue_dma source(%dma_start3A_699 : memref<16x64xf32, #tpu.memory_space<hbm>>) target(%dma_start3A_696 : memref<16x64xf32, #tpu.memory_space<vmem_shared>>) target_semaphore(%run_scoped3A : memref<!tpu.dma_semaphore, #tpu.memory_space<semaphore_mem>>)
        %dma_wait3A_700 = arith.constant 9984 : i32
        %dma_wait3A_701 = arith.constant 0 : i32
        %dma_wait3A_702 = tpu.memref_slice %arg14[%dma_wait3A_700, %dma_wait3A_701] : memref<10000x64xf32, #tpu.memory_space<vmem_shared>> -> memref<16x64xf32, #tpu.memory_space<vmem_shared>>
        %dma_wait3A_703 = arith.constant 9984 : i32
        %dma_wait3A_704 = arith.constant 0 : i32
        %dma_wait3A_705 = tpu.memref_slice %arg5[%dma_wait3A_703, %dma_wait3A_704] : memref<10000x64xf32, #tpu.memory_space<hbm>> -> memref<16x64xf32, #tpu.memory_space<hbm>>
        tpu.wait_dma2 semaphore(%run_scoped3A : memref<!tpu.dma_semaphore, #tpu.memory_space<semaphore_mem>>) src(%dma_wait3A_705 : memref<16x64xf32, #tpu.memory_space<hbm>>) dst(%dma_wait3A_702 : memref<16x64xf32, #tpu.memory_space<vmem_shared>>)
        tpu.yield
      }) : () -> ()
    } else {
    }
    %mul3A_237 = arith.constant 624 : i32
    %mul3A_238 = arith.muli %arg1, %mul3A_237 : i32
    "tpu.region"() ({
      %run_scoped3A = tpu.sem_alloc : memref<!tpu.dma_semaphore, #tpu.memory_space<semaphore_mem>>
      %dma_start3A_694 = tpu.memref_slice %arg15[%mul3A_238] : memref<10000xf32, #tpu.memory_space<vmem_shared>> -> memref<624xf32, #tpu.memory_space<vmem_shared>>
      %dma_start3A_695 = tpu.memref_slice %arg15[%mul3A_238] : memref<10000xf32, #tpu.memory_space<vmem_shared>> -> memref<624xf32, #tpu.memory_space<vmem_shared>>
      tpu.enqueue_dma source(%arg13 : memref<624xf32, #tpu.memory_space<vmem>>) target(%dma_start3A_695 : memref<624xf32, #tpu.memory_space<vmem_shared>>) target_semaphore(%run_scoped3A : memref<!tpu.dma_semaphore, #tpu.memory_space<semaphore_mem>>)
      %dma_wait3A_696 = tpu.memref_slice %arg15[%mul3A_238] : memref<10000xf32, #tpu.memory_space<vmem_shared>> -> memref<624xf32, #tpu.memory_space<vmem_shared>>
      %dma_wait3A_697 = tpu.memref_slice %arg15[%mul3A_238] : memref<10000xf32, #tpu.memory_space<vmem_shared>> -> memref<624xf32, #tpu.memory_space<vmem_shared>>
      tpu.wait_dma2 semaphore(%run_scoped3A : memref<!tpu.dma_semaphore, #tpu.memory_space<semaphore_mem>>) src(%arg13 : memref<624xf32, #tpu.memory_space<vmem>>) dst(%dma_wait3A_697 : memref<624xf32, #tpu.memory_space<vmem_shared>>)
      tpu.yield
    }) : () -> ()
    %eq3A_239 = arith.constant 15 : i32
    %eq3A_240 = arith.cmpi eq, %arg1, %eq3A_239 : i32
    %convert_element_type3A_241 = arith.extui %eq3A_240 : i1 to i32
    %cond3A_242 = arith.constant 0 : i32
    %cond3A_243 = arith.cmpi ne, %convert_element_type3A_241, %cond3A_242 : i32
    scf.if %cond3A_243 {
      "tpu.region"() ({
        %run_scoped3A = tpu.sem_alloc : memref<!tpu.dma_semaphore, #tpu.memory_space<semaphore_mem>>
        %dma_start3A_694 = arith.constant 0 : i32
        %dma_start3A_695 = tpu.memref_slice %arg13[%dma_start3A_694] : memref<624xf32, #tpu.memory_space<vmem>> -> memref<16xf32, #tpu.memory_space<vmem>>
        %dma_start3A_696 = arith.constant 9984 : i32
        %dma_start3A_697 = tpu.memref_slice %arg15[%dma_start3A_696] : memref<10000xf32, #tpu.memory_space<vmem_shared>> -> memref<16xf32, #tpu.memory_space<vmem_shared>>
        %dma_start3A_698 = arith.constant 9984 : i32
        %dma_start3A_699 = tpu.memref_slice %arg15[%dma_start3A_698] : memref<10000xf32, #tpu.memory_space<vmem_shared>> -> memref<16xf32, #tpu.memory_space<vmem_shared>>
        %dma_start3A_700 = arith.constant 0 : i32
        %dma_start3A_701 = tpu.memref_slice %arg13[%dma_start3A_700] : memref<624xf32, #tpu.memory_space<vmem>> -> memref<16xf32, #tpu.memory_space<vmem>>
        tpu.enqueue_dma source(%dma_start3A_701 : memref<16xf32, #tpu.memory_space<vmem>>) target(%dma_start3A_699 : memref<16xf32, #tpu.memory_space<vmem_shared>>) target_semaphore(%run_scoped3A : memref<!tpu.dma_semaphore, #tpu.memory_space<semaphore_mem>>)
        %dma_wait3A_702 = arith.constant 0 : i32
        %dma_wait3A_703 = tpu.memref_slice %arg13[%dma_wait3A_702] : memref<624xf32, #tpu.memory_space<vmem>> -> memref<16xf32, #tpu.memory_space<vmem>>
        %dma_wait3A_704 = arith.constant 9984 : i32
        %dma_wait3A_705 = tpu.memref_slice %arg15[%dma_wait3A_704] : memref<10000xf32, #tpu.memory_space<vmem_shared>> -> memref<16xf32, #tpu.memory_space<vmem_shared>>
        %dma_wait3A_706 = arith.constant 9984 : i32
        %dma_wait3A_707 = tpu.memref_slice %arg15[%dma_wait3A_706] : memref<10000xf32, #tpu.memory_space<vmem_shared>> -> memref<16xf32, #tpu.memory_space<vmem_shared>>
        %dma_wait3A_708 = arith.constant 0 : i32
        %dma_wait3A_709 = tpu.memref_slice %arg13[%dma_wait3A_708] : memref<624xf32, #tpu.memory_space<vmem>> -> memref<16xf32, #tpu.memory_space<vmem>>
        tpu.wait_dma2 semaphore(%run_scoped3A : memref<!tpu.dma_semaphore, #tpu.memory_space<semaphore_mem>>) src(%dma_wait3A_709 : memref<16xf32, #tpu.memory_space<vmem>>) dst(%dma_wait3A_707 : memref<16xf32, #tpu.memory_space<vmem_shared>>)
        tpu.yield
      }) : () -> ()
    } else {
    }
    %eq3A_244 = arith.constant 0 : i32
    %eq3A_245 = arith.cmpi eq, %arg0, %eq3A_244 : i32
    %convert_element_type3A_246 = arith.extui %eq3A_245 : i1 to i32
    %cond3A_247 = arith.constant 0 : i32
    %cond3A_248 = arith.cmpi ne, %convert_element_type3A_246, %cond3A_247 : i32
    scf.if %cond3A_248 {
      %run_scoped3A = arith.constant 0 : i32
      "tpu.region"() ({
        %run_scoped3A_695 = tpu.sem_alloc : memref<!tpu.dma_semaphore, #tpu.memory_space<semaphore_mem>>
        %dma_start3A_696 = arith.constant 0 : i32
        %dma_start3A_697 = arith.constant 0 : i32
        %dma_start3A_698 = arith.constant 0 : i32
        %dma_start3A_699 = tpu.memref_slice %arg2[%run_scoped3A, %dma_start3A_696, %dma_start3A_697, %dma_start3A_698] : memref<2x16x250x80xi32, #tpu.memory_space<hbm>> -> memref<1x16x250x80xi32, #tpu.memory_space<hbm>>
        %dma_start3A_700 = tpu.memref_squeeze %dma_start3A_699 : memref<1x16x250x80xi32, #tpu.memory_space<hbm>> -> memref<16x250x80xi32, #tpu.memory_space<hbm>>
        %dma_start3A_701 = arith.constant 0 : i32
        %dma_start3A_702 = arith.constant 0 : i32
        %dma_start3A_703 = tpu.memref_slice %dma_start3A_700[%arg1, %dma_start3A_701, %dma_start3A_702] : memref<16x250x80xi32, #tpu.memory_space<hbm>> -> memref<1x250x80xi32, #tpu.memory_space<hbm>>
        %dma_start3A_704 = tpu.memref_squeeze %dma_start3A_703 : memref<1x250x80xi32, #tpu.memory_space<hbm>> -> memref<250x80xi32, #tpu.memory_space<hbm>>
        %dma_start3A_705 = arith.constant 0 : i32
        %dma_start3A_706 = arith.constant 0 : i32
        %dma_start3A_707 = arith.constant 0 : i32
        %dma_start3A_708 = tpu.memref_slice %arg2[%run_scoped3A, %dma_start3A_705, %dma_start3A_706, %dma_start3A_707] : memref<2x16x250x80xi32, #tpu.memory_space<hbm>> -> memref<1x16x250x80xi32, #tpu.memory_space<hbm>>
        %dma_start3A_709 = tpu.memref_squeeze %dma_start3A_708 : memref<1x16x250x80xi32, #tpu.memory_space<hbm>> -> memref<16x250x80xi32, #tpu.memory_space<hbm>>
        %dma_start3A_710 = arith.constant 0 : i32
        %dma_start3A_711 = arith.constant 0 : i32
        %dma_start3A_712 = tpu.memref_slice %dma_start3A_709[%arg1, %dma_start3A_710, %dma_start3A_711] : memref<16x250x80xi32, #tpu.memory_space<hbm>> -> memref<1x250x80xi32, #tpu.memory_space<hbm>>
        %dma_start3A_713 = tpu.memref_squeeze %dma_start3A_712 : memref<1x250x80xi32, #tpu.memory_space<hbm>> -> memref<250x80xi32, #tpu.memory_space<hbm>>
        tpu.enqueue_dma source(%dma_start3A_713 : memref<250x80xi32, #tpu.memory_space<hbm>>) target(%arg9 : memref<250x80xi32, #tpu.memory_space<vmem>>) target_semaphore(%run_scoped3A_695 : memref<!tpu.dma_semaphore, #tpu.memory_space<semaphore_mem>>)
        %dma_wait3A_714 = arith.constant 0 : i32
        %dma_wait3A_715 = arith.constant 0 : i32
        %dma_wait3A_716 = arith.constant 0 : i32
        %dma_wait3A_717 = tpu.memref_slice %arg2[%run_scoped3A, %dma_wait3A_714, %dma_wait3A_715, %dma_wait3A_716] : memref<2x16x250x80xi32, #tpu.memory_space<hbm>> -> memref<1x16x250x80xi32, #tpu.memory_space<hbm>>
        %dma_wait3A_718 = tpu.memref_squeeze %dma_wait3A_717 : memref<1x16x250x80xi32, #tpu.memory_space<hbm>> -> memref<16x250x80xi32, #tpu.memory_space<hbm>>
        %dma_wait3A_719 = arith.constant 0 : i32
        %dma_wait3A_720 = arith.constant 0 : i32
        %dma_wait3A_721 = tpu.memref_slice %dma_wait3A_718[%arg1, %dma_wait3A_719, %dma_wait3A_720] : memref<16x250x80xi32, #tpu.memory_space<hbm>> -> memref<1x250x80xi32, #tpu.memory_space<hbm>>
        %dma_wait3A_722 = tpu.memref_squeeze %dma_wait3A_721 : memref<1x250x80xi32, #tpu.memory_space<hbm>> -> memref<250x80xi32, #tpu.memory_space<hbm>>
        %dma_wait3A_723 = arith.constant 0 : i32
        %dma_wait3A_724 = arith.constant 0 : i32
        %dma_wait3A_725 = arith.constant 0 : i32
        %dma_wait3A_726 = tpu.memref_slice %arg2[%run_scoped3A, %dma_wait3A_723, %dma_wait3A_724, %dma_wait3A_725] : memref<2x16x250x80xi32, #tpu.memory_space<hbm>> -> memref<1x16x250x80xi32, #tpu.memory_space<hbm>>
        %dma_wait3A_727 = tpu.memref_squeeze %dma_wait3A_726 : memref<1x16x250x80xi32, #tpu.memory_space<hbm>> -> memref<16x250x80xi32, #tpu.memory_space<hbm>>
        %dma_wait3A_728 = arith.constant 0 : i32
        %dma_wait3A_729 = arith.constant 0 : i32
        %dma_wait3A_730 = tpu.memref_slice %dma_wait3A_727[%arg1, %dma_wait3A_728, %dma_wait3A_729] : memref<16x250x80xi32, #tpu.memory_space<hbm>> -> memref<1x250x80xi32, #tpu.memory_space<hbm>>
        %dma_wait3A_731 = tpu.memref_squeeze %dma_wait3A_730 : memref<1x250x80xi32, #tpu.memory_space<hbm>> -> memref<250x80xi32, #tpu.memory_space<hbm>>
        tpu.wait_dma2 semaphore(%run_scoped3A_695 : memref<!tpu.dma_semaphore, #tpu.memory_space<semaphore_mem>>) src(%dma_wait3A_731 : memref<250x80xi32, #tpu.memory_space<hbm>>) dst(%arg9 : memref<250x80xi32, #tpu.memory_space<vmem>>)
        tpu.yield
      }) : () -> ()
      %run_scoped3A_694 = arith.constant 1 : i32
      "tpu.region"() ({
        %run_scoped3A_695 = tpu.sem_alloc : memref<!tpu.dma_semaphore, #tpu.memory_space<semaphore_mem>>
        %dma_start3A_696 = arith.constant 0 : i32
        %dma_start3A_697 = arith.constant 0 : i32
        %dma_start3A_698 = arith.constant 0 : i32
        %dma_start3A_699 = tpu.memref_slice %arg2[%run_scoped3A_694, %dma_start3A_696, %dma_start3A_697, %dma_start3A_698] : memref<2x16x250x80xi32, #tpu.memory_space<hbm>> -> memref<1x16x250x80xi32, #tpu.memory_space<hbm>>
        %dma_start3A_700 = tpu.memref_squeeze %dma_start3A_699 : memref<1x16x250x80xi32, #tpu.memory_space<hbm>> -> memref<16x250x80xi32, #tpu.memory_space<hbm>>
        %dma_start3A_701 = arith.constant 0 : i32
        %dma_start3A_702 = arith.constant 0 : i32
        %dma_start3A_703 = tpu.memref_slice %dma_start3A_700[%arg1, %dma_start3A_701, %dma_start3A_702] : memref<16x250x80xi32, #tpu.memory_space<hbm>> -> memref<1x250x80xi32, #tpu.memory_space<hbm>>
        %dma_start3A_704 = tpu.memref_squeeze %dma_start3A_703 : memref<1x250x80xi32, #tpu.memory_space<hbm>> -> memref<250x80xi32, #tpu.memory_space<hbm>>
        %dma_start3A_705 = arith.constant 0 : i32
        %dma_start3A_706 = arith.constant 0 : i32
        %dma_start3A_707 = arith.constant 0 : i32
        %dma_start3A_708 = tpu.memref_slice %arg2[%run_scoped3A_694, %dma_start3A_705, %dma_start3A_706, %dma_start3A_707] : memref<2x16x250x80xi32, #tpu.memory_space<hbm>> -> memref<1x16x250x80xi32, #tpu.memory_space<hbm>>
        %dma_start3A_709 = tpu.memref_squeeze %dma_start3A_708 : memref<1x16x250x80xi32, #tpu.memory_space<hbm>> -> memref<16x250x80xi32, #tpu.memory_space<hbm>>
        %dma_start3A_710 = arith.constant 0 : i32
        %dma_start3A_711 = arith.constant 0 : i32
        %dma_start3A_712 = tpu.memref_slice %dma_start3A_709[%arg1, %dma_start3A_710, %dma_start3A_711] : memref<16x250x80xi32, #tpu.memory_space<hbm>> -> memref<1x250x80xi32, #tpu.memory_space<hbm>>
        %dma_start3A_713 = tpu.memref_squeeze %dma_start3A_712 : memref<1x250x80xi32, #tpu.memory_space<hbm>> -> memref<250x80xi32, #tpu.memory_space<hbm>>
        tpu.enqueue_dma source(%dma_start3A_713 : memref<250x80xi32, #tpu.memory_space<hbm>>) target(%arg10 : memref<250x80xi32, #tpu.memory_space<vmem>>) target_semaphore(%run_scoped3A_695 : memref<!tpu.dma_semaphore, #tpu.memory_space<semaphore_mem>>)
        %dma_wait3A_714 = arith.constant 0 : i32
        %dma_wait3A_715 = arith.constant 0 : i32
        %dma_wait3A_716 = arith.constant 0 : i32
        %dma_wait3A_717 = tpu.memref_slice %arg2[%run_scoped3A_694, %dma_wait3A_714, %dma_wait3A_715, %dma_wait3A_716] : memref<2x16x250x80xi32, #tpu.memory_space<hbm>> -> memref<1x16x250x80xi32, #tpu.memory_space<hbm>>
        %dma_wait3A_718 = tpu.memref_squeeze %dma_wait3A_717 : memref<1x16x250x80xi32, #tpu.memory_space<hbm>> -> memref<16x250x80xi32, #tpu.memory_space<hbm>>
        %dma_wait3A_719 = arith.constant 0 : i32
        %dma_wait3A_720 = arith.constant 0 : i32
        %dma_wait3A_721 = tpu.memref_slice %dma_wait3A_718[%arg1, %dma_wait3A_719, %dma_wait3A_720] : memref<16x250x80xi32, #tpu.memory_space<hbm>> -> memref<1x250x80xi32, #tpu.memory_space<hbm>>
        %dma_wait3A_722 = tpu.memref_squeeze %dma_wait3A_721 : memref<1x250x80xi32, #tpu.memory_space<hbm>> -> memref<250x80xi32, #tpu.memory_space<hbm>>
        %dma_wait3A_723 = arith.constant 0 : i32
        %dma_wait3A_724 = arith.constant 0 : i32
        %dma_wait3A_725 = arith.constant 0 : i32
        %dma_wait3A_726 = tpu.memref_slice %arg2[%run_scoped3A_694, %dma_wait3A_723, %dma_wait3A_724, %dma_wait3A_725] : memref<2x16x250x80xi32, #tpu.memory_space<hbm>> -> memref<1x16x250x80xi32, #tpu.memory_space<hbm>>
        %dma_wait3A_727 = tpu.memref_squeeze %dma_wait3A_726 : memref<1x16x250x80xi32, #tpu.memory_space<hbm>> -> memref<16x250x80xi32, #tpu.memory_space<hbm>>
        %dma_wait3A_728 = arith.constant 0 : i32
        %dma_wait3A_729 = arith.constant 0 : i32
        %dma_wait3A_730 = tpu.memref_slice %dma_wait3A_727[%arg1, %dma_wait3A_728, %dma_wait3A_729] : memref<16x250x80xi32, #tpu.memory_space<hbm>> -> memref<1x250x80xi32, #tpu.memory_space<hbm>>
        %dma_wait3A_731 = tpu.memref_squeeze %dma_wait3A_730 : memref<1x250x80xi32, #tpu.memory_space<hbm>> -> memref<250x80xi32, #tpu.memory_space<hbm>>
        tpu.wait_dma2 semaphore(%run_scoped3A_695 : memref<!tpu.dma_semaphore, #tpu.memory_space<semaphore_mem>>) src(%dma_wait3A_731 : memref<250x80xi32, #tpu.memory_space<hbm>>) dst(%arg10 : memref<250x80xi32, #tpu.memory_space<vmem>>)
        tpu.yield
      }) : () -> ()
    } else {
    }
    %eq3A_249 = arith.constant 1 : i32
    %eq3A_250 = arith.cmpi eq, %arg0, %eq3A_249 : i32
    %convert_element_type3A_251 = arith.extui %eq3A_250 : i1 to i32
    %cond3A_252 = arith.constant 0 : i32
    %cond3A_253 = arith.cmpi ne, %convert_element_type3A_251, %cond3A_252 : i32
    scf.if %cond3A_253 {
      %run_scoped3A = arith.constant 0 : i32
      "tpu.region"() ({
        %run_scoped3A_695 = tpu.sem_alloc : memref<!tpu.dma_semaphore, #tpu.memory_space<semaphore_mem>>
        %dma_start3A_696 = arith.constant 0 : i32
        %dma_start3A_697 = arith.constant 0 : i32
        %dma_start3A_698 = arith.constant 0 : i32
        %dma_start3A_699 = tpu.memref_slice %arg3[%run_scoped3A, %dma_start3A_696, %dma_start3A_697, %dma_start3A_698] : memref<2x16x250x80xi32, #tpu.memory_space<hbm>> -> memref<1x16x250x80xi32, #tpu.memory_space<hbm>>
        %dma_start3A_700 = tpu.memref_squeeze %dma_start3A_699 : memref<1x16x250x80xi32, #tpu.memory_space<hbm>> -> memref<16x250x80xi32, #tpu.memory_space<hbm>>
        %dma_start3A_701 = arith.constant 0 : i32
        %dma_start3A_702 = arith.constant 0 : i32
        %dma_start3A_703 = tpu.memref_slice %dma_start3A_700[%arg1, %dma_start3A_701, %dma_start3A_702] : memref<16x250x80xi32, #tpu.memory_space<hbm>> -> memref<1x250x80xi32, #tpu.memory_space<hbm>>
        %dma_start3A_704 = tpu.memref_squeeze %dma_start3A_703 : memref<1x250x80xi32, #tpu.memory_space<hbm>> -> memref<250x80xi32, #tpu.memory_space<hbm>>
        %dma_start3A_705 = arith.constant 0 : i32
        %dma_start3A_706 = arith.constant 0 : i32
        %dma_start3A_707 = arith.constant 0 : i32
        %dma_start3A_708 = tpu.memref_slice %arg3[%run_scoped3A, %dma_start3A_705, %dma_start3A_706, %dma_start3A_707] : memref<2x16x250x80xi32, #tpu.memory_space<hbm>> -> memref<1x16x250x80xi32, #tpu.memory_space<hbm>>
        %dma_start3A_709 = tpu.memref_squeeze %dma_start3A_708 : memref<1x16x250x80xi32, #tpu.memory_space<hbm>> -> memref<16x250x80xi32, #tpu.memory_space<hbm>>
        %dma_start3A_710 = arith.constant 0 : i32
        %dma_start3A_711 = arith.constant 0 : i32
        %dma_start3A_712 = tpu.memref_slice %dma_start3A_709[%arg1, %dma_start3A_710, %dma_start3A_711] : memref<16x250x80xi32, #tpu.memory_space<hbm>> -> memref<1x250x80xi32, #tpu.memory_space<hbm>>
        %dma_start3A_713 = tpu.memref_squeeze %dma_start3A_712 : memref<1x250x80xi32, #tpu.memory_space<hbm>> -> memref<250x80xi32, #tpu.memory_space<hbm>>
        tpu.enqueue_dma source(%dma_start3A_713 : memref<250x80xi32, #tpu.memory_space<hbm>>) target(%arg9 : memref<250x80xi32, #tpu.memory_space<vmem>>) target_semaphore(%run_scoped3A_695 : memref<!tpu.dma_semaphore, #tpu.memory_space<semaphore_mem>>)
        %dma_wait3A_714 = arith.constant 0 : i32
        %dma_wait3A_715 = arith.constant 0 : i32
        %dma_wait3A_716 = arith.constant 0 : i32
        %dma_wait3A_717 = tpu.memref_slice %arg3[%run_scoped3A, %dma_wait3A_714, %dma_wait3A_715, %dma_wait3A_716] : memref<2x16x250x80xi32, #tpu.memory_space<hbm>> -> memref<1x16x250x80xi32, #tpu.memory_space<hbm>>
        %dma_wait3A_718 = tpu.memref_squeeze %dma_wait3A_717 : memref<1x16x250x80xi32, #tpu.memory_space<hbm>> -> memref<16x250x80xi32, #tpu.memory_space<hbm>>
        %dma_wait3A_719 = arith.constant 0 : i32
        %dma_wait3A_720 = arith.constant 0 : i32
        %dma_wait3A_721 = tpu.memref_slice %dma_wait3A_718[%arg1, %dma_wait3A_719, %dma_wait3A_720] : memref<16x250x80xi32, #tpu.memory_space<hbm>> -> memref<1x250x80xi32, #tpu.memory_space<hbm>>
        %dma_wait3A_722 = tpu.memref_squeeze %dma_wait3A_721 : memref<1x250x80xi32, #tpu.memory_space<hbm>> -> memref<250x80xi32, #tpu.memory_space<hbm>>
        %dma_wait3A_723 = arith.constant 0 : i32
        %dma_wait3A_724 = arith.constant 0 : i32
        %dma_wait3A_725 = arith.constant 0 : i32
        %dma_wait3A_726 = tpu.memref_slice %arg3[%run_scoped3A, %dma_wait3A_723, %dma_wait3A_724, %dma_wait3A_725] : memref<2x16x250x80xi32, #tpu.memory_space<hbm>> -> memref<1x16x250x80xi32, #tpu.memory_space<hbm>>
        %dma_wait3A_727 = tpu.memref_squeeze %dma_wait3A_726 : memref<1x16x250x80xi32, #tpu.memory_space<hbm>> -> memref<16x250x80xi32, #tpu.memory_space<hbm>>
        %dma_wait3A_728 = arith.constant 0 : i32
        %dma_wait3A_729 = arith.constant 0 : i32
        %dma_wait3A_730 = tpu.memref_slice %dma_wait3A_727[%arg1, %dma_wait3A_728, %dma_wait3A_729] : memref<16x250x80xi32, #tpu.memory_space<hbm>> -> memref<1x250x80xi32, #tpu.memory_space<hbm>>
        %dma_wait3A_731 = tpu.memref_squeeze %dma_wait3A_730 : memref<1x250x80xi32, #tpu.memory_space<hbm>> -> memref<250x80xi32, #tpu.memory_space<hbm>>
        tpu.wait_dma2 semaphore(%run_scoped3A_695 : memref<!tpu.dma_semaphore, #tpu.memory_space<semaphore_mem>>) src(%dma_wait3A_731 : memref<250x80xi32, #tpu.memory_space<hbm>>) dst(%arg9 : memref<250x80xi32, #tpu.memory_space<vmem>>)
        tpu.yield
      }) : () -> ()
      %run_scoped3A_694 = arith.constant 1 : i32
      "tpu.region"() ({
        %run_scoped3A_695 = tpu.sem_alloc : memref<!tpu.dma_semaphore, #tpu.memory_space<semaphore_mem>>
        %dma_start3A_696 = arith.constant 0 : i32
        %dma_start3A_697 = arith.constant 0 : i32
        %dma_start3A_698 = arith.constant 0 : i32
        %dma_start3A_699 = tpu.memref_slice %arg3[%run_scoped3A_694, %dma_start3A_696, %dma_start3A_697, %dma_start3A_698] : memref<2x16x250x80xi32, #tpu.memory_space<hbm>> -> memref<1x16x250x80xi32, #tpu.memory_space<hbm>>
        %dma_start3A_700 = tpu.memref_squeeze %dma_start3A_699 : memref<1x16x250x80xi32, #tpu.memory_space<hbm>> -> memref<16x250x80xi32, #tpu.memory_space<hbm>>
        %dma_start3A_701 = arith.constant 0 : i32
        %dma_start3A_702 = arith.constant 0 : i32
        %dma_start3A_703 = tpu.memref_slice %dma_start3A_700[%arg1, %dma_start3A_701, %dma_start3A_702] : memref<16x250x80xi32, #tpu.memory_space<hbm>> -> memref<1x250x80xi32, #tpu.memory_space<hbm>>
        %dma_start3A_704 = tpu.memref_squeeze %dma_start3A_703 : memref<1x250x80xi32, #tpu.memory_space<hbm>> -> memref<250x80xi32, #tpu.memory_space<hbm>>
        %dma_start3A_705 = arith.constant 0 : i32
        %dma_start3A_706 = arith.constant 0 : i32
        %dma_start3A_707 = arith.constant 0 : i32
        %dma_start3A_708 = tpu.memref_slice %arg3[%run_scoped3A_694, %dma_start3A_705, %dma_start3A_706, %dma_start3A_707] : memref<2x16x250x80xi32, #tpu.memory_space<hbm>> -> memref<1x16x250x80xi32, #tpu.memory_space<hbm>>
        %dma_start3A_709 = tpu.memref_squeeze %dma_start3A_708 : memref<1x16x250x80xi32, #tpu.memory_space<hbm>> -> memref<16x250x80xi32, #tpu.memory_space<hbm>>
        %dma_start3A_710 = arith.constant 0 : i32
        %dma_start3A_711 = arith.constant 0 : i32
        %dma_start3A_712 = tpu.memref_slice %dma_start3A_709[%arg1, %dma_start3A_710, %dma_start3A_711] : memref<16x250x80xi32, #tpu.memory_space<hbm>> -> memref<1x250x80xi32, #tpu.memory_space<hbm>>
        %dma_start3A_713 = tpu.memref_squeeze %dma_start3A_712 : memref<1x250x80xi32, #tpu.memory_space<hbm>> -> memref<250x80xi32, #tpu.memory_space<hbm>>
        tpu.enqueue_dma source(%dma_start3A_713 : memref<250x80xi32, #tpu.memory_space<hbm>>) target(%arg10 : memref<250x80xi32, #tpu.memory_space<vmem>>) target_semaphore(%run_scoped3A_695 : memref<!tpu.dma_semaphore, #tpu.memory_space<semaphore_mem>>)
        %dma_wait3A_714 = arith.constant 0 : i32
        %dma_wait3A_715 = arith.constant 0 : i32
        %dma_wait3A_716 = arith.constant 0 : i32
        %dma_wait3A_717 = tpu.memref_slice %arg3[%run_scoped3A_694, %dma_wait3A_714, %dma_wait3A_715, %dma_wait3A_716] : memref<2x16x250x80xi32, #tpu.memory_space<hbm>> -> memref<1x16x250x80xi32, #tpu.memory_space<hbm>>
        %dma_wait3A_718 = tpu.memref_squeeze %dma_wait3A_717 : memref<1x16x250x80xi32, #tpu.memory_space<hbm>> -> memref<16x250x80xi32, #tpu.memory_space<hbm>>
        %dma_wait3A_719 = arith.constant 0 : i32
        %dma_wait3A_720 = arith.constant 0 : i32
        %dma_wait3A_721 = tpu.memref_slice %dma_wait3A_718[%arg1, %dma_wait3A_719, %dma_wait3A_720] : memref<16x250x80xi32, #tpu.memory_space<hbm>> -> memref<1x250x80xi32, #tpu.memory_space<hbm>>
        %dma_wait3A_722 = tpu.memref_squeeze %dma_wait3A_721 : memref<1x250x80xi32, #tpu.memory_space<hbm>> -> memref<250x80xi32, #tpu.memory_space<hbm>>
        %dma_wait3A_723 = arith.constant 0 : i32
        %dma_wait3A_724 = arith.constant 0 : i32
        %dma_wait3A_725 = arith.constant 0 : i32
        %dma_wait3A_726 = tpu.memref_slice %arg3[%run_scoped3A_694, %dma_wait3A_723, %dma_wait3A_724, %dma_wait3A_725] : memref<2x16x250x80xi32, #tpu.memory_space<hbm>> -> memref<1x16x250x80xi32, #tpu.memory_space<hbm>>
        %dma_wait3A_727 = tpu.memref_squeeze %dma_wait3A_726 : memref<1x16x250x80xi32, #tpu.memory_space<hbm>> -> memref<16x250x80xi32, #tpu.memory_space<hbm>>
        %dma_wait3A_728 = arith.constant 0 : i32
        %dma_wait3A_729 = arith.constant 0 : i32
        %dma_wait3A_730 = tpu.memref_slice %dma_wait3A_727[%arg1, %dma_wait3A_728, %dma_wait3A_729] : memref<16x250x80xi32, #tpu.memory_space<hbm>> -> memref<1x250x80xi32, #tpu.memory_space<hbm>>
        %dma_wait3A_731 = tpu.memref_squeeze %dma_wait3A_730 : memref<1x250x80xi32, #tpu.memory_space<hbm>> -> memref<250x80xi32, #tpu.memory_space<hbm>>
        tpu.wait_dma2 semaphore(%run_scoped3A_695 : memref<!tpu.dma_semaphore, #tpu.memory_space<semaphore_mem>>) src(%dma_wait3A_731 : memref<250x80xi32, #tpu.memory_space<hbm>>) dst(%arg10 : memref<250x80xi32, #tpu.memory_space<vmem>>)
        tpu.yield
      }) : () -> ()
    } else {
    }
    %broadcast_in_dim3A_254 = arith.constant 1.000000e+00 : f32
    %broadcast_in_dim3A_255 = vector.broadcast %broadcast_in_dim3A_254 : f32 to vector<16xf32>
    %swap3A_256 = arith.constant 0 : index
    %swap3A_257 = tpu.vector_load %arg12[%swap3A_256] {strides = array<i32>} : memref<80xf32, #tpu.memory_space<vmem>>, vector<16xf32>,
    %swap3A_258 = vector.shape_cast %swap3A_257 : vector<16xf32> to vector<16xf32>
    %swap3A_259 = vector.shape_cast %broadcast_in_dim3A_255 : vector<16xf32> to vector<16xf32>
    tpu.vector_store %arg12[%swap3A_256], %swap3A_259 {strides = array<i32>} : memref<80xf32, #tpu.memory_space<vmem>>, vector<16xf32>,
    %broadcast_in_dim3A_260 = arith.constant 1.000000e+00 : f32
    %broadcast_in_dim3A_261 = vector.broadcast %broadcast_in_dim3A_260 : f32 to vector<16xf32>
    %swap3A_262 = arith.constant 16 : index
    %swap3A_263 = tpu.vector_load %arg12[%swap3A_262] {strides = array<i32>} : memref<80xf32, #tpu.memory_space<vmem>>, vector<16xf32>,
    %swap3A_264 = vector.shape_cast %swap3A_263 : vector<16xf32> to vector<16xf32>
    %swap3A_265 = vector.shape_cast %broadcast_in_dim3A_261 : vector<16xf32> to vector<16xf32>
    tpu.vector_store %arg12[%swap3A_262], %swap3A_265 {strides = array<i32>} : memref<80xf32, #tpu.memory_space<vmem>>, vector<16xf32>,
    %broadcast_in_dim3A_266 = arith.constant 1.000000e+00 : f32
    %broadcast_in_dim3A_267 = vector.broadcast %broadcast_in_dim3A_266 : f32 to vector<16xf32>
    %swap3A_268 = arith.constant 32 : index
    %swap3A_269 = tpu.vector_load %arg12[%swap3A_268] {strides = array<i32>} : memref<80xf32, #tpu.memory_space<vmem>>, vector<16xf32>,
    %swap3A_270 = vector.shape_cast %swap3A_269 : vector<16xf32> to vector<16xf32>
    %swap3A_271 = vector.shape_cast %broadcast_in_dim3A_267 : vector<16xf32> to vector<16xf32>
    tpu.vector_store %arg12[%swap3A_268], %swap3A_271 {strides = array<i32>} : memref<80xf32, #tpu.memory_space<vmem>>, vector<16xf32>,
    %broadcast_in_dim3A_272 = arith.constant 1.000000e+00 : f32
    %broadcast_in_dim3A_273 = vector.broadcast %broadcast_in_dim3A_272 : f32 to vector<16xf32>
    %swap3A_274 = arith.constant 48 : index
    %swap3A_275 = tpu.vector_load %arg12[%swap3A_274] {strides = array<i32>} : memref<80xf32, #tpu.memory_space<vmem>>, vector<16xf32>,
    %swap3A_276 = vector.shape_cast %swap3A_275 : vector<16xf32> to vector<16xf32>
    %swap3A_277 = vector.shape_cast %broadcast_in_dim3A_273 : vector<16xf32> to vector<16xf32>
    tpu.vector_store %arg12[%swap3A_274], %swap3A_277 {strides = array<i32>} : memref<80xf32, #tpu.memory_space<vmem>>, vector<16xf32>,
    %broadcast_in_dim3A_278 = arith.constant 1.000000e+00 : f32
    %broadcast_in_dim3A_279 = vector.broadcast %broadcast_in_dim3A_278 : f32 to vector<16xf32>
    %swap3A_280 = arith.constant 64 : index
    %swap3A_281 = tpu.vector_load %arg12[%swap3A_280] {strides = array<i32>} : memref<80xf32, #tpu.memory_space<vmem>>, vector<16xf32>,
    %swap3A_282 = vector.shape_cast %swap3A_281 : vector<16xf32> to vector<16xf32>
    %swap3A_283 = vector.shape_cast %broadcast_in_dim3A_279 : vector<16xf32> to vector<16xf32>
    tpu.vector_store %arg12[%swap3A_280], %swap3A_283 {strides = array<i32>} : memref<80xf32, #tpu.memory_space<vmem>>, vector<16xf32>,
    %scan3A = arith.constant 0 : i32
    %scan3A_284 = arith.constant 250 : i32
    %scan3A_285 = arith.addi %scan3A, %scan3A_284 : i32
    %scan3A_286 = arith.constant 1 : i32
    scf.for %scan3A_694 = %scan3A to %scan3A_285 step %scan3A_286  : i32 {
      %get3A = arith.constant 0 : i32
      %get3A_695 = tpu.memref_slice %arg9[%scan3A_694, %get3A] : memref<250x80xi32, #tpu.memory_space<vmem>> -> memref<1x80xi32, #tpu.memory_space<vmem>>
      %get3A_696 = tpu.memref_squeeze %get3A_695 : memref<1x80xi32, #tpu.memory_space<vmem>> -> memref<80xi32, #tpu.memory_space<vmem>>
      %get3A_697 = arith.constant 0 : index
      %get3A_698 = tpu.vector_load %get3A_696[%get3A_697] {strides = array<i32>} : memref<80xi32, #tpu.memory_space<vmem>>, vector<16xi32>,
      %get3A_699 = vector.shape_cast %get3A_698 : vector<16xi32> to vector<16xi32>
      %mul3A_700 = arith.constant 2 : i32
      %mul3A_701 = vector.broadcast %mul3A_700 : i32 to vector<16xi32>
      %mul3A_702 = arith.muli %get3A_699, %mul3A_701 : vector<16xi32>
      %add3A_703 = arith.constant 0 : i32
      %add3A_704 = vector.broadcast %add3A_703 : i32 to vector<16xi32>
      %add3A_705 = arith.addi %mul3A_702, %add3A_704 : vector<16xi32>
      %swap3A_706 = arith.constant 0 : i32
      %swap3A_707 = tpu.memref_slice %arg9[%scan3A_694, %swap3A_706] : memref<250x80xi32, #tpu.memory_space<vmem>> -> memref<1x80xi32, #tpu.memory_space<vmem>>
      %swap3A_708 = tpu.memref_squeeze %swap3A_707 : memref<1x80xi32, #tpu.memory_space<vmem>> -> memref<80xi32, #tpu.memory_space<vmem>>
      %swap3A_709 = arith.constant 0 : index
      %swap3A_710 = tpu.vector_load %swap3A_708[%swap3A_709] {strides = array<i32>} : memref<80xi32, #tpu.memory_space<vmem>>, vector<16xi32>,
      %swap3A_711 = vector.shape_cast %swap3A_710 : vector<16xi32> to vector<16xi32>
      %swap3A_712 = vector.shape_cast %add3A_705 : vector<16xi32> to vector<16xi32>
      tpu.vector_store %swap3A_708[%swap3A_709], %swap3A_712 {strides = array<i32>} : memref<80xi32, #tpu.memory_space<vmem>>, vector<16xi32>,
      %get3A_713 = arith.constant 0 : i32
      %get3A_714 = tpu.memref_slice %arg9[%scan3A_694, %get3A_713] : memref<250x80xi32, #tpu.memory_space<vmem>> -> memref<1x80xi32, #tpu.memory_space<vmem>>
      %get3A_715 = tpu.memref_squeeze %get3A_714 : memref<1x80xi32, #tpu.memory_space<vmem>> -> memref<80xi32, #tpu.memory_space<vmem>>
      %get3A_716 = arith.constant 16 : index
      %get3A_717 = tpu.vector_load %get3A_715[%get3A_716] {strides = array<i32>} : memref<80xi32, #tpu.memory_space<vmem>>, vector<16xi32>,
      %get3A_718 = vector.shape_cast %get3A_717 : vector<16xi32> to vector<16xi32>
      %mul3A_719 = arith.constant 2 : i32
      %mul3A_720 = vector.broadcast %mul3A_719 : i32 to vector<16xi32>
      %mul3A_721 = arith.muli %get3A_718, %mul3A_720 : vector<16xi32>
      %add3A_722 = arith.constant 0 : i32
      %add3A_723 = vector.broadcast %add3A_722 : i32 to vector<16xi32>
      %add3A_724 = arith.addi %mul3A_721, %add3A_723 : vector<16xi32>
      %swap3A_725 = arith.constant 0 : i32
      %swap3A_726 = tpu.memref_slice %arg9[%scan3A_694, %swap3A_725] : memref<250x80xi32, #tpu.memory_space<vmem>> -> memref<1x80xi32, #tpu.memory_space<vmem>>
      %swap3A_727 = tpu.memref_squeeze %swap3A_726 : memref<1x80xi32, #tpu.memory_space<vmem>> -> memref<80xi32, #tpu.memory_space<vmem>>
      %swap3A_728 = arith.constant 16 : index
      %swap3A_729 = tpu.vector_load %swap3A_727[%swap3A_728] {strides = array<i32>} : memref<80xi32, #tpu.memory_space<vmem>>, vector<16xi32>,
      %swap3A_730 = vector.shape_cast %swap3A_729 : vector<16xi32> to vector<16xi32>
      %swap3A_731 = vector.shape_cast %add3A_724 : vector<16xi32> to vector<16xi32>
      tpu.vector_store %swap3A_727[%swap3A_728], %swap3A_731 {strides = array<i32>} : memref<80xi32, #tpu.memory_space<vmem>>, vector<16xi32>,
      %get3A_732 = arith.constant 0 : i32
      %get3A_733 = tpu.memref_slice %arg9[%scan3A_694, %get3A_732] : memref<250x80xi32, #tpu.memory_space<vmem>> -> memref<1x80xi32, #tpu.memory_space<vmem>>
      %get3A_734 = tpu.memref_squeeze %get3A_733 : memref<1x80xi32, #tpu.memory_space<vmem>> -> memref<80xi32, #tpu.memory_space<vmem>>
      %get3A_735 = arith.constant 32 : index
      %get3A_736 = tpu.vector_load %get3A_734[%get3A_735] {strides = array<i32>} : memref<80xi32, #tpu.memory_space<vmem>>, vector<16xi32>,
      %get3A_737 = vector.shape_cast %get3A_736 : vector<16xi32> to vector<16xi32>
      %mul3A_738 = arith.constant 2 : i32
      %mul3A_739 = vector.broadcast %mul3A_738 : i32 to vector<16xi32>
      %mul3A_740 = arith.muli %get3A_737, %mul3A_739 : vector<16xi32>
      %add3A_741 = arith.constant 0 : i32
      %add3A_742 = vector.broadcast %add3A_741 : i32 to vector<16xi32>
      %add3A_743 = arith.addi %mul3A_740, %add3A_742 : vector<16xi32>
      %swap3A_744 = arith.constant 0 : i32
      %swap3A_745 = tpu.memref_slice %arg9[%scan3A_694, %swap3A_744] : memref<250x80xi32, #tpu.memory_space<vmem>> -> memref<1x80xi32, #tpu.memory_space<vmem>>
      %swap3A_746 = tpu.memref_squeeze %swap3A_745 : memref<1x80xi32, #tpu.memory_space<vmem>> -> memref<80xi32, #tpu.memory_space<vmem>>
      %swap3A_747 = arith.constant 32 : index
      %swap3A_748 = tpu.vector_load %swap3A_746[%swap3A_747] {strides = array<i32>} : memref<80xi32, #tpu.memory_space<vmem>>, vector<16xi32>,
      %swap3A_749 = vector.shape_cast %swap3A_748 : vector<16xi32> to vector<16xi32>
      %swap3A_750 = vector.shape_cast %add3A_743 : vector<16xi32> to vector<16xi32>
      tpu.vector_store %swap3A_746[%swap3A_747], %swap3A_750 {strides = array<i32>} : memref<80xi32, #tpu.memory_space<vmem>>, vector<16xi32>,
      %get3A_751 = arith.constant 0 : i32
      %get3A_752 = tpu.memref_slice %arg9[%scan3A_694, %get3A_751] : memref<250x80xi32, #tpu.memory_space<vmem>> -> memref<1x80xi32, #tpu.memory_space<vmem>>
      %get3A_753 = tpu.memref_squeeze %get3A_752 : memref<1x80xi32, #tpu.memory_space<vmem>> -> memref<80xi32, #tpu.memory_space<vmem>>
      %get3A_754 = arith.constant 48 : index
      %get3A_755 = tpu.vector_load %get3A_753[%get3A_754] {strides = array<i32>} : memref<80xi32, #tpu.memory_space<vmem>>, vector<16xi32>,
      %get3A_756 = vector.shape_cast %get3A_755 : vector<16xi32> to vector<16xi32>
      %mul3A_757 = arith.constant 2 : i32
      %mul3A_758 = vector.broadcast %mul3A_757 : i32 to vector<16xi32>
      %mul3A_759 = arith.muli %get3A_756, %mul3A_758 : vector<16xi32>
      %add3A_760 = arith.constant 0 : i32
      %add3A_761 = vector.broadcast %add3A_760 : i32 to vector<16xi32>
      %add3A_762 = arith.addi %mul3A_759, %add3A_761 : vector<16xi32>
      %swap3A_763 = arith.constant 0 : i32
      %swap3A_764 = tpu.memref_slice %arg9[%scan3A_694, %swap3A_763] : memref<250x80xi32, #tpu.memory_space<vmem>> -> memref<1x80xi32, #tpu.memory_space<vmem>>
      %swap3A_765 = tpu.memref_squeeze %swap3A_764 : memref<1x80xi32, #tpu.memory_space<vmem>> -> memref<80xi32, #tpu.memory_space<vmem>>
      %swap3A_766 = arith.constant 48 : index
      %swap3A_767 = tpu.vector_load %swap3A_765[%swap3A_766] {strides = array<i32>} : memref<80xi32, #tpu.memory_space<vmem>>, vector<16xi32>,
      %swap3A_768 = vector.shape_cast %swap3A_767 : vector<16xi32> to vector<16xi32>
      %swap3A_769 = vector.shape_cast %add3A_762 : vector<16xi32> to vector<16xi32>
      tpu.vector_store %swap3A_765[%swap3A_766], %swap3A_769 {strides = array<i32>} : memref<80xi32, #tpu.memory_space<vmem>>, vector<16xi32>,
      %get3A_770 = arith.constant 0 : i32
      %get3A_771 = tpu.memref_slice %arg9[%scan3A_694, %get3A_770] : memref<250x80xi32, #tpu.memory_space<vmem>> -> memref<1x80xi32, #tpu.memory_space<vmem>>
      %get3A_772 = tpu.memref_squeeze %get3A_771 : memref<1x80xi32, #tpu.memory_space<vmem>> -> memref<80xi32, #tpu.memory_space<vmem>>
      %get3A_773 = arith.constant 64 : index
      %get3A_774 = tpu.vector_load %get3A_772[%get3A_773] {strides = array<i32>} : memref<80xi32, #tpu.memory_space<vmem>>, vector<16xi32>,
      %get3A_775 = vector.shape_cast %get3A_774 : vector<16xi32> to vector<16xi32>
      %mul3A_776 = arith.constant 2 : i32
      %mul3A_777 = vector.broadcast %mul3A_776 : i32 to vector<16xi32>
      %mul3A_778 = arith.muli %get3A_775, %mul3A_777 : vector<16xi32>
      %add3A_779 = arith.constant 0 : i32
      %add3A_780 = vector.broadcast %add3A_779 : i32 to vector<16xi32>
      %add3A_781 = arith.addi %mul3A_778, %add3A_780 : vector<16xi32>
      %swap3A_782 = arith.constant 0 : i32
      %swap3A_783 = tpu.memref_slice %arg9[%scan3A_694, %swap3A_782] : memref<250x80xi32, #tpu.memory_space<vmem>> -> memref<1x80xi32, #tpu.memory_space<vmem>>
      %swap3A_784 = tpu.memref_squeeze %swap3A_783 : memref<1x80xi32, #tpu.memory_space<vmem>> -> memref<80xi32, #tpu.memory_space<vmem>>
      %swap3A_785 = arith.constant 64 : index
      %swap3A_786 = tpu.vector_load %swap3A_784[%swap3A_785] {strides = array<i32>} : memref<80xi32, #tpu.memory_space<vmem>>, vector<16xi32>,
      %swap3A_787 = vector.shape_cast %swap3A_786 : vector<16xi32> to vector<16xi32>
      %swap3A_788 = vector.shape_cast %add3A_781 : vector<16xi32> to vector<16xi32>
      tpu.vector_store %swap3A_784[%swap3A_785], %swap3A_788 {strides = array<i32>} : memref<80xi32, #tpu.memory_space<vmem>>, vector<16xi32>,
    }
    %scan3A_287 = arith.constant 250 : i32
    %barrier3A = arith.constant 0 : index
    tpu.barrier barrier_id(%barrier3A)
    %dma_start3A = arith.constant 0 : i32
    %dma_start3A_288 = arith.constant 0 : i32
    %dma_start3A_289 = arith.constant 0 : i32
    %dma_start3A_290 = arith.constant 0 : i32
    %dma_start3A_291 = arith.constant 0 : i32
    %dma_start3A_292 = tpu.memref_slice %arg11[%dma_start3A_288, %dma_start3A_290, %dma_start3A_291] : memref<5x80x64xf32, #tpu.memory_space<vmem>> -> memref<1x80x64xf32, #tpu.memory_space<vmem>>
    %dma_start3A_293 = tpu.memref_squeeze %dma_start3A_292 : memref<1x80x64xf32, #tpu.memory_space<vmem>> -> memref<80x64xf32, #tpu.memory_space<vmem>>
    %dma_start3A_294 = arith.constant 0 : i32
    %dma_start3A_295 = tpu.memref_slice %arg9[%dma_start3A, %dma_start3A_294] : memref<250x80xi32, #tpu.memory_space<vmem>> -> memref<1x80xi32, #tpu.memory_space<vmem>>
    %dma_start3A_296 = tpu.memref_squeeze %dma_start3A_295 : memref<1x80xi32, #tpu.memory_space<vmem>> -> memref<80xi32, #tpu.memory_space<vmem>>
    %dma_start3A_297 = arith.constant 0 : i32
    %dma_start3A_298 = arith.constant 0 : i32
    %dma_start3A_299 = tpu.memref_slice %arg4[%dma_start3A_297, %dma_start3A_298] : memref<20000x64xf32, #tpu.memory_space<hbm>> -> memref<20000x64xf32, #tpu.memory_space<hbm>>
    %dma_start3A_300 = tpu.memref_slice %arg16[%dma_start3A_289] : memref<5x!tpu.dma_semaphore, #tpu.memory_space<semaphore_mem>> -> memref<1x!tpu.dma_semaphore, #tpu.memory_space<semaphore_mem>>
    %dma_start3A_301 = tpu.memref_squeeze %dma_start3A_300 : memref<1x!tpu.dma_semaphore, #tpu.memory_space<semaphore_mem>> -> memref<!tpu.dma_semaphore, #tpu.memory_space<semaphore_mem>>
    tpu.enqueue_indirect_dma source(%dma_start3A_299 : memref<20000x64xf32, #tpu.memory_space<hbm>>) target(%dma_start3A_293 : memref<80x64xf32, #tpu.memory_space<vmem>>) offsets(%dma_start3A_296 : memref<80xi32, #tpu.memory_space<vmem>>) semaphore(%dma_start3A_301 : memref<!tpu.dma_semaphore, #tpu.memory_space<semaphore_mem>>)
    %dma_start3A_302 = arith.constant 1 : i32
    %dma_start3A_303 = arith.constant 1 : i32
    %dma_start3A_304 = arith.constant 1 : i32
    %dma_start3A_305 = arith.constant 0 : i32
    %dma_start3A_306 = arith.constant 0 : i32
    %dma_start3A_307 = tpu.memref_slice %arg11[%dma_start3A_303, %dma_start3A_305, %dma_start3A_306] : memref<5x80x64xf32, #tpu.memory_space<vmem>> -> memref<1x80x64xf32, #tpu.memory_space<vmem>>
    %dma_start3A_308 = tpu.memref_squeeze %dma_start3A_307 : memref<1x80x64xf32, #tpu.memory_space<vmem>> -> memref<80x64xf32, #tpu.memory_space<vmem>>
    %dma_start3A_309 = arith.constant 0 : i32
    %dma_start3A_310 = tpu.memref_slice %arg9[%dma_start3A_302, %dma_start3A_309] : memref<250x80xi32, #tpu.memory_space<vmem>> -> memref<1x80xi32, #tpu.memory_space<vmem>>
    %dma_start3A_311 = tpu.memref_squeeze %dma_start3A_310 : memref<1x80xi32, #tpu.memory_space<vmem>> -> memref<80xi32, #tpu.memory_space<vmem>>
    %dma_start3A_312 = arith.constant 0 : i32
    %dma_start3A_313 = arith.constant 0 : i32
    %dma_start3A_314 = tpu.memref_slice %arg4[%dma_start3A_312, %dma_start3A_313] : memref<20000x64xf32, #tpu.memory_space<hbm>> -> memref<20000x64xf32, #tpu.memory_space<hbm>>
    %dma_start3A_315 = tpu.memref_slice %arg16[%dma_start3A_304] : memref<5x!tpu.dma_semaphore, #tpu.memory_space<semaphore_mem>> -> memref<1x!tpu.dma_semaphore, #tpu.memory_space<semaphore_mem>>
    %dma_start3A_316 = tpu.memref_squeeze %dma_start3A_315 : memref<1x!tpu.dma_semaphore, #tpu.memory_space<semaphore_mem>> -> memref<!tpu.dma_semaphore, #tpu.memory_space<semaphore_mem>>
    tpu.enqueue_indirect_dma source(%dma_start3A_314 : memref<20000x64xf32, #tpu.memory_space<hbm>>) target(%dma_start3A_308 : memref<80x64xf32, #tpu.memory_space<vmem>>) offsets(%dma_start3A_311 : memref<80xi32, #tpu.memory_space<vmem>>) semaphore(%dma_start3A_316 : memref<!tpu.dma_semaphore, #tpu.memory_space<semaphore_mem>>)
    %dma_start3A_317 = arith.constant 2 : i32
    %dma_start3A_318 = arith.constant 2 : i32
    %dma_start3A_319 = arith.constant 2 : i32
    %dma_start3A_320 = arith.constant 0 : i32
    %dma_start3A_321 = arith.constant 0 : i32
    %dma_start3A_322 = tpu.memref_slice %arg11[%dma_start3A_318, %dma_start3A_320, %dma_start3A_321] : memref<5x80x64xf32, #tpu.memory_space<vmem>> -> memref<1x80x64xf32, #tpu.memory_space<vmem>>
    %dma_start3A_323 = tpu.memref_squeeze %dma_start3A_322 : memref<1x80x64xf32, #tpu.memory_space<vmem>> -> memref<80x64xf32, #tpu.memory_space<vmem>>
    %dma_start3A_324 = arith.constant 0 : i32
    %dma_start3A_325 = tpu.memref_slice %arg9[%dma_start3A_317, %dma_start3A_324] : memref<250x80xi32, #tpu.memory_space<vmem>> -> memref<1x80xi32, #tpu.memory_space<vmem>>
    %dma_start3A_326 = tpu.memref_squeeze %dma_start3A_325 : memref<1x80xi32, #tpu.memory_space<vmem>> -> memref<80xi32, #tpu.memory_space<vmem>>
    %dma_start3A_327 = arith.constant 0 : i32
    %dma_start3A_328 = arith.constant 0 : i32
    %dma_start3A_329 = tpu.memref_slice %arg4[%dma_start3A_327, %dma_start3A_328] : memref<20000x64xf32, #tpu.memory_space<hbm>> -> memref<20000x64xf32, #tpu.memory_space<hbm>>
    %dma_start3A_330 = tpu.memref_slice %arg16[%dma_start3A_319] : memref<5x!tpu.dma_semaphore, #tpu.memory_space<semaphore_mem>> -> memref<1x!tpu.dma_semaphore, #tpu.memory_space<semaphore_mem>>
    %dma_start3A_331 = tpu.memref_squeeze %dma_start3A_330 : memref<1x!tpu.dma_semaphore, #tpu.memory_space<semaphore_mem>> -> memref<!tpu.dma_semaphore, #tpu.memory_space<semaphore_mem>>
    tpu.enqueue_indirect_dma source(%dma_start3A_329 : memref<20000x64xf32, #tpu.memory_space<hbm>>) target(%dma_start3A_323 : memref<80x64xf32, #tpu.memory_space<vmem>>) offsets(%dma_start3A_326 : memref<80xi32, #tpu.memory_space<vmem>>) semaphore(%dma_start3A_331 : memref<!tpu.dma_semaphore, #tpu.memory_space<semaphore_mem>>)
    %dma_start3A_332 = arith.constant 3 : i32
    %dma_start3A_333 = arith.constant 3 : i32
    %dma_start3A_334 = arith.constant 3 : i32
    %dma_start3A_335 = arith.constant 0 : i32
    %dma_start3A_336 = arith.constant 0 : i32
    %dma_start3A_337 = tpu.memref_slice %arg11[%dma_start3A_333, %dma_start3A_335, %dma_start3A_336] : memref<5x80x64xf32, #tpu.memory_space<vmem>> -> memref<1x80x64xf32, #tpu.memory_space<vmem>>
    %dma_start3A_338 = tpu.memref_squeeze %dma_start3A_337 : memref<1x80x64xf32, #tpu.memory_space<vmem>> -> memref<80x64xf32, #tpu.memory_space<vmem>>
    %dma_start3A_339 = arith.constant 0 : i32
    %dma_start3A_340 = tpu.memref_slice %arg9[%dma_start3A_332, %dma_start3A_339] : memref<250x80xi32, #tpu.memory_space<vmem>> -> memref<1x80xi32, #tpu.memory_space<vmem>>
    %dma_start3A_341 = tpu.memref_squeeze %dma_start3A_340 : memref<1x80xi32, #tpu.memory_space<vmem>> -> memref<80xi32, #tpu.memory_space<vmem>>
    %dma_start3A_342 = arith.constant 0 : i32
    %dma_start3A_343 = arith.constant 0 : i32
    %dma_start3A_344 = tpu.memref_slice %arg4[%dma_start3A_342, %dma_start3A_343] : memref<20000x64xf32, #tpu.memory_space<hbm>> -> memref<20000x64xf32, #tpu.memory_space<hbm>>
    %dma_start3A_345 = tpu.memref_slice %arg16[%dma_start3A_334] : memref<5x!tpu.dma_semaphore, #tpu.memory_space<semaphore_mem>> -> memref<1x!tpu.dma_semaphore, #tpu.memory_space<semaphore_mem>>
    %dma_start3A_346 = tpu.memref_squeeze %dma_start3A_345 : memref<1x!tpu.dma_semaphore, #tpu.memory_space<semaphore_mem>> -> memref<!tpu.dma_semaphore, #tpu.memory_space<semaphore_mem>>
    tpu.enqueue_indirect_dma source(%dma_start3A_344 : memref<20000x64xf32, #tpu.memory_space<hbm>>) target(%dma_start3A_338 : memref<80x64xf32, #tpu.memory_space<vmem>>) offsets(%dma_start3A_341 : memref<80xi32, #tpu.memory_space<vmem>>) semaphore(%dma_start3A_346 : memref<!tpu.dma_semaphore, #tpu.memory_space<semaphore_mem>>)
    %dma_start3A_347 = arith.constant 4 : i32
    %dma_start3A_348 = arith.constant 4 : i32
    %dma_start3A_349 = arith.constant 4 : i32
    %dma_start3A_350 = arith.constant 0 : i32
    %dma_start3A_351 = arith.constant 0 : i32
    %dma_start3A_352 = tpu.memref_slice %arg11[%dma_start3A_348, %dma_start3A_350, %dma_start3A_351] : memref<5x80x64xf32, #tpu.memory_space<vmem>> -> memref<1x80x64xf32, #tpu.memory_space<vmem>>
    %dma_start3A_353 = tpu.memref_squeeze %dma_start3A_352 : memref<1x80x64xf32, #tpu.memory_space<vmem>> -> memref<80x64xf32, #tpu.memory_space<vmem>>
    %dma_start3A_354 = arith.constant 0 : i32
    %dma_start3A_355 = tpu.memref_slice %arg9[%dma_start3A_347, %dma_start3A_354] : memref<250x80xi32, #tpu.memory_space<vmem>> -> memref<1x80xi32, #tpu.memory_space<vmem>>
    %dma_start3A_356 = tpu.memref_squeeze %dma_start3A_355 : memref<1x80xi32, #tpu.memory_space<vmem>> -> memref<80xi32, #tpu.memory_space<vmem>>
    %dma_start3A_357 = arith.constant 0 : i32
    %dma_start3A_358 = arith.constant 0 : i32
    %dma_start3A_359 = tpu.memref_slice %arg4[%dma_start3A_357, %dma_start3A_358] : memref<20000x64xf32, #tpu.memory_space<hbm>> -> memref<20000x64xf32, #tpu.memory_space<hbm>>
    %dma_start3A_360 = tpu.memref_slice %arg16[%dma_start3A_349] : memref<5x!tpu.dma_semaphore, #tpu.memory_space<semaphore_mem>> -> memref<1x!tpu.dma_semaphore, #tpu.memory_space<semaphore_mem>>
    %dma_start3A_361 = tpu.memref_squeeze %dma_start3A_360 : memref<1x!tpu.dma_semaphore, #tpu.memory_space<semaphore_mem>> -> memref<!tpu.dma_semaphore, #tpu.memory_space<semaphore_mem>>
    tpu.enqueue_indirect_dma source(%dma_start3A_359 : memref<20000x64xf32, #tpu.memory_space<hbm>>) target(%dma_start3A_353 : memref<80x64xf32, #tpu.memory_space<vmem>>) offsets(%dma_start3A_356 : memref<80xi32, #tpu.memory_space<vmem>>) semaphore(%dma_start3A_361 : memref<!tpu.dma_semaphore, #tpu.memory_space<semaphore_mem>>)
    %scan3A_362 = arith.constant 0 : i32
    %scan3A_363 = arith.constant 50 : i32
    %scan3A_364 = arith.addi %scan3A_362, %scan3A_363 : i32
    %scan3A_365 = arith.constant 1 : i32
    scf.for %scan3A_694 = %scan3A_362 to %scan3A_364 step %scan3A_365  : i32 {
      %mul3A_695 = arith.constant 5 : i32
      %mul3A_696 = arith.muli %scan3A_694, %mul3A_695 : i32
      %add3A_697 = arith.constant 0 : i32
      %add3A_698 = arith.addi %mul3A_696, %add3A_697 : i32
      %dma_wait3A_699 = arith.constant 0 : i32
      %dma_wait3A_700 = arith.constant 0 : i32
      %dma_wait3A_701 = arith.constant 0 : i32
      %dma_wait3A_702 = arith.constant 0 : i32
      %dma_wait3A_703 = tpu.memref_slice %arg11[%dma_wait3A_699, %dma_wait3A_701, %dma_wait3A_702] : memref<5x80x64xf32, #tpu.memory_space<vmem>> -> memref<1x80x64xf32, #tpu.memory_space<vmem>>
      %dma_wait3A_704 = tpu.memref_squeeze %dma_wait3A_703 : memref<1x80x64xf32, #tpu.memory_space<vmem>> -> memref<80x64xf32, #tpu.memory_space<vmem>>
      %dma_wait3A_705 = arith.constant 0 : i32
      %dma_wait3A_706 = tpu.memref_slice %arg9[%add3A_698, %dma_wait3A_705] : memref<250x80xi32, #tpu.memory_space<vmem>> -> memref<1x80xi32, #tpu.memory_space<vmem>>
      %dma_wait3A_707 = tpu.memref_squeeze %dma_wait3A_706 : memref<1x80xi32, #tpu.memory_space<vmem>> -> memref<80xi32, #tpu.memory_space<vmem>>
      %dma_wait3A_708 = arith.constant 0 : i32
      %dma_wait3A_709 = arith.constant 0 : i32
      %dma_wait3A_710 = tpu.memref_slice %arg4[%dma_wait3A_708, %dma_wait3A_709] : memref<20000x64xf32, #tpu.memory_space<hbm>> -> memref<20000x64xf32, #tpu.memory_space<hbm>>
      %dma_wait3A_711 = tpu.memref_slice %arg16[%dma_wait3A_700] : memref<5x!tpu.dma_semaphore, #tpu.memory_space<semaphore_mem>> -> memref<1x!tpu.dma_semaphore, #tpu.memory_space<semaphore_mem>>
      %dma_wait3A_712 = tpu.memref_squeeze %dma_wait3A_711 : memref<1x!tpu.dma_semaphore, #tpu.memory_space<semaphore_mem>> -> memref<!tpu.dma_semaphore, #tpu.memory_space<semaphore_mem>>
      tpu.wait_indirect_dma semaphore(%dma_wait3A_712 : memref<!tpu.dma_semaphore, #tpu.memory_space<semaphore_mem>>) src(%dma_wait3A_710 : memref<20000x64xf32, #tpu.memory_space<hbm>>) dst(%dma_wait3A_704 : memref<80x64xf32, #tpu.memory_space<vmem>>)
      %dma_start3A_713 = arith.constant 0 : i32
      %dma_start3A_714 = arith.constant 0 : i32
      %dma_start3A_715 = arith.constant 0 : i32
      %dma_start3A_716 = arith.constant 0 : i32
      %dma_start3A_717 = tpu.memref_slice %arg11[%dma_start3A_713, %dma_start3A_715, %dma_start3A_716] : memref<5x80x64xf32, #tpu.memory_space<vmem>> -> memref<1x80x64xf32, #tpu.memory_space<vmem>>
      %dma_start3A_718 = tpu.memref_squeeze %dma_start3A_717 : memref<1x80x64xf32, #tpu.memory_space<vmem>> -> memref<80x64xf32, #tpu.memory_space<vmem>>
      %dma_start3A_719 = arith.constant 0 : i32
      %dma_start3A_720 = tpu.memref_slice %arg10[%add3A_698, %dma_start3A_719] : memref<250x80xi32, #tpu.memory_space<vmem>> -> memref<1x80xi32, #tpu.memory_space<vmem>>
      %dma_start3A_721 = tpu.memref_squeeze %dma_start3A_720 : memref<1x80xi32, #tpu.memory_space<vmem>> -> memref<80xi32, #tpu.memory_space<vmem>>
      %dma_start3A_722 = arith.constant 0 : i32
      %dma_start3A_723 = arith.constant 0 : i32
      %dma_start3A_724 = tpu.memref_slice %arg14[%dma_start3A_722, %dma_start3A_723] : memref<10000x64xf32, #tpu.memory_space<vmem_shared>> -> memref<10000x64xf32, #tpu.memory_space<vmem_shared>>
      %dma_start3A_725 = tpu.memref_slice %arg17[%dma_start3A_714] : memref<5x!tpu.dma_semaphore, #tpu.memory_space<semaphore_mem>> -> memref<1x!tpu.dma_semaphore, #tpu.memory_space<semaphore_mem>>
      %dma_start3A_726 = tpu.memref_squeeze %dma_start3A_725 : memref<1x!tpu.dma_semaphore, #tpu.memory_space<semaphore_mem>> -> memref<!tpu.dma_semaphore, #tpu.memory_space<semaphore_mem>>
      tpu.enqueue_indirect_dma source(%dma_start3A_718 : memref<80x64xf32, #tpu.memory_space<vmem>>) target(%dma_start3A_724 : memref<10000x64xf32, #tpu.memory_space<vmem_shared>>) offsets(%dma_start3A_721 : memref<80xi32, #tpu.memory_space<vmem>>) semaphore(%dma_start3A_726 : memref<!tpu.dma_semaphore, #tpu.memory_space<semaphore_mem>>) {add = true}
      %dma_start3A_727 = arith.constant 0 : i32
      %dma_start3A_728 = arith.constant 0 : i32
      %dma_start3A_729 = tpu.memref_slice %arg10[%add3A_698, %dma_start3A_728] : memref<250x80xi32, #tpu.memory_space<vmem>> -> memref<1x80xi32, #tpu.memory_space<vmem>>
      %dma_start3A_730 = tpu.memref_squeeze %dma_start3A_729 : memref<1x80xi32, #tpu.memory_space<vmem>> -> memref<80xi32, #tpu.memory_space<vmem>>
      %dma_start3A_731 = arith.constant 0 : i32
      %dma_start3A_732 = tpu.memref_slice %arg15[%dma_start3A_731] : memref<10000xf32, #tpu.memory_space<vmem_shared>> -> memref<10000xf32, #tpu.memory_space<vmem_shared>>
      %dma_start3A_733 = tpu.memref_slice %arg17[%dma_start3A_727] : memref<5x!tpu.dma_semaphore, #tpu.memory_space<semaphore_mem>> -> memref<1x!tpu.dma_semaphore, #tpu.memory_space<semaphore_mem>>
      %dma_start3A_734 = tpu.memref_squeeze %dma_start3A_733 : memref<1x!tpu.dma_semaphore, #tpu.memory_space<semaphore_mem>> -> memref<!tpu.dma_semaphore, #tpu.memory_space<semaphore_mem>>
      tpu.enqueue_indirect_dma source(%arg12 : memref<80xf32, #tpu.memory_space<vmem>>) target(%dma_start3A_732 : memref<10000xf32, #tpu.memory_space<vmem_shared>>) offsets(%dma_start3A_730 : memref<80xi32, #tpu.memory_space<vmem>>) semaphore(%dma_start3A_734 : memref<!tpu.dma_semaphore, #tpu.memory_space<semaphore_mem>>) {add = true}
      %add3A_735 = arith.constant 5 : i32
      %add3A_736 = arith.addi %add3A_698, %add3A_735 : i32
      %lt3A = arith.constant 250 : i32
      %lt3A_737 = arith.cmpi slt, %add3A_736, %lt3A : i32
      %convert_element_type3A_738 = arith.extui %lt3A_737 : i1 to i32
      %cond3A_739 = arith.constant 0 : i32
      %cond3A_740 = arith.cmpi ne, %convert_element_type3A_738, %cond3A_739 : i32
      scf.if %cond3A_740 {
        %add3A_929 = arith.constant 5 : i32
        %add3A_930 = arith.addi %add3A_698, %add3A_929 : i32
        %ge3A = arith.constant 5 : i32
        %ge3A_931 = arith.cmpi sge, %add3A_930, %ge3A : i32
        %convert_element_type3A_932 = arith.extui %ge3A_931 : i1 to i32
        %cond3A_933 = arith.constant 0 : i32
        %cond3A_934 = arith.cmpi ne, %convert_element_type3A_932, %cond3A_933 : i32
        scf.if %cond3A_934 {
          %dma_wait3A_951 = arith.constant 0 : i32
          %dma_wait3A_952 = arith.constant 0 : i32
          %dma_wait3A_953 = arith.constant 0 : i32
          %dma_wait3A_954 = arith.constant 0 : i32
          %dma_wait3A_955 = arith.constant 0 : i32
          %dma_wait3A_956 = tpu.memref_slice %arg11[%dma_wait3A_951, %dma_wait3A_954, %dma_wait3A_955] : memref<5x80x64xf32, #tpu.memory_space<vmem>> -> memref<1x80x64xf32, #tpu.memory_space<vmem>>
          %dma_wait3A_957 = tpu.memref_squeeze %dma_wait3A_956 : memref<1x80x64xf32, #tpu.memory_space<vmem>> -> memref<80x64xf32, #tpu.memory_space<vmem>>
          %dma_wait3A_958 = arith.constant 0 : i32
          %dma_wait3A_959 = tpu.memref_slice %arg10[%dma_wait3A_952, %dma_wait3A_958] : memref<250x80xi32, #tpu.memory_space<vmem>> -> memref<1x80xi32, #tpu.memory_space<vmem>>
          %dma_wait3A_960 = tpu.memref_squeeze %dma_wait3A_959 : memref<1x80xi32, #tpu.memory_space<vmem>> -> memref<80xi32, #tpu.memory_space<vmem>>
          %dma_wait3A_961 = arith.constant 0 : i32
          %dma_wait3A_962 = arith.constant 0 : i32
          %dma_wait3A_963 = tpu.memref_slice %arg14[%dma_wait3A_961, %dma_wait3A_962] : memref<10000x64xf32, #tpu.memory_space<vmem_shared>> -> memref<10000x64xf32, #tpu.memory_space<vmem_shared>>
          %dma_wait3A_964 = tpu.memref_slice %arg17[%dma_wait3A_953] : memref<5x!tpu.dma_semaphore, #tpu.memory_space<semaphore_mem>> -> memref<1x!tpu.dma_semaphore, #tpu.memory_space<semaphore_mem>>
          %dma_wait3A_965 = tpu.memref_squeeze %dma_wait3A_964 : memref<1x!tpu.dma_semaphore, #tpu.memory_space<semaphore_mem>> -> memref<!tpu.dma_semaphore, #tpu.memory_space<semaphore_mem>>
          tpu.wait_indirect_dma semaphore(%dma_wait3A_965 : memref<!tpu.dma_semaphore, #tpu.memory_space<semaphore_mem>>) src(%dma_wait3A_957 : memref<80x64xf32, #tpu.memory_space<vmem>>) dst(%dma_wait3A_963 : memref<10000x64xf32, #tpu.memory_space<vmem_shared>>)
          %dma_wait3A_966 = arith.constant 0 : i32
          %dma_wait3A_967 = arith.constant 0 : i32
          %dma_wait3A_968 = arith.constant 0 : i32
          %dma_wait3A_969 = tpu.memref_slice %arg10[%dma_wait3A_966, %dma_wait3A_968] : memref<250x80xi32, #tpu.memory_space<vmem>> -> memref<1x80xi32, #tpu.memory_space<vmem>>
          %dma_wait3A_970 = tpu.memref_squeeze %dma_wait3A_969 : memref<1x80xi32, #tpu.memory_space<vmem>> -> memref<80xi32, #tpu.memory_space<vmem>>
          %dma_wait3A_971 = arith.constant 0 : i32
          %dma_wait3A_972 = tpu.memref_slice %arg15[%dma_wait3A_971] : memref<10000xf32, #tpu.memory_space<vmem_shared>> -> memref<10000xf32, #tpu.memory_space<vmem_shared>>
          %dma_wait3A_973 = tpu.memref_slice %arg17[%dma_wait3A_967] : memref<5x!tpu.dma_semaphore, #tpu.memory_space<semaphore_mem>> -> memref<1x!tpu.dma_semaphore, #tpu.memory_space<semaphore_mem>>
          %dma_wait3A_974 = tpu.memref_squeeze %dma_wait3A_973 : memref<1x!tpu.dma_semaphore, #tpu.memory_space<semaphore_mem>> -> memref<!tpu.dma_semaphore, #tpu.memory_space<semaphore_mem>>
          tpu.wait_indirect_dma semaphore(%dma_wait3A_974 : memref<!tpu.dma_semaphore, #tpu.memory_space<semaphore_mem>>) src(%arg12 : memref<80xf32, #tpu.memory_space<vmem>>) dst(%dma_wait3A_972 : memref<10000xf32, #tpu.memory_space<vmem_shared>>)
        } else {
        }
        %add3A_935 = arith.constant 5 : i32
        %add3A_936 = arith.addi %add3A_698, %add3A_935 : i32
        %dma_start3A_937 = arith.constant 0 : i32
        %dma_start3A_938 = arith.constant 0 : i32
        %dma_start3A_939 = arith.constant 0 : i32
        %dma_start3A_940 = arith.constant 0 : i32
        %dma_start3A_941 = tpu.memref_slice %arg11[%dma_start3A_937, %dma_start3A_939, %dma_start3A_940] : memref<5x80x64xf32, #tpu.memory_space<vmem>> -> memref<1x80x64xf32, #tpu.memory_space<vmem>>
        %dma_start3A_942 = tpu.memref_squeeze %dma_start3A_941 : memref<1x80x64xf32, #tpu.memory_space<vmem>> -> memref<80x64xf32, #tpu.memory_space<vmem>>
        %dma_start3A_943 = arith.constant 0 : i32
        %dma_start3A_944 = tpu.memref_slice %arg9[%add3A_936, %dma_start3A_943] : memref<250x80xi32, #tpu.memory_space<vmem>> -> memref<1x80xi32, #tpu.memory_space<vmem>>
        %dma_start3A_945 = tpu.memref_squeeze %dma_start3A_944 : memref<1x80xi32, #tpu.memory_space<vmem>> -> memref<80xi32, #tpu.memory_space<vmem>>
        %dma_start3A_946 = arith.constant 0 : i32
        %dma_start3A_947 = arith.constant 0 : i32
        %dma_start3A_948 = tpu.memref_slice %arg4[%dma_start3A_946, %dma_start3A_947] : memref<20000x64xf32, #tpu.memory_space<hbm>> -> memref<20000x64xf32, #tpu.memory_space<hbm>>
        %dma_start3A_949 = tpu.memref_slice %arg16[%dma_start3A_938] : memref<5x!tpu.dma_semaphore, #tpu.memory_space<semaphore_mem>> -> memref<1x!tpu.dma_semaphore, #tpu.memory_space<semaphore_mem>>
        %dma_start3A_950 = tpu.memref_squeeze %dma_start3A_949 : memref<1x!tpu.dma_semaphore, #tpu.memory_space<semaphore_mem>> -> memref<!tpu.dma_semaphore, #tpu.memory_space<semaphore_mem>>
        tpu.enqueue_indirect_dma source(%dma_start3A_948 : memref<20000x64xf32, #tpu.memory_space<hbm>>) target(%dma_start3A_942 : memref<80x64xf32, #tpu.memory_space<vmem>>) offsets(%dma_start3A_945 : memref<80xi32, #tpu.memory_space<vmem>>) semaphore(%dma_start3A_950 : memref<!tpu.dma_semaphore, #tpu.memory_space<semaphore_mem>>)
      } else {
      }
      %mul3A_741 = arith.constant 5 : i32
      %mul3A_742 = arith.muli %scan3A_694, %mul3A_741 : i32
      %add3A_743 = arith.constant 1 : i32
      %add3A_744 = arith.addi %mul3A_742, %add3A_743 : i32
      %dma_wait3A_745 = arith.constant 1 : i32
      %dma_wait3A_746 = arith.constant 1 : i32
      %dma_wait3A_747 = arith.constant 0 : i32
      %dma_wait3A_748 = arith.constant 0 : i32
      %dma_wait3A_749 = tpu.memref_slice %arg11[%dma_wait3A_745, %dma_wait3A_747, %dma_wait3A_748] : memref<5x80x64xf32, #tpu.memory_space<vmem>> -> memref<1x80x64xf32, #tpu.memory_space<vmem>>
      %dma_wait3A_750 = tpu.memref_squeeze %dma_wait3A_749 : memref<1x80x64xf32, #tpu.memory_space<vmem>> -> memref<80x64xf32, #tpu.memory_space<vmem>>
      %dma_wait3A_751 = arith.constant 0 : i32
      %dma_wait3A_752 = tpu.memref_slice %arg9[%add3A_744, %dma_wait3A_751] : memref<250x80xi32, #tpu.memory_space<vmem>> -> memref<1x80xi32, #tpu.memory_space<vmem>>
      %dma_wait3A_753 = tpu.memref_squeeze %dma_wait3A_752 : memref<1x80xi32, #tpu.memory_space<vmem>> -> memref<80xi32, #tpu.memory_space<vmem>>
      %dma_wait3A_754 = arith.constant 0 : i32
      %dma_wait3A_755 = arith.constant 0 : i32
      %dma_wait3A_756 = tpu.memref_slice %arg4[%dma_wait3A_754, %dma_wait3A_755] : memref<20000x64xf32, #tpu.memory_space<hbm>> -> memref<20000x64xf32, #tpu.memory_space<hbm>>
      %dma_wait3A_757 = tpu.memref_slice %arg16[%dma_wait3A_746] : memref<5x!tpu.dma_semaphore, #tpu.memory_space<semaphore_mem>> -> memref<1x!tpu.dma_semaphore, #tpu.memory_space<semaphore_mem>>
      %dma_wait3A_758 = tpu.memref_squeeze %dma_wait3A_757 : memref<1x!tpu.dma_semaphore, #tpu.memory_space<semaphore_mem>> -> memref<!tpu.dma_semaphore, #tpu.memory_space<semaphore_mem>>
      tpu.wait_indirect_dma semaphore(%dma_wait3A_758 : memref<!tpu.dma_semaphore, #tpu.memory_space<semaphore_mem>>) src(%dma_wait3A_756 : memref<20000x64xf32, #tpu.memory_space<hbm>>) dst(%dma_wait3A_750 : memref<80x64xf32, #tpu.memory_space<vmem>>)
      %dma_start3A_759 = arith.constant 1 : i32
      %dma_start3A_760 = arith.constant 1 : i32
      %dma_start3A_761 = arith.constant 0 : i32
      %dma_start3A_762 = arith.constant 0 : i32
      %dma_start3A_763 = tpu.memref_slice %arg11[%dma_start3A_759, %dma_start3A_761, %dma_start3A_762] : memref<5x80x64xf32, #tpu.memory_space<vmem>> -> memref<1x80x64xf32, #tpu.memory_space<vmem>>
      %dma_start3A_764 = tpu.memref_squeeze %dma_start3A_763 : memref<1x80x64xf32, #tpu.memory_space<vmem>> -> memref<80x64xf32, #tpu.memory_space<vmem>>
      %dma_start3A_765 = arith.constant 0 : i32
      %dma_start3A_766 = tpu.memref_slice %arg10[%add3A_744, %dma_start3A_765] : memref<250x80xi32, #tpu.memory_space<vmem>> -> memref<1x80xi32, #tpu.memory_space<vmem>>
      %dma_start3A_767 = tpu.memref_squeeze %dma_start3A_766 : memref<1x80xi32, #tpu.memory_space<vmem>> -> memref<80xi32, #tpu.memory_space<vmem>>
      %dma_start3A_768 = arith.constant 0 : i32
      %dma_start3A_769 = arith.constant 0 : i32
      %dma_start3A_770 = tpu.memref_slice %arg14[%dma_start3A_768, %dma_start3A_769] : memref<10000x64xf32, #tpu.memory_space<vmem_shared>> -> memref<10000x64xf32, #tpu.memory_space<vmem_shared>>
      %dma_start3A_771 = tpu.memref_slice %arg17[%dma_start3A_760] : memref<5x!tpu.dma_semaphore, #tpu.memory_space<semaphore_mem>> -> memref<1x!tpu.dma_semaphore, #tpu.memory_space<semaphore_mem>>
      %dma_start3A_772 = tpu.memref_squeeze %dma_start3A_771 : memref<1x!tpu.dma_semaphore, #tpu.memory_space<semaphore_mem>> -> memref<!tpu.dma_semaphore, #tpu.memory_space<semaphore_mem>>
      tpu.enqueue_indirect_dma source(%dma_start3A_764 : memref<80x64xf32, #tpu.memory_space<vmem>>) target(%dma_start3A_770 : memref<10000x64xf32, #tpu.memory_space<vmem_shared>>) offsets(%dma_start3A_767 : memref<80xi32, #tpu.memory_space<vmem>>) semaphore(%dma_start3A_772 : memref<!tpu.dma_semaphore, #tpu.memory_space<semaphore_mem>>) {add = true}
      %dma_start3A_773 = arith.constant 1 : i32
      %dma_start3A_774 = arith.constant 0 : i32
      %dma_start3A_775 = tpu.memref_slice %arg10[%add3A_744, %dma_start3A_774] : memref<250x80xi32, #tpu.memory_space<vmem>> -> memref<1x80xi32, #tpu.memory_space<vmem>>
      %dma_start3A_776 = tpu.memref_squeeze %dma_start3A_775 : memref<1x80xi32, #tpu.memory_space<vmem>> -> memref<80xi32, #tpu.memory_space<vmem>>
      %dma_start3A_777 = arith.constant 0 : i32
      %dma_start3A_778 = tpu.memref_slice %arg15[%dma_start3A_777] : memref<10000xf32, #tpu.memory_space<vmem_shared>> -> memref<10000xf32, #tpu.memory_space<vmem_shared>>
      %dma_start3A_779 = tpu.memref_slice %arg17[%dma_start3A_773] : memref<5x!tpu.dma_semaphore, #tpu.memory_space<semaphore_mem>> -> memref<1x!tpu.dma_semaphore, #tpu.memory_space<semaphore_mem>>
      %dma_start3A_780 = tpu.memref_squeeze %dma_start3A_779 : memref<1x!tpu.dma_semaphore, #tpu.memory_space<semaphore_mem>> -> memref<!tpu.dma_semaphore, #tpu.memory_space<semaphore_mem>>
      tpu.enqueue_indirect_dma source(%arg12 : memref<80xf32, #tpu.memory_space<vmem>>) target(%dma_start3A_778 : memref<10000xf32, #tpu.memory_space<vmem_shared>>) offsets(%dma_start3A_776 : memref<80xi32, #tpu.memory_space<vmem>>) semaphore(%dma_start3A_780 : memref<!tpu.dma_semaphore, #tpu.memory_space<semaphore_mem>>) {add = true}
      %add3A_781 = arith.constant 5 : i32
      %add3A_782 = arith.addi %add3A_744, %add3A_781 : i32
      %lt3A_783 = arith.constant 250 : i32
      %lt3A_784 = arith.cmpi slt, %add3A_782, %lt3A_783 : i32
      %convert_element_type3A_785 = arith.extui %lt3A_784 : i1 to i32
      %cond3A_786 = arith.constant 0 : i32
      %cond3A_787 = arith.cmpi ne, %convert_element_type3A_785, %cond3A_786 : i32
      scf.if %cond3A_787 {
        %add3A_929 = arith.constant 5 : i32
        %add3A_930 = arith.addi %add3A_744, %add3A_929 : i32
        %ge3A = arith.constant 5 : i32
        %ge3A_931 = arith.cmpi sge, %add3A_930, %ge3A : i32
        %convert_element_type3A_932 = arith.extui %ge3A_931 : i1 to i32
        %cond3A_933 = arith.constant 0 : i32
        %cond3A_934 = arith.cmpi ne, %convert_element_type3A_932, %cond3A_933 : i32
        scf.if %cond3A_934 {
          %dma_wait3A_951 = arith.constant 1 : i32
          %dma_wait3A_952 = arith.constant 0 : i32
          %dma_wait3A_953 = arith.constant 1 : i32
          %dma_wait3A_954 = arith.constant 0 : i32
          %dma_wait3A_955 = arith.constant 0 : i32
          %dma_wait3A_956 = tpu.memref_slice %arg11[%dma_wait3A_951, %dma_wait3A_954, %dma_wait3A_955] : memref<5x80x64xf32, #tpu.memory_space<vmem>> -> memref<1x80x64xf32, #tpu.memory_space<vmem>>
          %dma_wait3A_957 = tpu.memref_squeeze %dma_wait3A_956 : memref<1x80x64xf32, #tpu.memory_space<vmem>> -> memref<80x64xf32, #tpu.memory_space<vmem>>
          %dma_wait3A_958 = arith.constant 0 : i32
          %dma_wait3A_959 = tpu.memref_slice %arg10[%dma_wait3A_952, %dma_wait3A_958] : memref<250x80xi32, #tpu.memory_space<vmem>> -> memref<1x80xi32, #tpu.memory_space<vmem>>
          %dma_wait3A_960 = tpu.memref_squeeze %dma_wait3A_959 : memref<1x80xi32, #tpu.memory_space<vmem>> -> memref<80xi32, #tpu.memory_space<vmem>>
          %dma_wait3A_961 = arith.constant 0 : i32
          %dma_wait3A_962 = arith.constant 0 : i32
          %dma_wait3A_963 = tpu.memref_slice %arg14[%dma_wait3A_961, %dma_wait3A_962] : memref<10000x64xf32, #tpu.memory_space<vmem_shared>> -> memref<10000x64xf32, #tpu.memory_space<vmem_shared>>
          %dma_wait3A_964 = tpu.memref_slice %arg17[%dma_wait3A_953] : memref<5x!tpu.dma_semaphore, #tpu.memory_space<semaphore_mem>> -> memref<1x!tpu.dma_semaphore, #tpu.memory_space<semaphore_mem>>
          %dma_wait3A_965 = tpu.memref_squeeze %dma_wait3A_964 : memref<1x!tpu.dma_semaphore, #tpu.memory_space<semaphore_mem>> -> memref<!tpu.dma_semaphore, #tpu.memory_space<semaphore_mem>>
          tpu.wait_indirect_dma semaphore(%dma_wait3A_965 : memref<!tpu.dma_semaphore, #tpu.memory_space<semaphore_mem>>) src(%dma_wait3A_957 : memref<80x64xf32, #tpu.memory_space<vmem>>) dst(%dma_wait3A_963 : memref<10000x64xf32, #tpu.memory_space<vmem_shared>>)
          %dma_wait3A_966 = arith.constant 0 : i32
          %dma_wait3A_967 = arith.constant 1 : i32
          %dma_wait3A_968 = arith.constant 0 : i32
          %dma_wait3A_969 = tpu.memref_slice %arg10[%dma_wait3A_966, %dma_wait3A_968] : memref<250x80xi32, #tpu.memory_space<vmem>> -> memref<1x80xi32, #tpu.memory_space<vmem>>
          %dma_wait3A_970 = tpu.memref_squeeze %dma_wait3A_969 : memref<1x80xi32, #tpu.memory_space<vmem>> -> memref<80xi32, #tpu.memory_space<vmem>>
          %dma_wait3A_971 = arith.constant 0 : i32
          %dma_wait3A_972 = tpu.memref_slice %arg15[%dma_wait3A_971] : memref<10000xf32, #tpu.memory_space<vmem_shared>> -> memref<10000xf32, #tpu.memory_space<vmem_shared>>
          %dma_wait3A_973 = tpu.memref_slice %arg17[%dma_wait3A_967] : memref<5x!tpu.dma_semaphore, #tpu.memory_space<semaphore_mem>> -> memref<1x!tpu.dma_semaphore, #tpu.memory_space<semaphore_mem>>
          %dma_wait3A_974 = tpu.memref_squeeze %dma_wait3A_973 : memref<1x!tpu.dma_semaphore, #tpu.memory_space<semaphore_mem>> -> memref<!tpu.dma_semaphore, #tpu.memory_space<semaphore_mem>>
          tpu.wait_indirect_dma semaphore(%dma_wait3A_974 : memref<!tpu.dma_semaphore, #tpu.memory_space<semaphore_mem>>) src(%arg12 : memref<80xf32, #tpu.memory_space<vmem>>) dst(%dma_wait3A_972 : memref<10000xf32, #tpu.memory_space<vmem_shared>>)
        } else {
        }
        %add3A_935 = arith.constant 5 : i32
        %add3A_936 = arith.addi %add3A_744, %add3A_935 : i32
        %dma_start3A_937 = arith.constant 1 : i32
        %dma_start3A_938 = arith.constant 1 : i32
        %dma_start3A_939 = arith.constant 0 : i32
        %dma_start3A_940 = arith.constant 0 : i32
        %dma_start3A_941 = tpu.memref_slice %arg11[%dma_start3A_937, %dma_start3A_939, %dma_start3A_940] : memref<5x80x64xf32, #tpu.memory_space<vmem>> -> memref<1x80x64xf32, #tpu.memory_space<vmem>>
        %dma_start3A_942 = tpu.memref_squeeze %dma_start3A_941 : memref<1x80x64xf32, #tpu.memory_space<vmem>> -> memref<80x64xf32, #tpu.memory_space<vmem>>
        %dma_start3A_943 = arith.constant 0 : i32
        %dma_start3A_944 = tpu.memref_slice %arg9[%add3A_936, %dma_start3A_943] : memref<250x80xi32, #tpu.memory_space<vmem>> -> memref<1x80xi32, #tpu.memory_space<vmem>>
        %dma_start3A_945 = tpu.memref_squeeze %dma_start3A_944 : memref<1x80xi32, #tpu.memory_space<vmem>> -> memref<80xi32, #tpu.memory_space<vmem>>
        %dma_start3A_946 = arith.constant 0 : i32
        %dma_start3A_947 = arith.constant 0 : i32
        %dma_start3A_948 = tpu.memref_slice %arg4[%dma_start3A_946, %dma_start3A_947] : memref<20000x64xf32, #tpu.memory_space<hbm>> -> memref<20000x64xf32, #tpu.memory_space<hbm>>
        %dma_start3A_949 = tpu.memref_slice %arg16[%dma_start3A_938] : memref<5x!tpu.dma_semaphore, #tpu.memory_space<semaphore_mem>> -> memref<1x!tpu.dma_semaphore, #tpu.memory_space<semaphore_mem>>
        %dma_start3A_950 = tpu.memref_squeeze %dma_start3A_949 : memref<1x!tpu.dma_semaphore, #tpu.memory_space<semaphore_mem>> -> memref<!tpu.dma_semaphore, #tpu.memory_space<semaphore_mem>>
        tpu.enqueue_indirect_dma source(%dma_start3A_948 : memref<20000x64xf32, #tpu.memory_space<hbm>>) target(%dma_start3A_942 : memref<80x64xf32, #tpu.memory_space<vmem>>) offsets(%dma_start3A_945 : memref<80xi32, #tpu.memory_space<vmem>>) semaphore(%dma_start3A_950 : memref<!tpu.dma_semaphore, #tpu.memory_space<semaphore_mem>>)
      } else {
      }
      %mul3A_788 = arith.constant 5 : i32
      %mul3A_789 = arith.muli %scan3A_694, %mul3A_788 : i32
      %add3A_790 = arith.constant 2 : i32
      %add3A_791 = arith.addi %mul3A_789, %add3A_790 : i32
      %dma_wait3A_792 = arith.constant 2 : i32
      %dma_wait3A_793 = arith.constant 2 : i32
      %dma_wait3A_794 = arith.constant 0 : i32
      %dma_wait3A_795 = arith.constant 0 : i32
      %dma_wait3A_796 = tpu.memref_slice %arg11[%dma_wait3A_792, %dma_wait3A_794, %dma_wait3A_795] : memref<5x80x64xf32, #tpu.memory_space<vmem>> -> memref<1x80x64xf32, #tpu.memory_space<vmem>>
      %dma_wait3A_797 = tpu.memref_squeeze %dma_wait3A_796 : memref<1x80x64xf32, #tpu.memory_space<vmem>> -> memref<80x64xf32, #tpu.memory_space<vmem>>
      %dma_wait3A_798 = arith.constant 0 : i32
      %dma_wait3A_799 = tpu.memref_slice %arg9[%add3A_791, %dma_wait3A_798] : memref<250x80xi32, #tpu.memory_space<vmem>> -> memref<1x80xi32, #tpu.memory_space<vmem>>
      %dma_wait3A_800 = tpu.memref_squeeze %dma_wait3A_799 : memref<1x80xi32, #tpu.memory_space<vmem>> -> memref<80xi32, #tpu.memory_space<vmem>>
      %dma_wait3A_801 = arith.constant 0 : i32
      %dma_wait3A_802 = arith.constant 0 : i32
      %dma_wait3A_803 = tpu.memref_slice %arg4[%dma_wait3A_801, %dma_wait3A_802] : memref<20000x64xf32, #tpu.memory_space<hbm>> -> memref<20000x64xf32, #tpu.memory_space<hbm>>
      %dma_wait3A_804 = tpu.memref_slice %arg16[%dma_wait3A_793] : memref<5x!tpu.dma_semaphore, #tpu.memory_space<semaphore_mem>> -> memref<1x!tpu.dma_semaphore, #tpu.memory_space<semaphore_mem>>
      %dma_wait3A_805 = tpu.memref_squeeze %dma_wait3A_804 : memref<1x!tpu.dma_semaphore, #tpu.memory_space<semaphore_mem>> -> memref<!tpu.dma_semaphore, #tpu.memory_space<semaphore_mem>>
      tpu.wait_indirect_dma semaphore(%dma_wait3A_805 : memref<!tpu.dma_semaphore, #tpu.memory_space<semaphore_mem>>) src(%dma_wait3A_803 : memref<20000x64xf32, #tpu.memory_space<hbm>>) dst(%dma_wait3A_797 : memref<80x64xf32, #tpu.memory_space<vmem>>)
      %dma_start3A_806 = arith.constant 2 : i32
      %dma_start3A_807 = arith.constant 2 : i32
      %dma_start3A_808 = arith.constant 0 : i32
      %dma_start3A_809 = arith.constant 0 : i32
      %dma_start3A_810 = tpu.memref_slice %arg11[%dma_start3A_806, %dma_start3A_808, %dma_start3A_809] : memref<5x80x64xf32, #tpu.memory_space<vmem>> -> memref<1x80x64xf32, #tpu.memory_space<vmem>>
      %dma_start3A_811 = tpu.memref_squeeze %dma_start3A_810 : memref<1x80x64xf32, #tpu.memory_space<vmem>> -> memref<80x64xf32, #tpu.memory_space<vmem>>
      %dma_start3A_812 = arith.constant 0 : i32
      %dma_start3A_813 = tpu.memref_slice %arg10[%add3A_791, %dma_start3A_812] : memref<250x80xi32, #tpu.memory_space<vmem>> -> memref<1x80xi32, #tpu.memory_space<vmem>>
      %dma_start3A_814 = tpu.memref_squeeze %dma_start3A_813 : memref<1x80xi32, #tpu.memory_space<vmem>> -> memref<80xi32, #tpu.memory_space<vmem>>
      %dma_start3A_815 = arith.constant 0 : i32
      %dma_start3A_816 = arith.constant 0 : i32
      %dma_start3A_817 = tpu.memref_slice %arg14[%dma_start3A_815, %dma_start3A_816] : memref<10000x64xf32, #tpu.memory_space<vmem_shared>> -> memref<10000x64xf32, #tpu.memory_space<vmem_shared>>
      %dma_start3A_818 = tpu.memref_slice %arg17[%dma_start3A_807] : memref<5x!tpu.dma_semaphore, #tpu.memory_space<semaphore_mem>> -> memref<1x!tpu.dma_semaphore, #tpu.memory_space<semaphore_mem>>
      %dma_start3A_819 = tpu.memref_squeeze %dma_start3A_818 : memref<1x!tpu.dma_semaphore, #tpu.memory_space<semaphore_mem>> -> memref<!tpu.dma_semaphore, #tpu.memory_space<semaphore_mem>>
      tpu.enqueue_indirect_dma source(%dma_start3A_811 : memref<80x64xf32, #tpu.memory_space<vmem>>) target(%dma_start3A_817 : memref<10000x64xf32, #tpu.memory_space<vmem_shared>>) offsets(%dma_start3A_814 : memref<80xi32, #tpu.memory_space<vmem>>) semaphore(%dma_start3A_819 : memref<!tpu.dma_semaphore, #tpu.memory_space<semaphore_mem>>) {add = true}
      %dma_start3A_820 = arith.constant 2 : i32
      %dma_start3A_821 = arith.constant 0 : i32
      %dma_start3A_822 = tpu.memref_slice %arg10[%add3A_791, %dma_start3A_821] : memref<250x80xi32, #tpu.memory_space<vmem>> -> memref<1x80xi32, #tpu.memory_space<vmem>>
      %dma_start3A_823 = tpu.memref_squeeze %dma_start3A_822 : memref<1x80xi32, #tpu.memory_space<vmem>> -> memref<80xi32, #tpu.memory_space<vmem>>
      %dma_start3A_824 = arith.constant 0 : i32
      %dma_start3A_825 = tpu.memref_slice %arg15[%dma_start3A_824] : memref<10000xf32, #tpu.memory_space<vmem_shared>> -> memref<10000xf32, #tpu.memory_space<vmem_shared>>
      %dma_start3A_826 = tpu.memref_slice %arg17[%dma_start3A_820] : memref<5x!tpu.dma_semaphore, #tpu.memory_space<semaphore_mem>> -> memref<1x!tpu.dma_semaphore, #tpu.memory_space<semaphore_mem>>
      %dma_start3A_827 = tpu.memref_squeeze %dma_start3A_826 : memref<1x!tpu.dma_semaphore, #tpu.memory_space<semaphore_mem>> -> memref<!tpu.dma_semaphore, #tpu.memory_space<semaphore_mem>>
      tpu.enqueue_indirect_dma source(%arg12 : memref<80xf32, #tpu.memory_space<vmem>>) target(%dma_start3A_825 : memref<10000xf32, #tpu.memory_space<vmem_shared>>) offsets(%dma_start3A_823 : memref<80xi32, #tpu.memory_space<vmem>>) semaphore(%dma_start3A_827 : memref<!tpu.dma_semaphore, #tpu.memory_space<semaphore_mem>>) {add = true}
      %add3A_828 = arith.constant 5 : i32
      %add3A_829 = arith.addi %add3A_791, %add3A_828 : i32
      %lt3A_830 = arith.constant 250 : i32
      %lt3A_831 = arith.cmpi slt, %add3A_829, %lt3A_830 : i32
      %convert_element_type3A_832 = arith.extui %lt3A_831 : i1 to i32
      %cond3A_833 = arith.constant 0 : i32
      %cond3A_834 = arith.cmpi ne, %convert_element_type3A_832, %cond3A_833 : i32
      scf.if %cond3A_834 {
        %add3A_929 = arith.constant 5 : i32
        %add3A_930 = arith.addi %add3A_791, %add3A_929 : i32
        %ge3A = arith.constant 5 : i32
        %ge3A_931 = arith.cmpi sge, %add3A_930, %ge3A : i32
        %convert_element_type3A_932 = arith.extui %ge3A_931 : i1 to i32
        %cond3A_933 = arith.constant 0 : i32
        %cond3A_934 = arith.cmpi ne, %convert_element_type3A_932, %cond3A_933 : i32
        scf.if %cond3A_934 {
          %dma_wait3A_951 = arith.constant 2 : i32
          %dma_wait3A_952 = arith.constant 0 : i32
          %dma_wait3A_953 = arith.constant 2 : i32
          %dma_wait3A_954 = arith.constant 0 : i32
          %dma_wait3A_955 = arith.constant 0 : i32
          %dma_wait3A_956 = tpu.memref_slice %arg11[%dma_wait3A_951, %dma_wait3A_954, %dma_wait3A_955] : memref<5x80x64xf32, #tpu.memory_space<vmem>> -> memref<1x80x64xf32, #tpu.memory_space<vmem>>
          %dma_wait3A_957 = tpu.memref_squeeze %dma_wait3A_956 : memref<1x80x64xf32, #tpu.memory_space<vmem>> -> memref<80x64xf32, #tpu.memory_space<vmem>>
          %dma_wait3A_958 = arith.constant 0 : i32
          %dma_wait3A_959 = tpu.memref_slice %arg10[%dma_wait3A_952, %dma_wait3A_958] : memref<250x80xi32, #tpu.memory_space<vmem>> -> memref<1x80xi32, #tpu.memory_space<vmem>>
          %dma_wait3A_960 = tpu.memref_squeeze %dma_wait3A_959 : memref<1x80xi32, #tpu.memory_space<vmem>> -> memref<80xi32, #tpu.memory_space<vmem>>
          %dma_wait3A_961 = arith.constant 0 : i32
          %dma_wait3A_962 = arith.constant 0 : i32
          %dma_wait3A_963 = tpu.memref_slice %arg14[%dma_wait3A_961, %dma_wait3A_962] : memref<10000x64xf32, #tpu.memory_space<vmem_shared>> -> memref<10000x64xf32, #tpu.memory_space<vmem_shared>>
          %dma_wait3A_964 = tpu.memref_slice %arg17[%dma_wait3A_953] : memref<5x!tpu.dma_semaphore, #tpu.memory_space<semaphore_mem>> -> memref<1x!tpu.dma_semaphore, #tpu.memory_space<semaphore_mem>>
          %dma_wait3A_965 = tpu.memref_squeeze %dma_wait3A_964 : memref<1x!tpu.dma_semaphore, #tpu.memory_space<semaphore_mem>> -> memref<!tpu.dma_semaphore, #tpu.memory_space<semaphore_mem>>
          tpu.wait_indirect_dma semaphore(%dma_wait3A_965 : memref<!tpu.dma_semaphore, #tpu.memory_space<semaphore_mem>>) src(%dma_wait3A_957 : memref<80x64xf32, #tpu.memory_space<vmem>>) dst(%dma_wait3A_963 : memref<10000x64xf32, #tpu.memory_space<vmem_shared>>)
          %dma_wait3A_966 = arith.constant 0 : i32
          %dma_wait3A_967 = arith.constant 2 : i32
          %dma_wait3A_968 = arith.constant 0 : i32
          %dma_wait3A_969 = tpu.memref_slice %arg10[%dma_wait3A_966, %dma_wait3A_968] : memref<250x80xi32, #tpu.memory_space<vmem>> -> memref<1x80xi32, #tpu.memory_space<vmem>>
          %dma_wait3A_970 = tpu.memref_squeeze %dma_wait3A_969 : memref<1x80xi32, #tpu.memory_space<vmem>> -> memref<80xi32, #tpu.memory_space<vmem>>
          %dma_wait3A_971 = arith.constant 0 : i32
          %dma_wait3A_972 = tpu.memref_slice %arg15[%dma_wait3A_971] : memref<10000xf32, #tpu.memory_space<vmem_shared>> -> memref<10000xf32, #tpu.memory_space<vmem_shared>>
          %dma_wait3A_973 = tpu.memref_slice %arg17[%dma_wait3A_967] : memref<5x!tpu.dma_semaphore, #tpu.memory_space<semaphore_mem>> -> memref<1x!tpu.dma_semaphore, #tpu.memory_space<semaphore_mem>>
          %dma_wait3A_974 = tpu.memref_squeeze %dma_wait3A_973 : memref<1x!tpu.dma_semaphore, #tpu.memory_space<semaphore_mem>> -> memref<!tpu.dma_semaphore, #tpu.memory_space<semaphore_mem>>
          tpu.wait_indirect_dma semaphore(%dma_wait3A_974 : memref<!tpu.dma_semaphore, #tpu.memory_space<semaphore_mem>>) src(%arg12 : memref<80xf32, #tpu.memory_space<vmem>>) dst(%dma_wait3A_972 : memref<10000xf32, #tpu.memory_space<vmem_shared>>)
        } else {
        }
        %add3A_935 = arith.constant 5 : i32
        %add3A_936 = arith.addi %add3A_791, %add3A_935 : i32
        %dma_start3A_937 = arith.constant 2 : i32
        %dma_start3A_938 = arith.constant 2 : i32
        %dma_start3A_939 = arith.constant 0 : i32
        %dma_start3A_940 = arith.constant 0 : i32
        %dma_start3A_941 = tpu.memref_slice %arg11[%dma_start3A_937, %dma_start3A_939, %dma_start3A_940] : memref<5x80x64xf32, #tpu.memory_space<vmem>> -> memref<1x80x64xf32, #tpu.memory_space<vmem>>
        %dma_start3A_942 = tpu.memref_squeeze %dma_start3A_941 : memref<1x80x64xf32, #tpu.memory_space<vmem>> -> memref<80x64xf32, #tpu.memory_space<vmem>>
        %dma_start3A_943 = arith.constant 0 : i32
        %dma_start3A_944 = tpu.memref_slice %arg9[%add3A_936, %dma_start3A_943] : memref<250x80xi32, #tpu.memory_space<vmem>> -> memref<1x80xi32, #tpu.memory_space<vmem>>
        %dma_start3A_945 = tpu.memref_squeeze %dma_start3A_944 : memref<1x80xi32, #tpu.memory_space<vmem>> -> memref<80xi32, #tpu.memory_space<vmem>>
        %dma_start3A_946 = arith.constant 0 : i32
        %dma_start3A_947 = arith.constant 0 : i32
        %dma_start3A_948 = tpu.memref_slice %arg4[%dma_start3A_946, %dma_start3A_947] : memref<20000x64xf32, #tpu.memory_space<hbm>> -> memref<20000x64xf32, #tpu.memory_space<hbm>>
        %dma_start3A_949 = tpu.memref_slice %arg16[%dma_start3A_938] : memref<5x!tpu.dma_semaphore, #tpu.memory_space<semaphore_mem>> -> memref<1x!tpu.dma_semaphore, #tpu.memory_space<semaphore_mem>>
        %dma_start3A_950 = tpu.memref_squeeze %dma_start3A_949 : memref<1x!tpu.dma_semaphore, #tpu.memory_space<semaphore_mem>> -> memref<!tpu.dma_semaphore, #tpu.memory_space<semaphore_mem>>
        tpu.enqueue_indirect_dma source(%dma_start3A_948 : memref<20000x64xf32, #tpu.memory_space<hbm>>) target(%dma_start3A_942 : memref<80x64xf32, #tpu.memory_space<vmem>>) offsets(%dma_start3A_945 : memref<80xi32, #tpu.memory_space<vmem>>) semaphore(%dma_start3A_950 : memref<!tpu.dma_semaphore, #tpu.memory_space<semaphore_mem>>)
      } else {
      }
      %mul3A_835 = arith.constant 5 : i32
      %mul3A_836 = arith.muli %scan3A_694, %mul3A_835 : i32
      %add3A_837 = arith.constant 3 : i32
      %add3A_838 = arith.addi %mul3A_836, %add3A_837 : i32
      %dma_wait3A_839 = arith.constant 3 : i32
      %dma_wait3A_840 = arith.constant 3 : i32
      %dma_wait3A_841 = arith.constant 0 : i32
      %dma_wait3A_842 = arith.constant 0 : i32
      %dma_wait3A_843 = tpu.memref_slice %arg11[%dma_wait3A_839, %dma_wait3A_841, %dma_wait3A_842] : memref<5x80x64xf32, #tpu.memory_space<vmem>> -> memref<1x80x64xf32, #tpu.memory_space<vmem>>
      %dma_wait3A_844 = tpu.memref_squeeze %dma_wait3A_843 : memref<1x80x64xf32, #tpu.memory_space<vmem>> -> memref<80x64xf32, #tpu.memory_space<vmem>>
      %dma_wait3A_845 = arith.constant 0 : i32
      %dma_wait3A_846 = tpu.memref_slice %arg9[%add3A_838, %dma_wait3A_845] : memref<250x80xi32, #tpu.memory_space<vmem>> -> memref<1x80xi32, #tpu.memory_space<vmem>>
      %dma_wait3A_847 = tpu.memref_squeeze %dma_wait3A_846 : memref<1x80xi32, #tpu.memory_space<vmem>> -> memref<80xi32, #tpu.memory_space<vmem>>
      %dma_wait3A_848 = arith.constant 0 : i32
      %dma_wait3A_849 = arith.constant 0 : i32
      %dma_wait3A_850 = tpu.memref_slice %arg4[%dma_wait3A_848, %dma_wait3A_849] : memref<20000x64xf32, #tpu.memory_space<hbm>> -> memref<20000x64xf32, #tpu.memory_space<hbm>>
      %dma_wait3A_851 = tpu.memref_slice %arg16[%dma_wait3A_840] : memref<5x!tpu.dma_semaphore, #tpu.memory_space<semaphore_mem>> -> memref<1x!tpu.dma_semaphore, #tpu.memory_space<semaphore_mem>>
      %dma_wait3A_852 = tpu.memref_squeeze %dma_wait3A_851 : memref<1x!tpu.dma_semaphore, #tpu.memory_space<semaphore_mem>> -> memref<!tpu.dma_semaphore, #tpu.memory_space<semaphore_mem>>
      tpu.wait_indirect_dma semaphore(%dma_wait3A_852 : memref<!tpu.dma_semaphore, #tpu.memory_space<semaphore_mem>>) src(%dma_wait3A_850 : memref<20000x64xf32, #tpu.memory_space<hbm>>) dst(%dma_wait3A_844 : memref<80x64xf32, #tpu.memory_space<vmem>>)
      %dma_start3A_853 = arith.constant 3 : i32
      %dma_start3A_854 = arith.constant 3 : i32
      %dma_start3A_855 = arith.constant 0 : i32
      %dma_start3A_856 = arith.constant 0 : i32
      %dma_start3A_857 = tpu.memref_slice %arg11[%dma_start3A_853, %dma_start3A_855, %dma_start3A_856] : memref<5x80x64xf32, #tpu.memory_space<vmem>> -> memref<1x80x64xf32, #tpu.memory_space<vmem>>
      %dma_start3A_858 = tpu.memref_squeeze %dma_start3A_857 : memref<1x80x64xf32, #tpu.memory_space<vmem>> -> memref<80x64xf32, #tpu.memory_space<vmem>>
      %dma_start3A_859 = arith.constant 0 : i32
      %dma_start3A_860 = tpu.memref_slice %arg10[%add3A_838, %dma_start3A_859] : memref<250x80xi32, #tpu.memory_space<vmem>> -> memref<1x80xi32, #tpu.memory_space<vmem>>
      %dma_start3A_861 = tpu.memref_squeeze %dma_start3A_860 : memref<1x80xi32, #tpu.memory_space<vmem>> -> memref<80xi32, #tpu.memory_space<vmem>>
      %dma_start3A_862 = arith.constant 0 : i32
      %dma_start3A_863 = arith.constant 0 : i32
      %dma_start3A_864 = tpu.memref_slice %arg14[%dma_start3A_862, %dma_start3A_863] : memref<10000x64xf32, #tpu.memory_space<vmem_shared>> -> memref<10000x64xf32, #tpu.memory_space<vmem_shared>>
      %dma_start3A_865 = tpu.memref_slice %arg17[%dma_start3A_854] : memref<5x!tpu.dma_semaphore, #tpu.memory_space<semaphore_mem>> -> memref<1x!tpu.dma_semaphore, #tpu.memory_space<semaphore_mem>>
      %dma_start3A_866 = tpu.memref_squeeze %dma_start3A_865 : memref<1x!tpu.dma_semaphore, #tpu.memory_space<semaphore_mem>> -> memref<!tpu.dma_semaphore, #tpu.memory_space<semaphore_mem>>
      tpu.enqueue_indirect_dma source(%dma_start3A_858 : memref<80x64xf32, #tpu.memory_space<vmem>>) target(%dma_start3A_864 : memref<10000x64xf32, #tpu.memory_space<vmem_shared>>) offsets(%dma_start3A_861 : memref<80xi32, #tpu.memory_space<vmem>>) semaphore(%dma_start3A_866 : memref<!tpu.dma_semaphore, #tpu.memory_space<semaphore_mem>>) {add = true}
      %dma_start3A_867 = arith.constant 3 : i32
      %dma_start3A_868 = arith.constant 0 : i32
      %dma_start3A_869 = tpu.memref_slice %arg10[%add3A_838, %dma_start3A_868] : memref<250x80xi32, #tpu.memory_space<vmem>> -> memref<1x80xi32, #tpu.memory_space<vmem>>
      %dma_start3A_870 = tpu.memref_squeeze %dma_start3A_869 : memref<1x80xi32, #tpu.memory_space<vmem>> -> memref<80xi32, #tpu.memory_space<vmem>>
      %dma_start3A_871 = arith.constant 0 : i32
      %dma_start3A_872 = tpu.memref_slice %arg15[%dma_start3A_871] : memref<10000xf32, #tpu.memory_space<vmem_shared>> -> memref<10000xf32, #tpu.memory_space<vmem_shared>>
      %dma_start3A_873 = tpu.memref_slice %arg17[%dma_start3A_867] : memref<5x!tpu.dma_semaphore, #tpu.memory_space<semaphore_mem>> -> memref<1x!tpu.dma_semaphore, #tpu.memory_space<semaphore_mem>>
      %dma_start3A_874 = tpu.memref_squeeze %dma_start3A_873 : memref<1x!tpu.dma_semaphore, #tpu.memory_space<semaphore_mem>> -> memref<!tpu.dma_semaphore, #tpu.memory_space<semaphore_mem>>
      tpu.enqueue_indirect_dma source(%arg12 : memref<80xf32, #tpu.memory_space<vmem>>) target(%dma_start3A_872 : memref<10000xf32, #tpu.memory_space<vmem_shared>>) offsets(%dma_start3A_870 : memref<80xi32, #tpu.memory_space<vmem>>) semaphore(%dma_start3A_874 : memref<!tpu.dma_semaphore, #tpu.memory_space<semaphore_mem>>) {add = true}
      %add3A_875 = arith.constant 5 : i32
      %add3A_876 = arith.addi %add3A_838, %add3A_875 : i32
      %lt3A_877 = arith.constant 250 : i32
      %lt3A_878 = arith.cmpi slt, %add3A_876, %lt3A_877 : i32
      %convert_element_type3A_879 = arith.extui %lt3A_878 : i1 to i32
      %cond3A_880 = arith.constant 0 : i32
      %cond3A_881 = arith.cmpi ne, %convert_element_type3A_879, %cond3A_880 : i32
      scf.if %cond3A_881 {
        %add3A_929 = arith.constant 5 : i32
        %add3A_930 = arith.addi %add3A_838, %add3A_929 : i32
        %ge3A = arith.constant 5 : i32
        %ge3A_931 = arith.cmpi sge, %add3A_930, %ge3A : i32
        %convert_element_type3A_932 = arith.extui %ge3A_931 : i1 to i32
        %cond3A_933 = arith.constant 0 : i32
        %cond3A_934 = arith.cmpi ne, %convert_element_type3A_932, %cond3A_933 : i32
        scf.if %cond3A_934 {
          %dma_wait3A_951 = arith.constant 3 : i32
          %dma_wait3A_952 = arith.constant 0 : i32
          %dma_wait3A_953 = arith.constant 3 : i32
          %dma_wait3A_954 = arith.constant 0 : i32
          %dma_wait3A_955 = arith.constant 0 : i32
          %dma_wait3A_956 = tpu.memref_slice %arg11[%dma_wait3A_951, %dma_wait3A_954, %dma_wait3A_955] : memref<5x80x64xf32, #tpu.memory_space<vmem>> -> memref<1x80x64xf32, #tpu.memory_space<vmem>>
          %dma_wait3A_957 = tpu.memref_squeeze %dma_wait3A_956 : memref<1x80x64xf32, #tpu.memory_space<vmem>> -> memref<80x64xf32, #tpu.memory_space<vmem>>
          %dma_wait3A_958 = arith.constant 0 : i32
          %dma_wait3A_959 = tpu.memref_slice %arg10[%dma_wait3A_952, %dma_wait3A_958] : memref<250x80xi32, #tpu.memory_space<vmem>> -> memref<1x80xi32, #tpu.memory_space<vmem>>
          %dma_wait3A_960 = tpu.memref_squeeze %dma_wait3A_959 : memref<1x80xi32, #tpu.memory_space<vmem>> -> memref<80xi32, #tpu.memory_space<vmem>>
          %dma_wait3A_961 = arith.constant 0 : i32
          %dma_wait3A_962 = arith.constant 0 : i32
          %dma_wait3A_963 = tpu.memref_slice %arg14[%dma_wait3A_961, %dma_wait3A_962] : memref<10000x64xf32, #tpu.memory_space<vmem_shared>> -> memref<10000x64xf32, #tpu.memory_space<vmem_shared>>
          %dma_wait3A_964 = tpu.memref_slice %arg17[%dma_wait3A_953] : memref<5x!tpu.dma_semaphore, #tpu.memory_space<semaphore_mem>> -> memref<1x!tpu.dma_semaphore, #tpu.memory_space<semaphore_mem>>
          %dma_wait3A_965 = tpu.memref_squeeze %dma_wait3A_964 : memref<1x!tpu.dma_semaphore, #tpu.memory_space<semaphore_mem>> -> memref<!tpu.dma_semaphore, #tpu.memory_space<semaphore_mem>>
          tpu.wait_indirect_dma semaphore(%dma_wait3A_965 : memref<!tpu.dma_semaphore, #tpu.memory_space<semaphore_mem>>) src(%dma_wait3A_957 : memref<80x64xf32, #tpu.memory_space<vmem>>) dst(%dma_wait3A_963 : memref<10000x64xf32, #tpu.memory_space<vmem_shared>>)
          %dma_wait3A_966 = arith.constant 0 : i32
          %dma_wait3A_967 = arith.constant 3 : i32
          %dma_wait3A_968 = arith.constant 0 : i32
          %dma_wait3A_969 = tpu.memref_slice %arg10[%dma_wait3A_966, %dma_wait3A_968] : memref<250x80xi32, #tpu.memory_space<vmem>> -> memref<1x80xi32, #tpu.memory_space<vmem>>
          %dma_wait3A_970 = tpu.memref_squeeze %dma_wait3A_969 : memref<1x80xi32, #tpu.memory_space<vmem>> -> memref<80xi32, #tpu.memory_space<vmem>>
          %dma_wait3A_971 = arith.constant 0 : i32
          %dma_wait3A_972 = tpu.memref_slice %arg15[%dma_wait3A_971] : memref<10000xf32, #tpu.memory_space<vmem_shared>> -> memref<10000xf32, #tpu.memory_space<vmem_shared>>
          %dma_wait3A_973 = tpu.memref_slice %arg17[%dma_wait3A_967] : memref<5x!tpu.dma_semaphore, #tpu.memory_space<semaphore_mem>> -> memref<1x!tpu.dma_semaphore, #tpu.memory_space<semaphore_mem>>
          %dma_wait3A_974 = tpu.memref_squeeze %dma_wait3A_973 : memref<1x!tpu.dma_semaphore, #tpu.memory_space<semaphore_mem>> -> memref<!tpu.dma_semaphore, #tpu.memory_space<semaphore_mem>>
          tpu.wait_indirect_dma semaphore(%dma_wait3A_974 : memref<!tpu.dma_semaphore, #tpu.memory_space<semaphore_mem>>) src(%arg12 : memref<80xf32, #tpu.memory_space<vmem>>) dst(%dma_wait3A_972 : memref<10000xf32, #tpu.memory_space<vmem_shared>>)
        } else {
        }
        %add3A_935 = arith.constant 5 : i32
        %add3A_936 = arith.addi %add3A_838, %add3A_935 : i32
        %dma_start3A_937 = arith.constant 3 : i32
        %dma_start3A_938 = arith.constant 3 : i32
        %dma_start3A_939 = arith.constant 0 : i32
        %dma_start3A_940 = arith.constant 0 : i32
        %dma_start3A_941 = tpu.memref_slice %arg11[%dma_start3A_937, %dma_start3A_939, %dma_start3A_940] : memref<5x80x64xf32, #tpu.memory_space<vmem>> -> memref<1x80x64xf32, #tpu.memory_space<vmem>>
        %dma_start3A_942 = tpu.memref_squeeze %dma_start3A_941 : memref<1x80x64xf32, #tpu.memory_space<vmem>> -> memref<80x64xf32, #tpu.memory_space<vmem>>
        %dma_start3A_943 = arith.constant 0 : i32
        %dma_start3A_944 = tpu.memref_slice %arg9[%add3A_936, %dma_start3A_943] : memref<250x80xi32, #tpu.memory_space<vmem>> -> memref<1x80xi32, #tpu.memory_space<vmem>>
        %dma_start3A_945 = tpu.memref_squeeze %dma_start3A_944 : memref<1x80xi32, #tpu.memory_space<vmem>> -> memref<80xi32, #tpu.memory_space<vmem>>
        %dma_start3A_946 = arith.constant 0 : i32
        %dma_start3A_947 = arith.constant 0 : i32
        %dma_start3A_948 = tpu.memref_slice %arg4[%dma_start3A_946, %dma_start3A_947] : memref<20000x64xf32, #tpu.memory_space<hbm>> -> memref<20000x64xf32, #tpu.memory_space<hbm>>
        %dma_start3A_949 = tpu.memref_slice %arg16[%dma_start3A_938] : memref<5x!tpu.dma_semaphore, #tpu.memory_space<semaphore_mem>> -> memref<1x!tpu.dma_semaphore, #tpu.memory_space<semaphore_mem>>
        %dma_start3A_950 = tpu.memref_squeeze %dma_start3A_949 : memref<1x!tpu.dma_semaphore, #tpu.memory_space<semaphore_mem>> -> memref<!tpu.dma_semaphore, #tpu.memory_space<semaphore_mem>>
        tpu.enqueue_indirect_dma source(%dma_start3A_948 : memref<20000x64xf32, #tpu.memory_space<hbm>>) target(%dma_start3A_942 : memref<80x64xf32, #tpu.memory_space<vmem>>) offsets(%dma_start3A_945 : memref<80xi32, #tpu.memory_space<vmem>>) semaphore(%dma_start3A_950 : memref<!tpu.dma_semaphore, #tpu.memory_space<semaphore_mem>>)
      } else {
      }
      %mul3A_882 = arith.constant 5 : i32
      %mul3A_883 = arith.muli %scan3A_694, %mul3A_882 : i32
      %add3A_884 = arith.constant 4 : i32
      %add3A_885 = arith.addi %mul3A_883, %add3A_884 : i32
      %dma_wait3A_886 = arith.constant 4 : i32
      %dma_wait3A_887 = arith.constant 4 : i32
      %dma_wait3A_888 = arith.constant 0 : i32
      %dma_wait3A_889 = arith.constant 0 : i32
      %dma_wait3A_890 = tpu.memref_slice %arg11[%dma_wait3A_886, %dma_wait3A_888, %dma_wait3A_889] : memref<5x80x64xf32, #tpu.memory_space<vmem>> -> memref<1x80x64xf32, #tpu.memory_space<vmem>>
      %dma_wait3A_891 = tpu.memref_squeeze %dma_wait3A_890 : memref<1x80x64xf32, #tpu.memory_space<vmem>> -> memref<80x64xf32, #tpu.memory_space<vmem>>
      %dma_wait3A_892 = arith.constant 0 : i32
      %dma_wait3A_893 = tpu.memref_slice %arg9[%add3A_885, %dma_wait3A_892] : memref<250x80xi32, #tpu.memory_space<vmem>> -> memref<1x80xi32, #tpu.memory_space<vmem>>
      %dma_wait3A_894 = tpu.memref_squeeze %dma_wait3A_893 : memref<1x80xi32, #tpu.memory_space<vmem>> -> memref<80xi32, #tpu.memory_space<vmem>>
      %dma_wait3A_895 = arith.constant 0 : i32
      %dma_wait3A_896 = arith.constant 0 : i32
      %dma_wait3A_897 = tpu.memref_slice %arg4[%dma_wait3A_895, %dma_wait3A_896] : memref<20000x64xf32, #tpu.memory_space<hbm>> -> memref<20000x64xf32, #tpu.memory_space<hbm>>
      %dma_wait3A_898 = tpu.memref_slice %arg16[%dma_wait3A_887] : memref<5x!tpu.dma_semaphore, #tpu.memory_space<semaphore_mem>> -> memref<1x!tpu.dma_semaphore, #tpu.memory_space<semaphore_mem>>
      %dma_wait3A_899 = tpu.memref_squeeze %dma_wait3A_898 : memref<1x!tpu.dma_semaphore, #tpu.memory_space<semaphore_mem>> -> memref<!tpu.dma_semaphore, #tpu.memory_space<semaphore_mem>>
      tpu.wait_indirect_dma semaphore(%dma_wait3A_899 : memref<!tpu.dma_semaphore, #tpu.memory_space<semaphore_mem>>) src(%dma_wait3A_897 : memref<20000x64xf32, #tpu.memory_space<hbm>>) dst(%dma_wait3A_891 : memref<80x64xf32, #tpu.memory_space<vmem>>)
      %dma_start3A_900 = arith.constant 4 : i32
      %dma_start3A_901 = arith.constant 4 : i32
      %dma_start3A_902 = arith.constant 0 : i32
      %dma_start3A_903 = arith.constant 0 : i32
      %dma_start3A_904 = tpu.memref_slice %arg11[%dma_start3A_900, %dma_start3A_902, %dma_start3A_903] : memref<5x80x64xf32, #tpu.memory_space<vmem>> -> memref<1x80x64xf32, #tpu.memory_space<vmem>>
      %dma_start3A_905 = tpu.memref_squeeze %dma_start3A_904 : memref<1x80x64xf32, #tpu.memory_space<vmem>> -> memref<80x64xf32, #tpu.memory_space<vmem>>
      %dma_start3A_906 = arith.constant 0 : i32
      %dma_start3A_907 = tpu.memref_slice %arg10[%add3A_885, %dma_start3A_906] : memref<250x80xi32, #tpu.memory_space<vmem>> -> memref<1x80xi32, #tpu.memory_space<vmem>>
      %dma_start3A_908 = tpu.memref_squeeze %dma_start3A_907 : memref<1x80xi32, #tpu.memory_space<vmem>> -> memref<80xi32, #tpu.memory_space<vmem>>
      %dma_start3A_909 = arith.constant 0 : i32
      %dma_start3A_910 = arith.constant 0 : i32
      %dma_start3A_911 = tpu.memref_slice %arg14[%dma_start3A_909, %dma_start3A_910] : memref<10000x64xf32, #tpu.memory_space<vmem_shared>> -> memref<10000x64xf32, #tpu.memory_space<vmem_shared>>
      %dma_start3A_912 = tpu.memref_slice %arg17[%dma_start3A_901] : memref<5x!tpu.dma_semaphore, #tpu.memory_space<semaphore_mem>> -> memref<1x!tpu.dma_semaphore, #tpu.memory_space<semaphore_mem>>
      %dma_start3A_913 = tpu.memref_squeeze %dma_start3A_912 : memref<1x!tpu.dma_semaphore, #tpu.memory_space<semaphore_mem>> -> memref<!tpu.dma_semaphore, #tpu.memory_space<semaphore_mem>>
      tpu.enqueue_indirect_dma source(%dma_start3A_905 : memref<80x64xf32, #tpu.memory_space<vmem>>) target(%dma_start3A_911 : memref<10000x64xf32, #tpu.memory_space<vmem_shared>>) offsets(%dma_start3A_908 : memref<80xi32, #tpu.memory_space<vmem>>) semaphore(%dma_start3A_913 : memref<!tpu.dma_semaphore, #tpu.memory_space<semaphore_mem>>) {add = true}
      %dma_start3A_914 = arith.constant 4 : i32
      %dma_start3A_915 = arith.constant 0 : i32
      %dma_start3A_916 = tpu.memref_slice %arg10[%add3A_885, %dma_start3A_915] : memref<250x80xi32, #tpu.memory_space<vmem>> -> memref<1x80xi32, #tpu.memory_space<vmem>>
      %dma_start3A_917 = tpu.memref_squeeze %dma_start3A_916 : memref<1x80xi32, #tpu.memory_space<vmem>> -> memref<80xi32, #tpu.memory_space<vmem>>
      %dma_start3A_918 = arith.constant 0 : i32
      %dma_start3A_919 = tpu.memref_slice %arg15[%dma_start3A_918] : memref<10000xf32, #tpu.memory_space<vmem_shared>> -> memref<10000xf32, #tpu.memory_space<vmem_shared>>
      %dma_start3A_920 = tpu.memref_slice %arg17[%dma_start3A_914] : memref<5x!tpu.dma_semaphore, #tpu.memory_space<semaphore_mem>> -> memref<1x!tpu.dma_semaphore, #tpu.memory_space<semaphore_mem>>
      %dma_start3A_921 = tpu.memref_squeeze %dma_start3A_920 : memref<1x!tpu.dma_semaphore, #tpu.memory_space<semaphore_mem>> -> memref<!tpu.dma_semaphore, #tpu.memory_space<semaphore_mem>>
      tpu.enqueue_indirect_dma source(%arg12 : memref<80xf32, #tpu.memory_space<vmem>>) target(%dma_start3A_919 : memref<10000xf32, #tpu.memory_space<vmem_shared>>) offsets(%dma_start3A_917 : memref<80xi32, #tpu.memory_space<vmem>>) semaphore(%dma_start3A_921 : memref<!tpu.dma_semaphore, #tpu.memory_space<semaphore_mem>>) {add = true}
      %add3A_922 = arith.constant 5 : i32
      %add3A_923 = arith.addi %add3A_885, %add3A_922 : i32
      %lt3A_924 = arith.constant 250 : i32
      %lt3A_925 = arith.cmpi slt, %add3A_923, %lt3A_924 : i32
      %convert_element_type3A_926 = arith.extui %lt3A_925 : i1 to i32
      %cond3A_927 = arith.constant 0 : i32
      %cond3A_928 = arith.cmpi ne, %convert_element_type3A_926, %cond3A_927 : i32
      scf.if %cond3A_928 {
        %add3A_929 = arith.constant 5 : i32
        %add3A_930 = arith.addi %add3A_885, %add3A_929 : i32
        %ge3A = arith.constant 5 : i32
        %ge3A_931 = arith.cmpi sge, %add3A_930, %ge3A : i32
        %convert_element_type3A_932 = arith.extui %ge3A_931 : i1 to i32
        %cond3A_933 = arith.constant 0 : i32
        %cond3A_934 = arith.cmpi ne, %convert_element_type3A_932, %cond3A_933 : i32
        scf.if %cond3A_934 {
          %dma_wait3A_951 = arith.constant 4 : i32
          %dma_wait3A_952 = arith.constant 0 : i32
          %dma_wait3A_953 = arith.constant 4 : i32
          %dma_wait3A_954 = arith.constant 0 : i32
          %dma_wait3A_955 = arith.constant 0 : i32
          %dma_wait3A_956 = tpu.memref_slice %arg11[%dma_wait3A_951, %dma_wait3A_954, %dma_wait3A_955] : memref<5x80x64xf32, #tpu.memory_space<vmem>> -> memref<1x80x64xf32, #tpu.memory_space<vmem>>
          %dma_wait3A_957 = tpu.memref_squeeze %dma_wait3A_956 : memref<1x80x64xf32, #tpu.memory_space<vmem>> -> memref<80x64xf32, #tpu.memory_space<vmem>>
          %dma_wait3A_958 = arith.constant 0 : i32
          %dma_wait3A_959 = tpu.memref_slice %arg10[%dma_wait3A_952, %dma_wait3A_958] : memref<250x80xi32, #tpu.memory_space<vmem>> -> memref<1x80xi32, #tpu.memory_space<vmem>>
          %dma_wait3A_960 = tpu.memref_squeeze %dma_wait3A_959 : memref<1x80xi32, #tpu.memory_space<vmem>> -> memref<80xi32, #tpu.memory_space<vmem>>
          %dma_wait3A_961 = arith.constant 0 : i32
          %dma_wait3A_962 = arith.constant 0 : i32
          %dma_wait3A_963 = tpu.memref_slice %arg14[%dma_wait3A_961, %dma_wait3A_962] : memref<10000x64xf32, #tpu.memory_space<vmem_shared>> -> memref<10000x64xf32, #tpu.memory_space<vmem_shared>>
          %dma_wait3A_964 = tpu.memref_slice %arg17[%dma_wait3A_953] : memref<5x!tpu.dma_semaphore, #tpu.memory_space<semaphore_mem>> -> memref<1x!tpu.dma_semaphore, #tpu.memory_space<semaphore_mem>>
          %dma_wait3A_965 = tpu.memref_squeeze %dma_wait3A_964 : memref<1x!tpu.dma_semaphore, #tpu.memory_space<semaphore_mem>> -> memref<!tpu.dma_semaphore, #tpu.memory_space<semaphore_mem>>
          tpu.wait_indirect_dma semaphore(%dma_wait3A_965 : memref<!tpu.dma_semaphore, #tpu.memory_space<semaphore_mem>>) src(%dma_wait3A_957 : memref<80x64xf32, #tpu.memory_space<vmem>>) dst(%dma_wait3A_963 : memref<10000x64xf32, #tpu.memory_space<vmem_shared>>)
          %dma_wait3A_966 = arith.constant 0 : i32
          %dma_wait3A_967 = arith.constant 4 : i32
          %dma_wait3A_968 = arith.constant 0 : i32
          %dma_wait3A_969 = tpu.memref_slice %arg10[%dma_wait3A_966, %dma_wait3A_968] : memref<250x80xi32, #tpu.memory_space<vmem>> -> memref<1x80xi32, #tpu.memory_space<vmem>>
          %dma_wait3A_970 = tpu.memref_squeeze %dma_wait3A_969 : memref<1x80xi32, #tpu.memory_space<vmem>> -> memref<80xi32, #tpu.memory_space<vmem>>
          %dma_wait3A_971 = arith.constant 0 : i32
          %dma_wait3A_972 = tpu.memref_slice %arg15[%dma_wait3A_971] : memref<10000xf32, #tpu.memory_space<vmem_shared>> -> memref<10000xf32, #tpu.memory_space<vmem_shared>>
          %dma_wait3A_973 = tpu.memref_slice %arg17[%dma_wait3A_967] : memref<5x!tpu.dma_semaphore, #tpu.memory_space<semaphore_mem>> -> memref<1x!tpu.dma_semaphore, #tpu.memory_space<semaphore_mem>>
          %dma_wait3A_974 = tpu.memref_squeeze %dma_wait3A_973 : memref<1x!tpu.dma_semaphore, #tpu.memory_space<semaphore_mem>> -> memref<!tpu.dma_semaphore, #tpu.memory_space<semaphore_mem>>
          tpu.wait_indirect_dma semaphore(%dma_wait3A_974 : memref<!tpu.dma_semaphore, #tpu.memory_space<semaphore_mem>>) src(%arg12 : memref<80xf32, #tpu.memory_space<vmem>>) dst(%dma_wait3A_972 : memref<10000xf32, #tpu.memory_space<vmem_shared>>)
        } else {
        }
        %add3A_935 = arith.constant 5 : i32
        %add3A_936 = arith.addi %add3A_885, %add3A_935 : i32
        %dma_start3A_937 = arith.constant 4 : i32
        %dma_start3A_938 = arith.constant 4 : i32
        %dma_start3A_939 = arith.constant 0 : i32
        %dma_start3A_940 = arith.constant 0 : i32
        %dma_start3A_941 = tpu.memref_slice %arg11[%dma_start3A_937, %dma_start3A_939, %dma_start3A_940] : memref<5x80x64xf32, #tpu.memory_space<vmem>> -> memref<1x80x64xf32, #tpu.memory_space<vmem>>
        %dma_start3A_942 = tpu.memref_squeeze %dma_start3A_941 : memref<1x80x64xf32, #tpu.memory_space<vmem>> -> memref<80x64xf32, #tpu.memory_space<vmem>>
        %dma_start3A_943 = arith.constant 0 : i32
        %dma_start3A_944 = tpu.memref_slice %arg9[%add3A_936, %dma_start3A_943] : memref<250x80xi32, #tpu.memory_space<vmem>> -> memref<1x80xi32, #tpu.memory_space<vmem>>
        %dma_start3A_945 = tpu.memref_squeeze %dma_start3A_944 : memref<1x80xi32, #tpu.memory_space<vmem>> -> memref<80xi32, #tpu.memory_space<vmem>>
        %dma_start3A_946 = arith.constant 0 : i32
        %dma_start3A_947 = arith.constant 0 : i32
        %dma_start3A_948 = tpu.memref_slice %arg4[%dma_start3A_946, %dma_start3A_947] : memref<20000x64xf32, #tpu.memory_space<hbm>> -> memref<20000x64xf32, #tpu.memory_space<hbm>>
        %dma_start3A_949 = tpu.memref_slice %arg16[%dma_start3A_938] : memref<5x!tpu.dma_semaphore, #tpu.memory_space<semaphore_mem>> -> memref<1x!tpu.dma_semaphore, #tpu.memory_space<semaphore_mem>>
        %dma_start3A_950 = tpu.memref_squeeze %dma_start3A_949 : memref<1x!tpu.dma_semaphore, #tpu.memory_space<semaphore_mem>> -> memref<!tpu.dma_semaphore, #tpu.memory_space<semaphore_mem>>
        tpu.enqueue_indirect_dma source(%dma_start3A_948 : memref<20000x64xf32, #tpu.memory_space<hbm>>) target(%dma_start3A_942 : memref<80x64xf32, #tpu.memory_space<vmem>>) offsets(%dma_start3A_945 : memref<80xi32, #tpu.memory_space<vmem>>) semaphore(%dma_start3A_950 : memref<!tpu.dma_semaphore, #tpu.memory_space<semaphore_mem>>)
      } else {
      }
    }
    %scan3A_366 = arith.constant 50 : i32
    %dma_wait3A = arith.constant 0 : i32
    %dma_wait3A_367 = arith.constant 0 : i32
    %dma_wait3A_368 = arith.constant 0 : i32
    %dma_wait3A_369 = arith.constant 0 : i32
    %dma_wait3A_370 = arith.constant 0 : i32
    %dma_wait3A_371 = tpu.memref_slice %arg11[%dma_wait3A, %dma_wait3A_369, %dma_wait3A_370] : memref<5x80x64xf32, #tpu.memory_space<vmem>> -> memref<1x80x64xf32, #tpu.memory_space<vmem>>
    %dma_wait3A_372 = tpu.memref_squeeze %dma_wait3A_371 : memref<1x80x64xf32, #tpu.memory_space<vmem>> -> memref<80x64xf32, #tpu.memory_space<vmem>>
    %dma_wait3A_373 = arith.constant 0 : i32
    %dma_wait3A_374 = tpu.memref_slice %arg10[%dma_wait3A_367, %dma_wait3A_373] : memref<250x80xi32, #tpu.memory_space<vmem>> -> memref<1x80xi32, #tpu.memory_space<vmem>>
    %dma_wait3A_375 = tpu.memref_squeeze %dma_wait3A_374 : memref<1x80xi32, #tpu.memory_space<vmem>> -> memref<80xi32, #tpu.memory_space<vmem>>
    %dma_wait3A_376 = arith.constant 0 : i32
    %dma_wait3A_377 = arith.constant 0 : i32
    %dma_wait3A_378 = tpu.memref_slice %arg14[%dma_wait3A_376, %dma_wait3A_377] : memref<10000x64xf32, #tpu.memory_space<vmem_shared>> -> memref<10000x64xf32, #tpu.memory_space<vmem_shared>>
    %dma_wait3A_379 = tpu.memref_slice %arg17[%dma_wait3A_368] : memref<5x!tpu.dma_semaphore, #tpu.memory_space<semaphore_mem>> -> memref<1x!tpu.dma_semaphore, #tpu.memory_space<semaphore_mem>>
    %dma_wait3A_380 = tpu.memref_squeeze %dma_wait3A_379 : memref<1x!tpu.dma_semaphore, #tpu.memory_space<semaphore_mem>> -> memref<!tpu.dma_semaphore, #tpu.memory_space<semaphore_mem>>
    tpu.wait_indirect_dma semaphore(%dma_wait3A_380 : memref<!tpu.dma_semaphore, #tpu.memory_space<semaphore_mem>>) src(%dma_wait3A_372 : memref<80x64xf32, #tpu.memory_space<vmem>>) dst(%dma_wait3A_378 : memref<10000x64xf32, #tpu.memory_space<vmem_shared>>)
    %dma_wait3A_381 = arith.constant 0 : i32
    %dma_wait3A_382 = arith.constant 0 : i32
    %dma_wait3A_383 = arith.constant 0 : i32
    %dma_wait3A_384 = tpu.memref_slice %arg10[%dma_wait3A_381, %dma_wait3A_383] : memref<250x80xi32, #tpu.memory_space<vmem>> -> memref<1x80xi32, #tpu.memory_space<vmem>>
    %dma_wait3A_385 = tpu.memref_squeeze %dma_wait3A_384 : memref<1x80xi32, #tpu.memory_space<vmem>> -> memref<80xi32, #tpu.memory_space<vmem>>
    %dma_wait3A_386 = arith.constant 0 : i32
    %dma_wait3A_387 = tpu.memref_slice %arg15[%dma_wait3A_386] : memref<10000xf32, #tpu.memory_space<vmem_shared>> -> memref<10000xf32, #tpu.memory_space<vmem_shared>>
    %dma_wait3A_388 = tpu.memref_slice %arg17[%dma_wait3A_382] : memref<5x!tpu.dma_semaphore, #tpu.memory_space<semaphore_mem>> -> memref<1x!tpu.dma_semaphore, #tpu.memory_space<semaphore_mem>>
    %dma_wait3A_389 = tpu.memref_squeeze %dma_wait3A_388 : memref<1x!tpu.dma_semaphore, #tpu.memory_space<semaphore_mem>> -> memref<!tpu.dma_semaphore, #tpu.memory_space<semaphore_mem>>
    tpu.wait_indirect_dma semaphore(%dma_wait3A_389 : memref<!tpu.dma_semaphore, #tpu.memory_space<semaphore_mem>>) src(%arg12 : memref<80xf32, #tpu.memory_space<vmem>>) dst(%dma_wait3A_387 : memref<10000xf32, #tpu.memory_space<vmem_shared>>)
    %dma_wait3A_390 = arith.constant 1 : i32
    %dma_wait3A_391 = arith.constant 0 : i32
    %dma_wait3A_392 = arith.constant 1 : i32
    %dma_wait3A_393 = arith.constant 0 : i32
    %dma_wait3A_394 = arith.constant 0 : i32
    %dma_wait3A_395 = tpu.memref_slice %arg11[%dma_wait3A_390, %dma_wait3A_393, %dma_wait3A_394] : memref<5x80x64xf32, #tpu.memory_space<vmem>> -> memref<1x80x64xf32, #tpu.memory_space<vmem>>
    %dma_wait3A_396 = tpu.memref_squeeze %dma_wait3A_395 : memref<1x80x64xf32, #tpu.memory_space<vmem>> -> memref<80x64xf32, #tpu.memory_space<vmem>>
    %dma_wait3A_397 = arith.constant 0 : i32
    %dma_wait3A_398 = tpu.memref_slice %arg10[%dma_wait3A_391, %dma_wait3A_397] : memref<250x80xi32, #tpu.memory_space<vmem>> -> memref<1x80xi32, #tpu.memory_space<vmem>>
    %dma_wait3A_399 = tpu.memref_squeeze %dma_wait3A_398 : memref<1x80xi32, #tpu.memory_space<vmem>> -> memref<80xi32, #tpu.memory_space<vmem>>
    %dma_wait3A_400 = arith.constant 0 : i32
    %dma_wait3A_401 = arith.constant 0 : i32
    %dma_wait3A_402 = tpu.memref_slice %arg14[%dma_wait3A_400, %dma_wait3A_401] : memref<10000x64xf32, #tpu.memory_space<vmem_shared>> -> memref<10000x64xf32, #tpu.memory_space<vmem_shared>>
    %dma_wait3A_403 = tpu.memref_slice %arg17[%dma_wait3A_392] : memref<5x!tpu.dma_semaphore, #tpu.memory_space<semaphore_mem>> -> memref<1x!tpu.dma_semaphore, #tpu.memory_space<semaphore_mem>>
    %dma_wait3A_404 = tpu.memref_squeeze %dma_wait3A_403 : memref<1x!tpu.dma_semaphore, #tpu.memory_space<semaphore_mem>> -> memref<!tpu.dma_semaphore, #tpu.memory_space<semaphore_mem>>
    tpu.wait_indirect_dma semaphore(%dma_wait3A_404 : memref<!tpu.dma_semaphore, #tpu.memory_space<semaphore_mem>>) src(%dma_wait3A_396 : memref<80x64xf32, #tpu.memory_space<vmem>>) dst(%dma_wait3A_402 : memref<10000x64xf32, #tpu.memory_space<vmem_shared>>)
    %dma_wait3A_405 = arith.constant 0 : i32
    %dma_wait3A_406 = arith.constant 1 : i32
    %dma_wait3A_407 = arith.constant 0 : i32
    %dma_wait3A_408 = tpu.memref_slice %arg10[%dma_wait3A_405, %dma_wait3A_407] : memref<250x80xi32, #tpu.memory_space<vmem>> -> memref<1x80xi32, #tpu.memory_space<vmem>>
    %dma_wait3A_409 = tpu.memref_squeeze %dma_wait3A_408 : memref<1x80xi32, #tpu.memory_space<vmem>> -> memref<80xi32, #tpu.memory_space<vmem>>
    %dma_wait3A_410 = arith.constant 0 : i32
    %dma_wait3A_411 = tpu.memref_slice %arg15[%dma_wait3A_410] : memref<10000xf32, #tpu.memory_space<vmem_shared>> -> memref<10000xf32, #tpu.memory_space<vmem_shared>>
    %dma_wait3A_412 = tpu.memref_slice %arg17[%dma_wait3A_406] : memref<5x!tpu.dma_semaphore, #tpu.memory_space<semaphore_mem>> -> memref<1x!tpu.dma_semaphore, #tpu.memory_space<semaphore_mem>>
    %dma_wait3A_413 = tpu.memref_squeeze %dma_wait3A_412 : memref<1x!tpu.dma_semaphore, #tpu.memory_space<semaphore_mem>> -> memref<!tpu.dma_semaphore, #tpu.memory_space<semaphore_mem>>
    tpu.wait_indirect_dma semaphore(%dma_wait3A_413 : memref<!tpu.dma_semaphore, #tpu.memory_space<semaphore_mem>>) src(%arg12 : memref<80xf32, #tpu.memory_space<vmem>>) dst(%dma_wait3A_411 : memref<10000xf32, #tpu.memory_space<vmem_shared>>)
    %dma_wait3A_414 = arith.constant 2 : i32
    %dma_wait3A_415 = arith.constant 0 : i32
    %dma_wait3A_416 = arith.constant 2 : i32
    %dma_wait3A_417 = arith.constant 0 : i32
    %dma_wait3A_418 = arith.constant 0 : i32
    %dma_wait3A_419 = tpu.memref_slice %arg11[%dma_wait3A_414, %dma_wait3A_417, %dma_wait3A_418] : memref<5x80x64xf32, #tpu.memory_space<vmem>> -> memref<1x80x64xf32, #tpu.memory_space<vmem>>
    %dma_wait3A_420 = tpu.memref_squeeze %dma_wait3A_419 : memref<1x80x64xf32, #tpu.memory_space<vmem>> -> memref<80x64xf32, #tpu.memory_space<vmem>>
    %dma_wait3A_421 = arith.constant 0 : i32
    %dma_wait3A_422 = tpu.memref_slice %arg10[%dma_wait3A_415, %dma_wait3A_421] : memref<250x80xi32, #tpu.memory_space<vmem>> -> memref<1x80xi32, #tpu.memory_space<vmem>>
    %dma_wait3A_423 = tpu.memref_squeeze %dma_wait3A_422 : memref<1x80xi32, #tpu.memory_space<vmem>> -> memref<80xi32, #tpu.memory_space<vmem>>
    %dma_wait3A_424 = arith.constant 0 : i32
    %dma_wait3A_425 = arith.constant 0 : i32
    %dma_wait3A_426 = tpu.memref_slice %arg14[%dma_wait3A_424, %dma_wait3A_425] : memref<10000x64xf32, #tpu.memory_space<vmem_shared>> -> memref<10000x64xf32, #tpu.memory_space<vmem_shared>>
    %dma_wait3A_427 = tpu.memref_slice %arg17[%dma_wait3A_416] : memref<5x!tpu.dma_semaphore, #tpu.memory_space<semaphore_mem>> -> memref<1x!tpu.dma_semaphore, #tpu.memory_space<semaphore_mem>>
    %dma_wait3A_428 = tpu.memref_squeeze %dma_wait3A_427 : memref<1x!tpu.dma_semaphore, #tpu.memory_space<semaphore_mem>> -> memref<!tpu.dma_semaphore, #tpu.memory_space<semaphore_mem>>
    tpu.wait_indirect_dma semaphore(%dma_wait3A_428 : memref<!tpu.dma_semaphore, #tpu.memory_space<semaphore_mem>>) src(%dma_wait3A_420 : memref<80x64xf32, #tpu.memory_space<vmem>>) dst(%dma_wait3A_426 : memref<10000x64xf32, #tpu.memory_space<vmem_shared>>)
    %dma_wait3A_429 = arith.constant 0 : i32
    %dma_wait3A_430 = arith.constant 2 : i32
    %dma_wait3A_431 = arith.constant 0 : i32
    %dma_wait3A_432 = tpu.memref_slice %arg10[%dma_wait3A_429, %dma_wait3A_431] : memref<250x80xi32, #tpu.memory_space<vmem>> -> memref<1x80xi32, #tpu.memory_space<vmem>>
    %dma_wait3A_433 = tpu.memref_squeeze %dma_wait3A_432 : memref<1x80xi32, #tpu.memory_space<vmem>> -> memref<80xi32, #tpu.memory_space<vmem>>
    %dma_wait3A_434 = arith.constant 0 : i32
    %dma_wait3A_435 = tpu.memref_slice %arg15[%dma_wait3A_434] : memref<10000xf32, #tpu.memory_space<vmem_shared>> -> memref<10000xf32, #tpu.memory_space<vmem_shared>>
    %dma_wait3A_436 = tpu.memref_slice %arg17[%dma_wait3A_430] : memref<5x!tpu.dma_semaphore, #tpu.memory_space<semaphore_mem>> -> memref<1x!tpu.dma_semaphore, #tpu.memory_space<semaphore_mem>>
    %dma_wait3A_437 = tpu.memref_squeeze %dma_wait3A_436 : memref<1x!tpu.dma_semaphore, #tpu.memory_space<semaphore_mem>> -> memref<!tpu.dma_semaphore, #tpu.memory_space<semaphore_mem>>
    tpu.wait_indirect_dma semaphore(%dma_wait3A_437 : memref<!tpu.dma_semaphore, #tpu.memory_space<semaphore_mem>>) src(%arg12 : memref<80xf32, #tpu.memory_space<vmem>>) dst(%dma_wait3A_435 : memref<10000xf32, #tpu.memory_space<vmem_shared>>)
    %dma_wait3A_438 = arith.constant 3 : i32
    %dma_wait3A_439 = arith.constant 0 : i32
    %dma_wait3A_440 = arith.constant 3 : i32
    %dma_wait3A_441 = arith.constant 0 : i32
    %dma_wait3A_442 = arith.constant 0 : i32
    %dma_wait3A_443 = tpu.memref_slice %arg11[%dma_wait3A_438, %dma_wait3A_441, %dma_wait3A_442] : memref<5x80x64xf32, #tpu.memory_space<vmem>> -> memref<1x80x64xf32, #tpu.memory_space<vmem>>
    %dma_wait3A_444 = tpu.memref_squeeze %dma_wait3A_443 : memref<1x80x64xf32, #tpu.memory_space<vmem>> -> memref<80x64xf32, #tpu.memory_space<vmem>>
    %dma_wait3A_445 = arith.constant 0 : i32
    %dma_wait3A_446 = tpu.memref_slice %arg10[%dma_wait3A_439, %dma_wait3A_445] : memref<250x80xi32, #tpu.memory_space<vmem>> -> memref<1x80xi32, #tpu.memory_space<vmem>>
    %dma_wait3A_447 = tpu.memref_squeeze %dma_wait3A_446 : memref<1x80xi32, #tpu.memory_space<vmem>> -> memref<80xi32, #tpu.memory_space<vmem>>
    %dma_wait3A_448 = arith.constant 0 : i32
    %dma_wait3A_449 = arith.constant 0 : i32
    %dma_wait3A_450 = tpu.memref_slice %arg14[%dma_wait3A_448, %dma_wait3A_449] : memref<10000x64xf32, #tpu.memory_space<vmem_shared>> -> memref<10000x64xf32, #tpu.memory_space<vmem_shared>>
    %dma_wait3A_451 = tpu.memref_slice %arg17[%dma_wait3A_440] : memref<5x!tpu.dma_semaphore, #tpu.memory_space<semaphore_mem>> -> memref<1x!tpu.dma_semaphore, #tpu.memory_space<semaphore_mem>>
    %dma_wait3A_452 = tpu.memref_squeeze %dma_wait3A_451 : memref<1x!tpu.dma_semaphore, #tpu.memory_space<semaphore_mem>> -> memref<!tpu.dma_semaphore, #tpu.memory_space<semaphore_mem>>
    tpu.wait_indirect_dma semaphore(%dma_wait3A_452 : memref<!tpu.dma_semaphore, #tpu.memory_space<semaphore_mem>>) src(%dma_wait3A_444 : memref<80x64xf32, #tpu.memory_space<vmem>>) dst(%dma_wait3A_450 : memref<10000x64xf32, #tpu.memory_space<vmem_shared>>)
    %dma_wait3A_453 = arith.constant 0 : i32
    %dma_wait3A_454 = arith.constant 3 : i32
    %dma_wait3A_455 = arith.constant 0 : i32
    %dma_wait3A_456 = tpu.memref_slice %arg10[%dma_wait3A_453, %dma_wait3A_455] : memref<250x80xi32, #tpu.memory_space<vmem>> -> memref<1x80xi32, #tpu.memory_space<vmem>>
    %dma_wait3A_457 = tpu.memref_squeeze %dma_wait3A_456 : memref<1x80xi32, #tpu.memory_space<vmem>> -> memref<80xi32, #tpu.memory_space<vmem>>
    %dma_wait3A_458 = arith.constant 0 : i32
    %dma_wait3A_459 = tpu.memref_slice %arg15[%dma_wait3A_458] : memref<10000xf32, #tpu.memory_space<vmem_shared>> -> memref<10000xf32, #tpu.memory_space<vmem_shared>>
    %dma_wait3A_460 = tpu.memref_slice %arg17[%dma_wait3A_454] : memref<5x!tpu.dma_semaphore, #tpu.memory_space<semaphore_mem>> -> memref<1x!tpu.dma_semaphore, #tpu.memory_space<semaphore_mem>>
    %dma_wait3A_461 = tpu.memref_squeeze %dma_wait3A_460 : memref<1x!tpu.dma_semaphore, #tpu.memory_space<semaphore_mem>> -> memref<!tpu.dma_semaphore, #tpu.memory_space<semaphore_mem>>
    tpu.wait_indirect_dma semaphore(%dma_wait3A_461 : memref<!tpu.dma_semaphore, #tpu.memory_space<semaphore_mem>>) src(%arg12 : memref<80xf32, #tpu.memory_space<vmem>>) dst(%dma_wait3A_459 : memref<10000xf32, #tpu.memory_space<vmem_shared>>)
    %dma_wait3A_462 = arith.constant 4 : i32
    %dma_wait3A_463 = arith.constant 0 : i32
    %dma_wait3A_464 = arith.constant 4 : i32
    %dma_wait3A_465 = arith.constant 0 : i32
    %dma_wait3A_466 = arith.constant 0 : i32
    %dma_wait3A_467 = tpu.memref_slice %arg11[%dma_wait3A_462, %dma_wait3A_465, %dma_wait3A_466] : memref<5x80x64xf32, #tpu.memory_space<vmem>> -> memref<1x80x64xf32, #tpu.memory_space<vmem>>
    %dma_wait3A_468 = tpu.memref_squeeze %dma_wait3A_467 : memref<1x80x64xf32, #tpu.memory_space<vmem>> -> memref<80x64xf32, #tpu.memory_space<vmem>>
    %dma_wait3A_469 = arith.constant 0 : i32
    %dma_wait3A_470 = tpu.memref_slice %arg10[%dma_wait3A_463, %dma_wait3A_469] : memref<250x80xi32, #tpu.memory_space<vmem>> -> memref<1x80xi32, #tpu.memory_space<vmem>>
    %dma_wait3A_471 = tpu.memref_squeeze %dma_wait3A_470 : memref<1x80xi32, #tpu.memory_space<vmem>> -> memref<80xi32, #tpu.memory_space<vmem>>
    %dma_wait3A_472 = arith.constant 0 : i32
    %dma_wait3A_473 = arith.constant 0 : i32
    %dma_wait3A_474 = tpu.memref_slice %arg14[%dma_wait3A_472, %dma_wait3A_473] : memref<10000x64xf32, #tpu.memory_space<vmem_shared>> -> memref<10000x64xf32, #tpu.memory_space<vmem_shared>>
    %dma_wait3A_475 = tpu.memref_slice %arg17[%dma_wait3A_464] : memref<5x!tpu.dma_semaphore, #tpu.memory_space<semaphore_mem>> -> memref<1x!tpu.dma_semaphore, #tpu.memory_space<semaphore_mem>>
    %dma_wait3A_476 = tpu.memref_squeeze %dma_wait3A_475 : memref<1x!tpu.dma_semaphore, #tpu.memory_space<semaphore_mem>> -> memref<!tpu.dma_semaphore, #tpu.memory_space<semaphore_mem>>
    tpu.wait_indirect_dma semaphore(%dma_wait3A_476 : memref<!tpu.dma_semaphore, #tpu.memory_space<semaphore_mem>>) src(%dma_wait3A_468 : memref<80x64xf32, #tpu.memory_space<vmem>>) dst(%dma_wait3A_474 : memref<10000x64xf32, #tpu.memory_space<vmem_shared>>)
    %dma_wait3A_477 = arith.constant 0 : i32
    %dma_wait3A_478 = arith.constant 4 : i32
    %dma_wait3A_479 = arith.constant 0 : i32
    %dma_wait3A_480 = tpu.memref_slice %arg10[%dma_wait3A_477, %dma_wait3A_479] : memref<250x80xi32, #tpu.memory_space<vmem>> -> memref<1x80xi32, #tpu.memory_space<vmem>>
    %dma_wait3A_481 = tpu.memref_squeeze %dma_wait3A_480 : memref<1x80xi32, #tpu.memory_space<vmem>> -> memref<80xi32, #tpu.memory_space<vmem>>
    %dma_wait3A_482 = arith.constant 0 : i32
    %dma_wait3A_483 = tpu.memref_slice %arg15[%dma_wait3A_482] : memref<10000xf32, #tpu.memory_space<vmem_shared>> -> memref<10000xf32, #tpu.memory_space<vmem_shared>>
    %dma_wait3A_484 = tpu.memref_slice %arg17[%dma_wait3A_478] : memref<5x!tpu.dma_semaphore, #tpu.memory_space<semaphore_mem>> -> memref<1x!tpu.dma_semaphore, #tpu.memory_space<semaphore_mem>>
    %dma_wait3A_485 = tpu.memref_squeeze %dma_wait3A_484 : memref<1x!tpu.dma_semaphore, #tpu.memory_space<semaphore_mem>> -> memref<!tpu.dma_semaphore, #tpu.memory_space<semaphore_mem>>
    tpu.wait_indirect_dma semaphore(%dma_wait3A_485 : memref<!tpu.dma_semaphore, #tpu.memory_space<semaphore_mem>>) src(%arg12 : memref<80xf32, #tpu.memory_space<vmem>>) dst(%dma_wait3A_483 : memref<10000xf32, #tpu.memory_space<vmem_shared>>)
    %barrier3A_486 = arith.constant 0 : index
    tpu.barrier barrier_id(%barrier3A_486)
    %mul3A_487 = arith.constant 624 : i32
    %mul3A_488 = arith.muli %arg1, %mul3A_487 : i32
    %mul3A_489 = arith.constant 10000 : i32
    %mul3A_490 = arith.muli %arg0, %mul3A_489 : i32
    %mul3A_491 = arith.constant 624 : i32
    %mul3A_492 = arith.muli %arg1, %mul3A_491 : i32
    %add3A = arith.addi %mul3A_490, %mul3A_492 : i32
    "tpu.region"() ({
      %run_scoped3A = tpu.sem_alloc : memref<!tpu.dma_semaphore, #tpu.memory_space<semaphore_mem>>
      %dma_start3A_694 = arith.constant 0 : i32
      %dma_start3A_695 = tpu.memref_slice %arg6[%add3A, %dma_start3A_694] : memref<20000x64xf32, #tpu.memory_space<hbm>> -> memref<624x64xf32, #tpu.memory_space<hbm>>
      %dma_start3A_696 = arith.constant 0 : i32
      %dma_start3A_697 = tpu.memref_slice %arg14[%mul3A_488, %dma_start3A_696] : memref<10000x64xf32, #tpu.memory_space<vmem_shared>> -> memref<624x64xf32, #tpu.memory_space<vmem_shared>>
      tpu.enqueue_dma source(%dma_start3A_697 : memref<624x64xf32, #tpu.memory_space<vmem_shared>>) target(%dma_start3A_695 : memref<624x64xf32, #tpu.memory_space<hbm>>) target_semaphore(%run_scoped3A : memref<!tpu.dma_semaphore, #tpu.memory_space<semaphore_mem>>)
      %dma_wait3A_698 = arith.constant 0 : i32
      %dma_wait3A_699 = tpu.memref_slice %arg6[%add3A, %dma_wait3A_698] : memref<20000x64xf32, #tpu.memory_space<hbm>> -> memref<624x64xf32, #tpu.memory_space<hbm>>
      %dma_wait3A_700 = arith.constant 0 : i32
      %dma_wait3A_701 = tpu.memref_slice %arg14[%mul3A_488, %dma_wait3A_700] : memref<10000x64xf32, #tpu.memory_space<vmem_shared>> -> memref<624x64xf32, #tpu.memory_space<vmem_shared>>
      tpu.wait_dma2 semaphore(%run_scoped3A : memref<!tpu.dma_semaphore, #tpu.memory_space<semaphore_mem>>) src(%dma_wait3A_701 : memref<624x64xf32, #tpu.memory_space<vmem_shared>>) dst(%dma_wait3A_699 : memref<624x64xf32, #tpu.memory_space<hbm>>)
      tpu.yield
    }) : () -> ()
    %eq3A_493 = arith.constant 15 : i32
    %eq3A_494 = arith.cmpi eq, %arg1, %eq3A_493 : i32
    %convert_element_type3A_495 = arith.extui %eq3A_494 : i1 to i32
    %cond3A_496 = arith.constant 0 : i32
    %cond3A_497 = arith.cmpi ne, %convert_element_type3A_495, %cond3A_496 : i32
    scf.if %cond3A_497 {
      %mul3A_694 = arith.constant 10000 : i32
      %mul3A_695 = arith.muli %arg0, %mul3A_694 : i32
      %add3A_696 = arith.constant 9984 : i32
      %add3A_697 = arith.addi %mul3A_695, %add3A_696 : i32
      "tpu.region"() ({
        %run_scoped3A = tpu.sem_alloc : memref<!tpu.dma_semaphore, #tpu.memory_space<semaphore_mem>>
        %dma_start3A_698 = arith.constant 0 : i32
        %dma_start3A_699 = tpu.memref_slice %arg6[%add3A_697, %dma_start3A_698] : memref<20000x64xf32, #tpu.memory_space<hbm>> -> memref<16x64xf32, #tpu.memory_space<hbm>>
        %dma_start3A_700 = arith.constant 9984 : i32
        %dma_start3A_701 = arith.constant 0 : i32
        %dma_start3A_702 = tpu.memref_slice %arg14[%dma_start3A_700, %dma_start3A_701] : memref<10000x64xf32, #tpu.memory_space<vmem_shared>> -> memref<16x64xf32, #tpu.memory_space<vmem_shared>>
        tpu.enqueue_dma source(%dma_start3A_702 : memref<16x64xf32, #tpu.memory_space<vmem_shared>>) target(%dma_start3A_699 : memref<16x64xf32, #tpu.memory_space<hbm>>) target_semaphore(%run_scoped3A : memref<!tpu.dma_semaphore, #tpu.memory_space<semaphore_mem>>)
        %dma_wait3A_703 = arith.constant 0 : i32
        %dma_wait3A_704 = tpu.memref_slice %arg6[%add3A_697, %dma_wait3A_703] : memref<20000x64xf32, #tpu.memory_space<hbm>> -> memref<16x64xf32, #tpu.memory_space<hbm>>
        %dma_wait3A_705 = arith.constant 9984 : i32
        %dma_wait3A_706 = arith.constant 0 : i32
        %dma_wait3A_707 = tpu.memref_slice %arg14[%dma_wait3A_705, %dma_wait3A_706] : memref<10000x64xf32, #tpu.memory_space<vmem_shared>> -> memref<16x64xf32, #tpu.memory_space<vmem_shared>>
        tpu.wait_dma2 semaphore(%run_scoped3A : memref<!tpu.dma_semaphore, #tpu.memory_space<semaphore_mem>>) src(%dma_wait3A_707 : memref<16x64xf32, #tpu.memory_space<vmem_shared>>) dst(%dma_wait3A_704 : memref<16x64xf32, #tpu.memory_space<hbm>>)
        tpu.yield
      }) : () -> ()
    } else {
    }
    %mul3A_498 = arith.constant 624 : i32
    %mul3A_499 = arith.muli %arg1, %mul3A_498 : i32
    "tpu.region"() ({
      %run_scoped3A = tpu.sem_alloc : memref<!tpu.dma_semaphore, #tpu.memory_space<semaphore_mem>>
      %dma_start3A_694 = tpu.memref_slice %arg15[%mul3A_499] : memref<10000xf32, #tpu.memory_space<vmem_shared>> -> memref<624xf32, #tpu.memory_space<vmem_shared>>
      %dma_start3A_695 = tpu.memref_slice %arg15[%mul3A_499] : memref<10000xf32, #tpu.memory_space<vmem_shared>> -> memref<624xf32, #tpu.memory_space<vmem_shared>>
      tpu.enqueue_dma source(%dma_start3A_695 : memref<624xf32, #tpu.memory_space<vmem_shared>>) target(%arg13 : memref<624xf32, #tpu.memory_space<vmem>>) target_semaphore(%run_scoped3A : memref<!tpu.dma_semaphore, #tpu.memory_space<semaphore_mem>>)
      %dma_wait3A_696 = tpu.memref_slice %arg15[%mul3A_499] : memref<10000xf32, #tpu.memory_space<vmem_shared>> -> memref<624xf32, #tpu.memory_space<vmem_shared>>
      %dma_wait3A_697 = tpu.memref_slice %arg15[%mul3A_499] : memref<10000xf32, #tpu.memory_space<vmem_shared>> -> memref<624xf32, #tpu.memory_space<vmem_shared>>
      tpu.wait_dma2 semaphore(%run_scoped3A : memref<!tpu.dma_semaphore, #tpu.memory_space<semaphore_mem>>) src(%dma_wait3A_697 : memref<624xf32, #tpu.memory_space<vmem_shared>>) dst(%arg13 : memref<624xf32, #tpu.memory_space<vmem>>)
      tpu.yield
    }) : () -> ()
    %mul3A_500 = arith.constant 10000 : i32
    %mul3A_501 = arith.muli %arg0, %mul3A_500 : i32
    %mul3A_502 = arith.constant 624 : i32
    %mul3A_503 = arith.muli %arg1, %mul3A_502 : i32
    %add3A_504 = arith.addi %mul3A_501, %mul3A_503 : i32
    "tpu.region"() ({
      %run_scoped3A = tpu.sem_alloc : memref<!tpu.dma_semaphore, #tpu.memory_space<semaphore_mem>>
      %dma_start3A_694 = tpu.memref_slice %arg8[%add3A_504] : memref<20000xf32, #tpu.memory_space<hbm>> -> memref<624xf32, #tpu.memory_space<hbm>>
      %dma_start3A_695 = tpu.memref_slice %arg8[%add3A_504] : memref<20000xf32, #tpu.memory_space<hbm>> -> memref<624xf32, #tpu.memory_space<hbm>>
      tpu.enqueue_dma source(%arg13 : memref<624xf32, #tpu.memory_space<vmem>>) target(%dma_start3A_695 : memref<624xf32, #tpu.memory_space<hbm>>) target_semaphore(%run_scoped3A : memref<!tpu.dma_semaphore, #tpu.memory_space<semaphore_mem>>)
      %dma_wait3A_696 = tpu.memref_slice %arg8[%add3A_504] : memref<20000xf32, #tpu.memory_space<hbm>> -> memref<624xf32, #tpu.memory_space<hbm>>
      %dma_wait3A_697 = tpu.memref_slice %arg8[%add3A_504] : memref<20000xf32, #tpu.memory_space<hbm>> -> memref<624xf32, #tpu.memory_space<hbm>>
      tpu.wait_dma2 semaphore(%run_scoped3A : memref<!tpu.dma_semaphore, #tpu.memory_space<semaphore_mem>>) src(%arg13 : memref<624xf32, #tpu.memory_space<vmem>>) dst(%dma_wait3A_697 : memref<624xf32, #tpu.memory_space<hbm>>)
      tpu.yield
    }) : () -> ()
    %eq3A_505 = arith.constant 15 : i32
    %eq3A_506 = arith.cmpi eq, %arg1, %eq3A_505 : i32
    %convert_element_type3A_507 = arith.extui %eq3A_506 : i1 to i32
    %cond3A_508 = arith.constant 0 : i32
    %cond3A_509 = arith.cmpi ne, %convert_element_type3A_507, %cond3A_508 : i32
    scf.if %cond3A_509 {
      "tpu.region"() ({
        %run_scoped3A = tpu.sem_alloc : memref<!tpu.dma_semaphore, #tpu.memory_space<semaphore_mem>>
        %dma_start3A_698 = arith.constant 0 : i32
        %dma_start3A_699 = tpu.memref_slice %arg13[%dma_start3A_698] : memref<624xf32, #tpu.memory_space<vmem>> -> memref<16xf32, #tpu.memory_space<vmem>>
        %dma_start3A_700 = arith.constant 9984 : i32
        %dma_start3A_701 = tpu.memref_slice %arg15[%dma_start3A_700] : memref<10000xf32, #tpu.memory_space<vmem_shared>> -> memref<16xf32, #tpu.memory_space<vmem_shared>>
        %dma_start3A_702 = arith.constant 0 : i32
        %dma_start3A_703 = tpu.memref_slice %arg13[%dma_start3A_702] : memref<624xf32, #tpu.memory_space<vmem>> -> memref<16xf32, #tpu.memory_space<vmem>>
        %dma_start3A_704 = arith.constant 9984 : i32
        %dma_start3A_705 = tpu.memref_slice %arg15[%dma_start3A_704] : memref<10000xf32, #tpu.memory_space<vmem_shared>> -> memref<16xf32, #tpu.memory_space<vmem_shared>>
        tpu.enqueue_dma source(%dma_start3A_705 : memref<16xf32, #tpu.memory_space<vmem_shared>>) target(%dma_start3A_703 : memref<16xf32, #tpu.memory_space<vmem>>) target_semaphore(%run_scoped3A : memref<!tpu.dma_semaphore, #tpu.memory_space<semaphore_mem>>)
        %dma_wait3A_706 = arith.constant 0 : i32
        %dma_wait3A_707 = tpu.memref_slice %arg13[%dma_wait3A_706] : memref<624xf32, #tpu.memory_space<vmem>> -> memref<16xf32, #tpu.memory_space<vmem>>
        %dma_wait3A_708 = arith.constant 9984 : i32
        %dma_wait3A_709 = tpu.memref_slice %arg15[%dma_wait3A_708] : memref<10000xf32, #tpu.memory_space<vmem_shared>> -> memref<16xf32, #tpu.memory_space<vmem_shared>>
        %dma_wait3A_710 = arith.constant 0 : i32
        %dma_wait3A_711 = tpu.memref_slice %arg13[%dma_wait3A_710] : memref<624xf32, #tpu.memory_space<vmem>> -> memref<16xf32, #tpu.memory_space<vmem>>
        %dma_wait3A_712 = arith.constant 9984 : i32
        %dma_wait3A_713 = tpu.memref_slice %arg15[%dma_wait3A_712] : memref<10000xf32, #tpu.memory_space<vmem_shared>> -> memref<16xf32, #tpu.memory_space<vmem_shared>>
        tpu.wait_dma2 semaphore(%run_scoped3A : memref<!tpu.dma_semaphore, #tpu.memory_space<semaphore_mem>>) src(%dma_wait3A_713 : memref<16xf32, #tpu.memory_space<vmem_shared>>) dst(%dma_wait3A_711 : memref<16xf32, #tpu.memory_space<vmem>>)
        tpu.yield
      }) : () -> ()
      %mul3A_694 = arith.constant 10000 : i32
      %mul3A_695 = arith.muli %arg0, %mul3A_694 : i32
      %add3A_696 = arith.constant 9984 : i32
      %add3A_697 = arith.addi %mul3A_695, %add3A_696 : i32
      "tpu.region"() ({
        %run_scoped3A = tpu.sem_alloc : memref<!tpu.dma_semaphore, #tpu.memory_space<semaphore_mem>>
        %dma_start3A_698 = arith.constant 0 : i32
        %dma_start3A_699 = tpu.memref_slice %arg13[%dma_start3A_698] : memref<624xf32, #tpu.memory_space<vmem>> -> memref<16xf32, #tpu.memory_space<vmem>>
        %dma_start3A_700 = tpu.memref_slice %arg8[%add3A_697] : memref<20000xf32, #tpu.memory_space<hbm>> -> memref<16xf32, #tpu.memory_space<hbm>>
        %dma_start3A_701 = tpu.memref_slice %arg8[%add3A_697] : memref<20000xf32, #tpu.memory_space<hbm>> -> memref<16xf32, #tpu.memory_space<hbm>>
        %dma_start3A_702 = arith.constant 0 : i32
        %dma_start3A_703 = tpu.memref_slice %arg13[%dma_start3A_702] : memref<624xf32, #tpu.memory_space<vmem>> -> memref<16xf32, #tpu.memory_space<vmem>>
        tpu.enqueue_dma source(%dma_start3A_703 : memref<16xf32, #tpu.memory_space<vmem>>) target(%dma_start3A_701 : memref<16xf32, #tpu.memory_space<hbm>>) target_semaphore(%run_scoped3A : memref<!tpu.dma_semaphore, #tpu.memory_space<semaphore_mem>>)
        %dma_wait3A_704 = arith.constant 0 : i32
        %dma_wait3A_705 = tpu.memref_slice %arg13[%dma_wait3A_704] : memref<624xf32, #tpu.memory_space<vmem>> -> memref<16xf32, #tpu.memory_space<vmem>>
        %dma_wait3A_706 = tpu.memref_slice %arg8[%add3A_697] : memref<20000xf32, #tpu.memory_space<hbm>> -> memref<16xf32, #tpu.memory_space<hbm>>
        %dma_wait3A_707 = tpu.memref_slice %arg8[%add3A_697] : memref<20000xf32, #tpu.memory_space<hbm>> -> memref<16xf32, #tpu.memory_space<hbm>>
        %dma_wait3A_708 = arith.constant 0 : i32
        %dma_wait3A_709 = tpu.memref_slice %arg13[%dma_wait3A_708] : memref<624xf32, #tpu.memory_space<vmem>> -> memref<16xf32, #tpu.memory_space<vmem>>
        tpu.wait_dma2 semaphore(%run_scoped3A : memref<!tpu.dma_semaphore, #tpu.memory_space<semaphore_mem>>) src(%dma_wait3A_709 : memref<16xf32, #tpu.memory_space<vmem>>) dst(%dma_wait3A_707 : memref<16xf32, #tpu.memory_space<hbm>>)
        tpu.yield
      }) : () -> ()
    } else {
    }
    %barrier3A_510 = arith.constant 0 : index
    tpu.barrier barrier_id(%barrier3A_510)
    %mul3A_511 = arith.constant 624 : i32
    %mul3A_512 = arith.muli %arg1, %mul3A_511 : i32
    %mul3A_513 = arith.constant 624 : i32
    %mul3A_514 = arith.muli %arg1, %mul3A_513 : i32
    "tpu.region"() ({
      %run_scoped3A = tpu.sem_alloc : memref<!tpu.dma_semaphore, #tpu.memory_space<semaphore_mem>>
      %dma_start3A_694 = arith.constant 0 : i32
      %dma_start3A_695 = tpu.memref_slice %arg14[%mul3A_514, %dma_start3A_694] : memref<10000x64xf32, #tpu.memory_space<vmem_shared>> -> memref<624x64xf32, #tpu.memory_space<vmem_shared>>
      %dma_start3A_696 = arith.constant 0 : i32
      %dma_start3A_697 = tpu.memref_slice %arg5[%mul3A_512, %dma_start3A_696] : memref<10000x64xf32, #tpu.memory_space<hbm>> -> memref<624x64xf32, #tpu.memory_space<hbm>>
      tpu.enqueue_dma source(%dma_start3A_697 : memref<624x64xf32, #tpu.memory_space<hbm>>) target(%dma_start3A_695 : memref<624x64xf32, #tpu.memory_space<vmem_shared>>) target_semaphore(%run_scoped3A : memref<!tpu.dma_semaphore, #tpu.memory_space<semaphore_mem>>)
      %dma_wait3A_698 = arith.constant 0 : i32
      %dma_wait3A_699 = tpu.memref_slice %arg14[%mul3A_514, %dma_wait3A_698] : memref<10000x64xf32, #tpu.memory_space<vmem_shared>> -> memref<624x64xf32, #tpu.memory_space<vmem_shared>>
      %dma_wait3A_700 = arith.constant 0 : i32
      %dma_wait3A_701 = tpu.memref_slice %arg5[%mul3A_512, %dma_wait3A_700] : memref<10000x64xf32, #tpu.memory_space<hbm>> -> memref<624x64xf32, #tpu.memory_space<hbm>>
      tpu.wait_dma2 semaphore(%run_scoped3A : memref<!tpu.dma_semaphore, #tpu.memory_space<semaphore_mem>>) src(%dma_wait3A_701 : memref<624x64xf32, #tpu.memory_space<hbm>>) dst(%dma_wait3A_699 : memref<624x64xf32, #tpu.memory_space<vmem_shared>>)
      tpu.yield
    }) : () -> ()
    %eq3A_515 = arith.constant 15 : i32
    %eq3A_516 = arith.cmpi eq, %arg1, %eq3A_515 : i32
    %convert_element_type3A_517 = arith.extui %eq3A_516 : i1 to i32
    %cond3A_518 = arith.constant 0 : i32
    %cond3A_519 = arith.cmpi ne, %convert_element_type3A_517, %cond3A_518 : i32
    scf.if %cond3A_519 {
      "tpu.region"() ({
        %run_scoped3A = tpu.sem_alloc : memref<!tpu.dma_semaphore, #tpu.memory_space<semaphore_mem>>
        %dma_start3A_694 = arith.constant 9984 : i32
        %dma_start3A_695 = arith.constant 0 : i32
        %dma_start3A_696 = tpu.memref_slice %arg14[%dma_start3A_694, %dma_start3A_695] : memref<10000x64xf32, #tpu.memory_space<vmem_shared>> -> memref<16x64xf32, #tpu.memory_space<vmem_shared>>
        %dma_start3A_697 = arith.constant 9984 : i32
        %dma_start3A_698 = arith.constant 0 : i32
        %dma_start3A_699 = tpu.memref_slice %arg5[%dma_start3A_697, %dma_start3A_698] : memref<10000x64xf32, #tpu.memory_space<hbm>> -> memref<16x64xf32, #tpu.memory_space<hbm>>
        tpu.enqueue_dma source(%dma_start3A_699 : memref<16x64xf32, #tpu.memory_space<hbm>>) target(%dma_start3A_696 : memref<16x64xf32, #tpu.memory_space<vmem_shared>>) target_semaphore(%run_scoped3A : memref<!tpu.dma_semaphore, #tpu.memory_space<semaphore_mem>>)
        %dma_wait3A_700 = arith.constant 9984 : i32
        %dma_wait3A_701 = arith.constant 0 : i32
        %dma_wait3A_702 = tpu.memref_slice %arg14[%dma_wait3A_700, %dma_wait3A_701] : memref<10000x64xf32, #tpu.memory_space<vmem_shared>> -> memref<16x64xf32, #tpu.memory_space<vmem_shared>>
        %dma_wait3A_703 = arith.constant 9984 : i32
        %dma_wait3A_704 = arith.constant 0 : i32
        %dma_wait3A_705 = tpu.memref_slice %arg5[%dma_wait3A_703, %dma_wait3A_704] : memref<10000x64xf32, #tpu.memory_space<hbm>> -> memref<16x64xf32, #tpu.memory_space<hbm>>
        tpu.wait_dma2 semaphore(%run_scoped3A : memref<!tpu.dma_semaphore, #tpu.memory_space<semaphore_mem>>) src(%dma_wait3A_705 : memref<16x64xf32, #tpu.memory_space<hbm>>) dst(%dma_wait3A_702 : memref<16x64xf32, #tpu.memory_space<vmem_shared>>)
        tpu.yield
      }) : () -> ()
    } else {
    }
    %scan3A_520 = arith.constant 0 : i32
    %scan3A_521 = arith.constant 250 : i32
    %scan3A_522 = arith.addi %scan3A_520, %scan3A_521 : i32
    %scan3A_523 = arith.constant 1 : i32
    scf.for %scan3A_694 = %scan3A_520 to %scan3A_522 step %scan3A_523  : i32 {
      %get3A = arith.constant 0 : i32
      %get3A_695 = tpu.memref_slice %arg9[%scan3A_694, %get3A] : memref<250x80xi32, #tpu.memory_space<vmem>> -> memref<1x80xi32, #tpu.memory_space<vmem>>
      %get3A_696 = tpu.memref_squeeze %get3A_695 : memref<1x80xi32, #tpu.memory_space<vmem>> -> memref<80xi32, #tpu.memory_space<vmem>>
      %get3A_697 = arith.constant 0 : index
      %get3A_698 = tpu.vector_load %get3A_696[%get3A_697] {strides = array<i32>} : memref<80xi32, #tpu.memory_space<vmem>>, vector<16xi32>,
      %get3A_699 = vector.shape_cast %get3A_698 : vector<16xi32> to vector<16xi32>
      %mul3A_700 = arith.constant 1 : i32
      %mul3A_701 = vector.broadcast %mul3A_700 : i32 to vector<16xi32>
      %mul3A_702 = arith.muli %get3A_699, %mul3A_701 : vector<16xi32>
      %add3A_703 = arith.constant 1 : i32
      %add3A_704 = vector.broadcast %add3A_703 : i32 to vector<16xi32>
      %add3A_705 = arith.addi %mul3A_702, %add3A_704 : vector<16xi32>
      %swap3A_706 = arith.constant 0 : i32
      %swap3A_707 = tpu.memref_slice %arg9[%scan3A_694, %swap3A_706] : memref<250x80xi32, #tpu.memory_space<vmem>> -> memref<1x80xi32, #tpu.memory_space<vmem>>
      %swap3A_708 = tpu.memref_squeeze %swap3A_707 : memref<1x80xi32, #tpu.memory_space<vmem>> -> memref<80xi32, #tpu.memory_space<vmem>>
      %swap3A_709 = arith.constant 0 : index
      %swap3A_710 = tpu.vector_load %swap3A_708[%swap3A_709] {strides = array<i32>} : memref<80xi32, #tpu.memory_space<vmem>>, vector<16xi32>,
      %swap3A_711 = vector.shape_cast %swap3A_710 : vector<16xi32> to vector<16xi32>
      %swap3A_712 = vector.shape_cast %add3A_705 : vector<16xi32> to vector<16xi32>
      tpu.vector_store %swap3A_708[%swap3A_709], %swap3A_712 {strides = array<i32>} : memref<80xi32, #tpu.memory_space<vmem>>, vector<16xi32>,
      %get3A_713 = arith.constant 0 : i32
      %get3A_714 = tpu.memref_slice %arg9[%scan3A_694, %get3A_713] : memref<250x80xi32, #tpu.memory_space<vmem>> -> memref<1x80xi32, #tpu.memory_space<vmem>>
      %get3A_715 = tpu.memref_squeeze %get3A_714 : memref<1x80xi32, #tpu.memory_space<vmem>> -> memref<80xi32, #tpu.memory_space<vmem>>
      %get3A_716 = arith.constant 16 : index
      %get3A_717 = tpu.vector_load %get3A_715[%get3A_716] {strides = array<i32>} : memref<80xi32, #tpu.memory_space<vmem>>, vector<16xi32>,
      %get3A_718 = vector.shape_cast %get3A_717 : vector<16xi32> to vector<16xi32>
      %mul3A_719 = arith.constant 1 : i32
      %mul3A_720 = vector.broadcast %mul3A_719 : i32 to vector<16xi32>
      %mul3A_721 = arith.muli %get3A_718, %mul3A_720 : vector<16xi32>
      %add3A_722 = arith.constant 1 : i32
      %add3A_723 = vector.broadcast %add3A_722 : i32 to vector<16xi32>
      %add3A_724 = arith.addi %mul3A_721, %add3A_723 : vector<16xi32>
      %swap3A_725 = arith.constant 0 : i32
      %swap3A_726 = tpu.memref_slice %arg9[%scan3A_694, %swap3A_725] : memref<250x80xi32, #tpu.memory_space<vmem>> -> memref<1x80xi32, #tpu.memory_space<vmem>>
      %swap3A_727 = tpu.memref_squeeze %swap3A_726 : memref<1x80xi32, #tpu.memory_space<vmem>> -> memref<80xi32, #tpu.memory_space<vmem>>
      %swap3A_728 = arith.constant 16 : index
      %swap3A_729 = tpu.vector_load %swap3A_727[%swap3A_728] {strides = array<i32>} : memref<80xi32, #tpu.memory_space<vmem>>, vector<16xi32>,
      %swap3A_730 = vector.shape_cast %swap3A_729 : vector<16xi32> to vector<16xi32>
      %swap3A_731 = vector.shape_cast %add3A_724 : vector<16xi32> to vector<16xi32>
      tpu.vector_store %swap3A_727[%swap3A_728], %swap3A_731 {strides = array<i32>} : memref<80xi32, #tpu.memory_space<vmem>>, vector<16xi32>,
      %get3A_732 = arith.constant 0 : i32
      %get3A_733 = tpu.memref_slice %arg9[%scan3A_694, %get3A_732] : memref<250x80xi32, #tpu.memory_space<vmem>> -> memref<1x80xi32, #tpu.memory_space<vmem>>
      %get3A_734 = tpu.memref_squeeze %get3A_733 : memref<1x80xi32, #tpu.memory_space<vmem>> -> memref<80xi32, #tpu.memory_space<vmem>>
      %get3A_735 = arith.constant 32 : index
      %get3A_736 = tpu.vector_load %get3A_734[%get3A_735] {strides = array<i32>} : memref<80xi32, #tpu.memory_space<vmem>>, vector<16xi32>,
      %get3A_737 = vector.shape_cast %get3A_736 : vector<16xi32> to vector<16xi32>
      %mul3A_738 = arith.constant 1 : i32
      %mul3A_739 = vector.broadcast %mul3A_738 : i32 to vector<16xi32>
      %mul3A_740 = arith.muli %get3A_737, %mul3A_739 : vector<16xi32>
      %add3A_741 = arith.constant 1 : i32
      %add3A_742 = vector.broadcast %add3A_741 : i32 to vector<16xi32>
      %add3A_743 = arith.addi %mul3A_740, %add3A_742 : vector<16xi32>
      %swap3A_744 = arith.constant 0 : i32
      %swap3A_745 = tpu.memref_slice %arg9[%scan3A_694, %swap3A_744] : memref<250x80xi32, #tpu.memory_space<vmem>> -> memref<1x80xi32, #tpu.memory_space<vmem>>
      %swap3A_746 = tpu.memref_squeeze %swap3A_745 : memref<1x80xi32, #tpu.memory_space<vmem>> -> memref<80xi32, #tpu.memory_space<vmem>>
      %swap3A_747 = arith.constant 32 : index
      %swap3A_748 = tpu.vector_load %swap3A_746[%swap3A_747] {strides = array<i32>} : memref<80xi32, #tpu.memory_space<vmem>>, vector<16xi32>,
      %swap3A_749 = vector.shape_cast %swap3A_748 : vector<16xi32> to vector<16xi32>
      %swap3A_750 = vector.shape_cast %add3A_743 : vector<16xi32> to vector<16xi32>
      tpu.vector_store %swap3A_746[%swap3A_747], %swap3A_750 {strides = array<i32>} : memref<80xi32, #tpu.memory_space<vmem>>, vector<16xi32>,
      %get3A_751 = arith.constant 0 : i32
      %get3A_752 = tpu.memref_slice %arg9[%scan3A_694, %get3A_751] : memref<250x80xi32, #tpu.memory_space<vmem>> -> memref<1x80xi32, #tpu.memory_space<vmem>>
      %get3A_753 = tpu.memref_squeeze %get3A_752 : memref<1x80xi32, #tpu.memory_space<vmem>> -> memref<80xi32, #tpu.memory_space<vmem>>
      %get3A_754 = arith.constant 48 : index
      %get3A_755 = tpu.vector_load %get3A_753[%get3A_754] {strides = array<i32>} : memref<80xi32, #tpu.memory_space<vmem>>, vector<16xi32>,
      %get3A_756 = vector.shape_cast %get3A_755 : vector<16xi32> to vector<16xi32>
      %mul3A_757 = arith.constant 1 : i32
      %mul3A_758 = vector.broadcast %mul3A_757 : i32 to vector<16xi32>
      %mul3A_759 = arith.muli %get3A_756, %mul3A_758 : vector<16xi32>
      %add3A_760 = arith.constant 1 : i32
      %add3A_761 = vector.broadcast %add3A_760 : i32 to vector<16xi32>
      %add3A_762 = arith.addi %mul3A_759, %add3A_761 : vector<16xi32>
      %swap3A_763 = arith.constant 0 : i32
      %swap3A_764 = tpu.memref_slice %arg9[%scan3A_694, %swap3A_763] : memref<250x80xi32, #tpu.memory_space<vmem>> -> memref<1x80xi32, #tpu.memory_space<vmem>>
      %swap3A_765 = tpu.memref_squeeze %swap3A_764 : memref<1x80xi32, #tpu.memory_space<vmem>> -> memref<80xi32, #tpu.memory_space<vmem>>
      %swap3A_766 = arith.constant 48 : index
      %swap3A_767 = tpu.vector_load %swap3A_765[%swap3A_766] {strides = array<i32>} : memref<80xi32, #tpu.memory_space<vmem>>, vector<16xi32>,
      %swap3A_768 = vector.shape_cast %swap3A_767 : vector<16xi32> to vector<16xi32>
      %swap3A_769 = vector.shape_cast %add3A_762 : vector<16xi32> to vector<16xi32>
      tpu.vector_store %swap3A_765[%swap3A_766], %swap3A_769 {strides = array<i32>} : memref<80xi32, #tpu.memory_space<vmem>>, vector<16xi32>,
      %get3A_770 = arith.constant 0 : i32
      %get3A_771 = tpu.memref_slice %arg9[%scan3A_694, %get3A_770] : memref<250x80xi32, #tpu.memory_space<vmem>> -> memref<1x80xi32, #tpu.memory_space<vmem>>
      %get3A_772 = tpu.memref_squeeze %get3A_771 : memref<1x80xi32, #tpu.memory_space<vmem>> -> memref<80xi32, #tpu.memory_space<vmem>>
      %get3A_773 = arith.constant 64 : index
      %get3A_774 = tpu.vector_load %get3A_772[%get3A_773] {strides = array<i32>} : memref<80xi32, #tpu.memory_space<vmem>>, vector<16xi32>,
      %get3A_775 = vector.shape_cast %get3A_774 : vector<16xi32> to vector<16xi32>
      %mul3A_776 = arith.constant 1 : i32
      %mul3A_777 = vector.broadcast %mul3A_776 : i32 to vector<16xi32>
      %mul3A_778 = arith.muli %get3A_775, %mul3A_777 : vector<16xi32>
      %add3A_779 = arith.constant 1 : i32
      %add3A_780 = vector.broadcast %add3A_779 : i32 to vector<16xi32>
      %add3A_781 = arith.addi %mul3A_778, %add3A_780 : vector<16xi32>
      %swap3A_782 = arith.constant 0 : i32
      %swap3A_783 = tpu.memref_slice %arg9[%scan3A_694, %swap3A_782] : memref<250x80xi32, #tpu.memory_space<vmem>> -> memref<1x80xi32, #tpu.memory_space<vmem>>
      %swap3A_784 = tpu.memref_squeeze %swap3A_783 : memref<1x80xi32, #tpu.memory_space<vmem>> -> memref<80xi32, #tpu.memory_space<vmem>>
      %swap3A_785 = arith.constant 64 : index
      %swap3A_786 = tpu.vector_load %swap3A_784[%swap3A_785] {strides = array<i32>} : memref<80xi32, #tpu.memory_space<vmem>>, vector<16xi32>,
      %swap3A_787 = vector.shape_cast %swap3A_786 : vector<16xi32> to vector<16xi32>
      %swap3A_788 = vector.shape_cast %add3A_781 : vector<16xi32> to vector<16xi32>
      tpu.vector_store %swap3A_784[%swap3A_785], %swap3A_788 {strides = array<i32>} : memref<80xi32, #tpu.memory_space<vmem>>, vector<16xi32>,
    }
    %scan3A_524 = arith.constant 250 : i32
    %barrier3A_525 = arith.constant 0 : index
    tpu.barrier barrier_id(%barrier3A_525)
    %dma_start3A_526 = arith.constant 0 : i32
    %dma_start3A_527 = arith.constant 0 : i32
    %dma_start3A_528 = arith.constant 0 : i32
    %dma_start3A_529 = arith.constant 0 : i32
    %dma_start3A_530 = arith.constant 0 : i32
    %dma_start3A_531 = tpu.memref_slice %arg11[%dma_start3A_527, %dma_start3A_529, %dma_start3A_530] : memref<5x80x64xf32, #tpu.memory_space<vmem>> -> memref<1x80x64xf32, #tpu.memory_space<vmem>>
    %dma_start3A_532 = tpu.memref_squeeze %dma_start3A_531 : memref<1x80x64xf32, #tpu.memory_space<vmem>> -> memref<80x64xf32, #tpu.memory_space<vmem>>
    %dma_start3A_533 = arith.constant 0 : i32
    %dma_start3A_534 = tpu.memref_slice %arg9[%dma_start3A_526, %dma_start3A_533] : memref<250x80xi32, #tpu.memory_space<vmem>> -> memref<1x80xi32, #tpu.memory_space<vmem>>
    %dma_start3A_535 = tpu.memref_squeeze %dma_start3A_534 : memref<1x80xi32, #tpu.memory_space<vmem>> -> memref<80xi32, #tpu.memory_space<vmem>>
    %dma_start3A_536 = arith.constant 0 : i32
    %dma_start3A_537 = arith.constant 0 : i32
    %dma_start3A_538 = tpu.memref_slice %arg4[%dma_start3A_536, %dma_start3A_537] : memref<20000x64xf32, #tpu.memory_space<hbm>> -> memref<20000x64xf32, #tpu.memory_space<hbm>>
    %dma_start3A_539 = tpu.memref_slice %arg16[%dma_start3A_528] : memref<5x!tpu.dma_semaphore, #tpu.memory_space<semaphore_mem>> -> memref<1x!tpu.dma_semaphore, #tpu.memory_space<semaphore_mem>>
    %dma_start3A_540 = tpu.memref_squeeze %dma_start3A_539 : memref<1x!tpu.dma_semaphore, #tpu.memory_space<semaphore_mem>> -> memref<!tpu.dma_semaphore, #tpu.memory_space<semaphore_mem>>
    tpu.enqueue_indirect_dma source(%dma_start3A_538 : memref<20000x64xf32, #tpu.memory_space<hbm>>) target(%dma_start3A_532 : memref<80x64xf32, #tpu.memory_space<vmem>>) offsets(%dma_start3A_535 : memref<80xi32, #tpu.memory_space<vmem>>) semaphore(%dma_start3A_540 : memref<!tpu.dma_semaphore, #tpu.memory_space<semaphore_mem>>)
    %dma_start3A_541 = arith.constant 1 : i32
    %dma_start3A_542 = arith.constant 1 : i32
    %dma_start3A_543 = arith.constant 1 : i32
    %dma_start3A_544 = arith.constant 0 : i32
    %dma_start3A_545 = arith.constant 0 : i32
    %dma_start3A_546 = tpu.memref_slice %arg11[%dma_start3A_542, %dma_start3A_544, %dma_start3A_545] : memref<5x80x64xf32, #tpu.memory_space<vmem>> -> memref<1x80x64xf32, #tpu.memory_space<vmem>>
    %dma_start3A_547 = tpu.memref_squeeze %dma_start3A_546 : memref<1x80x64xf32, #tpu.memory_space<vmem>> -> memref<80x64xf32, #tpu.memory_space<vmem>>
    %dma_start3A_548 = arith.constant 0 : i32
    %dma_start3A_549 = tpu.memref_slice %arg9[%dma_start3A_541, %dma_start3A_548] : memref<250x80xi32, #tpu.memory_space<vmem>> -> memref<1x80xi32, #tpu.memory_space<vmem>>
    %dma_start3A_550 = tpu.memref_squeeze %dma_start3A_549 : memref<1x80xi32, #tpu.memory_space<vmem>> -> memref<80xi32, #tpu.memory_space<vmem>>
    %dma_start3A_551 = arith.constant 0 : i32
    %dma_start3A_552 = arith.constant 0 : i32
    %dma_start3A_553 = tpu.memref_slice %arg4[%dma_start3A_551, %dma_start3A_552] : memref<20000x64xf32, #tpu.memory_space<hbm>> -> memref<20000x64xf32, #tpu.memory_space<hbm>>
    %dma_start3A_554 = tpu.memref_slice %arg16[%dma_start3A_543] : memref<5x!tpu.dma_semaphore, #tpu.memory_space<semaphore_mem>> -> memref<1x!tpu.dma_semaphore, #tpu.memory_space<semaphore_mem>>
    %dma_start3A_555 = tpu.memref_squeeze %dma_start3A_554 : memref<1x!tpu.dma_semaphore, #tpu.memory_space<semaphore_mem>> -> memref<!tpu.dma_semaphore, #tpu.memory_space<semaphore_mem>>
    tpu.enqueue_indirect_dma source(%dma_start3A_553 : memref<20000x64xf32, #tpu.memory_space<hbm>>) target(%dma_start3A_547 : memref<80x64xf32, #tpu.memory_space<vmem>>) offsets(%dma_start3A_550 : memref<80xi32, #tpu.memory_space<vmem>>) semaphore(%dma_start3A_555 : memref<!tpu.dma_semaphore, #tpu.memory_space<semaphore_mem>>)
    %dma_start3A_556 = arith.constant 2 : i32
    %dma_start3A_557 = arith.constant 2 : i32
    %dma_start3A_558 = arith.constant 2 : i32
    %dma_start3A_559 = arith.constant 0 : i32
    %dma_start3A_560 = arith.constant 0 : i32
    %dma_start3A_561 = tpu.memref_slice %arg11[%dma_start3A_557, %dma_start3A_559, %dma_start3A_560] : memref<5x80x64xf32, #tpu.memory_space<vmem>> -> memref<1x80x64xf32, #tpu.memory_space<vmem>>
    %dma_start3A_562 = tpu.memref_squeeze %dma_start3A_561 : memref<1x80x64xf32, #tpu.memory_space<vmem>> -> memref<80x64xf32, #tpu.memory_space<vmem>>
    %dma_start3A_563 = arith.constant 0 : i32
    %dma_start3A_564 = tpu.memref_slice %arg9[%dma_start3A_556, %dma_start3A_563] : memref<250x80xi32, #tpu.memory_space<vmem>> -> memref<1x80xi32, #tpu.memory_space<vmem>>
    %dma_start3A_565 = tpu.memref_squeeze %dma_start3A_564 : memref<1x80xi32, #tpu.memory_space<vmem>> -> memref<80xi32, #tpu.memory_space<vmem>>
    %dma_start3A_566 = arith.constant 0 : i32
    %dma_start3A_567 = arith.constant 0 : i32
    %dma_start3A_568 = tpu.memref_slice %arg4[%dma_start3A_566, %dma_start3A_567] : memref<20000x64xf32, #tpu.memory_space<hbm>> -> memref<20000x64xf32, #tpu.memory_space<hbm>>
    %dma_start3A_569 = tpu.memref_slice %arg16[%dma_start3A_558] : memref<5x!tpu.dma_semaphore, #tpu.memory_space<semaphore_mem>> -> memref<1x!tpu.dma_semaphore, #tpu.memory_space<semaphore_mem>>
    %dma_start3A_570 = tpu.memref_squeeze %dma_start3A_569 : memref<1x!tpu.dma_semaphore, #tpu.memory_space<semaphore_mem>> -> memref<!tpu.dma_semaphore, #tpu.memory_space<semaphore_mem>>
    tpu.enqueue_indirect_dma source(%dma_start3A_568 : memref<20000x64xf32, #tpu.memory_space<hbm>>) target(%dma_start3A_562 : memref<80x64xf32, #tpu.memory_space<vmem>>) offsets(%dma_start3A_565 : memref<80xi32, #tpu.memory_space<vmem>>) semaphore(%dma_start3A_570 : memref<!tpu.dma_semaphore, #tpu.memory_space<semaphore_mem>>)
    %dma_start3A_571 = arith.constant 3 : i32
    %dma_start3A_572 = arith.constant 3 : i32
    %dma_start3A_573 = arith.constant 3 : i32
    %dma_start3A_574 = arith.constant 0 : i32
    %dma_start3A_575 = arith.constant 0 : i32
    %dma_start3A_576 = tpu.memref_slice %arg11[%dma_start3A_572, %dma_start3A_574, %dma_start3A_575] : memref<5x80x64xf32, #tpu.memory_space<vmem>> -> memref<1x80x64xf32, #tpu.memory_space<vmem>>
    %dma_start3A_577 = tpu.memref_squeeze %dma_start3A_576 : memref<1x80x64xf32, #tpu.memory_space<vmem>> -> memref<80x64xf32, #tpu.memory_space<vmem>>
    %dma_start3A_578 = arith.constant 0 : i32
    %dma_start3A_579 = tpu.memref_slice %arg9[%dma_start3A_571, %dma_start3A_578] : memref<250x80xi32, #tpu.memory_space<vmem>> -> memref<1x80xi32, #tpu.memory_space<vmem>>
    %dma_start3A_580 = tpu.memref_squeeze %dma_start3A_579 : memref<1x80xi32, #tpu.memory_space<vmem>> -> memref<80xi32, #tpu.memory_space<vmem>>
    %dma_start3A_581 = arith.constant 0 : i32
    %dma_start3A_582 = arith.constant 0 : i32
    %dma_start3A_583 = tpu.memref_slice %arg4[%dma_start3A_581, %dma_start3A_582] : memref<20000x64xf32, #tpu.memory_space<hbm>> -> memref<20000x64xf32, #tpu.memory_space<hbm>>
    %dma_start3A_584 = tpu.memref_slice %arg16[%dma_start3A_573] : memref<5x!tpu.dma_semaphore, #tpu.memory_space<semaphore_mem>> -> memref<1x!tpu.dma_semaphore, #tpu.memory_space<semaphore_mem>>
    %dma_start3A_585 = tpu.memref_squeeze %dma_start3A_584 : memref<1x!tpu.dma_semaphore, #tpu.memory_space<semaphore_mem>> -> memref<!tpu.dma_semaphore, #tpu.memory_space<semaphore_mem>>
    tpu.enqueue_indirect_dma source(%dma_start3A_583 : memref<20000x64xf32, #tpu.memory_space<hbm>>) target(%dma_start3A_577 : memref<80x64xf32, #tpu.memory_space<vmem>>) offsets(%dma_start3A_580 : memref<80xi32, #tpu.memory_space<vmem>>) semaphore(%dma_start3A_585 : memref<!tpu.dma_semaphore, #tpu.memory_space<semaphore_mem>>)
    %dma_start3A_586 = arith.constant 4 : i32
    %dma_start3A_587 = arith.constant 4 : i32
    %dma_start3A_588 = arith.constant 4 : i32
    %dma_start3A_589 = arith.constant 0 : i32
    %dma_start3A_590 = arith.constant 0 : i32
    %dma_start3A_591 = tpu.memref_slice %arg11[%dma_start3A_587, %dma_start3A_589, %dma_start3A_590] : memref<5x80x64xf32, #tpu.memory_space<vmem>> -> memref<1x80x64xf32, #tpu.memory_space<vmem>>
    %dma_start3A_592 = tpu.memref_squeeze %dma_start3A_591 : memref<1x80x64xf32, #tpu.memory_space<vmem>> -> memref<80x64xf32, #tpu.memory_space<vmem>>
    %dma_start3A_593 = arith.constant 0 : i32
    %dma_start3A_594 = tpu.memref_slice %arg9[%dma_start3A_586, %dma_start3A_593] : memref<250x80xi32, #tpu.memory_space<vmem>> -> memref<1x80xi32, #tpu.memory_space<vmem>>
    %dma_start3A_595 = tpu.memref_squeeze %dma_start3A_594 : memref<1x80xi32, #tpu.memory_space<vmem>> -> memref<80xi32, #tpu.memory_space<vmem>>
    %dma_start3A_596 = arith.constant 0 : i32
    %dma_start3A_597 = arith.constant 0 : i32
    %dma_start3A_598 = tpu.memref_slice %arg4[%dma_start3A_596, %dma_start3A_597] : memref<20000x64xf32, #tpu.memory_space<hbm>> -> memref<20000x64xf32, #tpu.memory_space<hbm>>
    %dma_start3A_599 = tpu.memref_slice %arg16[%dma_start3A_588] : memref<5x!tpu.dma_semaphore, #tpu.memory_space<semaphore_mem>> -> memref<1x!tpu.dma_semaphore, #tpu.memory_space<semaphore_mem>>
    %dma_start3A_600 = tpu.memref_squeeze %dma_start3A_599 : memref<1x!tpu.dma_semaphore, #tpu.memory_space<semaphore_mem>> -> memref<!tpu.dma_semaphore, #tpu.memory_space<semaphore_mem>>
    tpu.enqueue_indirect_dma source(%dma_start3A_598 : memref<20000x64xf32, #tpu.memory_space<hbm>>) target(%dma_start3A_592 : memref<80x64xf32, #tpu.memory_space<vmem>>) offsets(%dma_start3A_595 : memref<80xi32, #tpu.memory_space<vmem>>) semaphore(%dma_start3A_600 : memref<!tpu.dma_semaphore, #tpu.memory_space<semaphore_mem>>)
    %scan3A_601 = arith.constant 0 : i32
    %scan3A_602 = arith.constant 50 : i32
    %scan3A_603 = arith.addi %scan3A_601, %scan3A_602 : i32
    %scan3A_604 = arith.constant 1 : i32
    scf.for %scan3A_694 = %scan3A_601 to %scan3A_603 step %scan3A_604  : i32 {
      %mul3A_695 = arith.constant 5 : i32
      %mul3A_696 = arith.muli %scan3A_694, %mul3A_695 : i32
      %add3A_697 = arith.constant 0 : i32
      %add3A_698 = arith.addi %mul3A_696, %add3A_697 : i32
      %dma_wait3A_699 = arith.constant 0 : i32
      %dma_wait3A_700 = arith.constant 0 : i32
      %dma_wait3A_701 = arith.constant 0 : i32
      %dma_wait3A_702 = arith.constant 0 : i32
      %dma_wait3A_703 = tpu.memref_slice %arg11[%dma_wait3A_699, %dma_wait3A_701, %dma_wait3A_702] : memref<5x80x64xf32, #tpu.memory_space<vmem>> -> memref<1x80x64xf32, #tpu.memory_space<vmem>>
      %dma_wait3A_704 = tpu.memref_squeeze %dma_wait3A_703 : memref<1x80x64xf32, #tpu.memory_space<vmem>> -> memref<80x64xf32, #tpu.memory_space<vmem>>
      %dma_wait3A_705 = arith.constant 0 : i32
      %dma_wait3A_706 = tpu.memref_slice %arg9[%add3A_698, %dma_wait3A_705] : memref<250x80xi32, #tpu.memory_space<vmem>> -> memref<1x80xi32, #tpu.memory_space<vmem>>
      %dma_wait3A_707 = tpu.memref_squeeze %dma_wait3A_706 : memref<1x80xi32, #tpu.memory_space<vmem>> -> memref<80xi32, #tpu.memory_space<vmem>>
      %dma_wait3A_708 = arith.constant 0 : i32
      %dma_wait3A_709 = arith.constant 0 : i32
      %dma_wait3A_710 = tpu.memref_slice %arg4[%dma_wait3A_708, %dma_wait3A_709] : memref<20000x64xf32, #tpu.memory_space<hbm>> -> memref<20000x64xf32, #tpu.memory_space<hbm>>
      %dma_wait3A_711 = tpu.memref_slice %arg16[%dma_wait3A_700] : memref<5x!tpu.dma_semaphore, #tpu.memory_space<semaphore_mem>> -> memref<1x!tpu.dma_semaphore, #tpu.memory_space<semaphore_mem>>
      %dma_wait3A_712 = tpu.memref_squeeze %dma_wait3A_711 : memref<1x!tpu.dma_semaphore, #tpu.memory_space<semaphore_mem>> -> memref<!tpu.dma_semaphore, #tpu.memory_space<semaphore_mem>>
      tpu.wait_indirect_dma semaphore(%dma_wait3A_712 : memref<!tpu.dma_semaphore, #tpu.memory_space<semaphore_mem>>) src(%dma_wait3A_710 : memref<20000x64xf32, #tpu.memory_space<hbm>>) dst(%dma_wait3A_704 : memref<80x64xf32, #tpu.memory_space<vmem>>)
      %dma_start3A_713 = arith.constant 0 : i32
      %dma_start3A_714 = arith.constant 0 : i32
      %dma_start3A_715 = arith.constant 0 : i32
      %dma_start3A_716 = arith.constant 0 : i32
      %dma_start3A_717 = tpu.memref_slice %arg11[%dma_start3A_713, %dma_start3A_715, %dma_start3A_716] : memref<5x80x64xf32, #tpu.memory_space<vmem>> -> memref<1x80x64xf32, #tpu.memory_space<vmem>>
      %dma_start3A_718 = tpu.memref_squeeze %dma_start3A_717 : memref<1x80x64xf32, #tpu.memory_space<vmem>> -> memref<80x64xf32, #tpu.memory_space<vmem>>
      %dma_start3A_719 = arith.constant 0 : i32
      %dma_start3A_720 = tpu.memref_slice %arg10[%add3A_698, %dma_start3A_719] : memref<250x80xi32, #tpu.memory_space<vmem>> -> memref<1x80xi32, #tpu.memory_space<vmem>>
      %dma_start3A_721 = tpu.memref_squeeze %dma_start3A_720 : memref<1x80xi32, #tpu.memory_space<vmem>> -> memref<80xi32, #tpu.memory_space<vmem>>
      %dma_start3A_722 = arith.constant 0 : i32
      %dma_start3A_723 = arith.constant 0 : i32
      %dma_start3A_724 = tpu.memref_slice %arg14[%dma_start3A_722, %dma_start3A_723] : memref<10000x64xf32, #tpu.memory_space<vmem_shared>> -> memref<10000x64xf32, #tpu.memory_space<vmem_shared>>
      %dma_start3A_725 = tpu.memref_slice %arg17[%dma_start3A_714] : memref<5x!tpu.dma_semaphore, #tpu.memory_space<semaphore_mem>> -> memref<1x!tpu.dma_semaphore, #tpu.memory_space<semaphore_mem>>
      %dma_start3A_726 = tpu.memref_squeeze %dma_start3A_725 : memref<1x!tpu.dma_semaphore, #tpu.memory_space<semaphore_mem>> -> memref<!tpu.dma_semaphore, #tpu.memory_space<semaphore_mem>>
      tpu.enqueue_indirect_dma source(%dma_start3A_718 : memref<80x64xf32, #tpu.memory_space<vmem>>) target(%dma_start3A_724 : memref<10000x64xf32, #tpu.memory_space<vmem_shared>>) offsets(%dma_start3A_721 : memref<80xi32, #tpu.memory_space<vmem>>) semaphore(%dma_start3A_726 : memref<!tpu.dma_semaphore, #tpu.memory_space<semaphore_mem>>) {add = true}
      %add3A_727 = arith.constant 5 : i32
      %add3A_728 = arith.addi %add3A_698, %add3A_727 : i32
      %lt3A = arith.constant 250 : i32
      %lt3A_729 = arith.cmpi slt, %add3A_728, %lt3A : i32
      %convert_element_type3A_730 = arith.extui %lt3A_729 : i1 to i32
      %cond3A_731 = arith.constant 0 : i32
      %cond3A_732 = arith.cmpi ne, %convert_element_type3A_730, %cond3A_731 : i32
      scf.if %cond3A_732 {
        %add3A_889 = arith.constant 5 : i32
        %add3A_890 = arith.addi %add3A_698, %add3A_889 : i32
        %ge3A = arith.constant 5 : i32
        %ge3A_891 = arith.cmpi sge, %add3A_890, %ge3A : i32
        %convert_element_type3A_892 = arith.extui %ge3A_891 : i1 to i32
        %cond3A_893 = arith.constant 0 : i32
        %cond3A_894 = arith.cmpi ne, %convert_element_type3A_892, %cond3A_893 : i32
        scf.if %cond3A_894 {
          %dma_wait3A_911 = arith.constant 0 : i32
          %dma_wait3A_912 = arith.constant 0 : i32
          %dma_wait3A_913 = arith.constant 0 : i32
          %dma_wait3A_914 = arith.constant 0 : i32
          %dma_wait3A_915 = arith.constant 0 : i32
          %dma_wait3A_916 = tpu.memref_slice %arg11[%dma_wait3A_911, %dma_wait3A_914, %dma_wait3A_915] : memref<5x80x64xf32, #tpu.memory_space<vmem>> -> memref<1x80x64xf32, #tpu.memory_space<vmem>>
          %dma_wait3A_917 = tpu.memref_squeeze %dma_wait3A_916 : memref<1x80x64xf32, #tpu.memory_space<vmem>> -> memref<80x64xf32, #tpu.memory_space<vmem>>
          %dma_wait3A_918 = arith.constant 0 : i32
          %dma_wait3A_919 = tpu.memref_slice %arg10[%dma_wait3A_912, %dma_wait3A_918] : memref<250x80xi32, #tpu.memory_space<vmem>> -> memref<1x80xi32, #tpu.memory_space<vmem>>
          %dma_wait3A_920 = tpu.memref_squeeze %dma_wait3A_919 : memref<1x80xi32, #tpu.memory_space<vmem>> -> memref<80xi32, #tpu.memory_space<vmem>>
          %dma_wait3A_921 = arith.constant 0 : i32
          %dma_wait3A_922 = arith.constant 0 : i32
          %dma_wait3A_923 = tpu.memref_slice %arg14[%dma_wait3A_921, %dma_wait3A_922] : memref<10000x64xf32, #tpu.memory_space<vmem_shared>> -> memref<10000x64xf32, #tpu.memory_space<vmem_shared>>
          %dma_wait3A_924 = tpu.memref_slice %arg17[%dma_wait3A_913] : memref<5x!tpu.dma_semaphore, #tpu.memory_space<semaphore_mem>> -> memref<1x!tpu.dma_semaphore, #tpu.memory_space<semaphore_mem>>
          %dma_wait3A_925 = tpu.memref_squeeze %dma_wait3A_924 : memref<1x!tpu.dma_semaphore, #tpu.memory_space<semaphore_mem>> -> memref<!tpu.dma_semaphore, #tpu.memory_space<semaphore_mem>>
          tpu.wait_indirect_dma semaphore(%dma_wait3A_925 : memref<!tpu.dma_semaphore, #tpu.memory_space<semaphore_mem>>) src(%dma_wait3A_917 : memref<80x64xf32, #tpu.memory_space<vmem>>) dst(%dma_wait3A_923 : memref<10000x64xf32, #tpu.memory_space<vmem_shared>>)
        } else {
        }
        %add3A_895 = arith.constant 5 : i32
        %add3A_896 = arith.addi %add3A_698, %add3A_895 : i32
        %dma_start3A_897 = arith.constant 0 : i32
        %dma_start3A_898 = arith.constant 0 : i32
        %dma_start3A_899 = arith.constant 0 : i32
        %dma_start3A_900 = arith.constant 0 : i32
        %dma_start3A_901 = tpu.memref_slice %arg11[%dma_start3A_897, %dma_start3A_899, %dma_start3A_900] : memref<5x80x64xf32, #tpu.memory_space<vmem>> -> memref<1x80x64xf32, #tpu.memory_space<vmem>>
        %dma_start3A_902 = tpu.memref_squeeze %dma_start3A_901 : memref<1x80x64xf32, #tpu.memory_space<vmem>> -> memref<80x64xf32, #tpu.memory_space<vmem>>
        %dma_start3A_903 = arith.constant 0 : i32
        %dma_start3A_904 = tpu.memref_slice %arg9[%add3A_896, %dma_start3A_903] : memref<250x80xi32, #tpu.memory_space<vmem>> -> memref<1x80xi32, #tpu.memory_space<vmem>>
        %dma_start3A_905 = tpu.memref_squeeze %dma_start3A_904 : memref<1x80xi32, #tpu.memory_space<vmem>> -> memref<80xi32, #tpu.memory_space<vmem>>
        %dma_start3A_906 = arith.constant 0 : i32
        %dma_start3A_907 = arith.constant 0 : i32
        %dma_start3A_908 = tpu.memref_slice %arg4[%dma_start3A_906, %dma_start3A_907] : memref<20000x64xf32, #tpu.memory_space<hbm>> -> memref<20000x64xf32, #tpu.memory_space<hbm>>
        %dma_start3A_909 = tpu.memref_slice %arg16[%dma_start3A_898] : memref<5x!tpu.dma_semaphore, #tpu.memory_space<semaphore_mem>> -> memref<1x!tpu.dma_semaphore, #tpu.memory_space<semaphore_mem>>
        %dma_start3A_910 = tpu.memref_squeeze %dma_start3A_909 : memref<1x!tpu.dma_semaphore, #tpu.memory_space<semaphore_mem>> -> memref<!tpu.dma_semaphore, #tpu.memory_space<semaphore_mem>>
        tpu.enqueue_indirect_dma source(%dma_start3A_908 : memref<20000x64xf32, #tpu.memory_space<hbm>>) target(%dma_start3A_902 : memref<80x64xf32, #tpu.memory_space<vmem>>) offsets(%dma_start3A_905 : memref<80xi32, #tpu.memory_space<vmem>>) semaphore(%dma_start3A_910 : memref<!tpu.dma_semaphore, #tpu.memory_space<semaphore_mem>>)
      } else {
      }
      %mul3A_733 = arith.constant 5 : i32
      %mul3A_734 = arith.muli %scan3A_694, %mul3A_733 : i32
      %add3A_735 = arith.constant 1 : i32
      %add3A_736 = arith.addi %mul3A_734, %add3A_735 : i32
      %dma_wait3A_737 = arith.constant 1 : i32
      %dma_wait3A_738 = arith.constant 1 : i32
      %dma_wait3A_739 = arith.constant 0 : i32
      %dma_wait3A_740 = arith.constant 0 : i32
      %dma_wait3A_741 = tpu.memref_slice %arg11[%dma_wait3A_737, %dma_wait3A_739, %dma_wait3A_740] : memref<5x80x64xf32, #tpu.memory_space<vmem>> -> memref<1x80x64xf32, #tpu.memory_space<vmem>>
      %dma_wait3A_742 = tpu.memref_squeeze %dma_wait3A_741 : memref<1x80x64xf32, #tpu.memory_space<vmem>> -> memref<80x64xf32, #tpu.memory_space<vmem>>
      %dma_wait3A_743 = arith.constant 0 : i32
      %dma_wait3A_744 = tpu.memref_slice %arg9[%add3A_736, %dma_wait3A_743] : memref<250x80xi32, #tpu.memory_space<vmem>> -> memref<1x80xi32, #tpu.memory_space<vmem>>
      %dma_wait3A_745 = tpu.memref_squeeze %dma_wait3A_744 : memref<1x80xi32, #tpu.memory_space<vmem>> -> memref<80xi32, #tpu.memory_space<vmem>>
      %dma_wait3A_746 = arith.constant 0 : i32
      %dma_wait3A_747 = arith.constant 0 : i32
      %dma_wait3A_748 = tpu.memref_slice %arg4[%dma_wait3A_746, %dma_wait3A_747] : memref<20000x64xf32, #tpu.memory_space<hbm>> -> memref<20000x64xf32, #tpu.memory_space<hbm>>
      %dma_wait3A_749 = tpu.memref_slice %arg16[%dma_wait3A_738] : memref<5x!tpu.dma_semaphore, #tpu.memory_space<semaphore_mem>> -> memref<1x!tpu.dma_semaphore, #tpu.memory_space<semaphore_mem>>
      %dma_wait3A_750 = tpu.memref_squeeze %dma_wait3A_749 : memref<1x!tpu.dma_semaphore, #tpu.memory_space<semaphore_mem>> -> memref<!tpu.dma_semaphore, #tpu.memory_space<semaphore_mem>>
      tpu.wait_indirect_dma semaphore(%dma_wait3A_750 : memref<!tpu.dma_semaphore, #tpu.memory_space<semaphore_mem>>) src(%dma_wait3A_748 : memref<20000x64xf32, #tpu.memory_space<hbm>>) dst(%dma_wait3A_742 : memref<80x64xf32, #tpu.memory_space<vmem>>)
      %dma_start3A_751 = arith.constant 1 : i32
      %dma_start3A_752 = arith.constant 1 : i32
      %dma_start3A_753 = arith.constant 0 : i32
      %dma_start3A_754 = arith.constant 0 : i32
      %dma_start3A_755 = tpu.memref_slice %arg11[%dma_start3A_751, %dma_start3A_753, %dma_start3A_754] : memref<5x80x64xf32, #tpu.memory_space<vmem>> -> memref<1x80x64xf32, #tpu.memory_space<vmem>>
      %dma_start3A_756 = tpu.memref_squeeze %dma_start3A_755 : memref<1x80x64xf32, #tpu.memory_space<vmem>> -> memref<80x64xf32, #tpu.memory_space<vmem>>
      %dma_start3A_757 = arith.constant 0 : i32
      %dma_start3A_758 = tpu.memref_slice %arg10[%add3A_736, %dma_start3A_757] : memref<250x80xi32, #tpu.memory_space<vmem>> -> memref<1x80xi32, #tpu.memory_space<vmem>>
      %dma_start3A_759 = tpu.memref_squeeze %dma_start3A_758 : memref<1x80xi32, #tpu.memory_space<vmem>> -> memref<80xi32, #tpu.memory_space<vmem>>
      %dma_start3A_760 = arith.constant 0 : i32
      %dma_start3A_761 = arith.constant 0 : i32
      %dma_start3A_762 = tpu.memref_slice %arg14[%dma_start3A_760, %dma_start3A_761] : memref<10000x64xf32, #tpu.memory_space<vmem_shared>> -> memref<10000x64xf32, #tpu.memory_space<vmem_shared>>
      %dma_start3A_763 = tpu.memref_slice %arg17[%dma_start3A_752] : memref<5x!tpu.dma_semaphore, #tpu.memory_space<semaphore_mem>> -> memref<1x!tpu.dma_semaphore, #tpu.memory_space<semaphore_mem>>
      %dma_start3A_764 = tpu.memref_squeeze %dma_start3A_763 : memref<1x!tpu.dma_semaphore, #tpu.memory_space<semaphore_mem>> -> memref<!tpu.dma_semaphore, #tpu.memory_space<semaphore_mem>>
      tpu.enqueue_indirect_dma source(%dma_start3A_756 : memref<80x64xf32, #tpu.memory_space<vmem>>) target(%dma_start3A_762 : memref<10000x64xf32, #tpu.memory_space<vmem_shared>>) offsets(%dma_start3A_759 : memref<80xi32, #tpu.memory_space<vmem>>) semaphore(%dma_start3A_764 : memref<!tpu.dma_semaphore, #tpu.memory_space<semaphore_mem>>) {add = true}
      %add3A_765 = arith.constant 5 : i32
      %add3A_766 = arith.addi %add3A_736, %add3A_765 : i32
      %lt3A_767 = arith.constant 250 : i32
      %lt3A_768 = arith.cmpi slt, %add3A_766, %lt3A_767 : i32
      %convert_element_type3A_769 = arith.extui %lt3A_768 : i1 to i32
      %cond3A_770 = arith.constant 0 : i32
      %cond3A_771 = arith.cmpi ne, %convert_element_type3A_769, %cond3A_770 : i32
      scf.if %cond3A_771 {
        %add3A_889 = arith.constant 5 : i32
        %add3A_890 = arith.addi %add3A_736, %add3A_889 : i32
        %ge3A = arith.constant 5 : i32
        %ge3A_891 = arith.cmpi sge, %add3A_890, %ge3A : i32
        %convert_element_type3A_892 = arith.extui %ge3A_891 : i1 to i32
        %cond3A_893 = arith.constant 0 : i32
        %cond3A_894 = arith.cmpi ne, %convert_element_type3A_892, %cond3A_893 : i32
        scf.if %cond3A_894 {
          %dma_wait3A_911 = arith.constant 1 : i32
          %dma_wait3A_912 = arith.constant 0 : i32
          %dma_wait3A_913 = arith.constant 1 : i32
          %dma_wait3A_914 = arith.constant 0 : i32
          %dma_wait3A_915 = arith.constant 0 : i32
          %dma_wait3A_916 = tpu.memref_slice %arg11[%dma_wait3A_911, %dma_wait3A_914, %dma_wait3A_915] : memref<5x80x64xf32, #tpu.memory_space<vmem>> -> memref<1x80x64xf32, #tpu.memory_space<vmem>>
          %dma_wait3A_917 = tpu.memref_squeeze %dma_wait3A_916 : memref<1x80x64xf32, #tpu.memory_space<vmem>> -> memref<80x64xf32, #tpu.memory_space<vmem>>
          %dma_wait3A_918 = arith.constant 0 : i32
          %dma_wait3A_919 = tpu.memref_slice %arg10[%dma_wait3A_912, %dma_wait3A_918] : memref<250x80xi32, #tpu.memory_space<vmem>> -> memref<1x80xi32, #tpu.memory_space<vmem>>
          %dma_wait3A_920 = tpu.memref_squeeze %dma_wait3A_919 : memref<1x80xi32, #tpu.memory_space<vmem>> -> memref<80xi32, #tpu.memory_space<vmem>>
          %dma_wait3A_921 = arith.constant 0 : i32
          %dma_wait3A_922 = arith.constant 0 : i32
          %dma_wait3A_923 = tpu.memref_slice %arg14[%dma_wait3A_921, %dma_wait3A_922] : memref<10000x64xf32, #tpu.memory_space<vmem_shared>> -> memref<10000x64xf32, #tpu.memory_space<vmem_shared>>
          %dma_wait3A_924 = tpu.memref_slice %arg17[%dma_wait3A_913] : memref<5x!tpu.dma_semaphore, #tpu.memory_space<semaphore_mem>> -> memref<1x!tpu.dma_semaphore, #tpu.memory_space<semaphore_mem>>
          %dma_wait3A_925 = tpu.memref_squeeze %dma_wait3A_924 : memref<1x!tpu.dma_semaphore, #tpu.memory_space<semaphore_mem>> -> memref<!tpu.dma_semaphore, #tpu.memory_space<semaphore_mem>>
          tpu.wait_indirect_dma semaphore(%dma_wait3A_925 : memref<!tpu.dma_semaphore, #tpu.memory_space<semaphore_mem>>) src(%dma_wait3A_917 : memref<80x64xf32, #tpu.memory_space<vmem>>) dst(%dma_wait3A_923 : memref<10000x64xf32, #tpu.memory_space<vmem_shared>>)
        } else {
        }
        %add3A_895 = arith.constant 5 : i32
        %add3A_896 = arith.addi %add3A_736, %add3A_895 : i32
        %dma_start3A_897 = arith.constant 1 : i32
        %dma_start3A_898 = arith.constant 1 : i32
        %dma_start3A_899 = arith.constant 0 : i32
        %dma_start3A_900 = arith.constant 0 : i32
        %dma_start3A_901 = tpu.memref_slice %arg11[%dma_start3A_897, %dma_start3A_899, %dma_start3A_900] : memref<5x80x64xf32, #tpu.memory_space<vmem>> -> memref<1x80x64xf32, #tpu.memory_space<vmem>>
        %dma_start3A_902 = tpu.memref_squeeze %dma_start3A_901 : memref<1x80x64xf32, #tpu.memory_space<vmem>> -> memref<80x64xf32, #tpu.memory_space<vmem>>
        %dma_start3A_903 = arith.constant 0 : i32
        %dma_start3A_904 = tpu.memref_slice %arg9[%add3A_896, %dma_start3A_903] : memref<250x80xi32, #tpu.memory_space<vmem>> -> memref<1x80xi32, #tpu.memory_space<vmem>>
        %dma_start3A_905 = tpu.memref_squeeze %dma_start3A_904 : memref<1x80xi32, #tpu.memory_space<vmem>> -> memref<80xi32, #tpu.memory_space<vmem>>
        %dma_start3A_906 = arith.constant 0 : i32
        %dma_start3A_907 = arith.constant 0 : i32
        %dma_start3A_908 = tpu.memref_slice %arg4[%dma_start3A_906, %dma_start3A_907] : memref<20000x64xf32, #tpu.memory_space<hbm>> -> memref<20000x64xf32, #tpu.memory_space<hbm>>
        %dma_start3A_909 = tpu.memref_slice %arg16[%dma_start3A_898] : memref<5x!tpu.dma_semaphore, #tpu.memory_space<semaphore_mem>> -> memref<1x!tpu.dma_semaphore, #tpu.memory_space<semaphore_mem>>
        %dma_start3A_910 = tpu.memref_squeeze %dma_start3A_909 : memref<1x!tpu.dma_semaphore, #tpu.memory_space<semaphore_mem>> -> memref<!tpu.dma_semaphore, #tpu.memory_space<semaphore_mem>>
        tpu.enqueue_indirect_dma source(%dma_start3A_908 : memref<20000x64xf32, #tpu.memory_space<hbm>>) target(%dma_start3A_902 : memref<80x64xf32, #tpu.memory_space<vmem>>) offsets(%dma_start3A_905 : memref<80xi32, #tpu.memory_space<vmem>>) semaphore(%dma_start3A_910 : memref<!tpu.dma_semaphore, #tpu.memory_space<semaphore_mem>>)
      } else {
      }
      %mul3A_772 = arith.constant 5 : i32
      %mul3A_773 = arith.muli %scan3A_694, %mul3A_772 : i32
      %add3A_774 = arith.constant 2 : i32
      %add3A_775 = arith.addi %mul3A_773, %add3A_774 : i32
      %dma_wait3A_776 = arith.constant 2 : i32
      %dma_wait3A_777 = arith.constant 2 : i32
      %dma_wait3A_778 = arith.constant 0 : i32
      %dma_wait3A_779 = arith.constant 0 : i32
      %dma_wait3A_780 = tpu.memref_slice %arg11[%dma_wait3A_776, %dma_wait3A_778, %dma_wait3A_779] : memref<5x80x64xf32, #tpu.memory_space<vmem>> -> memref<1x80x64xf32, #tpu.memory_space<vmem>>
      %dma_wait3A_781 = tpu.memref_squeeze %dma_wait3A_780 : memref<1x80x64xf32, #tpu.memory_space<vmem>> -> memref<80x64xf32, #tpu.memory_space<vmem>>
      %dma_wait3A_782 = arith.constant 0 : i32
      %dma_wait3A_783 = tpu.memref_slice %arg9[%add3A_775, %dma_wait3A_782] : memref<250x80xi32, #tpu.memory_space<vmem>> -> memref<1x80xi32, #tpu.memory_space<vmem>>
      %dma_wait3A_784 = tpu.memref_squeeze %dma_wait3A_783 : memref<1x80xi32, #tpu.memory_space<vmem>> -> memref<80xi32, #tpu.memory_space<vmem>>
      %dma_wait3A_785 = arith.constant 0 : i32
      %dma_wait3A_786 = arith.constant 0 : i32
      %dma_wait3A_787 = tpu.memref_slice %arg4[%dma_wait3A_785, %dma_wait3A_786] : memref<20000x64xf32, #tpu.memory_space<hbm>> -> memref<20000x64xf32, #tpu.memory_space<hbm>>
      %dma_wait3A_788 = tpu.memref_slice %arg16[%dma_wait3A_777] : memref<5x!tpu.dma_semaphore, #tpu.memory_space<semaphore_mem>> -> memref<1x!tpu.dma_semaphore, #tpu.memory_space<semaphore_mem>>
      %dma_wait3A_789 = tpu.memref_squeeze %dma_wait3A_788 : memref<1x!tpu.dma_semaphore, #tpu.memory_space<semaphore_mem>> -> memref<!tpu.dma_semaphore, #tpu.memory_space<semaphore_mem>>
      tpu.wait_indirect_dma semaphore(%dma_wait3A_789 : memref<!tpu.dma_semaphore, #tpu.memory_space<semaphore_mem>>) src(%dma_wait3A_787 : memref<20000x64xf32, #tpu.memory_space<hbm>>) dst(%dma_wait3A_781 : memref<80x64xf32, #tpu.memory_space<vmem>>)
      %dma_start3A_790 = arith.constant 2 : i32
      %dma_start3A_791 = arith.constant 2 : i32
      %dma_start3A_792 = arith.constant 0 : i32
      %dma_start3A_793 = arith.constant 0 : i32
      %dma_start3A_794 = tpu.memref_slice %arg11[%dma_start3A_790, %dma_start3A_792, %dma_start3A_793] : memref<5x80x64xf32, #tpu.memory_space<vmem>> -> memref<1x80x64xf32, #tpu.memory_space<vmem>>
      %dma_start3A_795 = tpu.memref_squeeze %dma_start3A_794 : memref<1x80x64xf32, #tpu.memory_space<vmem>> -> memref<80x64xf32, #tpu.memory_space<vmem>>
      %dma_start3A_796 = arith.constant 0 : i32
      %dma_start3A_797 = tpu.memref_slice %arg10[%add3A_775, %dma_start3A_796] : memref<250x80xi32, #tpu.memory_space<vmem>> -> memref<1x80xi32, #tpu.memory_space<vmem>>
      %dma_start3A_798 = tpu.memref_squeeze %dma_start3A_797 : memref<1x80xi32, #tpu.memory_space<vmem>> -> memref<80xi32, #tpu.memory_space<vmem>>
      %dma_start3A_799 = arith.constant 0 : i32
      %dma_start3A_800 = arith.constant 0 : i32
      %dma_start3A_801 = tpu.memref_slice %arg14[%dma_start3A_799, %dma_start3A_800] : memref<10000x64xf32, #tpu.memory_space<vmem_shared>> -> memref<10000x64xf32, #tpu.memory_space<vmem_shared>>
      %dma_start3A_802 = tpu.memref_slice %arg17[%dma_start3A_791] : memref<5x!tpu.dma_semaphore, #tpu.memory_space<semaphore_mem>> -> memref<1x!tpu.dma_semaphore, #tpu.memory_space<semaphore_mem>>
      %dma_start3A_803 = tpu.memref_squeeze %dma_start3A_802 : memref<1x!tpu.dma_semaphore, #tpu.memory_space<semaphore_mem>> -> memref<!tpu.dma_semaphore, #tpu.memory_space<semaphore_mem>>
      tpu.enqueue_indirect_dma source(%dma_start3A_795 : memref<80x64xf32, #tpu.memory_space<vmem>>) target(%dma_start3A_801 : memref<10000x64xf32, #tpu.memory_space<vmem_shared>>) offsets(%dma_start3A_798 : memref<80xi32, #tpu.memory_space<vmem>>) semaphore(%dma_start3A_803 : memref<!tpu.dma_semaphore, #tpu.memory_space<semaphore_mem>>) {add = true}
      %add3A_804 = arith.constant 5 : i32
      %add3A_805 = arith.addi %add3A_775, %add3A_804 : i32
      %lt3A_806 = arith.constant 250 : i32
      %lt3A_807 = arith.cmpi slt, %add3A_805, %lt3A_806 : i32
      %convert_element_type3A_808 = arith.extui %lt3A_807 : i1 to i32
      %cond3A_809 = arith.constant 0 : i32
      %cond3A_810 = arith.cmpi ne, %convert_element_type3A_808, %cond3A_809 : i32
      scf.if %cond3A_810 {
        %add3A_889 = arith.constant 5 : i32
        %add3A_890 = arith.addi %add3A_775, %add3A_889 : i32
        %ge3A = arith.constant 5 : i32
        %ge3A_891 = arith.cmpi sge, %add3A_890, %ge3A : i32
        %convert_element_type3A_892 = arith.extui %ge3A_891 : i1 to i32
        %cond3A_893 = arith.constant 0 : i32
        %cond3A_894 = arith.cmpi ne, %convert_element_type3A_892, %cond3A_893 : i32
        scf.if %cond3A_894 {
          %dma_wait3A_911 = arith.constant 2 : i32
          %dma_wait3A_912 = arith.constant 0 : i32
          %dma_wait3A_913 = arith.constant 2 : i32
          %dma_wait3A_914 = arith.constant 0 : i32
          %dma_wait3A_915 = arith.constant 0 : i32
          %dma_wait3A_916 = tpu.memref_slice %arg11[%dma_wait3A_911, %dma_wait3A_914, %dma_wait3A_915] : memref<5x80x64xf32, #tpu.memory_space<vmem>> -> memref<1x80x64xf32, #tpu.memory_space<vmem>>
          %dma_wait3A_917 = tpu.memref_squeeze %dma_wait3A_916 : memref<1x80x64xf32, #tpu.memory_space<vmem>> -> memref<80x64xf32, #tpu.memory_space<vmem>>
          %dma_wait3A_918 = arith.constant 0 : i32
          %dma_wait3A_919 = tpu.memref_slice %arg10[%dma_wait3A_912, %dma_wait3A_918] : memref<250x80xi32, #tpu.memory_space<vmem>> -> memref<1x80xi32, #tpu.memory_space<vmem>>
          %dma_wait3A_920 = tpu.memref_squeeze %dma_wait3A_919 : memref<1x80xi32, #tpu.memory_space<vmem>> -> memref<80xi32, #tpu.memory_space<vmem>>
          %dma_wait3A_921 = arith.constant 0 : i32
          %dma_wait3A_922 = arith.constant 0 : i32
          %dma_wait3A_923 = tpu.memref_slice %arg14[%dma_wait3A_921, %dma_wait3A_922] : memref<10000x64xf32, #tpu.memory_space<vmem_shared>> -> memref<10000x64xf32, #tpu.memory_space<vmem_shared>>
          %dma_wait3A_924 = tpu.memref_slice %arg17[%dma_wait3A_913] : memref<5x!tpu.dma_semaphore, #tpu.memory_space<semaphore_mem>> -> memref<1x!tpu.dma_semaphore, #tpu.memory_space<semaphore_mem>>
          %dma_wait3A_925 = tpu.memref_squeeze %dma_wait3A_924 : memref<1x!tpu.dma_semaphore, #tpu.memory_space<semaphore_mem>> -> memref<!tpu.dma_semaphore, #tpu.memory_space<semaphore_mem>>
          tpu.wait_indirect_dma semaphore(%dma_wait3A_925 : memref<!tpu.dma_semaphore, #tpu.memory_space<semaphore_mem>>) src(%dma_wait3A_917 : memref<80x64xf32, #tpu.memory_space<vmem>>) dst(%dma_wait3A_923 : memref<10000x64xf32, #tpu.memory_space<vmem_shared>>)
        } else {
        }
        %add3A_895 = arith.constant 5 : i32
        %add3A_896 = arith.addi %add3A_775, %add3A_895 : i32
        %dma_start3A_897 = arith.constant 2 : i32
        %dma_start3A_898 = arith.constant 2 : i32
        %dma_start3A_899 = arith.constant 0 : i32
        %dma_start3A_900 = arith.constant 0 : i32
        %dma_start3A_901 = tpu.memref_slice %arg11[%dma_start3A_897, %dma_start3A_899, %dma_start3A_900] : memref<5x80x64xf32, #tpu.memory_space<vmem>> -> memref<1x80x64xf32, #tpu.memory_space<vmem>>
        %dma_start3A_902 = tpu.memref_squeeze %dma_start3A_901 : memref<1x80x64xf32, #tpu.memory_space<vmem>> -> memref<80x64xf32, #tpu.memory_space<vmem>>
        %dma_start3A_903 = arith.constant 0 : i32
        %dma_start3A_904 = tpu.memref_slice %arg9[%add3A_896, %dma_start3A_903] : memref<250x80xi32, #tpu.memory_space<vmem>> -> memref<1x80xi32, #tpu.memory_space<vmem>>
        %dma_start3A_905 = tpu.memref_squeeze %dma_start3A_904 : memref<1x80xi32, #tpu.memory_space<vmem>> -> memref<80xi32, #tpu.memory_space<vmem>>
        %dma_start3A_906 = arith.constant 0 : i32
        %dma_start3A_907 = arith.constant 0 : i32
        %dma_start3A_908 = tpu.memref_slice %arg4[%dma_start3A_906, %dma_start3A_907] : memref<20000x64xf32, #tpu.memory_space<hbm>> -> memref<20000x64xf32, #tpu.memory_space<hbm>>
        %dma_start3A_909 = tpu.memref_slice %arg16[%dma_start3A_898] : memref<5x!tpu.dma_semaphore, #tpu.memory_space<semaphore_mem>> -> memref<1x!tpu.dma_semaphore, #tpu.memory_space<semaphore_mem>>
        %dma_start3A_910 = tpu.memref_squeeze %dma_start3A_909 : memref<1x!tpu.dma_semaphore, #tpu.memory_space<semaphore_mem>> -> memref<!tpu.dma_semaphore, #tpu.memory_space<semaphore_mem>>
        tpu.enqueue_indirect_dma source(%dma_start3A_908 : memref<20000x64xf32, #tpu.memory_space<hbm>>) target(%dma_start3A_902 : memref<80x64xf32, #tpu.memory_space<vmem>>) offsets(%dma_start3A_905 : memref<80xi32, #tpu.memory_space<vmem>>) semaphore(%dma_start3A_910 : memref<!tpu.dma_semaphore, #tpu.memory_space<semaphore_mem>>)
      } else {
      }
      %mul3A_811 = arith.constant 5 : i32
      %mul3A_812 = arith.muli %scan3A_694, %mul3A_811 : i32
      %add3A_813 = arith.constant 3 : i32
      %add3A_814 = arith.addi %mul3A_812, %add3A_813 : i32
      %dma_wait3A_815 = arith.constant 3 : i32
      %dma_wait3A_816 = arith.constant 3 : i32
      %dma_wait3A_817 = arith.constant 0 : i32
      %dma_wait3A_818 = arith.constant 0 : i32
      %dma_wait3A_819 = tpu.memref_slice %arg11[%dma_wait3A_815, %dma_wait3A_817, %dma_wait3A_818] : memref<5x80x64xf32, #tpu.memory_space<vmem>> -> memref<1x80x64xf32, #tpu.memory_space<vmem>>
      %dma_wait3A_820 = tpu.memref_squeeze %dma_wait3A_819 : memref<1x80x64xf32, #tpu.memory_space<vmem>> -> memref<80x64xf32, #tpu.memory_space<vmem>>
      %dma_wait3A_821 = arith.constant 0 : i32
      %dma_wait3A_822 = tpu.memref_slice %arg9[%add3A_814, %dma_wait3A_821] : memref<250x80xi32, #tpu.memory_space<vmem>> -> memref<1x80xi32, #tpu.memory_space<vmem>>
      %dma_wait3A_823 = tpu.memref_squeeze %dma_wait3A_822 : memref<1x80xi32, #tpu.memory_space<vmem>> -> memref<80xi32, #tpu.memory_space<vmem>>
      %dma_wait3A_824 = arith.constant 0 : i32
      %dma_wait3A_825 = arith.constant 0 : i32
      %dma_wait3A_826 = tpu.memref_slice %arg4[%dma_wait3A_824, %dma_wait3A_825] : memref<20000x64xf32, #tpu.memory_space<hbm>> -> memref<20000x64xf32, #tpu.memory_space<hbm>>
      %dma_wait3A_827 = tpu.memref_slice %arg16[%dma_wait3A_816] : memref<5x!tpu.dma_semaphore, #tpu.memory_space<semaphore_mem>> -> memref<1x!tpu.dma_semaphore, #tpu.memory_space<semaphore_mem>>
      %dma_wait3A_828 = tpu.memref_squeeze %dma_wait3A_827 : memref<1x!tpu.dma_semaphore, #tpu.memory_space<semaphore_mem>> -> memref<!tpu.dma_semaphore, #tpu.memory_space<semaphore_mem>>
      tpu.wait_indirect_dma semaphore(%dma_wait3A_828 : memref<!tpu.dma_semaphore, #tpu.memory_space<semaphore_mem>>) src(%dma_wait3A_826 : memref<20000x64xf32, #tpu.memory_space<hbm>>) dst(%dma_wait3A_820 : memref<80x64xf32, #tpu.memory_space<vmem>>)
      %dma_start3A_829 = arith.constant 3 : i32
      %dma_start3A_830 = arith.constant 3 : i32
      %dma_start3A_831 = arith.constant 0 : i32
      %dma_start3A_832 = arith.constant 0 : i32
      %dma_start3A_833 = tpu.memref_slice %arg11[%dma_start3A_829, %dma_start3A_831, %dma_start3A_832] : memref<5x80x64xf32, #tpu.memory_space<vmem>> -> memref<1x80x64xf32, #tpu.memory_space<vmem>>
      %dma_start3A_834 = tpu.memref_squeeze %dma_start3A_833 : memref<1x80x64xf32, #tpu.memory_space<vmem>> -> memref<80x64xf32, #tpu.memory_space<vmem>>
      %dma_start3A_835 = arith.constant 0 : i32
      %dma_start3A_836 = tpu.memref_slice %arg10[%add3A_814, %dma_start3A_835] : memref<250x80xi32, #tpu.memory_space<vmem>> -> memref<1x80xi32, #tpu.memory_space<vmem>>
      %dma_start3A_837 = tpu.memref_squeeze %dma_start3A_836 : memref<1x80xi32, #tpu.memory_space<vmem>> -> memref<80xi32, #tpu.memory_space<vmem>>
      %dma_start3A_838 = arith.constant 0 : i32
      %dma_start3A_839 = arith.constant 0 : i32
      %dma_start3A_840 = tpu.memref_slice %arg14[%dma_start3A_838, %dma_start3A_839] : memref<10000x64xf32, #tpu.memory_space<vmem_shared>> -> memref<10000x64xf32, #tpu.memory_space<vmem_shared>>
      %dma_start3A_841 = tpu.memref_slice %arg17[%dma_start3A_830] : memref<5x!tpu.dma_semaphore, #tpu.memory_space<semaphore_mem>> -> memref<1x!tpu.dma_semaphore, #tpu.memory_space<semaphore_mem>>
      %dma_start3A_842 = tpu.memref_squeeze %dma_start3A_841 : memref<1x!tpu.dma_semaphore, #tpu.memory_space<semaphore_mem>> -> memref<!tpu.dma_semaphore, #tpu.memory_space<semaphore_mem>>
      tpu.enqueue_indirect_dma source(%dma_start3A_834 : memref<80x64xf32, #tpu.memory_space<vmem>>) target(%dma_start3A_840 : memref<10000x64xf32, #tpu.memory_space<vmem_shared>>) offsets(%dma_start3A_837 : memref<80xi32, #tpu.memory_space<vmem>>) semaphore(%dma_start3A_842 : memref<!tpu.dma_semaphore, #tpu.memory_space<semaphore_mem>>) {add = true}
      %add3A_843 = arith.constant 5 : i32
      %add3A_844 = arith.addi %add3A_814, %add3A_843 : i32
      %lt3A_845 = arith.constant 250 : i32
      %lt3A_846 = arith.cmpi slt, %add3A_844, %lt3A_845 : i32
      %convert_element_type3A_847 = arith.extui %lt3A_846 : i1 to i32
      %cond3A_848 = arith.constant 0 : i32
      %cond3A_849 = arith.cmpi ne, %convert_element_type3A_847, %cond3A_848 : i32
      scf.if %cond3A_849 {
        %add3A_889 = arith.constant 5 : i32
        %add3A_890 = arith.addi %add3A_814, %add3A_889 : i32
        %ge3A = arith.constant 5 : i32
        %ge3A_891 = arith.cmpi sge, %add3A_890, %ge3A : i32
        %convert_element_type3A_892 = arith.extui %ge3A_891 : i1 to i32
        %cond3A_893 = arith.constant 0 : i32
        %cond3A_894 = arith.cmpi ne, %convert_element_type3A_892, %cond3A_893 : i32
        scf.if %cond3A_894 {
          %dma_wait3A_911 = arith.constant 3 : i32
          %dma_wait3A_912 = arith.constant 0 : i32
          %dma_wait3A_913 = arith.constant 3 : i32
          %dma_wait3A_914 = arith.constant 0 : i32
          %dma_wait3A_915 = arith.constant 0 : i32
          %dma_wait3A_916 = tpu.memref_slice %arg11[%dma_wait3A_911, %dma_wait3A_914, %dma_wait3A_915] : memref<5x80x64xf32, #tpu.memory_space<vmem>> -> memref<1x80x64xf32, #tpu.memory_space<vmem>>
          %dma_wait3A_917 = tpu.memref_squeeze %dma_wait3A_916 : memref<1x80x64xf32, #tpu.memory_space<vmem>> -> memref<80x64xf32, #tpu.memory_space<vmem>>
          %dma_wait3A_918 = arith.constant 0 : i32
          %dma_wait3A_919 = tpu.memref_slice %arg10[%dma_wait3A_912, %dma_wait3A_918] : memref<250x80xi32, #tpu.memory_space<vmem>> -> memref<1x80xi32, #tpu.memory_space<vmem>>
          %dma_wait3A_920 = tpu.memref_squeeze %dma_wait3A_919 : memref<1x80xi32, #tpu.memory_space<vmem>> -> memref<80xi32, #tpu.memory_space<vmem>>
          %dma_wait3A_921 = arith.constant 0 : i32
          %dma_wait3A_922 = arith.constant 0 : i32
          %dma_wait3A_923 = tpu.memref_slice %arg14[%dma_wait3A_921, %dma_wait3A_922] : memref<10000x64xf32, #tpu.memory_space<vmem_shared>> -> memref<10000x64xf32, #tpu.memory_space<vmem_shared>>
          %dma_wait3A_924 = tpu.memref_slice %arg17[%dma_wait3A_913] : memref<5x!tpu.dma_semaphore, #tpu.memory_space<semaphore_mem>> -> memref<1x!tpu.dma_semaphore, #tpu.memory_space<semaphore_mem>>
          %dma_wait3A_925 = tpu.memref_squeeze %dma_wait3A_924 : memref<1x!tpu.dma_semaphore, #tpu.memory_space<semaphore_mem>> -> memref<!tpu.dma_semaphore, #tpu.memory_space<semaphore_mem>>
          tpu.wait_indirect_dma semaphore(%dma_wait3A_925 : memref<!tpu.dma_semaphore, #tpu.memory_space<semaphore_mem>>) src(%dma_wait3A_917 : memref<80x64xf32, #tpu.memory_space<vmem>>) dst(%dma_wait3A_923 : memref<10000x64xf32, #tpu.memory_space<vmem_shared>>)
        } else {
        }
        %add3A_895 = arith.constant 5 : i32
        %add3A_896 = arith.addi %add3A_814, %add3A_895 : i32
        %dma_start3A_897 = arith.constant 3 : i32
        %dma_start3A_898 = arith.constant 3 : i32
        %dma_start3A_899 = arith.constant 0 : i32
        %dma_start3A_900 = arith.constant 0 : i32
        %dma_start3A_901 = tpu.memref_slice %arg11[%dma_start3A_897, %dma_start3A_899, %dma_start3A_900] : memref<5x80x64xf32, #tpu.memory_space<vmem>> -> memref<1x80x64xf32, #tpu.memory_space<vmem>>
        %dma_start3A_902 = tpu.memref_squeeze %dma_start3A_901 : memref<1x80x64xf32, #tpu.memory_space<vmem>> -> memref<80x64xf32, #tpu.memory_space<vmem>>
        %dma_start3A_903 = arith.constant 0 : i32
        %dma_start3A_904 = tpu.memref_slice %arg9[%add3A_896, %dma_start3A_903] : memref<250x80xi32, #tpu.memory_space<vmem>> -> memref<1x80xi32, #tpu.memory_space<vmem>>
        %dma_start3A_905 = tpu.memref_squeeze %dma_start3A_904 : memref<1x80xi32, #tpu.memory_space<vmem>> -> memref<80xi32, #tpu.memory_space<vmem>>
        %dma_start3A_906 = arith.constant 0 : i32
        %dma_start3A_907 = arith.constant 0 : i32
        %dma_start3A_908 = tpu.memref_slice %arg4[%dma_start3A_906, %dma_start3A_907] : memref<20000x64xf32, #tpu.memory_space<hbm>> -> memref<20000x64xf32, #tpu.memory_space<hbm>>
        %dma_start3A_909 = tpu.memref_slice %arg16[%dma_start3A_898] : memref<5x!tpu.dma_semaphore, #tpu.memory_space<semaphore_mem>> -> memref<1x!tpu.dma_semaphore, #tpu.memory_space<semaphore_mem>>
        %dma_start3A_910 = tpu.memref_squeeze %dma_start3A_909 : memref<1x!tpu.dma_semaphore, #tpu.memory_space<semaphore_mem>> -> memref<!tpu.dma_semaphore, #tpu.memory_space<semaphore_mem>>
        tpu.enqueue_indirect_dma source(%dma_start3A_908 : memref<20000x64xf32, #tpu.memory_space<hbm>>) target(%dma_start3A_902 : memref<80x64xf32, #tpu.memory_space<vmem>>) offsets(%dma_start3A_905 : memref<80xi32, #tpu.memory_space<vmem>>) semaphore(%dma_start3A_910 : memref<!tpu.dma_semaphore, #tpu.memory_space<semaphore_mem>>)
      } else {
      }
      %mul3A_850 = arith.constant 5 : i32
      %mul3A_851 = arith.muli %scan3A_694, %mul3A_850 : i32
      %add3A_852 = arith.constant 4 : i32
      %add3A_853 = arith.addi %mul3A_851, %add3A_852 : i32
      %dma_wait3A_854 = arith.constant 4 : i32
      %dma_wait3A_855 = arith.constant 4 : i32
      %dma_wait3A_856 = arith.constant 0 : i32
      %dma_wait3A_857 = arith.constant 0 : i32
      %dma_wait3A_858 = tpu.memref_slice %arg11[%dma_wait3A_854, %dma_wait3A_856, %dma_wait3A_857] : memref<5x80x64xf32, #tpu.memory_space<vmem>> -> memref<1x80x64xf32, #tpu.memory_space<vmem>>
      %dma_wait3A_859 = tpu.memref_squeeze %dma_wait3A_858 : memref<1x80x64xf32, #tpu.memory_space<vmem>> -> memref<80x64xf32, #tpu.memory_space<vmem>>
      %dma_wait3A_860 = arith.constant 0 : i32
      %dma_wait3A_861 = tpu.memref_slice %arg9[%add3A_853, %dma_wait3A_860] : memref<250x80xi32, #tpu.memory_space<vmem>> -> memref<1x80xi32, #tpu.memory_space<vmem>>
      %dma_wait3A_862 = tpu.memref_squeeze %dma_wait3A_861 : memref<1x80xi32, #tpu.memory_space<vmem>> -> memref<80xi32, #tpu.memory_space<vmem>>
      %dma_wait3A_863 = arith.constant 0 : i32
      %dma_wait3A_864 = arith.constant 0 : i32
      %dma_wait3A_865 = tpu.memref_slice %arg4[%dma_wait3A_863, %dma_wait3A_864] : memref<20000x64xf32, #tpu.memory_space<hbm>> -> memref<20000x64xf32, #tpu.memory_space<hbm>>
      %dma_wait3A_866 = tpu.memref_slice %arg16[%dma_wait3A_855] : memref<5x!tpu.dma_semaphore, #tpu.memory_space<semaphore_mem>> -> memref<1x!tpu.dma_semaphore, #tpu.memory_space<semaphore_mem>>
      %dma_wait3A_867 = tpu.memref_squeeze %dma_wait3A_866 : memref<1x!tpu.dma_semaphore, #tpu.memory_space<semaphore_mem>> -> memref<!tpu.dma_semaphore, #tpu.memory_space<semaphore_mem>>
      tpu.wait_indirect_dma semaphore(%dma_wait3A_867 : memref<!tpu.dma_semaphore, #tpu.memory_space<semaphore_mem>>) src(%dma_wait3A_865 : memref<20000x64xf32, #tpu.memory_space<hbm>>) dst(%dma_wait3A_859 : memref<80x64xf32, #tpu.memory_space<vmem>>)
      %dma_start3A_868 = arith.constant 4 : i32
      %dma_start3A_869 = arith.constant 4 : i32
      %dma_start3A_870 = arith.constant 0 : i32
      %dma_start3A_871 = arith.constant 0 : i32
      %dma_start3A_872 = tpu.memref_slice %arg11[%dma_start3A_868, %dma_start3A_870, %dma_start3A_871] : memref<5x80x64xf32, #tpu.memory_space<vmem>> -> memref<1x80x64xf32, #tpu.memory_space<vmem>>
      %dma_start3A_873 = tpu.memref_squeeze %dma_start3A_872 : memref<1x80x64xf32, #tpu.memory_space<vmem>> -> memref<80x64xf32, #tpu.memory_space<vmem>>
      %dma_start3A_874 = arith.constant 0 : i32
      %dma_start3A_875 = tpu.memref_slice %arg10[%add3A_853, %dma_start3A_874] : memref<250x80xi32, #tpu.memory_space<vmem>> -> memref<1x80xi32, #tpu.memory_space<vmem>>
      %dma_start3A_876 = tpu.memref_squeeze %dma_start3A_875 : memref<1x80xi32, #tpu.memory_space<vmem>> -> memref<80xi32, #tpu.memory_space<vmem>>
      %dma_start3A_877 = arith.constant 0 : i32
      %dma_start3A_878 = arith.constant 0 : i32
      %dma_start3A_879 = tpu.memref_slice %arg14[%dma_start3A_877, %dma_start3A_878] : memref<10000x64xf32, #tpu.memory_space<vmem_shared>> -> memref<10000x64xf32, #tpu.memory_space<vmem_shared>>
      %dma_start3A_880 = tpu.memref_slice %arg17[%dma_start3A_869] : memref<5x!tpu.dma_semaphore, #tpu.memory_space<semaphore_mem>> -> memref<1x!tpu.dma_semaphore, #tpu.memory_space<semaphore_mem>>
      %dma_start3A_881 = tpu.memref_squeeze %dma_start3A_880 : memref<1x!tpu.dma_semaphore, #tpu.memory_space<semaphore_mem>> -> memref<!tpu.dma_semaphore, #tpu.memory_space<semaphore_mem>>
      tpu.enqueue_indirect_dma source(%dma_start3A_873 : memref<80x64xf32, #tpu.memory_space<vmem>>) target(%dma_start3A_879 : memref<10000x64xf32, #tpu.memory_space<vmem_shared>>) offsets(%dma_start3A_876 : memref<80xi32, #tpu.memory_space<vmem>>) semaphore(%dma_start3A_881 : memref<!tpu.dma_semaphore, #tpu.memory_space<semaphore_mem>>) {add = true}
      %add3A_882 = arith.constant 5 : i32
      %add3A_883 = arith.addi %add3A_853, %add3A_882 : i32
      %lt3A_884 = arith.constant 250 : i32
      %lt3A_885 = arith.cmpi slt, %add3A_883, %lt3A_884 : i32
      %convert_element_type3A_886 = arith.extui %lt3A_885 : i1 to i32
      %cond3A_887 = arith.constant 0 : i32
      %cond3A_888 = arith.cmpi ne, %convert_element_type3A_886, %cond3A_887 : i32
      scf.if %cond3A_888 {
        %add3A_889 = arith.constant 5 : i32
        %add3A_890 = arith.addi %add3A_853, %add3A_889 : i32
        %ge3A = arith.constant 5 : i32
        %ge3A_891 = arith.cmpi sge, %add3A_890, %ge3A : i32
        %convert_element_type3A_892 = arith.extui %ge3A_891 : i1 to i32
        %cond3A_893 = arith.constant 0 : i32
        %cond3A_894 = arith.cmpi ne, %convert_element_type3A_892, %cond3A_893 : i32
        scf.if %cond3A_894 {
          %dma_wait3A_911 = arith.constant 4 : i32
          %dma_wait3A_912 = arith.constant 0 : i32
          %dma_wait3A_913 = arith.constant 4 : i32
          %dma_wait3A_914 = arith.constant 0 : i32
          %dma_wait3A_915 = arith.constant 0 : i32
          %dma_wait3A_916 = tpu.memref_slice %arg11[%dma_wait3A_911, %dma_wait3A_914, %dma_wait3A_915] : memref<5x80x64xf32, #tpu.memory_space<vmem>> -> memref<1x80x64xf32, #tpu.memory_space<vmem>>
          %dma_wait3A_917 = tpu.memref_squeeze %dma_wait3A_916 : memref<1x80x64xf32, #tpu.memory_space<vmem>> -> memref<80x64xf32, #tpu.memory_space<vmem>>
          %dma_wait3A_918 = arith.constant 0 : i32
          %dma_wait3A_919 = tpu.memref_slice %arg10[%dma_wait3A_912, %dma_wait3A_918] : memref<250x80xi32, #tpu.memory_space<vmem>> -> memref<1x80xi32, #tpu.memory_space<vmem>>
          %dma_wait3A_920 = tpu.memref_squeeze %dma_wait3A_919 : memref<1x80xi32, #tpu.memory_space<vmem>> -> memref<80xi32, #tpu.memory_space<vmem>>
          %dma_wait3A_921 = arith.constant 0 : i32
          %dma_wait3A_922 = arith.constant 0 : i32
          %dma_wait3A_923 = tpu.memref_slice %arg14[%dma_wait3A_921, %dma_wait3A_922] : memref<10000x64xf32, #tpu.memory_space<vmem_shared>> -> memref<10000x64xf32, #tpu.memory_space<vmem_shared>>
          %dma_wait3A_924 = tpu.memref_slice %arg17[%dma_wait3A_913] : memref<5x!tpu.dma_semaphore, #tpu.memory_space<semaphore_mem>> -> memref<1x!tpu.dma_semaphore, #tpu.memory_space<semaphore_mem>>
          %dma_wait3A_925 = tpu.memref_squeeze %dma_wait3A_924 : memref<1x!tpu.dma_semaphore, #tpu.memory_space<semaphore_mem>> -> memref<!tpu.dma_semaphore, #tpu.memory_space<semaphore_mem>>
          tpu.wait_indirect_dma semaphore(%dma_wait3A_925 : memref<!tpu.dma_semaphore, #tpu.memory_space<semaphore_mem>>) src(%dma_wait3A_917 : memref<80x64xf32, #tpu.memory_space<vmem>>) dst(%dma_wait3A_923 : memref<10000x64xf32, #tpu.memory_space<vmem_shared>>)
        } else {
        }
        %add3A_895 = arith.constant 5 : i32
        %add3A_896 = arith.addi %add3A_853, %add3A_895 : i32
        %dma_start3A_897 = arith.constant 4 : i32
        %dma_start3A_898 = arith.constant 4 : i32
        %dma_start3A_899 = arith.constant 0 : i32
        %dma_start3A_900 = arith.constant 0 : i32
        %dma_start3A_901 = tpu.memref_slice %arg11[%dma_start3A_897, %dma_start3A_899, %dma_start3A_900] : memref<5x80x64xf32, #tpu.memory_space<vmem>> -> memref<1x80x64xf32, #tpu.memory_space<vmem>>
        %dma_start3A_902 = tpu.memref_squeeze %dma_start3A_901 : memref<1x80x64xf32, #tpu.memory_space<vmem>> -> memref<80x64xf32, #tpu.memory_space<vmem>>
        %dma_start3A_903 = arith.constant 0 : i32
        %dma_start3A_904 = tpu.memref_slice %arg9[%add3A_896, %dma_start3A_903] : memref<250x80xi32, #tpu.memory_space<vmem>> -> memref<1x80xi32, #tpu.memory_space<vmem>>
        %dma_start3A_905 = tpu.memref_squeeze %dma_start3A_904 : memref<1x80xi32, #tpu.memory_space<vmem>> -> memref<80xi32, #tpu.memory_space<vmem>>
        %dma_start3A_906 = arith.constant 0 : i32
        %dma_start3A_907 = arith.constant 0 : i32
        %dma_start3A_908 = tpu.memref_slice %arg4[%dma_start3A_906, %dma_start3A_907] : memref<20000x64xf32, #tpu.memory_space<hbm>> -> memref<20000x64xf32, #tpu.memory_space<hbm>>
        %dma_start3A_909 = tpu.memref_slice %arg16[%dma_start3A_898] : memref<5x!tpu.dma_semaphore, #tpu.memory_space<semaphore_mem>> -> memref<1x!tpu.dma_semaphore, #tpu.memory_space<semaphore_mem>>
        %dma_start3A_910 = tpu.memref_squeeze %dma_start3A_909 : memref<1x!tpu.dma_semaphore, #tpu.memory_space<semaphore_mem>> -> memref<!tpu.dma_semaphore, #tpu.memory_space<semaphore_mem>>
        tpu.enqueue_indirect_dma source(%dma_start3A_908 : memref<20000x64xf32, #tpu.memory_space<hbm>>) target(%dma_start3A_902 : memref<80x64xf32, #tpu.memory_space<vmem>>) offsets(%dma_start3A_905 : memref<80xi32, #tpu.memory_space<vmem>>) semaphore(%dma_start3A_910 : memref<!tpu.dma_semaphore, #tpu.memory_space<semaphore_mem>>)
      } else {
      }
    }
    %scan3A_605 = arith.constant 50 : i32
    %dma_wait3A_606 = arith.constant 0 : i32
    %dma_wait3A_607 = arith.constant 0 : i32
    %dma_wait3A_608 = arith.constant 0 : i32
    %dma_wait3A_609 = arith.constant 0 : i32
    %dma_wait3A_610 = arith.constant 0 : i32
    %dma_wait3A_611 = tpu.memref_slice %arg11[%dma_wait3A_606, %dma_wait3A_609, %dma_wait3A_610] : memref<5x80x64xf32, #tpu.memory_space<vmem>> -> memref<1x80x64xf32, #tpu.memory_space<vmem>>
    %dma_wait3A_612 = tpu.memref_squeeze %dma_wait3A_611 : memref<1x80x64xf32, #tpu.memory_space<vmem>> -> memref<80x64xf32, #tpu.memory_space<vmem>>
    %dma_wait3A_613 = arith.constant 0 : i32
    %dma_wait3A_614 = tpu.memref_slice %arg10[%dma_wait3A_607, %dma_wait3A_613] : memref<250x80xi32, #tpu.memory_space<vmem>> -> memref<1x80xi32, #tpu.memory_space<vmem>>
    %dma_wait3A_615 = tpu.memref_squeeze %dma_wait3A_614 : memref<1x80xi32, #tpu.memory_space<vmem>> -> memref<80xi32, #tpu.memory_space<vmem>>
    %dma_wait3A_616 = arith.constant 0 : i32
    %dma_wait3A_617 = arith.constant 0 : i32
    %dma_wait3A_618 = tpu.memref_slice %arg14[%dma_wait3A_616, %dma_wait3A_617] : memref<10000x64xf32, #tpu.memory_space<vmem_shared>> -> memref<10000x64xf32, #tpu.memory_space<vmem_shared>>
    %dma_wait3A_619 = tpu.memref_slice %arg17[%dma_wait3A_608] : memref<5x!tpu.dma_semaphore, #tpu.memory_space<semaphore_mem>> -> memref<1x!tpu.dma_semaphore, #tpu.memory_space<semaphore_mem>>
    %dma_wait3A_620 = tpu.memref_squeeze %dma_wait3A_619 : memref<1x!tpu.dma_semaphore, #tpu.memory_space<semaphore_mem>> -> memref<!tpu.dma_semaphore, #tpu.memory_space<semaphore_mem>>
    tpu.wait_indirect_dma semaphore(%dma_wait3A_620 : memref<!tpu.dma_semaphore, #tpu.memory_space<semaphore_mem>>) src(%dma_wait3A_612 : memref<80x64xf32, #tpu.memory_space<vmem>>) dst(%dma_wait3A_618 : memref<10000x64xf32, #tpu.memory_space<vmem_shared>>)
    %dma_wait3A_621 = arith.constant 1 : i32
    %dma_wait3A_622 = arith.constant 0 : i32
    %dma_wait3A_623 = arith.constant 1 : i32
    %dma_wait3A_624 = arith.constant 0 : i32
    %dma_wait3A_625 = arith.constant 0 : i32
    %dma_wait3A_626 = tpu.memref_slice %arg11[%dma_wait3A_621, %dma_wait3A_624, %dma_wait3A_625] : memref<5x80x64xf32, #tpu.memory_space<vmem>> -> memref<1x80x64xf32, #tpu.memory_space<vmem>>
    %dma_wait3A_627 = tpu.memref_squeeze %dma_wait3A_626 : memref<1x80x64xf32, #tpu.memory_space<vmem>> -> memref<80x64xf32, #tpu.memory_space<vmem>>
    %dma_wait3A_628 = arith.constant 0 : i32
    %dma_wait3A_629 = tpu.memref_slice %arg10[%dma_wait3A_622, %dma_wait3A_628] : memref<250x80xi32, #tpu.memory_space<vmem>> -> memref<1x80xi32, #tpu.memory_space<vmem>>
    %dma_wait3A_630 = tpu.memref_squeeze %dma_wait3A_629 : memref<1x80xi32, #tpu.memory_space<vmem>> -> memref<80xi32, #tpu.memory_space<vmem>>
    %dma_wait3A_631 = arith.constant 0 : i32
    %dma_wait3A_632 = arith.constant 0 : i32
    %dma_wait3A_633 = tpu.memref_slice %arg14[%dma_wait3A_631, %dma_wait3A_632] : memref<10000x64xf32, #tpu.memory_space<vmem_shared>> -> memref<10000x64xf32, #tpu.memory_space<vmem_shared>>
    %dma_wait3A_634 = tpu.memref_slice %arg17[%dma_wait3A_623] : memref<5x!tpu.dma_semaphore, #tpu.memory_space<semaphore_mem>> -> memref<1x!tpu.dma_semaphore, #tpu.memory_space<semaphore_mem>>
    %dma_wait3A_635 = tpu.memref_squeeze %dma_wait3A_634 : memref<1x!tpu.dma_semaphore, #tpu.memory_space<semaphore_mem>> -> memref<!tpu.dma_semaphore, #tpu.memory_space<semaphore_mem>>
    tpu.wait_indirect_dma semaphore(%dma_wait3A_635 : memref<!tpu.dma_semaphore, #tpu.memory_space<semaphore_mem>>) src(%dma_wait3A_627 : memref<80x64xf32, #tpu.memory_space<vmem>>) dst(%dma_wait3A_633 : memref<10000x64xf32, #tpu.memory_space<vmem_shared>>)
    %dma_wait3A_636 = arith.constant 2 : i32
    %dma_wait3A_637 = arith.constant 0 : i32
    %dma_wait3A_638 = arith.constant 2 : i32
    %dma_wait3A_639 = arith.constant 0 : i32
    %dma_wait3A_640 = arith.constant 0 : i32
    %dma_wait3A_641 = tpu.memref_slice %arg11[%dma_wait3A_636, %dma_wait3A_639, %dma_wait3A_640] : memref<5x80x64xf32, #tpu.memory_space<vmem>> -> memref<1x80x64xf32, #tpu.memory_space<vmem>>
    %dma_wait3A_642 = tpu.memref_squeeze %dma_wait3A_641 : memref<1x80x64xf32, #tpu.memory_space<vmem>> -> memref<80x64xf32, #tpu.memory_space<vmem>>
    %dma_wait3A_643 = arith.constant 0 : i32
    %dma_wait3A_644 = tpu.memref_slice %arg10[%dma_wait3A_637, %dma_wait3A_643] : memref<250x80xi32, #tpu.memory_space<vmem>> -> memref<1x80xi32, #tpu.memory_space<vmem>>
    %dma_wait3A_645 = tpu.memref_squeeze %dma_wait3A_644 : memref<1x80xi32, #tpu.memory_space<vmem>> -> memref<80xi32, #tpu.memory_space<vmem>>
    %dma_wait3A_646 = arith.constant 0 : i32
    %dma_wait3A_647 = arith.constant 0 : i32
    %dma_wait3A_648 = tpu.memref_slice %arg14[%dma_wait3A_646, %dma_wait3A_647] : memref<10000x64xf32, #tpu.memory_space<vmem_shared>> -> memref<10000x64xf32, #tpu.memory_space<vmem_shared>>
    %dma_wait3A_649 = tpu.memref_slice %arg17[%dma_wait3A_638] : memref<5x!tpu.dma_semaphore, #tpu.memory_space<semaphore_mem>> -> memref<1x!tpu.dma_semaphore, #tpu.memory_space<semaphore_mem>>
    %dma_wait3A_650 = tpu.memref_squeeze %dma_wait3A_649 : memref<1x!tpu.dma_semaphore, #tpu.memory_space<semaphore_mem>> -> memref<!tpu.dma_semaphore, #tpu.memory_space<semaphore_mem>>
    tpu.wait_indirect_dma semaphore(%dma_wait3A_650 : memref<!tpu.dma_semaphore, #tpu.memory_space<semaphore_mem>>) src(%dma_wait3A_642 : memref<80x64xf32, #tpu.memory_space<vmem>>) dst(%dma_wait3A_648 : memref<10000x64xf32, #tpu.memory_space<vmem_shared>>)
    %dma_wait3A_651 = arith.constant 3 : i32
    %dma_wait3A_652 = arith.constant 0 : i32
    %dma_wait3A_653 = arith.constant 3 : i32
    %dma_wait3A_654 = arith.constant 0 : i32
    %dma_wait3A_655 = arith.constant 0 : i32
    %dma_wait3A_656 = tpu.memref_slice %arg11[%dma_wait3A_651, %dma_wait3A_654, %dma_wait3A_655] : memref<5x80x64xf32, #tpu.memory_space<vmem>> -> memref<1x80x64xf32, #tpu.memory_space<vmem>>
    %dma_wait3A_657 = tpu.memref_squeeze %dma_wait3A_656 : memref<1x80x64xf32, #tpu.memory_space<vmem>> -> memref<80x64xf32, #tpu.memory_space<vmem>>
    %dma_wait3A_658 = arith.constant 0 : i32
    %dma_wait3A_659 = tpu.memref_slice %arg10[%dma_wait3A_652, %dma_wait3A_658] : memref<250x80xi32, #tpu.memory_space<vmem>> -> memref<1x80xi32, #tpu.memory_space<vmem>>
    %dma_wait3A_660 = tpu.memref_squeeze %dma_wait3A_659 : memref<1x80xi32, #tpu.memory_space<vmem>> -> memref<80xi32, #tpu.memory_space<vmem>>
    %dma_wait3A_661 = arith.constant 0 : i32
    %dma_wait3A_662 = arith.constant 0 : i32
    %dma_wait3A_663 = tpu.memref_slice %arg14[%dma_wait3A_661, %dma_wait3A_662] : memref<10000x64xf32, #tpu.memory_space<vmem_shared>> -> memref<10000x64xf32, #tpu.memory_space<vmem_shared>>
    %dma_wait3A_664 = tpu.memref_slice %arg17[%dma_wait3A_653] : memref<5x!tpu.dma_semaphore, #tpu.memory_space<semaphore_mem>> -> memref<1x!tpu.dma_semaphore, #tpu.memory_space<semaphore_mem>>
    %dma_wait3A_665 = tpu.memref_squeeze %dma_wait3A_664 : memref<1x!tpu.dma_semaphore, #tpu.memory_space<semaphore_mem>> -> memref<!tpu.dma_semaphore, #tpu.memory_space<semaphore_mem>>
    tpu.wait_indirect_dma semaphore(%dma_wait3A_665 : memref<!tpu.dma_semaphore, #tpu.memory_space<semaphore_mem>>) src(%dma_wait3A_657 : memref<80x64xf32, #tpu.memory_space<vmem>>) dst(%dma_wait3A_663 : memref<10000x64xf32, #tpu.memory_space<vmem_shared>>)
    %dma_wait3A_666 = arith.constant 4 : i32
    %dma_wait3A_667 = arith.constant 0 : i32
    %dma_wait3A_668 = arith.constant 4 : i32
    %dma_wait3A_669 = arith.constant 0 : i32
    %dma_wait3A_670 = arith.constant 0 : i32
    %dma_wait3A_671 = tpu.memref_slice %arg11[%dma_wait3A_666, %dma_wait3A_669, %dma_wait3A_670] : memref<5x80x64xf32, #tpu.memory_space<vmem>> -> memref<1x80x64xf32, #tpu.memory_space<vmem>>
    %dma_wait3A_672 = tpu.memref_squeeze %dma_wait3A_671 : memref<1x80x64xf32, #tpu.memory_space<vmem>> -> memref<80x64xf32, #tpu.memory_space<vmem>>
    %dma_wait3A_673 = arith.constant 0 : i32
    %dma_wait3A_674 = tpu.memref_slice %arg10[%dma_wait3A_667, %dma_wait3A_673] : memref<250x80xi32, #tpu.memory_space<vmem>> -> memref<1x80xi32, #tpu.memory_space<vmem>>
    %dma_wait3A_675 = tpu.memref_squeeze %dma_wait3A_674 : memref<1x80xi32, #tpu.memory_space<vmem>> -> memref<80xi32, #tpu.memory_space<vmem>>
    %dma_wait3A_676 = arith.constant 0 : i32
    %dma_wait3A_677 = arith.constant 0 : i32
    %dma_wait3A_678 = tpu.memref_slice %arg14[%dma_wait3A_676, %dma_wait3A_677] : memref<10000x64xf32, #tpu.memory_space<vmem_shared>> -> memref<10000x64xf32, #tpu.memory_space<vmem_shared>>
    %dma_wait3A_679 = tpu.memref_slice %arg17[%dma_wait3A_668] : memref<5x!tpu.dma_semaphore, #tpu.memory_space<semaphore_mem>> -> memref<1x!tpu.dma_semaphore, #tpu.memory_space<semaphore_mem>>
    %dma_wait3A_680 = tpu.memref_squeeze %dma_wait3A_679 : memref<1x!tpu.dma_semaphore, #tpu.memory_space<semaphore_mem>> -> memref<!tpu.dma_semaphore, #tpu.memory_space<semaphore_mem>>
    tpu.wait_indirect_dma semaphore(%dma_wait3A_680 : memref<!tpu.dma_semaphore, #tpu.memory_space<semaphore_mem>>) src(%dma_wait3A_672 : memref<80x64xf32, #tpu.memory_space<vmem>>) dst(%dma_wait3A_678 : memref<10000x64xf32, #tpu.memory_space<vmem_shared>>)
    %barrier3A_681 = arith.constant 0 : index
    tpu.barrier barrier_id(%barrier3A_681)
    %mul3A_682 = arith.constant 624 : i32
    %mul3A_683 = arith.muli %arg1, %mul3A_682 : i32
    %mul3A_684 = arith.constant 10000 : i32
    %mul3A_685 = arith.muli %arg0, %mul3A_684 : i32
    %mul3A_686 = arith.constant 624 : i32
    %mul3A_687 = arith.muli %arg1, %mul3A_686 : i32
    %add3A_688 = arith.addi %mul3A_685, %mul3A_687 : i32
    "tpu.region"() ({
      %run_scoped3A = tpu.sem_alloc : memref<!tpu.dma_semaphore, #tpu.memory_space<semaphore_mem>>
      %dma_start3A_694 = arith.constant 0 : i32
      %dma_start3A_695 = tpu.memref_slice %arg7[%add3A_688, %dma_start3A_694] : memref<20000x64xf32, #tpu.memory_space<hbm>> -> memref<624x64xf32, #tpu.memory_space<hbm>>
      %dma_start3A_696 = arith.constant 0 : i32
      %dma_start3A_697 = tpu.memref_slice %arg14[%mul3A_683, %dma_start3A_696] : memref<10000x64xf32, #tpu.memory_space<vmem_shared>> -> memref<624x64xf32, #tpu.memory_space<vmem_shared>>
      tpu.enqueue_dma source(%dma_start3A_697 : memref<624x64xf32, #tpu.memory_space<vmem_shared>>) target(%dma_start3A_695 : memref<624x64xf32, #tpu.memory_space<hbm>>) target_semaphore(%run_scoped3A : memref<!tpu.dma_semaphore, #tpu.memory_space<semaphore_mem>>)
      %dma_wait3A_698 = arith.constant 0 : i32
      %dma_wait3A_699 = tpu.memref_slice %arg7[%add3A_688, %dma_wait3A_698] : memref<20000x64xf32, #tpu.memory_space<hbm>> -> memref<624x64xf32, #tpu.memory_space<hbm>>
      %dma_wait3A_700 = arith.constant 0 : i32
      %dma_wait3A_701 = tpu.memref_slice %arg14[%mul3A_683, %dma_wait3A_700] : memref<10000x64xf32, #tpu.memory_space<vmem_shared>> -> memref<624x64xf32, #tpu.memory_space<vmem_shared>>
      tpu.wait_dma2 semaphore(%run_scoped3A : memref<!tpu.dma_semaphore, #tpu.memory_space<semaphore_mem>>) src(%dma_wait3A_701 : memref<624x64xf32, #tpu.memory_space<vmem_shared>>) dst(%dma_wait3A_699 : memref<624x64xf32, #tpu.memory_space<hbm>>)
      tpu.yield
    }) : () -> ()
    %eq3A_689 = arith.constant 15 : i32
    %eq3A_690 = arith.cmpi eq, %arg1, %eq3A_689 : i32
    %convert_element_type3A_691 = arith.extui %eq3A_690 : i1 to i32
    %cond3A_692 = arith.constant 0 : i32
    %cond3A_693 = arith.cmpi ne, %convert_element_type3A_691, %cond3A_692 : i32
    scf.if %cond3A_693 {
      %mul3A_694 = arith.constant 10000 : i32
      %mul3A_695 = arith.muli %arg0, %mul3A_694 : i32
      %add3A_696 = arith.constant 9984 : i32
      %add3A_697 = arith.addi %mul3A_695, %add3A_696 : i32
      "tpu.region"() ({
        %run_scoped3A = tpu.sem_alloc : memref<!tpu.dma_semaphore, #tpu.memory_space<semaphore_mem>>
        %dma_start3A_698 = arith.constant 0 : i32
        %dma_start3A_699 = tpu.memref_slice %arg7[%add3A_697, %dma_start3A_698] : memref<20000x64xf32, #tpu.memory_space<hbm>> -> memref<16x64xf32, #tpu.memory_space<hbm>>
        %dma_start3A_700 = arith.constant 9984 : i32
        %dma_start3A_701 = arith.constant 0 : i32
        %dma_start3A_702 = tpu.memref_slice %arg14[%dma_start3A_700, %dma_start3A_701] : memref<10000x64xf32, #tpu.memory_space<vmem_shared>> -> memref<16x64xf32, #tpu.memory_space<vmem_shared>>
        tpu.enqueue_dma source(%dma_start3A_702 : memref<16x64xf32, #tpu.memory_space<vmem_shared>>) target(%dma_start3A_699 : memref<16x64xf32, #tpu.memory_space<hbm>>) target_semaphore(%run_scoped3A : memref<!tpu.dma_semaphore, #tpu.memory_space<semaphore_mem>>)
        %dma_wait3A_703 = arith.constant 0 : i32
        %dma_wait3A_704 = tpu.memref_slice %arg7[%add3A_697, %dma_wait3A_703] : memref<20000x64xf32, #tpu.memory_space<hbm>> -> memref<16x64xf32, #tpu.memory_space<hbm>>
        %dma_wait3A_705 = arith.constant 9984 : i32
        %dma_wait3A_706 = arith.constant 0 : i32
        %dma_wait3A_707 = tpu.memref_slice %arg14[%dma_wait3A_705, %dma_wait3A_706] : memref<10000x64xf32, #tpu.memory_space<vmem_shared>> -> memref<16x64xf32, #tpu.memory_space<vmem_shared>>
        tpu.wait_dma2 semaphore(%run_scoped3A : memref<!tpu.dma_semaphore, #tpu.memory_space<semaphore_mem>>) src(%dma_wait3A_707 : memref<16x64xf32, #tpu.memory_space<vmem_shared>>) dst(%dma_wait3A_704 : memref<16x64xf32, #tpu.memory_space<hbm>>)
        tpu.yield
      }) : () -> ()
    } else {
    }
    return
  }
}

#map = affine_map<(d0, d1) -> (0, 0, 0, 0)>
#map1 = affine_map<(d0, d1) -> (0, 0)>
module attributes {stable_mosaic.version = 14 : i64} {
  func.func @_sc_propagate_l2(%arg0: i32, %arg1: i32, %arg2: memref<2x16x250x80xi32, #tpu.memory_space<hbm>>, %arg3: memref<2x16x250x80xi32, #tpu.memory_space<hbm>>, %arg4: memref<20000x64xf32, #tpu.memory_space<hbm>>, %arg5: memref<10000x64xf32, #tpu.memory_space<hbm>>, %arg6: memref<20000x64xf32, #tpu.memory_space<hbm>>, %arg7: memref<250x80xi32, #tpu.memory_space<vmem>>, %arg8: memref<250x80xi32, #tpu.memory_space<vmem>>, %arg9: memref<5x80x64xf32, #tpu.memory_space<vmem>>, %arg10: memref<10000x64xf32, #tpu.memory_space<vmem_shared>>, %arg11: memref<5x!tpu.dma_semaphore, #tpu.memory_space<semaphore_mem>>, %arg12: memref<5x!tpu.dma_semaphore, #tpu.memory_space<semaphore_mem>>) attributes {dimension_semantics = [#tpu.dimension_semantics<core_parallel>, #tpu.dimension_semantics<subcore_parallel>], iteration_bounds = array<i64: 2, 16>, scalar_prefetch = 0 : i64, scratch_operands = 6 : i64, tpu.core_type = #tpu.core_type<sc_vector_subcore>, window_params = [{transform_indices = #map}, {transform_indices = #map}, {transform_indices = #map1}, {transform_indices = #map1}, {transform_indices = #map1}]} {
    %mul3A = arith.constant 624 : i32
    %mul3A_0 = arith.muli %arg1, %mul3A : i32
    %mul3A_1 = arith.constant 624 : i32
    %mul3A_2 = arith.muli %arg1, %mul3A_1 : i32
    "tpu.region"() ({
      %run_scoped3A = tpu.sem_alloc : memref<!tpu.dma_semaphore, #tpu.memory_space<semaphore_mem>>
      %dma_start3A_186 = arith.constant 0 : i32
      %dma_start3A_187 = tpu.memref_slice %arg10[%mul3A_2, %dma_start3A_186] : memref<10000x64xf32, #tpu.memory_space<vmem_shared>> -> memref<624x64xf32, #tpu.memory_space<vmem_shared>>
      %dma_start3A_188 = arith.constant 0 : i32
      %dma_start3A_189 = tpu.memref_slice %arg5[%mul3A_0, %dma_start3A_188] : memref<10000x64xf32, #tpu.memory_space<hbm>> -> memref<624x64xf32, #tpu.memory_space<hbm>>
      tpu.enqueue_dma source(%dma_start3A_189 : memref<624x64xf32, #tpu.memory_space<hbm>>) target(%dma_start3A_187 : memref<624x64xf32, #tpu.memory_space<vmem_shared>>) target_semaphore(%run_scoped3A : memref<!tpu.dma_semaphore, #tpu.memory_space<semaphore_mem>>)
      %dma_wait3A_190 = arith.constant 0 : i32
      %dma_wait3A_191 = tpu.memref_slice %arg10[%mul3A_2, %dma_wait3A_190] : memref<10000x64xf32, #tpu.memory_space<vmem_shared>> -> memref<624x64xf32, #tpu.memory_space<vmem_shared>>
      %dma_wait3A_192 = arith.constant 0 : i32
      %dma_wait3A_193 = tpu.memref_slice %arg5[%mul3A_0, %dma_wait3A_192] : memref<10000x64xf32, #tpu.memory_space<hbm>> -> memref<624x64xf32, #tpu.memory_space<hbm>>
      tpu.wait_dma2 semaphore(%run_scoped3A : memref<!tpu.dma_semaphore, #tpu.memory_space<semaphore_mem>>) src(%dma_wait3A_193 : memref<624x64xf32, #tpu.memory_space<hbm>>) dst(%dma_wait3A_191 : memref<624x64xf32, #tpu.memory_space<vmem_shared>>)
      tpu.yield
    }) : () -> ()
    %eq3A = arith.constant 15 : i32
    %eq3A_3 = arith.cmpi eq, %arg1, %eq3A : i32
    %convert_element_type3A = arith.extui %eq3A_3 : i1 to i32
    %cond3A = arith.constant 0 : i32
    %cond3A_4 = arith.cmpi ne, %convert_element_type3A, %cond3A : i32
    scf.if %cond3A_4 {
      "tpu.region"() ({
        %run_scoped3A = tpu.sem_alloc : memref<!tpu.dma_semaphore, #tpu.memory_space<semaphore_mem>>
        %dma_start3A_186 = arith.constant 9984 : i32
        %dma_start3A_187 = arith.constant 0 : i32
        %dma_start3A_188 = tpu.memref_slice %arg10[%dma_start3A_186, %dma_start3A_187] : memref<10000x64xf32, #tpu.memory_space<vmem_shared>> -> memref<16x64xf32, #tpu.memory_space<vmem_shared>>
        %dma_start3A_189 = arith.constant 9984 : i32
        %dma_start3A_190 = arith.constant 0 : i32
        %dma_start3A_191 = tpu.memref_slice %arg5[%dma_start3A_189, %dma_start3A_190] : memref<10000x64xf32, #tpu.memory_space<hbm>> -> memref<16x64xf32, #tpu.memory_space<hbm>>
        tpu.enqueue_dma source(%dma_start3A_191 : memref<16x64xf32, #tpu.memory_space<hbm>>) target(%dma_start3A_188 : memref<16x64xf32, #tpu.memory_space<vmem_shared>>) target_semaphore(%run_scoped3A : memref<!tpu.dma_semaphore, #tpu.memory_space<semaphore_mem>>)
        %dma_wait3A_192 = arith.constant 9984 : i32
        %dma_wait3A_193 = arith.constant 0 : i32
        %dma_wait3A_194 = tpu.memref_slice %arg10[%dma_wait3A_192, %dma_wait3A_193] : memref<10000x64xf32, #tpu.memory_space<vmem_shared>> -> memref<16x64xf32, #tpu.memory_space<vmem_shared>>
        %dma_wait3A_195 = arith.constant 9984 : i32
        %dma_wait3A_196 = arith.constant 0 : i32
        %dma_wait3A_197 = tpu.memref_slice %arg5[%dma_wait3A_195, %dma_wait3A_196] : memref<10000x64xf32, #tpu.memory_space<hbm>> -> memref<16x64xf32, #tpu.memory_space<hbm>>
        tpu.wait_dma2 semaphore(%run_scoped3A : memref<!tpu.dma_semaphore, #tpu.memory_space<semaphore_mem>>) src(%dma_wait3A_197 : memref<16x64xf32, #tpu.memory_space<hbm>>) dst(%dma_wait3A_194 : memref<16x64xf32, #tpu.memory_space<vmem_shared>>)
        tpu.yield
      }) : () -> ()
    } else {
    }
    %eq3A_5 = arith.constant 0 : i32
    %eq3A_6 = arith.cmpi eq, %arg0, %eq3A_5 : i32
    %convert_element_type3A_7 = arith.extui %eq3A_6 : i1 to i32
    %cond3A_8 = arith.constant 0 : i32
    %cond3A_9 = arith.cmpi ne, %convert_element_type3A_7, %cond3A_8 : i32
    scf.if %cond3A_9 {
      %run_scoped3A = arith.constant 0 : i32
      "tpu.region"() ({
        %run_scoped3A_187 = tpu.sem_alloc : memref<!tpu.dma_semaphore, #tpu.memory_space<semaphore_mem>>
        %dma_start3A_188 = arith.constant 0 : i32
        %dma_start3A_189 = arith.constant 0 : i32
        %dma_start3A_190 = arith.constant 0 : i32
        %dma_start3A_191 = tpu.memref_slice %arg2[%run_scoped3A, %dma_start3A_188, %dma_start3A_189, %dma_start3A_190] : memref<2x16x250x80xi32, #tpu.memory_space<hbm>> -> memref<1x16x250x80xi32, #tpu.memory_space<hbm>>
        %dma_start3A_192 = tpu.memref_squeeze %dma_start3A_191 : memref<1x16x250x80xi32, #tpu.memory_space<hbm>> -> memref<16x250x80xi32, #tpu.memory_space<hbm>>
        %dma_start3A_193 = arith.constant 0 : i32
        %dma_start3A_194 = arith.constant 0 : i32
        %dma_start3A_195 = tpu.memref_slice %dma_start3A_192[%arg1, %dma_start3A_193, %dma_start3A_194] : memref<16x250x80xi32, #tpu.memory_space<hbm>> -> memref<1x250x80xi32, #tpu.memory_space<hbm>>
        %dma_start3A_196 = tpu.memref_squeeze %dma_start3A_195 : memref<1x250x80xi32, #tpu.memory_space<hbm>> -> memref<250x80xi32, #tpu.memory_space<hbm>>
        %dma_start3A_197 = arith.constant 0 : i32
        %dma_start3A_198 = arith.constant 0 : i32
        %dma_start3A_199 = arith.constant 0 : i32
        %dma_start3A_200 = tpu.memref_slice %arg2[%run_scoped3A, %dma_start3A_197, %dma_start3A_198, %dma_start3A_199] : memref<2x16x250x80xi32, #tpu.memory_space<hbm>> -> memref<1x16x250x80xi32, #tpu.memory_space<hbm>>
        %dma_start3A_201 = tpu.memref_squeeze %dma_start3A_200 : memref<1x16x250x80xi32, #tpu.memory_space<hbm>> -> memref<16x250x80xi32, #tpu.memory_space<hbm>>
        %dma_start3A_202 = arith.constant 0 : i32
        %dma_start3A_203 = arith.constant 0 : i32
        %dma_start3A_204 = tpu.memref_slice %dma_start3A_201[%arg1, %dma_start3A_202, %dma_start3A_203] : memref<16x250x80xi32, #tpu.memory_space<hbm>> -> memref<1x250x80xi32, #tpu.memory_space<hbm>>
        %dma_start3A_205 = tpu.memref_squeeze %dma_start3A_204 : memref<1x250x80xi32, #tpu.memory_space<hbm>> -> memref<250x80xi32, #tpu.memory_space<hbm>>
        tpu.enqueue_dma source(%dma_start3A_205 : memref<250x80xi32, #tpu.memory_space<hbm>>) target(%arg7 : memref<250x80xi32, #tpu.memory_space<vmem>>) target_semaphore(%run_scoped3A_187 : memref<!tpu.dma_semaphore, #tpu.memory_space<semaphore_mem>>)
        %dma_wait3A_206 = arith.constant 0 : i32
        %dma_wait3A_207 = arith.constant 0 : i32
        %dma_wait3A_208 = arith.constant 0 : i32
        %dma_wait3A_209 = tpu.memref_slice %arg2[%run_scoped3A, %dma_wait3A_206, %dma_wait3A_207, %dma_wait3A_208] : memref<2x16x250x80xi32, #tpu.memory_space<hbm>> -> memref<1x16x250x80xi32, #tpu.memory_space<hbm>>
        %dma_wait3A_210 = tpu.memref_squeeze %dma_wait3A_209 : memref<1x16x250x80xi32, #tpu.memory_space<hbm>> -> memref<16x250x80xi32, #tpu.memory_space<hbm>>
        %dma_wait3A_211 = arith.constant 0 : i32
        %dma_wait3A_212 = arith.constant 0 : i32
        %dma_wait3A_213 = tpu.memref_slice %dma_wait3A_210[%arg1, %dma_wait3A_211, %dma_wait3A_212] : memref<16x250x80xi32, #tpu.memory_space<hbm>> -> memref<1x250x80xi32, #tpu.memory_space<hbm>>
        %dma_wait3A_214 = tpu.memref_squeeze %dma_wait3A_213 : memref<1x250x80xi32, #tpu.memory_space<hbm>> -> memref<250x80xi32, #tpu.memory_space<hbm>>
        %dma_wait3A_215 = arith.constant 0 : i32
        %dma_wait3A_216 = arith.constant 0 : i32
        %dma_wait3A_217 = arith.constant 0 : i32
        %dma_wait3A_218 = tpu.memref_slice %arg2[%run_scoped3A, %dma_wait3A_215, %dma_wait3A_216, %dma_wait3A_217] : memref<2x16x250x80xi32, #tpu.memory_space<hbm>> -> memref<1x16x250x80xi32, #tpu.memory_space<hbm>>
        %dma_wait3A_219 = tpu.memref_squeeze %dma_wait3A_218 : memref<1x16x250x80xi32, #tpu.memory_space<hbm>> -> memref<16x250x80xi32, #tpu.memory_space<hbm>>
        %dma_wait3A_220 = arith.constant 0 : i32
        %dma_wait3A_221 = arith.constant 0 : i32
        %dma_wait3A_222 = tpu.memref_slice %dma_wait3A_219[%arg1, %dma_wait3A_220, %dma_wait3A_221] : memref<16x250x80xi32, #tpu.memory_space<hbm>> -> memref<1x250x80xi32, #tpu.memory_space<hbm>>
        %dma_wait3A_223 = tpu.memref_squeeze %dma_wait3A_222 : memref<1x250x80xi32, #tpu.memory_space<hbm>> -> memref<250x80xi32, #tpu.memory_space<hbm>>
        tpu.wait_dma2 semaphore(%run_scoped3A_187 : memref<!tpu.dma_semaphore, #tpu.memory_space<semaphore_mem>>) src(%dma_wait3A_223 : memref<250x80xi32, #tpu.memory_space<hbm>>) dst(%arg7 : memref<250x80xi32, #tpu.memory_space<vmem>>)
        tpu.yield
      }) : () -> ()
      %run_scoped3A_186 = arith.constant 1 : i32
      "tpu.region"() ({
        %run_scoped3A_187 = tpu.sem_alloc : memref<!tpu.dma_semaphore, #tpu.memory_space<semaphore_mem>>
        %dma_start3A_188 = arith.constant 0 : i32
        %dma_start3A_189 = arith.constant 0 : i32
        %dma_start3A_190 = arith.constant 0 : i32
        %dma_start3A_191 = tpu.memref_slice %arg2[%run_scoped3A_186, %dma_start3A_188, %dma_start3A_189, %dma_start3A_190] : memref<2x16x250x80xi32, #tpu.memory_space<hbm>> -> memref<1x16x250x80xi32, #tpu.memory_space<hbm>>
        %dma_start3A_192 = tpu.memref_squeeze %dma_start3A_191 : memref<1x16x250x80xi32, #tpu.memory_space<hbm>> -> memref<16x250x80xi32, #tpu.memory_space<hbm>>
        %dma_start3A_193 = arith.constant 0 : i32
        %dma_start3A_194 = arith.constant 0 : i32
        %dma_start3A_195 = tpu.memref_slice %dma_start3A_192[%arg1, %dma_start3A_193, %dma_start3A_194] : memref<16x250x80xi32, #tpu.memory_space<hbm>> -> memref<1x250x80xi32, #tpu.memory_space<hbm>>
        %dma_start3A_196 = tpu.memref_squeeze %dma_start3A_195 : memref<1x250x80xi32, #tpu.memory_space<hbm>> -> memref<250x80xi32, #tpu.memory_space<hbm>>
        %dma_start3A_197 = arith.constant 0 : i32
        %dma_start3A_198 = arith.constant 0 : i32
        %dma_start3A_199 = arith.constant 0 : i32
        %dma_start3A_200 = tpu.memref_slice %arg2[%run_scoped3A_186, %dma_start3A_197, %dma_start3A_198, %dma_start3A_199] : memref<2x16x250x80xi32, #tpu.memory_space<hbm>> -> memref<1x16x250x80xi32, #tpu.memory_space<hbm>>
        %dma_start3A_201 = tpu.memref_squeeze %dma_start3A_200 : memref<1x16x250x80xi32, #tpu.memory_space<hbm>> -> memref<16x250x80xi32, #tpu.memory_space<hbm>>
        %dma_start3A_202 = arith.constant 0 : i32
        %dma_start3A_203 = arith.constant 0 : i32
        %dma_start3A_204 = tpu.memref_slice %dma_start3A_201[%arg1, %dma_start3A_202, %dma_start3A_203] : memref<16x250x80xi32, #tpu.memory_space<hbm>> -> memref<1x250x80xi32, #tpu.memory_space<hbm>>
        %dma_start3A_205 = tpu.memref_squeeze %dma_start3A_204 : memref<1x250x80xi32, #tpu.memory_space<hbm>> -> memref<250x80xi32, #tpu.memory_space<hbm>>
        tpu.enqueue_dma source(%dma_start3A_205 : memref<250x80xi32, #tpu.memory_space<hbm>>) target(%arg8 : memref<250x80xi32, #tpu.memory_space<vmem>>) target_semaphore(%run_scoped3A_187 : memref<!tpu.dma_semaphore, #tpu.memory_space<semaphore_mem>>)
        %dma_wait3A_206 = arith.constant 0 : i32
        %dma_wait3A_207 = arith.constant 0 : i32
        %dma_wait3A_208 = arith.constant 0 : i32
        %dma_wait3A_209 = tpu.memref_slice %arg2[%run_scoped3A_186, %dma_wait3A_206, %dma_wait3A_207, %dma_wait3A_208] : memref<2x16x250x80xi32, #tpu.memory_space<hbm>> -> memref<1x16x250x80xi32, #tpu.memory_space<hbm>>
        %dma_wait3A_210 = tpu.memref_squeeze %dma_wait3A_209 : memref<1x16x250x80xi32, #tpu.memory_space<hbm>> -> memref<16x250x80xi32, #tpu.memory_space<hbm>>
        %dma_wait3A_211 = arith.constant 0 : i32
        %dma_wait3A_212 = arith.constant 0 : i32
        %dma_wait3A_213 = tpu.memref_slice %dma_wait3A_210[%arg1, %dma_wait3A_211, %dma_wait3A_212] : memref<16x250x80xi32, #tpu.memory_space<hbm>> -> memref<1x250x80xi32, #tpu.memory_space<hbm>>
        %dma_wait3A_214 = tpu.memref_squeeze %dma_wait3A_213 : memref<1x250x80xi32, #tpu.memory_space<hbm>> -> memref<250x80xi32, #tpu.memory_space<hbm>>
        %dma_wait3A_215 = arith.constant 0 : i32
        %dma_wait3A_216 = arith.constant 0 : i32
        %dma_wait3A_217 = arith.constant 0 : i32
        %dma_wait3A_218 = tpu.memref_slice %arg2[%run_scoped3A_186, %dma_wait3A_215, %dma_wait3A_216, %dma_wait3A_217] : memref<2x16x250x80xi32, #tpu.memory_space<hbm>> -> memref<1x16x250x80xi32, #tpu.memory_space<hbm>>
        %dma_wait3A_219 = tpu.memref_squeeze %dma_wait3A_218 : memref<1x16x250x80xi32, #tpu.memory_space<hbm>> -> memref<16x250x80xi32, #tpu.memory_space<hbm>>
        %dma_wait3A_220 = arith.constant 0 : i32
        %dma_wait3A_221 = arith.constant 0 : i32
        %dma_wait3A_222 = tpu.memref_slice %dma_wait3A_219[%arg1, %dma_wait3A_220, %dma_wait3A_221] : memref<16x250x80xi32, #tpu.memory_space<hbm>> -> memref<1x250x80xi32, #tpu.memory_space<hbm>>
        %dma_wait3A_223 = tpu.memref_squeeze %dma_wait3A_222 : memref<1x250x80xi32, #tpu.memory_space<hbm>> -> memref<250x80xi32, #tpu.memory_space<hbm>>
        tpu.wait_dma2 semaphore(%run_scoped3A_187 : memref<!tpu.dma_semaphore, #tpu.memory_space<semaphore_mem>>) src(%dma_wait3A_223 : memref<250x80xi32, #tpu.memory_space<hbm>>) dst(%arg8 : memref<250x80xi32, #tpu.memory_space<vmem>>)
        tpu.yield
      }) : () -> ()
    } else {
    }
    %eq3A_10 = arith.constant 1 : i32
    %eq3A_11 = arith.cmpi eq, %arg0, %eq3A_10 : i32
    %convert_element_type3A_12 = arith.extui %eq3A_11 : i1 to i32
    %cond3A_13 = arith.constant 0 : i32
    %cond3A_14 = arith.cmpi ne, %convert_element_type3A_12, %cond3A_13 : i32
    scf.if %cond3A_14 {
      %run_scoped3A = arith.constant 0 : i32
      "tpu.region"() ({
        %run_scoped3A_187 = tpu.sem_alloc : memref<!tpu.dma_semaphore, #tpu.memory_space<semaphore_mem>>
        %dma_start3A_188 = arith.constant 0 : i32
        %dma_start3A_189 = arith.constant 0 : i32
        %dma_start3A_190 = arith.constant 0 : i32
        %dma_start3A_191 = tpu.memref_slice %arg3[%run_scoped3A, %dma_start3A_188, %dma_start3A_189, %dma_start3A_190] : memref<2x16x250x80xi32, #tpu.memory_space<hbm>> -> memref<1x16x250x80xi32, #tpu.memory_space<hbm>>
        %dma_start3A_192 = tpu.memref_squeeze %dma_start3A_191 : memref<1x16x250x80xi32, #tpu.memory_space<hbm>> -> memref<16x250x80xi32, #tpu.memory_space<hbm>>
        %dma_start3A_193 = arith.constant 0 : i32
        %dma_start3A_194 = arith.constant 0 : i32
        %dma_start3A_195 = tpu.memref_slice %dma_start3A_192[%arg1, %dma_start3A_193, %dma_start3A_194] : memref<16x250x80xi32, #tpu.memory_space<hbm>> -> memref<1x250x80xi32, #tpu.memory_space<hbm>>
        %dma_start3A_196 = tpu.memref_squeeze %dma_start3A_195 : memref<1x250x80xi32, #tpu.memory_space<hbm>> -> memref<250x80xi32, #tpu.memory_space<hbm>>
        %dma_start3A_197 = arith.constant 0 : i32
        %dma_start3A_198 = arith.constant 0 : i32
        %dma_start3A_199 = arith.constant 0 : i32
        %dma_start3A_200 = tpu.memref_slice %arg3[%run_scoped3A, %dma_start3A_197, %dma_start3A_198, %dma_start3A_199] : memref<2x16x250x80xi32, #tpu.memory_space<hbm>> -> memref<1x16x250x80xi32, #tpu.memory_space<hbm>>
        %dma_start3A_201 = tpu.memref_squeeze %dma_start3A_200 : memref<1x16x250x80xi32, #tpu.memory_space<hbm>> -> memref<16x250x80xi32, #tpu.memory_space<hbm>>
        %dma_start3A_202 = arith.constant 0 : i32
        %dma_start3A_203 = arith.constant 0 : i32
        %dma_start3A_204 = tpu.memref_slice %dma_start3A_201[%arg1, %dma_start3A_202, %dma_start3A_203] : memref<16x250x80xi32, #tpu.memory_space<hbm>> -> memref<1x250x80xi32, #tpu.memory_space<hbm>>
        %dma_start3A_205 = tpu.memref_squeeze %dma_start3A_204 : memref<1x250x80xi32, #tpu.memory_space<hbm>> -> memref<250x80xi32, #tpu.memory_space<hbm>>
        tpu.enqueue_dma source(%dma_start3A_205 : memref<250x80xi32, #tpu.memory_space<hbm>>) target(%arg7 : memref<250x80xi32, #tpu.memory_space<vmem>>) target_semaphore(%run_scoped3A_187 : memref<!tpu.dma_semaphore, #tpu.memory_space<semaphore_mem>>)
        %dma_wait3A_206 = arith.constant 0 : i32
        %dma_wait3A_207 = arith.constant 0 : i32
        %dma_wait3A_208 = arith.constant 0 : i32
        %dma_wait3A_209 = tpu.memref_slice %arg3[%run_scoped3A, %dma_wait3A_206, %dma_wait3A_207, %dma_wait3A_208] : memref<2x16x250x80xi32, #tpu.memory_space<hbm>> -> memref<1x16x250x80xi32, #tpu.memory_space<hbm>>
        %dma_wait3A_210 = tpu.memref_squeeze %dma_wait3A_209 : memref<1x16x250x80xi32, #tpu.memory_space<hbm>> -> memref<16x250x80xi32, #tpu.memory_space<hbm>>
        %dma_wait3A_211 = arith.constant 0 : i32
        %dma_wait3A_212 = arith.constant 0 : i32
        %dma_wait3A_213 = tpu.memref_slice %dma_wait3A_210[%arg1, %dma_wait3A_211, %dma_wait3A_212] : memref<16x250x80xi32, #tpu.memory_space<hbm>> -> memref<1x250x80xi32, #tpu.memory_space<hbm>>
        %dma_wait3A_214 = tpu.memref_squeeze %dma_wait3A_213 : memref<1x250x80xi32, #tpu.memory_space<hbm>> -> memref<250x80xi32, #tpu.memory_space<hbm>>
        %dma_wait3A_215 = arith.constant 0 : i32
        %dma_wait3A_216 = arith.constant 0 : i32
        %dma_wait3A_217 = arith.constant 0 : i32
        %dma_wait3A_218 = tpu.memref_slice %arg3[%run_scoped3A, %dma_wait3A_215, %dma_wait3A_216, %dma_wait3A_217] : memref<2x16x250x80xi32, #tpu.memory_space<hbm>> -> memref<1x16x250x80xi32, #tpu.memory_space<hbm>>
        %dma_wait3A_219 = tpu.memref_squeeze %dma_wait3A_218 : memref<1x16x250x80xi32, #tpu.memory_space<hbm>> -> memref<16x250x80xi32, #tpu.memory_space<hbm>>
        %dma_wait3A_220 = arith.constant 0 : i32
        %dma_wait3A_221 = arith.constant 0 : i32
        %dma_wait3A_222 = tpu.memref_slice %dma_wait3A_219[%arg1, %dma_wait3A_220, %dma_wait3A_221] : memref<16x250x80xi32, #tpu.memory_space<hbm>> -> memref<1x250x80xi32, #tpu.memory_space<hbm>>
        %dma_wait3A_223 = tpu.memref_squeeze %dma_wait3A_222 : memref<1x250x80xi32, #tpu.memory_space<hbm>> -> memref<250x80xi32, #tpu.memory_space<hbm>>
        tpu.wait_dma2 semaphore(%run_scoped3A_187 : memref<!tpu.dma_semaphore, #tpu.memory_space<semaphore_mem>>) src(%dma_wait3A_223 : memref<250x80xi32, #tpu.memory_space<hbm>>) dst(%arg7 : memref<250x80xi32, #tpu.memory_space<vmem>>)
        tpu.yield
      }) : () -> ()
      %run_scoped3A_186 = arith.constant 1 : i32
      "tpu.region"() ({
        %run_scoped3A_187 = tpu.sem_alloc : memref<!tpu.dma_semaphore, #tpu.memory_space<semaphore_mem>>
        %dma_start3A_188 = arith.constant 0 : i32
        %dma_start3A_189 = arith.constant 0 : i32
        %dma_start3A_190 = arith.constant 0 : i32
        %dma_start3A_191 = tpu.memref_slice %arg3[%run_scoped3A_186, %dma_start3A_188, %dma_start3A_189, %dma_start3A_190] : memref<2x16x250x80xi32, #tpu.memory_space<hbm>> -> memref<1x16x250x80xi32, #tpu.memory_space<hbm>>
        %dma_start3A_192 = tpu.memref_squeeze %dma_start3A_191 : memref<1x16x250x80xi32, #tpu.memory_space<hbm>> -> memref<16x250x80xi32, #tpu.memory_space<hbm>>
        %dma_start3A_193 = arith.constant 0 : i32
        %dma_start3A_194 = arith.constant 0 : i32
        %dma_start3A_195 = tpu.memref_slice %dma_start3A_192[%arg1, %dma_start3A_193, %dma_start3A_194] : memref<16x250x80xi32, #tpu.memory_space<hbm>> -> memref<1x250x80xi32, #tpu.memory_space<hbm>>
        %dma_start3A_196 = tpu.memref_squeeze %dma_start3A_195 : memref<1x250x80xi32, #tpu.memory_space<hbm>> -> memref<250x80xi32, #tpu.memory_space<hbm>>
        %dma_start3A_197 = arith.constant 0 : i32
        %dma_start3A_198 = arith.constant 0 : i32
        %dma_start3A_199 = arith.constant 0 : i32
        %dma_start3A_200 = tpu.memref_slice %arg3[%run_scoped3A_186, %dma_start3A_197, %dma_start3A_198, %dma_start3A_199] : memref<2x16x250x80xi32, #tpu.memory_space<hbm>> -> memref<1x16x250x80xi32, #tpu.memory_space<hbm>>
        %dma_start3A_201 = tpu.memref_squeeze %dma_start3A_200 : memref<1x16x250x80xi32, #tpu.memory_space<hbm>> -> memref<16x250x80xi32, #tpu.memory_space<hbm>>
        %dma_start3A_202 = arith.constant 0 : i32
        %dma_start3A_203 = arith.constant 0 : i32
        %dma_start3A_204 = tpu.memref_slice %dma_start3A_201[%arg1, %dma_start3A_202, %dma_start3A_203] : memref<16x250x80xi32, #tpu.memory_space<hbm>> -> memref<1x250x80xi32, #tpu.memory_space<hbm>>
        %dma_start3A_205 = tpu.memref_squeeze %dma_start3A_204 : memref<1x250x80xi32, #tpu.memory_space<hbm>> -> memref<250x80xi32, #tpu.memory_space<hbm>>
        tpu.enqueue_dma source(%dma_start3A_205 : memref<250x80xi32, #tpu.memory_space<hbm>>) target(%arg8 : memref<250x80xi32, #tpu.memory_space<vmem>>) target_semaphore(%run_scoped3A_187 : memref<!tpu.dma_semaphore, #tpu.memory_space<semaphore_mem>>)
        %dma_wait3A_206 = arith.constant 0 : i32
        %dma_wait3A_207 = arith.constant 0 : i32
        %dma_wait3A_208 = arith.constant 0 : i32
        %dma_wait3A_209 = tpu.memref_slice %arg3[%run_scoped3A_186, %dma_wait3A_206, %dma_wait3A_207, %dma_wait3A_208] : memref<2x16x250x80xi32, #tpu.memory_space<hbm>> -> memref<1x16x250x80xi32, #tpu.memory_space<hbm>>
        %dma_wait3A_210 = tpu.memref_squeeze %dma_wait3A_209 : memref<1x16x250x80xi32, #tpu.memory_space<hbm>> -> memref<16x250x80xi32, #tpu.memory_space<hbm>>
        %dma_wait3A_211 = arith.constant 0 : i32
        %dma_wait3A_212 = arith.constant 0 : i32
        %dma_wait3A_213 = tpu.memref_slice %dma_wait3A_210[%arg1, %dma_wait3A_211, %dma_wait3A_212] : memref<16x250x80xi32, #tpu.memory_space<hbm>> -> memref<1x250x80xi32, #tpu.memory_space<hbm>>
        %dma_wait3A_214 = tpu.memref_squeeze %dma_wait3A_213 : memref<1x250x80xi32, #tpu.memory_space<hbm>> -> memref<250x80xi32, #tpu.memory_space<hbm>>
        %dma_wait3A_215 = arith.constant 0 : i32
        %dma_wait3A_216 = arith.constant 0 : i32
        %dma_wait3A_217 = arith.constant 0 : i32
        %dma_wait3A_218 = tpu.memref_slice %arg3[%run_scoped3A_186, %dma_wait3A_215, %dma_wait3A_216, %dma_wait3A_217] : memref<2x16x250x80xi32, #tpu.memory_space<hbm>> -> memref<1x16x250x80xi32, #tpu.memory_space<hbm>>
        %dma_wait3A_219 = tpu.memref_squeeze %dma_wait3A_218 : memref<1x16x250x80xi32, #tpu.memory_space<hbm>> -> memref<16x250x80xi32, #tpu.memory_space<hbm>>
        %dma_wait3A_220 = arith.constant 0 : i32
        %dma_wait3A_221 = arith.constant 0 : i32
        %dma_wait3A_222 = tpu.memref_slice %dma_wait3A_219[%arg1, %dma_wait3A_220, %dma_wait3A_221] : memref<16x250x80xi32, #tpu.memory_space<hbm>> -> memref<1x250x80xi32, #tpu.memory_space<hbm>>
        %dma_wait3A_223 = tpu.memref_squeeze %dma_wait3A_222 : memref<1x250x80xi32, #tpu.memory_space<hbm>> -> memref<250x80xi32, #tpu.memory_space<hbm>>
        tpu.wait_dma2 semaphore(%run_scoped3A_187 : memref<!tpu.dma_semaphore, #tpu.memory_space<semaphore_mem>>) src(%dma_wait3A_223 : memref<250x80xi32, #tpu.memory_space<hbm>>) dst(%arg8 : memref<250x80xi32, #tpu.memory_space<vmem>>)
        tpu.yield
      }) : () -> ()
    } else {
    }
    %mul3A_15 = arith.constant 10000 : i32
    %mul3A_16 = arith.muli %arg0, %mul3A_15 : i32
    %scan3A = arith.constant 0 : i32
    %scan3A_17 = arith.constant 250 : i32
    %scan3A_18 = arith.addi %scan3A, %scan3A_17 : i32
    %scan3A_19 = arith.constant 1 : i32
    scf.for %scan3A_186 = %scan3A to %scan3A_18 step %scan3A_19  : i32 {
      %get3A = arith.constant 0 : i32
      %get3A_187 = tpu.memref_slice %arg7[%scan3A_186, %get3A] : memref<250x80xi32, #tpu.memory_space<vmem>> -> memref<1x80xi32, #tpu.memory_space<vmem>>
      %get3A_188 = tpu.memref_squeeze %get3A_187 : memref<1x80xi32, #tpu.memory_space<vmem>> -> memref<80xi32, #tpu.memory_space<vmem>>
      %get3A_189 = arith.constant 0 : index
      %get3A_190 = tpu.vector_load %get3A_188[%get3A_189] {strides = array<i32>} : memref<80xi32, #tpu.memory_space<vmem>>, vector<16xi32>,
      %get3A_191 = vector.shape_cast %get3A_190 : vector<16xi32> to vector<16xi32>
      %mul3A_192 = arith.constant 1 : i32
      %mul3A_193 = vector.broadcast %mul3A_192 : i32 to vector<16xi32>
      %mul3A_194 = arith.muli %get3A_191, %mul3A_193 : vector<16xi32>
      %add3A_195 = vector.broadcast %mul3A_16 : i32 to vector<16xi32>
      %add3A_196 = arith.addi %mul3A_194, %add3A_195 : vector<16xi32>
      %swap3A = arith.constant 0 : i32
      %swap3A_197 = tpu.memref_slice %arg7[%scan3A_186, %swap3A] : memref<250x80xi32, #tpu.memory_space<vmem>> -> memref<1x80xi32, #tpu.memory_space<vmem>>
      %swap3A_198 = tpu.memref_squeeze %swap3A_197 : memref<1x80xi32, #tpu.memory_space<vmem>> -> memref<80xi32, #tpu.memory_space<vmem>>
      %swap3A_199 = arith.constant 0 : index
      %swap3A_200 = tpu.vector_load %swap3A_198[%swap3A_199] {strides = array<i32>} : memref<80xi32, #tpu.memory_space<vmem>>, vector<16xi32>,
      %swap3A_201 = vector.shape_cast %swap3A_200 : vector<16xi32> to vector<16xi32>
      %swap3A_202 = vector.shape_cast %add3A_196 : vector<16xi32> to vector<16xi32>
      tpu.vector_store %swap3A_198[%swap3A_199], %swap3A_202 {strides = array<i32>} : memref<80xi32, #tpu.memory_space<vmem>>, vector<16xi32>,
      %get3A_203 = arith.constant 0 : i32
      %get3A_204 = tpu.memref_slice %arg7[%scan3A_186, %get3A_203] : memref<250x80xi32, #tpu.memory_space<vmem>> -> memref<1x80xi32, #tpu.memory_space<vmem>>
      %get3A_205 = tpu.memref_squeeze %get3A_204 : memref<1x80xi32, #tpu.memory_space<vmem>> -> memref<80xi32, #tpu.memory_space<vmem>>
      %get3A_206 = arith.constant 16 : index
      %get3A_207 = tpu.vector_load %get3A_205[%get3A_206] {strides = array<i32>} : memref<80xi32, #tpu.memory_space<vmem>>, vector<16xi32>,
      %get3A_208 = vector.shape_cast %get3A_207 : vector<16xi32> to vector<16xi32>
      %mul3A_209 = arith.constant 1 : i32
      %mul3A_210 = vector.broadcast %mul3A_209 : i32 to vector<16xi32>
      %mul3A_211 = arith.muli %get3A_208, %mul3A_210 : vector<16xi32>
      %add3A_212 = vector.broadcast %mul3A_16 : i32 to vector<16xi32>
      %add3A_213 = arith.addi %mul3A_211, %add3A_212 : vector<16xi32>
      %swap3A_214 = arith.constant 0 : i32
      %swap3A_215 = tpu.memref_slice %arg7[%scan3A_186, %swap3A_214] : memref<250x80xi32, #tpu.memory_space<vmem>> -> memref<1x80xi32, #tpu.memory_space<vmem>>
      %swap3A_216 = tpu.memref_squeeze %swap3A_215 : memref<1x80xi32, #tpu.memory_space<vmem>> -> memref<80xi32, #tpu.memory_space<vmem>>
      %swap3A_217 = arith.constant 16 : index
      %swap3A_218 = tpu.vector_load %swap3A_216[%swap3A_217] {strides = array<i32>} : memref<80xi32, #tpu.memory_space<vmem>>, vector<16xi32>,
      %swap3A_219 = vector.shape_cast %swap3A_218 : vector<16xi32> to vector<16xi32>
      %swap3A_220 = vector.shape_cast %add3A_213 : vector<16xi32> to vector<16xi32>
      tpu.vector_store %swap3A_216[%swap3A_217], %swap3A_220 {strides = array<i32>} : memref<80xi32, #tpu.memory_space<vmem>>, vector<16xi32>,
      %get3A_221 = arith.constant 0 : i32
      %get3A_222 = tpu.memref_slice %arg7[%scan3A_186, %get3A_221] : memref<250x80xi32, #tpu.memory_space<vmem>> -> memref<1x80xi32, #tpu.memory_space<vmem>>
      %get3A_223 = tpu.memref_squeeze %get3A_222 : memref<1x80xi32, #tpu.memory_space<vmem>> -> memref<80xi32, #tpu.memory_space<vmem>>
      %get3A_224 = arith.constant 32 : index
      %get3A_225 = tpu.vector_load %get3A_223[%get3A_224] {strides = array<i32>} : memref<80xi32, #tpu.memory_space<vmem>>, vector<16xi32>,
      %get3A_226 = vector.shape_cast %get3A_225 : vector<16xi32> to vector<16xi32>
      %mul3A_227 = arith.constant 1 : i32
      %mul3A_228 = vector.broadcast %mul3A_227 : i32 to vector<16xi32>
      %mul3A_229 = arith.muli %get3A_226, %mul3A_228 : vector<16xi32>
      %add3A_230 = vector.broadcast %mul3A_16 : i32 to vector<16xi32>
      %add3A_231 = arith.addi %mul3A_229, %add3A_230 : vector<16xi32>
      %swap3A_232 = arith.constant 0 : i32
      %swap3A_233 = tpu.memref_slice %arg7[%scan3A_186, %swap3A_232] : memref<250x80xi32, #tpu.memory_space<vmem>> -> memref<1x80xi32, #tpu.memory_space<vmem>>
      %swap3A_234 = tpu.memref_squeeze %swap3A_233 : memref<1x80xi32, #tpu.memory_space<vmem>> -> memref<80xi32, #tpu.memory_space<vmem>>
      %swap3A_235 = arith.constant 32 : index
      %swap3A_236 = tpu.vector_load %swap3A_234[%swap3A_235] {strides = array<i32>} : memref<80xi32, #tpu.memory_space<vmem>>, vector<16xi32>,
      %swap3A_237 = vector.shape_cast %swap3A_236 : vector<16xi32> to vector<16xi32>
      %swap3A_238 = vector.shape_cast %add3A_231 : vector<16xi32> to vector<16xi32>
      tpu.vector_store %swap3A_234[%swap3A_235], %swap3A_238 {strides = array<i32>} : memref<80xi32, #tpu.memory_space<vmem>>, vector<16xi32>,
      %get3A_239 = arith.constant 0 : i32
      %get3A_240 = tpu.memref_slice %arg7[%scan3A_186, %get3A_239] : memref<250x80xi32, #tpu.memory_space<vmem>> -> memref<1x80xi32, #tpu.memory_space<vmem>>
      %get3A_241 = tpu.memref_squeeze %get3A_240 : memref<1x80xi32, #tpu.memory_space<vmem>> -> memref<80xi32, #tpu.memory_space<vmem>>
      %get3A_242 = arith.constant 48 : index
      %get3A_243 = tpu.vector_load %get3A_241[%get3A_242] {strides = array<i32>} : memref<80xi32, #tpu.memory_space<vmem>>, vector<16xi32>,
      %get3A_244 = vector.shape_cast %get3A_243 : vector<16xi32> to vector<16xi32>
      %mul3A_245 = arith.constant 1 : i32
      %mul3A_246 = vector.broadcast %mul3A_245 : i32 to vector<16xi32>
      %mul3A_247 = arith.muli %get3A_244, %mul3A_246 : vector<16xi32>
      %add3A_248 = vector.broadcast %mul3A_16 : i32 to vector<16xi32>
      %add3A_249 = arith.addi %mul3A_247, %add3A_248 : vector<16xi32>
      %swap3A_250 = arith.constant 0 : i32
      %swap3A_251 = tpu.memref_slice %arg7[%scan3A_186, %swap3A_250] : memref<250x80xi32, #tpu.memory_space<vmem>> -> memref<1x80xi32, #tpu.memory_space<vmem>>
      %swap3A_252 = tpu.memref_squeeze %swap3A_251 : memref<1x80xi32, #tpu.memory_space<vmem>> -> memref<80xi32, #tpu.memory_space<vmem>>
      %swap3A_253 = arith.constant 48 : index
      %swap3A_254 = tpu.vector_load %swap3A_252[%swap3A_253] {strides = array<i32>} : memref<80xi32, #tpu.memory_space<vmem>>, vector<16xi32>,
      %swap3A_255 = vector.shape_cast %swap3A_254 : vector<16xi32> to vector<16xi32>
      %swap3A_256 = vector.shape_cast %add3A_249 : vector<16xi32> to vector<16xi32>
      tpu.vector_store %swap3A_252[%swap3A_253], %swap3A_256 {strides = array<i32>} : memref<80xi32, #tpu.memory_space<vmem>>, vector<16xi32>,
      %get3A_257 = arith.constant 0 : i32
      %get3A_258 = tpu.memref_slice %arg7[%scan3A_186, %get3A_257] : memref<250x80xi32, #tpu.memory_space<vmem>> -> memref<1x80xi32, #tpu.memory_space<vmem>>
      %get3A_259 = tpu.memref_squeeze %get3A_258 : memref<1x80xi32, #tpu.memory_space<vmem>> -> memref<80xi32, #tpu.memory_space<vmem>>
      %get3A_260 = arith.constant 64 : index
      %get3A_261 = tpu.vector_load %get3A_259[%get3A_260] {strides = array<i32>} : memref<80xi32, #tpu.memory_space<vmem>>, vector<16xi32>,
      %get3A_262 = vector.shape_cast %get3A_261 : vector<16xi32> to vector<16xi32>
      %mul3A_263 = arith.constant 1 : i32
      %mul3A_264 = vector.broadcast %mul3A_263 : i32 to vector<16xi32>
      %mul3A_265 = arith.muli %get3A_262, %mul3A_264 : vector<16xi32>
      %add3A_266 = vector.broadcast %mul3A_16 : i32 to vector<16xi32>
      %add3A_267 = arith.addi %mul3A_265, %add3A_266 : vector<16xi32>
      %swap3A_268 = arith.constant 0 : i32
      %swap3A_269 = tpu.memref_slice %arg7[%scan3A_186, %swap3A_268] : memref<250x80xi32, #tpu.memory_space<vmem>> -> memref<1x80xi32, #tpu.memory_space<vmem>>
      %swap3A_270 = tpu.memref_squeeze %swap3A_269 : memref<1x80xi32, #tpu.memory_space<vmem>> -> memref<80xi32, #tpu.memory_space<vmem>>
      %swap3A_271 = arith.constant 64 : index
      %swap3A_272 = tpu.vector_load %swap3A_270[%swap3A_271] {strides = array<i32>} : memref<80xi32, #tpu.memory_space<vmem>>, vector<16xi32>,
      %swap3A_273 = vector.shape_cast %swap3A_272 : vector<16xi32> to vector<16xi32>
      %swap3A_274 = vector.shape_cast %add3A_267 : vector<16xi32> to vector<16xi32>
      tpu.vector_store %swap3A_270[%swap3A_271], %swap3A_274 {strides = array<i32>} : memref<80xi32, #tpu.memory_space<vmem>>, vector<16xi32>,
    }
    %scan3A_20 = arith.constant 250 : i32
    %barrier3A = arith.constant 0 : index
    tpu.barrier barrier_id(%barrier3A)
    %dma_start3A = arith.constant 0 : i32
    %dma_start3A_21 = arith.constant 0 : i32
    %dma_start3A_22 = arith.constant 0 : i32
    %dma_start3A_23 = arith.constant 0 : i32
    %dma_start3A_24 = arith.constant 0 : i32
    %dma_start3A_25 = tpu.memref_slice %arg9[%dma_start3A_21, %dma_start3A_23, %dma_start3A_24] : memref<5x80x64xf32, #tpu.memory_space<vmem>> -> memref<1x80x64xf32, #tpu.memory_space<vmem>>
    %dma_start3A_26 = tpu.memref_squeeze %dma_start3A_25 : memref<1x80x64xf32, #tpu.memory_space<vmem>> -> memref<80x64xf32, #tpu.memory_space<vmem>>
    %dma_start3A_27 = arith.constant 0 : i32
    %dma_start3A_28 = tpu.memref_slice %arg7[%dma_start3A, %dma_start3A_27] : memref<250x80xi32, #tpu.memory_space<vmem>> -> memref<1x80xi32, #tpu.memory_space<vmem>>
    %dma_start3A_29 = tpu.memref_squeeze %dma_start3A_28 : memref<1x80xi32, #tpu.memory_space<vmem>> -> memref<80xi32, #tpu.memory_space<vmem>>
    %dma_start3A_30 = arith.constant 0 : i32
    %dma_start3A_31 = arith.constant 0 : i32
    %dma_start3A_32 = tpu.memref_slice %arg4[%dma_start3A_30, %dma_start3A_31] : memref<20000x64xf32, #tpu.memory_space<hbm>> -> memref<20000x64xf32, #tpu.memory_space<hbm>>
    %dma_start3A_33 = tpu.memref_slice %arg11[%dma_start3A_22] : memref<5x!tpu.dma_semaphore, #tpu.memory_space<semaphore_mem>> -> memref<1x!tpu.dma_semaphore, #tpu.memory_space<semaphore_mem>>
    %dma_start3A_34 = tpu.memref_squeeze %dma_start3A_33 : memref<1x!tpu.dma_semaphore, #tpu.memory_space<semaphore_mem>> -> memref<!tpu.dma_semaphore, #tpu.memory_space<semaphore_mem>>
    tpu.enqueue_indirect_dma source(%dma_start3A_32 : memref<20000x64xf32, #tpu.memory_space<hbm>>) target(%dma_start3A_26 : memref<80x64xf32, #tpu.memory_space<vmem>>) offsets(%dma_start3A_29 : memref<80xi32, #tpu.memory_space<vmem>>) semaphore(%dma_start3A_34 : memref<!tpu.dma_semaphore, #tpu.memory_space<semaphore_mem>>)
    %dma_start3A_35 = arith.constant 1 : i32
    %dma_start3A_36 = arith.constant 1 : i32
    %dma_start3A_37 = arith.constant 1 : i32
    %dma_start3A_38 = arith.constant 0 : i32
    %dma_start3A_39 = arith.constant 0 : i32
    %dma_start3A_40 = tpu.memref_slice %arg9[%dma_start3A_36, %dma_start3A_38, %dma_start3A_39] : memref<5x80x64xf32, #tpu.memory_space<vmem>> -> memref<1x80x64xf32, #tpu.memory_space<vmem>>
    %dma_start3A_41 = tpu.memref_squeeze %dma_start3A_40 : memref<1x80x64xf32, #tpu.memory_space<vmem>> -> memref<80x64xf32, #tpu.memory_space<vmem>>
    %dma_start3A_42 = arith.constant 0 : i32
    %dma_start3A_43 = tpu.memref_slice %arg7[%dma_start3A_35, %dma_start3A_42] : memref<250x80xi32, #tpu.memory_space<vmem>> -> memref<1x80xi32, #tpu.memory_space<vmem>>
    %dma_start3A_44 = tpu.memref_squeeze %dma_start3A_43 : memref<1x80xi32, #tpu.memory_space<vmem>> -> memref<80xi32, #tpu.memory_space<vmem>>
    %dma_start3A_45 = arith.constant 0 : i32
    %dma_start3A_46 = arith.constant 0 : i32
    %dma_start3A_47 = tpu.memref_slice %arg4[%dma_start3A_45, %dma_start3A_46] : memref<20000x64xf32, #tpu.memory_space<hbm>> -> memref<20000x64xf32, #tpu.memory_space<hbm>>
    %dma_start3A_48 = tpu.memref_slice %arg11[%dma_start3A_37] : memref<5x!tpu.dma_semaphore, #tpu.memory_space<semaphore_mem>> -> memref<1x!tpu.dma_semaphore, #tpu.memory_space<semaphore_mem>>
    %dma_start3A_49 = tpu.memref_squeeze %dma_start3A_48 : memref<1x!tpu.dma_semaphore, #tpu.memory_space<semaphore_mem>> -> memref<!tpu.dma_semaphore, #tpu.memory_space<semaphore_mem>>
    tpu.enqueue_indirect_dma source(%dma_start3A_47 : memref<20000x64xf32, #tpu.memory_space<hbm>>) target(%dma_start3A_41 : memref<80x64xf32, #tpu.memory_space<vmem>>) offsets(%dma_start3A_44 : memref<80xi32, #tpu.memory_space<vmem>>) semaphore(%dma_start3A_49 : memref<!tpu.dma_semaphore, #tpu.memory_space<semaphore_mem>>)
    %dma_start3A_50 = arith.constant 2 : i32
    %dma_start3A_51 = arith.constant 2 : i32
    %dma_start3A_52 = arith.constant 2 : i32
    %dma_start3A_53 = arith.constant 0 : i32
    %dma_start3A_54 = arith.constant 0 : i32
    %dma_start3A_55 = tpu.memref_slice %arg9[%dma_start3A_51, %dma_start3A_53, %dma_start3A_54] : memref<5x80x64xf32, #tpu.memory_space<vmem>> -> memref<1x80x64xf32, #tpu.memory_space<vmem>>
    %dma_start3A_56 = tpu.memref_squeeze %dma_start3A_55 : memref<1x80x64xf32, #tpu.memory_space<vmem>> -> memref<80x64xf32, #tpu.memory_space<vmem>>
    %dma_start3A_57 = arith.constant 0 : i32
    %dma_start3A_58 = tpu.memref_slice %arg7[%dma_start3A_50, %dma_start3A_57] : memref<250x80xi32, #tpu.memory_space<vmem>> -> memref<1x80xi32, #tpu.memory_space<vmem>>
    %dma_start3A_59 = tpu.memref_squeeze %dma_start3A_58 : memref<1x80xi32, #tpu.memory_space<vmem>> -> memref<80xi32, #tpu.memory_space<vmem>>
    %dma_start3A_60 = arith.constant 0 : i32
    %dma_start3A_61 = arith.constant 0 : i32
    %dma_start3A_62 = tpu.memref_slice %arg4[%dma_start3A_60, %dma_start3A_61] : memref<20000x64xf32, #tpu.memory_space<hbm>> -> memref<20000x64xf32, #tpu.memory_space<hbm>>
    %dma_start3A_63 = tpu.memref_slice %arg11[%dma_start3A_52] : memref<5x!tpu.dma_semaphore, #tpu.memory_space<semaphore_mem>> -> memref<1x!tpu.dma_semaphore, #tpu.memory_space<semaphore_mem>>
    %dma_start3A_64 = tpu.memref_squeeze %dma_start3A_63 : memref<1x!tpu.dma_semaphore, #tpu.memory_space<semaphore_mem>> -> memref<!tpu.dma_semaphore, #tpu.memory_space<semaphore_mem>>
    tpu.enqueue_indirect_dma source(%dma_start3A_62 : memref<20000x64xf32, #tpu.memory_space<hbm>>) target(%dma_start3A_56 : memref<80x64xf32, #tpu.memory_space<vmem>>) offsets(%dma_start3A_59 : memref<80xi32, #tpu.memory_space<vmem>>) semaphore(%dma_start3A_64 : memref<!tpu.dma_semaphore, #tpu.memory_space<semaphore_mem>>)
    %dma_start3A_65 = arith.constant 3 : i32
    %dma_start3A_66 = arith.constant 3 : i32
    %dma_start3A_67 = arith.constant 3 : i32
    %dma_start3A_68 = arith.constant 0 : i32
    %dma_start3A_69 = arith.constant 0 : i32
    %dma_start3A_70 = tpu.memref_slice %arg9[%dma_start3A_66, %dma_start3A_68, %dma_start3A_69] : memref<5x80x64xf32, #tpu.memory_space<vmem>> -> memref<1x80x64xf32, #tpu.memory_space<vmem>>
    %dma_start3A_71 = tpu.memref_squeeze %dma_start3A_70 : memref<1x80x64xf32, #tpu.memory_space<vmem>> -> memref<80x64xf32, #tpu.memory_space<vmem>>
    %dma_start3A_72 = arith.constant 0 : i32
    %dma_start3A_73 = tpu.memref_slice %arg7[%dma_start3A_65, %dma_start3A_72] : memref<250x80xi32, #tpu.memory_space<vmem>> -> memref<1x80xi32, #tpu.memory_space<vmem>>
    %dma_start3A_74 = tpu.memref_squeeze %dma_start3A_73 : memref<1x80xi32, #tpu.memory_space<vmem>> -> memref<80xi32, #tpu.memory_space<vmem>>
    %dma_start3A_75 = arith.constant 0 : i32
    %dma_start3A_76 = arith.constant 0 : i32
    %dma_start3A_77 = tpu.memref_slice %arg4[%dma_start3A_75, %dma_start3A_76] : memref<20000x64xf32, #tpu.memory_space<hbm>> -> memref<20000x64xf32, #tpu.memory_space<hbm>>
    %dma_start3A_78 = tpu.memref_slice %arg11[%dma_start3A_67] : memref<5x!tpu.dma_semaphore, #tpu.memory_space<semaphore_mem>> -> memref<1x!tpu.dma_semaphore, #tpu.memory_space<semaphore_mem>>
    %dma_start3A_79 = tpu.memref_squeeze %dma_start3A_78 : memref<1x!tpu.dma_semaphore, #tpu.memory_space<semaphore_mem>> -> memref<!tpu.dma_semaphore, #tpu.memory_space<semaphore_mem>>
    tpu.enqueue_indirect_dma source(%dma_start3A_77 : memref<20000x64xf32, #tpu.memory_space<hbm>>) target(%dma_start3A_71 : memref<80x64xf32, #tpu.memory_space<vmem>>) offsets(%dma_start3A_74 : memref<80xi32, #tpu.memory_space<vmem>>) semaphore(%dma_start3A_79 : memref<!tpu.dma_semaphore, #tpu.memory_space<semaphore_mem>>)
    %dma_start3A_80 = arith.constant 4 : i32
    %dma_start3A_81 = arith.constant 4 : i32
    %dma_start3A_82 = arith.constant 4 : i32
    %dma_start3A_83 = arith.constant 0 : i32
    %dma_start3A_84 = arith.constant 0 : i32
    %dma_start3A_85 = tpu.memref_slice %arg9[%dma_start3A_81, %dma_start3A_83, %dma_start3A_84] : memref<5x80x64xf32, #tpu.memory_space<vmem>> -> memref<1x80x64xf32, #tpu.memory_space<vmem>>
    %dma_start3A_86 = tpu.memref_squeeze %dma_start3A_85 : memref<1x80x64xf32, #tpu.memory_space<vmem>> -> memref<80x64xf32, #tpu.memory_space<vmem>>
    %dma_start3A_87 = arith.constant 0 : i32
    %dma_start3A_88 = tpu.memref_slice %arg7[%dma_start3A_80, %dma_start3A_87] : memref<250x80xi32, #tpu.memory_space<vmem>> -> memref<1x80xi32, #tpu.memory_space<vmem>>
    %dma_start3A_89 = tpu.memref_squeeze %dma_start3A_88 : memref<1x80xi32, #tpu.memory_space<vmem>> -> memref<80xi32, #tpu.memory_space<vmem>>
    %dma_start3A_90 = arith.constant 0 : i32
    %dma_start3A_91 = arith.constant 0 : i32
    %dma_start3A_92 = tpu.memref_slice %arg4[%dma_start3A_90, %dma_start3A_91] : memref<20000x64xf32, #tpu.memory_space<hbm>> -> memref<20000x64xf32, #tpu.memory_space<hbm>>
    %dma_start3A_93 = tpu.memref_slice %arg11[%dma_start3A_82] : memref<5x!tpu.dma_semaphore, #tpu.memory_space<semaphore_mem>> -> memref<1x!tpu.dma_semaphore, #tpu.memory_space<semaphore_mem>>
    %dma_start3A_94 = tpu.memref_squeeze %dma_start3A_93 : memref<1x!tpu.dma_semaphore, #tpu.memory_space<semaphore_mem>> -> memref<!tpu.dma_semaphore, #tpu.memory_space<semaphore_mem>>
    tpu.enqueue_indirect_dma source(%dma_start3A_92 : memref<20000x64xf32, #tpu.memory_space<hbm>>) target(%dma_start3A_86 : memref<80x64xf32, #tpu.memory_space<vmem>>) offsets(%dma_start3A_89 : memref<80xi32, #tpu.memory_space<vmem>>) semaphore(%dma_start3A_94 : memref<!tpu.dma_semaphore, #tpu.memory_space<semaphore_mem>>)
    %scan3A_95 = arith.constant 0 : i32
    %scan3A_96 = arith.constant 50 : i32
    %scan3A_97 = arith.addi %scan3A_95, %scan3A_96 : i32
    %scan3A_98 = arith.constant 1 : i32
    scf.for %scan3A_186 = %scan3A_95 to %scan3A_97 step %scan3A_98  : i32 {
      %mul3A_187 = arith.constant 5 : i32
      %mul3A_188 = arith.muli %scan3A_186, %mul3A_187 : i32
      %add3A_189 = arith.constant 0 : i32
      %add3A_190 = arith.addi %mul3A_188, %add3A_189 : i32
      %dma_wait3A_191 = arith.constant 0 : i32
      %dma_wait3A_192 = arith.constant 0 : i32
      %dma_wait3A_193 = arith.constant 0 : i32
      %dma_wait3A_194 = arith.constant 0 : i32
      %dma_wait3A_195 = tpu.memref_slice %arg9[%dma_wait3A_191, %dma_wait3A_193, %dma_wait3A_194] : memref<5x80x64xf32, #tpu.memory_space<vmem>> -> memref<1x80x64xf32, #tpu.memory_space<vmem>>
      %dma_wait3A_196 = tpu.memref_squeeze %dma_wait3A_195 : memref<1x80x64xf32, #tpu.memory_space<vmem>> -> memref<80x64xf32, #tpu.memory_space<vmem>>
      %dma_wait3A_197 = arith.constant 0 : i32
      %dma_wait3A_198 = tpu.memref_slice %arg7[%add3A_190, %dma_wait3A_197] : memref<250x80xi32, #tpu.memory_space<vmem>> -> memref<1x80xi32, #tpu.memory_space<vmem>>
      %dma_wait3A_199 = tpu.memref_squeeze %dma_wait3A_198 : memref<1x80xi32, #tpu.memory_space<vmem>> -> memref<80xi32, #tpu.memory_space<vmem>>
      %dma_wait3A_200 = arith.constant 0 : i32
      %dma_wait3A_201 = arith.constant 0 : i32
      %dma_wait3A_202 = tpu.memref_slice %arg4[%dma_wait3A_200, %dma_wait3A_201] : memref<20000x64xf32, #tpu.memory_space<hbm>> -> memref<20000x64xf32, #tpu.memory_space<hbm>>
      %dma_wait3A_203 = tpu.memref_slice %arg11[%dma_wait3A_192] : memref<5x!tpu.dma_semaphore, #tpu.memory_space<semaphore_mem>> -> memref<1x!tpu.dma_semaphore, #tpu.memory_space<semaphore_mem>>
      %dma_wait3A_204 = tpu.memref_squeeze %dma_wait3A_203 : memref<1x!tpu.dma_semaphore, #tpu.memory_space<semaphore_mem>> -> memref<!tpu.dma_semaphore, #tpu.memory_space<semaphore_mem>>
      tpu.wait_indirect_dma semaphore(%dma_wait3A_204 : memref<!tpu.dma_semaphore, #tpu.memory_space<semaphore_mem>>) src(%dma_wait3A_202 : memref<20000x64xf32, #tpu.memory_space<hbm>>) dst(%dma_wait3A_196 : memref<80x64xf32, #tpu.memory_space<vmem>>)
      %dma_start3A_205 = arith.constant 0 : i32
      %dma_start3A_206 = arith.constant 0 : i32
      %dma_start3A_207 = arith.constant 0 : i32
      %dma_start3A_208 = arith.constant 0 : i32
      %dma_start3A_209 = tpu.memref_slice %arg9[%dma_start3A_205, %dma_start3A_207, %dma_start3A_208] : memref<5x80x64xf32, #tpu.memory_space<vmem>> -> memref<1x80x64xf32, #tpu.memory_space<vmem>>
      %dma_start3A_210 = tpu.memref_squeeze %dma_start3A_209 : memref<1x80x64xf32, #tpu.memory_space<vmem>> -> memref<80x64xf32, #tpu.memory_space<vmem>>
      %dma_start3A_211 = arith.constant 0 : i32
      %dma_start3A_212 = tpu.memref_slice %arg8[%add3A_190, %dma_start3A_211] : memref<250x80xi32, #tpu.memory_space<vmem>> -> memref<1x80xi32, #tpu.memory_space<vmem>>
      %dma_start3A_213 = tpu.memref_squeeze %dma_start3A_212 : memref<1x80xi32, #tpu.memory_space<vmem>> -> memref<80xi32, #tpu.memory_space<vmem>>
      %dma_start3A_214 = arith.constant 0 : i32
      %dma_start3A_215 = arith.constant 0 : i32
      %dma_start3A_216 = tpu.memref_slice %arg10[%dma_start3A_214, %dma_start3A_215] : memref<10000x64xf32, #tpu.memory_space<vmem_shared>> -> memref<10000x64xf32, #tpu.memory_space<vmem_shared>>
      %dma_start3A_217 = tpu.memref_slice %arg12[%dma_start3A_206] : memref<5x!tpu.dma_semaphore, #tpu.memory_space<semaphore_mem>> -> memref<1x!tpu.dma_semaphore, #tpu.memory_space<semaphore_mem>>
      %dma_start3A_218 = tpu.memref_squeeze %dma_start3A_217 : memref<1x!tpu.dma_semaphore, #tpu.memory_space<semaphore_mem>> -> memref<!tpu.dma_semaphore, #tpu.memory_space<semaphore_mem>>
      tpu.enqueue_indirect_dma source(%dma_start3A_210 : memref<80x64xf32, #tpu.memory_space<vmem>>) target(%dma_start3A_216 : memref<10000x64xf32, #tpu.memory_space<vmem_shared>>) offsets(%dma_start3A_213 : memref<80xi32, #tpu.memory_space<vmem>>) semaphore(%dma_start3A_218 : memref<!tpu.dma_semaphore, #tpu.memory_space<semaphore_mem>>) {add = true}
      %add3A_219 = arith.constant 5 : i32
      %add3A_220 = arith.addi %add3A_190, %add3A_219 : i32
      %lt3A = arith.constant 250 : i32
      %lt3A_221 = arith.cmpi slt, %add3A_220, %lt3A : i32
      %convert_element_type3A_222 = arith.extui %lt3A_221 : i1 to i32
      %cond3A_223 = arith.constant 0 : i32
      %cond3A_224 = arith.cmpi ne, %convert_element_type3A_222, %cond3A_223 : i32
      scf.if %cond3A_224 {
        %add3A_381 = arith.constant 5 : i32
        %add3A_382 = arith.addi %add3A_190, %add3A_381 : i32
        %ge3A = arith.constant 5 : i32
        %ge3A_383 = arith.cmpi sge, %add3A_382, %ge3A : i32
        %convert_element_type3A_384 = arith.extui %ge3A_383 : i1 to i32
        %cond3A_385 = arith.constant 0 : i32
        %cond3A_386 = arith.cmpi ne, %convert_element_type3A_384, %cond3A_385 : i32
        scf.if %cond3A_386 {
          %dma_wait3A_403 = arith.constant 0 : i32
          %dma_wait3A_404 = arith.constant 0 : i32
          %dma_wait3A_405 = arith.constant 0 : i32
          %dma_wait3A_406 = arith.constant 0 : i32
          %dma_wait3A_407 = arith.constant 0 : i32
          %dma_wait3A_408 = tpu.memref_slice %arg9[%dma_wait3A_403, %dma_wait3A_406, %dma_wait3A_407] : memref<5x80x64xf32, #tpu.memory_space<vmem>> -> memref<1x80x64xf32, #tpu.memory_space<vmem>>
          %dma_wait3A_409 = tpu.memref_squeeze %dma_wait3A_408 : memref<1x80x64xf32, #tpu.memory_space<vmem>> -> memref<80x64xf32, #tpu.memory_space<vmem>>
          %dma_wait3A_410 = arith.constant 0 : i32
          %dma_wait3A_411 = tpu.memref_slice %arg8[%dma_wait3A_404, %dma_wait3A_410] : memref<250x80xi32, #tpu.memory_space<vmem>> -> memref<1x80xi32, #tpu.memory_space<vmem>>
          %dma_wait3A_412 = tpu.memref_squeeze %dma_wait3A_411 : memref<1x80xi32, #tpu.memory_space<vmem>> -> memref<80xi32, #tpu.memory_space<vmem>>
          %dma_wait3A_413 = arith.constant 0 : i32
          %dma_wait3A_414 = arith.constant 0 : i32
          %dma_wait3A_415 = tpu.memref_slice %arg10[%dma_wait3A_413, %dma_wait3A_414] : memref<10000x64xf32, #tpu.memory_space<vmem_shared>> -> memref<10000x64xf32, #tpu.memory_space<vmem_shared>>
          %dma_wait3A_416 = tpu.memref_slice %arg12[%dma_wait3A_405] : memref<5x!tpu.dma_semaphore, #tpu.memory_space<semaphore_mem>> -> memref<1x!tpu.dma_semaphore, #tpu.memory_space<semaphore_mem>>
          %dma_wait3A_417 = tpu.memref_squeeze %dma_wait3A_416 : memref<1x!tpu.dma_semaphore, #tpu.memory_space<semaphore_mem>> -> memref<!tpu.dma_semaphore, #tpu.memory_space<semaphore_mem>>
          tpu.wait_indirect_dma semaphore(%dma_wait3A_417 : memref<!tpu.dma_semaphore, #tpu.memory_space<semaphore_mem>>) src(%dma_wait3A_409 : memref<80x64xf32, #tpu.memory_space<vmem>>) dst(%dma_wait3A_415 : memref<10000x64xf32, #tpu.memory_space<vmem_shared>>)
        } else {
        }
        %add3A_387 = arith.constant 5 : i32
        %add3A_388 = arith.addi %add3A_190, %add3A_387 : i32
        %dma_start3A_389 = arith.constant 0 : i32
        %dma_start3A_390 = arith.constant 0 : i32
        %dma_start3A_391 = arith.constant 0 : i32
        %dma_start3A_392 = arith.constant 0 : i32
        %dma_start3A_393 = tpu.memref_slice %arg9[%dma_start3A_389, %dma_start3A_391, %dma_start3A_392] : memref<5x80x64xf32, #tpu.memory_space<vmem>> -> memref<1x80x64xf32, #tpu.memory_space<vmem>>
        %dma_start3A_394 = tpu.memref_squeeze %dma_start3A_393 : memref<1x80x64xf32, #tpu.memory_space<vmem>> -> memref<80x64xf32, #tpu.memory_space<vmem>>
        %dma_start3A_395 = arith.constant 0 : i32
        %dma_start3A_396 = tpu.memref_slice %arg7[%add3A_388, %dma_start3A_395] : memref<250x80xi32, #tpu.memory_space<vmem>> -> memref<1x80xi32, #tpu.memory_space<vmem>>
        %dma_start3A_397 = tpu.memref_squeeze %dma_start3A_396 : memref<1x80xi32, #tpu.memory_space<vmem>> -> memref<80xi32, #tpu.memory_space<vmem>>
        %dma_start3A_398 = arith.constant 0 : i32
        %dma_start3A_399 = arith.constant 0 : i32
        %dma_start3A_400 = tpu.memref_slice %arg4[%dma_start3A_398, %dma_start3A_399] : memref<20000x64xf32, #tpu.memory_space<hbm>> -> memref<20000x64xf32, #tpu.memory_space<hbm>>
        %dma_start3A_401 = tpu.memref_slice %arg11[%dma_start3A_390] : memref<5x!tpu.dma_semaphore, #tpu.memory_space<semaphore_mem>> -> memref<1x!tpu.dma_semaphore, #tpu.memory_space<semaphore_mem>>
        %dma_start3A_402 = tpu.memref_squeeze %dma_start3A_401 : memref<1x!tpu.dma_semaphore, #tpu.memory_space<semaphore_mem>> -> memref<!tpu.dma_semaphore, #tpu.memory_space<semaphore_mem>>
        tpu.enqueue_indirect_dma source(%dma_start3A_400 : memref<20000x64xf32, #tpu.memory_space<hbm>>) target(%dma_start3A_394 : memref<80x64xf32, #tpu.memory_space<vmem>>) offsets(%dma_start3A_397 : memref<80xi32, #tpu.memory_space<vmem>>) semaphore(%dma_start3A_402 : memref<!tpu.dma_semaphore, #tpu.memory_space<semaphore_mem>>)
      } else {
      }
      %mul3A_225 = arith.constant 5 : i32
      %mul3A_226 = arith.muli %scan3A_186, %mul3A_225 : i32
      %add3A_227 = arith.constant 1 : i32
      %add3A_228 = arith.addi %mul3A_226, %add3A_227 : i32
      %dma_wait3A_229 = arith.constant 1 : i32
      %dma_wait3A_230 = arith.constant 1 : i32
      %dma_wait3A_231 = arith.constant 0 : i32
      %dma_wait3A_232 = arith.constant 0 : i32
      %dma_wait3A_233 = tpu.memref_slice %arg9[%dma_wait3A_229, %dma_wait3A_231, %dma_wait3A_232] : memref<5x80x64xf32, #tpu.memory_space<vmem>> -> memref<1x80x64xf32, #tpu.memory_space<vmem>>
      %dma_wait3A_234 = tpu.memref_squeeze %dma_wait3A_233 : memref<1x80x64xf32, #tpu.memory_space<vmem>> -> memref<80x64xf32, #tpu.memory_space<vmem>>
      %dma_wait3A_235 = arith.constant 0 : i32
      %dma_wait3A_236 = tpu.memref_slice %arg7[%add3A_228, %dma_wait3A_235] : memref<250x80xi32, #tpu.memory_space<vmem>> -> memref<1x80xi32, #tpu.memory_space<vmem>>
      %dma_wait3A_237 = tpu.memref_squeeze %dma_wait3A_236 : memref<1x80xi32, #tpu.memory_space<vmem>> -> memref<80xi32, #tpu.memory_space<vmem>>
      %dma_wait3A_238 = arith.constant 0 : i32
      %dma_wait3A_239 = arith.constant 0 : i32
      %dma_wait3A_240 = tpu.memref_slice %arg4[%dma_wait3A_238, %dma_wait3A_239] : memref<20000x64xf32, #tpu.memory_space<hbm>> -> memref<20000x64xf32, #tpu.memory_space<hbm>>
      %dma_wait3A_241 = tpu.memref_slice %arg11[%dma_wait3A_230] : memref<5x!tpu.dma_semaphore, #tpu.memory_space<semaphore_mem>> -> memref<1x!tpu.dma_semaphore, #tpu.memory_space<semaphore_mem>>
      %dma_wait3A_242 = tpu.memref_squeeze %dma_wait3A_241 : memref<1x!tpu.dma_semaphore, #tpu.memory_space<semaphore_mem>> -> memref<!tpu.dma_semaphore, #tpu.memory_space<semaphore_mem>>
      tpu.wait_indirect_dma semaphore(%dma_wait3A_242 : memref<!tpu.dma_semaphore, #tpu.memory_space<semaphore_mem>>) src(%dma_wait3A_240 : memref<20000x64xf32, #tpu.memory_space<hbm>>) dst(%dma_wait3A_234 : memref<80x64xf32, #tpu.memory_space<vmem>>)
      %dma_start3A_243 = arith.constant 1 : i32
      %dma_start3A_244 = arith.constant 1 : i32
      %dma_start3A_245 = arith.constant 0 : i32
      %dma_start3A_246 = arith.constant 0 : i32
      %dma_start3A_247 = tpu.memref_slice %arg9[%dma_start3A_243, %dma_start3A_245, %dma_start3A_246] : memref<5x80x64xf32, #tpu.memory_space<vmem>> -> memref<1x80x64xf32, #tpu.memory_space<vmem>>
      %dma_start3A_248 = tpu.memref_squeeze %dma_start3A_247 : memref<1x80x64xf32, #tpu.memory_space<vmem>> -> memref<80x64xf32, #tpu.memory_space<vmem>>
      %dma_start3A_249 = arith.constant 0 : i32
      %dma_start3A_250 = tpu.memref_slice %arg8[%add3A_228, %dma_start3A_249] : memref<250x80xi32, #tpu.memory_space<vmem>> -> memref<1x80xi32, #tpu.memory_space<vmem>>
      %dma_start3A_251 = tpu.memref_squeeze %dma_start3A_250 : memref<1x80xi32, #tpu.memory_space<vmem>> -> memref<80xi32, #tpu.memory_space<vmem>>
      %dma_start3A_252 = arith.constant 0 : i32
      %dma_start3A_253 = arith.constant 0 : i32
      %dma_start3A_254 = tpu.memref_slice %arg10[%dma_start3A_252, %dma_start3A_253] : memref<10000x64xf32, #tpu.memory_space<vmem_shared>> -> memref<10000x64xf32, #tpu.memory_space<vmem_shared>>
      %dma_start3A_255 = tpu.memref_slice %arg12[%dma_start3A_244] : memref<5x!tpu.dma_semaphore, #tpu.memory_space<semaphore_mem>> -> memref<1x!tpu.dma_semaphore, #tpu.memory_space<semaphore_mem>>
      %dma_start3A_256 = tpu.memref_squeeze %dma_start3A_255 : memref<1x!tpu.dma_semaphore, #tpu.memory_space<semaphore_mem>> -> memref<!tpu.dma_semaphore, #tpu.memory_space<semaphore_mem>>
      tpu.enqueue_indirect_dma source(%dma_start3A_248 : memref<80x64xf32, #tpu.memory_space<vmem>>) target(%dma_start3A_254 : memref<10000x64xf32, #tpu.memory_space<vmem_shared>>) offsets(%dma_start3A_251 : memref<80xi32, #tpu.memory_space<vmem>>) semaphore(%dma_start3A_256 : memref<!tpu.dma_semaphore, #tpu.memory_space<semaphore_mem>>) {add = true}
      %add3A_257 = arith.constant 5 : i32
      %add3A_258 = arith.addi %add3A_228, %add3A_257 : i32
      %lt3A_259 = arith.constant 250 : i32
      %lt3A_260 = arith.cmpi slt, %add3A_258, %lt3A_259 : i32
      %convert_element_type3A_261 = arith.extui %lt3A_260 : i1 to i32
      %cond3A_262 = arith.constant 0 : i32
      %cond3A_263 = arith.cmpi ne, %convert_element_type3A_261, %cond3A_262 : i32
      scf.if %cond3A_263 {
        %add3A_381 = arith.constant 5 : i32
        %add3A_382 = arith.addi %add3A_228, %add3A_381 : i32
        %ge3A = arith.constant 5 : i32
        %ge3A_383 = arith.cmpi sge, %add3A_382, %ge3A : i32
        %convert_element_type3A_384 = arith.extui %ge3A_383 : i1 to i32
        %cond3A_385 = arith.constant 0 : i32
        %cond3A_386 = arith.cmpi ne, %convert_element_type3A_384, %cond3A_385 : i32
        scf.if %cond3A_386 {
          %dma_wait3A_403 = arith.constant 1 : i32
          %dma_wait3A_404 = arith.constant 0 : i32
          %dma_wait3A_405 = arith.constant 1 : i32
          %dma_wait3A_406 = arith.constant 0 : i32
          %dma_wait3A_407 = arith.constant 0 : i32
          %dma_wait3A_408 = tpu.memref_slice %arg9[%dma_wait3A_403, %dma_wait3A_406, %dma_wait3A_407] : memref<5x80x64xf32, #tpu.memory_space<vmem>> -> memref<1x80x64xf32, #tpu.memory_space<vmem>>
          %dma_wait3A_409 = tpu.memref_squeeze %dma_wait3A_408 : memref<1x80x64xf32, #tpu.memory_space<vmem>> -> memref<80x64xf32, #tpu.memory_space<vmem>>
          %dma_wait3A_410 = arith.constant 0 : i32
          %dma_wait3A_411 = tpu.memref_slice %arg8[%dma_wait3A_404, %dma_wait3A_410] : memref<250x80xi32, #tpu.memory_space<vmem>> -> memref<1x80xi32, #tpu.memory_space<vmem>>
          %dma_wait3A_412 = tpu.memref_squeeze %dma_wait3A_411 : memref<1x80xi32, #tpu.memory_space<vmem>> -> memref<80xi32, #tpu.memory_space<vmem>>
          %dma_wait3A_413 = arith.constant 0 : i32
          %dma_wait3A_414 = arith.constant 0 : i32
          %dma_wait3A_415 = tpu.memref_slice %arg10[%dma_wait3A_413, %dma_wait3A_414] : memref<10000x64xf32, #tpu.memory_space<vmem_shared>> -> memref<10000x64xf32, #tpu.memory_space<vmem_shared>>
          %dma_wait3A_416 = tpu.memref_slice %arg12[%dma_wait3A_405] : memref<5x!tpu.dma_semaphore, #tpu.memory_space<semaphore_mem>> -> memref<1x!tpu.dma_semaphore, #tpu.memory_space<semaphore_mem>>
          %dma_wait3A_417 = tpu.memref_squeeze %dma_wait3A_416 : memref<1x!tpu.dma_semaphore, #tpu.memory_space<semaphore_mem>> -> memref<!tpu.dma_semaphore, #tpu.memory_space<semaphore_mem>>
          tpu.wait_indirect_dma semaphore(%dma_wait3A_417 : memref<!tpu.dma_semaphore, #tpu.memory_space<semaphore_mem>>) src(%dma_wait3A_409 : memref<80x64xf32, #tpu.memory_space<vmem>>) dst(%dma_wait3A_415 : memref<10000x64xf32, #tpu.memory_space<vmem_shared>>)
        } else {
        }
        %add3A_387 = arith.constant 5 : i32
        %add3A_388 = arith.addi %add3A_228, %add3A_387 : i32
        %dma_start3A_389 = arith.constant 1 : i32
        %dma_start3A_390 = arith.constant 1 : i32
        %dma_start3A_391 = arith.constant 0 : i32
        %dma_start3A_392 = arith.constant 0 : i32
        %dma_start3A_393 = tpu.memref_slice %arg9[%dma_start3A_389, %dma_start3A_391, %dma_start3A_392] : memref<5x80x64xf32, #tpu.memory_space<vmem>> -> memref<1x80x64xf32, #tpu.memory_space<vmem>>
        %dma_start3A_394 = tpu.memref_squeeze %dma_start3A_393 : memref<1x80x64xf32, #tpu.memory_space<vmem>> -> memref<80x64xf32, #tpu.memory_space<vmem>>
        %dma_start3A_395 = arith.constant 0 : i32
        %dma_start3A_396 = tpu.memref_slice %arg7[%add3A_388, %dma_start3A_395] : memref<250x80xi32, #tpu.memory_space<vmem>> -> memref<1x80xi32, #tpu.memory_space<vmem>>
        %dma_start3A_397 = tpu.memref_squeeze %dma_start3A_396 : memref<1x80xi32, #tpu.memory_space<vmem>> -> memref<80xi32, #tpu.memory_space<vmem>>
        %dma_start3A_398 = arith.constant 0 : i32
        %dma_start3A_399 = arith.constant 0 : i32
        %dma_start3A_400 = tpu.memref_slice %arg4[%dma_start3A_398, %dma_start3A_399] : memref<20000x64xf32, #tpu.memory_space<hbm>> -> memref<20000x64xf32, #tpu.memory_space<hbm>>
        %dma_start3A_401 = tpu.memref_slice %arg11[%dma_start3A_390] : memref<5x!tpu.dma_semaphore, #tpu.memory_space<semaphore_mem>> -> memref<1x!tpu.dma_semaphore, #tpu.memory_space<semaphore_mem>>
        %dma_start3A_402 = tpu.memref_squeeze %dma_start3A_401 : memref<1x!tpu.dma_semaphore, #tpu.memory_space<semaphore_mem>> -> memref<!tpu.dma_semaphore, #tpu.memory_space<semaphore_mem>>
        tpu.enqueue_indirect_dma source(%dma_start3A_400 : memref<20000x64xf32, #tpu.memory_space<hbm>>) target(%dma_start3A_394 : memref<80x64xf32, #tpu.memory_space<vmem>>) offsets(%dma_start3A_397 : memref<80xi32, #tpu.memory_space<vmem>>) semaphore(%dma_start3A_402 : memref<!tpu.dma_semaphore, #tpu.memory_space<semaphore_mem>>)
      } else {
      }
      %mul3A_264 = arith.constant 5 : i32
      %mul3A_265 = arith.muli %scan3A_186, %mul3A_264 : i32
      %add3A_266 = arith.constant 2 : i32
      %add3A_267 = arith.addi %mul3A_265, %add3A_266 : i32
      %dma_wait3A_268 = arith.constant 2 : i32
      %dma_wait3A_269 = arith.constant 2 : i32
      %dma_wait3A_270 = arith.constant 0 : i32
      %dma_wait3A_271 = arith.constant 0 : i32
      %dma_wait3A_272 = tpu.memref_slice %arg9[%dma_wait3A_268, %dma_wait3A_270, %dma_wait3A_271] : memref<5x80x64xf32, #tpu.memory_space<vmem>> -> memref<1x80x64xf32, #tpu.memory_space<vmem>>
      %dma_wait3A_273 = tpu.memref_squeeze %dma_wait3A_272 : memref<1x80x64xf32, #tpu.memory_space<vmem>> -> memref<80x64xf32, #tpu.memory_space<vmem>>
      %dma_wait3A_274 = arith.constant 0 : i32
      %dma_wait3A_275 = tpu.memref_slice %arg7[%add3A_267, %dma_wait3A_274] : memref<250x80xi32, #tpu.memory_space<vmem>> -> memref<1x80xi32, #tpu.memory_space<vmem>>
      %dma_wait3A_276 = tpu.memref_squeeze %dma_wait3A_275 : memref<1x80xi32, #tpu.memory_space<vmem>> -> memref<80xi32, #tpu.memory_space<vmem>>
      %dma_wait3A_277 = arith.constant 0 : i32
      %dma_wait3A_278 = arith.constant 0 : i32
      %dma_wait3A_279 = tpu.memref_slice %arg4[%dma_wait3A_277, %dma_wait3A_278] : memref<20000x64xf32, #tpu.memory_space<hbm>> -> memref<20000x64xf32, #tpu.memory_space<hbm>>
      %dma_wait3A_280 = tpu.memref_slice %arg11[%dma_wait3A_269] : memref<5x!tpu.dma_semaphore, #tpu.memory_space<semaphore_mem>> -> memref<1x!tpu.dma_semaphore, #tpu.memory_space<semaphore_mem>>
      %dma_wait3A_281 = tpu.memref_squeeze %dma_wait3A_280 : memref<1x!tpu.dma_semaphore, #tpu.memory_space<semaphore_mem>> -> memref<!tpu.dma_semaphore, #tpu.memory_space<semaphore_mem>>
      tpu.wait_indirect_dma semaphore(%dma_wait3A_281 : memref<!tpu.dma_semaphore, #tpu.memory_space<semaphore_mem>>) src(%dma_wait3A_279 : memref<20000x64xf32, #tpu.memory_space<hbm>>) dst(%dma_wait3A_273 : memref<80x64xf32, #tpu.memory_space<vmem>>)
      %dma_start3A_282 = arith.constant 2 : i32
      %dma_start3A_283 = arith.constant 2 : i32
      %dma_start3A_284 = arith.constant 0 : i32
      %dma_start3A_285 = arith.constant 0 : i32
      %dma_start3A_286 = tpu.memref_slice %arg9[%dma_start3A_282, %dma_start3A_284, %dma_start3A_285] : memref<5x80x64xf32, #tpu.memory_space<vmem>> -> memref<1x80x64xf32, #tpu.memory_space<vmem>>
      %dma_start3A_287 = tpu.memref_squeeze %dma_start3A_286 : memref<1x80x64xf32, #tpu.memory_space<vmem>> -> memref<80x64xf32, #tpu.memory_space<vmem>>
      %dma_start3A_288 = arith.constant 0 : i32
      %dma_start3A_289 = tpu.memref_slice %arg8[%add3A_267, %dma_start3A_288] : memref<250x80xi32, #tpu.memory_space<vmem>> -> memref<1x80xi32, #tpu.memory_space<vmem>>
      %dma_start3A_290 = tpu.memref_squeeze %dma_start3A_289 : memref<1x80xi32, #tpu.memory_space<vmem>> -> memref<80xi32, #tpu.memory_space<vmem>>
      %dma_start3A_291 = arith.constant 0 : i32
      %dma_start3A_292 = arith.constant 0 : i32
      %dma_start3A_293 = tpu.memref_slice %arg10[%dma_start3A_291, %dma_start3A_292] : memref<10000x64xf32, #tpu.memory_space<vmem_shared>> -> memref<10000x64xf32, #tpu.memory_space<vmem_shared>>
      %dma_start3A_294 = tpu.memref_slice %arg12[%dma_start3A_283] : memref<5x!tpu.dma_semaphore, #tpu.memory_space<semaphore_mem>> -> memref<1x!tpu.dma_semaphore, #tpu.memory_space<semaphore_mem>>
      %dma_start3A_295 = tpu.memref_squeeze %dma_start3A_294 : memref<1x!tpu.dma_semaphore, #tpu.memory_space<semaphore_mem>> -> memref<!tpu.dma_semaphore, #tpu.memory_space<semaphore_mem>>
      tpu.enqueue_indirect_dma source(%dma_start3A_287 : memref<80x64xf32, #tpu.memory_space<vmem>>) target(%dma_start3A_293 : memref<10000x64xf32, #tpu.memory_space<vmem_shared>>) offsets(%dma_start3A_290 : memref<80xi32, #tpu.memory_space<vmem>>) semaphore(%dma_start3A_295 : memref<!tpu.dma_semaphore, #tpu.memory_space<semaphore_mem>>) {add = true}
      %add3A_296 = arith.constant 5 : i32
      %add3A_297 = arith.addi %add3A_267, %add3A_296 : i32
      %lt3A_298 = arith.constant 250 : i32
      %lt3A_299 = arith.cmpi slt, %add3A_297, %lt3A_298 : i32
      %convert_element_type3A_300 = arith.extui %lt3A_299 : i1 to i32
      %cond3A_301 = arith.constant 0 : i32
      %cond3A_302 = arith.cmpi ne, %convert_element_type3A_300, %cond3A_301 : i32
      scf.if %cond3A_302 {
        %add3A_381 = arith.constant 5 : i32
        %add3A_382 = arith.addi %add3A_267, %add3A_381 : i32
        %ge3A = arith.constant 5 : i32
        %ge3A_383 = arith.cmpi sge, %add3A_382, %ge3A : i32
        %convert_element_type3A_384 = arith.extui %ge3A_383 : i1 to i32
        %cond3A_385 = arith.constant 0 : i32
        %cond3A_386 = arith.cmpi ne, %convert_element_type3A_384, %cond3A_385 : i32
        scf.if %cond3A_386 {
          %dma_wait3A_403 = arith.constant 2 : i32
          %dma_wait3A_404 = arith.constant 0 : i32
          %dma_wait3A_405 = arith.constant 2 : i32
          %dma_wait3A_406 = arith.constant 0 : i32
          %dma_wait3A_407 = arith.constant 0 : i32
          %dma_wait3A_408 = tpu.memref_slice %arg9[%dma_wait3A_403, %dma_wait3A_406, %dma_wait3A_407] : memref<5x80x64xf32, #tpu.memory_space<vmem>> -> memref<1x80x64xf32, #tpu.memory_space<vmem>>
          %dma_wait3A_409 = tpu.memref_squeeze %dma_wait3A_408 : memref<1x80x64xf32, #tpu.memory_space<vmem>> -> memref<80x64xf32, #tpu.memory_space<vmem>>
          %dma_wait3A_410 = arith.constant 0 : i32
          %dma_wait3A_411 = tpu.memref_slice %arg8[%dma_wait3A_404, %dma_wait3A_410] : memref<250x80xi32, #tpu.memory_space<vmem>> -> memref<1x80xi32, #tpu.memory_space<vmem>>
          %dma_wait3A_412 = tpu.memref_squeeze %dma_wait3A_411 : memref<1x80xi32, #tpu.memory_space<vmem>> -> memref<80xi32, #tpu.memory_space<vmem>>
          %dma_wait3A_413 = arith.constant 0 : i32
          %dma_wait3A_414 = arith.constant 0 : i32
          %dma_wait3A_415 = tpu.memref_slice %arg10[%dma_wait3A_413, %dma_wait3A_414] : memref<10000x64xf32, #tpu.memory_space<vmem_shared>> -> memref<10000x64xf32, #tpu.memory_space<vmem_shared>>
          %dma_wait3A_416 = tpu.memref_slice %arg12[%dma_wait3A_405] : memref<5x!tpu.dma_semaphore, #tpu.memory_space<semaphore_mem>> -> memref<1x!tpu.dma_semaphore, #tpu.memory_space<semaphore_mem>>
          %dma_wait3A_417 = tpu.memref_squeeze %dma_wait3A_416 : memref<1x!tpu.dma_semaphore, #tpu.memory_space<semaphore_mem>> -> memref<!tpu.dma_semaphore, #tpu.memory_space<semaphore_mem>>
          tpu.wait_indirect_dma semaphore(%dma_wait3A_417 : memref<!tpu.dma_semaphore, #tpu.memory_space<semaphore_mem>>) src(%dma_wait3A_409 : memref<80x64xf32, #tpu.memory_space<vmem>>) dst(%dma_wait3A_415 : memref<10000x64xf32, #tpu.memory_space<vmem_shared>>)
        } else {
        }
        %add3A_387 = arith.constant 5 : i32
        %add3A_388 = arith.addi %add3A_267, %add3A_387 : i32
        %dma_start3A_389 = arith.constant 2 : i32
        %dma_start3A_390 = arith.constant 2 : i32
        %dma_start3A_391 = arith.constant 0 : i32
        %dma_start3A_392 = arith.constant 0 : i32
        %dma_start3A_393 = tpu.memref_slice %arg9[%dma_start3A_389, %dma_start3A_391, %dma_start3A_392] : memref<5x80x64xf32, #tpu.memory_space<vmem>> -> memref<1x80x64xf32, #tpu.memory_space<vmem>>
        %dma_start3A_394 = tpu.memref_squeeze %dma_start3A_393 : memref<1x80x64xf32, #tpu.memory_space<vmem>> -> memref<80x64xf32, #tpu.memory_space<vmem>>
        %dma_start3A_395 = arith.constant 0 : i32
        %dma_start3A_396 = tpu.memref_slice %arg7[%add3A_388, %dma_start3A_395] : memref<250x80xi32, #tpu.memory_space<vmem>> -> memref<1x80xi32, #tpu.memory_space<vmem>>
        %dma_start3A_397 = tpu.memref_squeeze %dma_start3A_396 : memref<1x80xi32, #tpu.memory_space<vmem>> -> memref<80xi32, #tpu.memory_space<vmem>>
        %dma_start3A_398 = arith.constant 0 : i32
        %dma_start3A_399 = arith.constant 0 : i32
        %dma_start3A_400 = tpu.memref_slice %arg4[%dma_start3A_398, %dma_start3A_399] : memref<20000x64xf32, #tpu.memory_space<hbm>> -> memref<20000x64xf32, #tpu.memory_space<hbm>>
        %dma_start3A_401 = tpu.memref_slice %arg11[%dma_start3A_390] : memref<5x!tpu.dma_semaphore, #tpu.memory_space<semaphore_mem>> -> memref<1x!tpu.dma_semaphore, #tpu.memory_space<semaphore_mem>>
        %dma_start3A_402 = tpu.memref_squeeze %dma_start3A_401 : memref<1x!tpu.dma_semaphore, #tpu.memory_space<semaphore_mem>> -> memref<!tpu.dma_semaphore, #tpu.memory_space<semaphore_mem>>
        tpu.enqueue_indirect_dma source(%dma_start3A_400 : memref<20000x64xf32, #tpu.memory_space<hbm>>) target(%dma_start3A_394 : memref<80x64xf32, #tpu.memory_space<vmem>>) offsets(%dma_start3A_397 : memref<80xi32, #tpu.memory_space<vmem>>) semaphore(%dma_start3A_402 : memref<!tpu.dma_semaphore, #tpu.memory_space<semaphore_mem>>)
      } else {
      }
      %mul3A_303 = arith.constant 5 : i32
      %mul3A_304 = arith.muli %scan3A_186, %mul3A_303 : i32
      %add3A_305 = arith.constant 3 : i32
      %add3A_306 = arith.addi %mul3A_304, %add3A_305 : i32
      %dma_wait3A_307 = arith.constant 3 : i32
      %dma_wait3A_308 = arith.constant 3 : i32
      %dma_wait3A_309 = arith.constant 0 : i32
      %dma_wait3A_310 = arith.constant 0 : i32
      %dma_wait3A_311 = tpu.memref_slice %arg9[%dma_wait3A_307, %dma_wait3A_309, %dma_wait3A_310] : memref<5x80x64xf32, #tpu.memory_space<vmem>> -> memref<1x80x64xf32, #tpu.memory_space<vmem>>
      %dma_wait3A_312 = tpu.memref_squeeze %dma_wait3A_311 : memref<1x80x64xf32, #tpu.memory_space<vmem>> -> memref<80x64xf32, #tpu.memory_space<vmem>>
      %dma_wait3A_313 = arith.constant 0 : i32
      %dma_wait3A_314 = tpu.memref_slice %arg7[%add3A_306, %dma_wait3A_313] : memref<250x80xi32, #tpu.memory_space<vmem>> -> memref<1x80xi32, #tpu.memory_space<vmem>>
      %dma_wait3A_315 = tpu.memref_squeeze %dma_wait3A_314 : memref<1x80xi32, #tpu.memory_space<vmem>> -> memref<80xi32, #tpu.memory_space<vmem>>
      %dma_wait3A_316 = arith.constant 0 : i32
      %dma_wait3A_317 = arith.constant 0 : i32
      %dma_wait3A_318 = tpu.memref_slice %arg4[%dma_wait3A_316, %dma_wait3A_317] : memref<20000x64xf32, #tpu.memory_space<hbm>> -> memref<20000x64xf32, #tpu.memory_space<hbm>>
      %dma_wait3A_319 = tpu.memref_slice %arg11[%dma_wait3A_308] : memref<5x!tpu.dma_semaphore, #tpu.memory_space<semaphore_mem>> -> memref<1x!tpu.dma_semaphore, #tpu.memory_space<semaphore_mem>>
      %dma_wait3A_320 = tpu.memref_squeeze %dma_wait3A_319 : memref<1x!tpu.dma_semaphore, #tpu.memory_space<semaphore_mem>> -> memref<!tpu.dma_semaphore, #tpu.memory_space<semaphore_mem>>
      tpu.wait_indirect_dma semaphore(%dma_wait3A_320 : memref<!tpu.dma_semaphore, #tpu.memory_space<semaphore_mem>>) src(%dma_wait3A_318 : memref<20000x64xf32, #tpu.memory_space<hbm>>) dst(%dma_wait3A_312 : memref<80x64xf32, #tpu.memory_space<vmem>>)
      %dma_start3A_321 = arith.constant 3 : i32
      %dma_start3A_322 = arith.constant 3 : i32
      %dma_start3A_323 = arith.constant 0 : i32
      %dma_start3A_324 = arith.constant 0 : i32
      %dma_start3A_325 = tpu.memref_slice %arg9[%dma_start3A_321, %dma_start3A_323, %dma_start3A_324] : memref<5x80x64xf32, #tpu.memory_space<vmem>> -> memref<1x80x64xf32, #tpu.memory_space<vmem>>
      %dma_start3A_326 = tpu.memref_squeeze %dma_start3A_325 : memref<1x80x64xf32, #tpu.memory_space<vmem>> -> memref<80x64xf32, #tpu.memory_space<vmem>>
      %dma_start3A_327 = arith.constant 0 : i32
      %dma_start3A_328 = tpu.memref_slice %arg8[%add3A_306, %dma_start3A_327] : memref<250x80xi32, #tpu.memory_space<vmem>> -> memref<1x80xi32, #tpu.memory_space<vmem>>
      %dma_start3A_329 = tpu.memref_squeeze %dma_start3A_328 : memref<1x80xi32, #tpu.memory_space<vmem>> -> memref<80xi32, #tpu.memory_space<vmem>>
      %dma_start3A_330 = arith.constant 0 : i32
      %dma_start3A_331 = arith.constant 0 : i32
      %dma_start3A_332 = tpu.memref_slice %arg10[%dma_start3A_330, %dma_start3A_331] : memref<10000x64xf32, #tpu.memory_space<vmem_shared>> -> memref<10000x64xf32, #tpu.memory_space<vmem_shared>>
      %dma_start3A_333 = tpu.memref_slice %arg12[%dma_start3A_322] : memref<5x!tpu.dma_semaphore, #tpu.memory_space<semaphore_mem>> -> memref<1x!tpu.dma_semaphore, #tpu.memory_space<semaphore_mem>>
      %dma_start3A_334 = tpu.memref_squeeze %dma_start3A_333 : memref<1x!tpu.dma_semaphore, #tpu.memory_space<semaphore_mem>> -> memref<!tpu.dma_semaphore, #tpu.memory_space<semaphore_mem>>
      tpu.enqueue_indirect_dma source(%dma_start3A_326 : memref<80x64xf32, #tpu.memory_space<vmem>>) target(%dma_start3A_332 : memref<10000x64xf32, #tpu.memory_space<vmem_shared>>) offsets(%dma_start3A_329 : memref<80xi32, #tpu.memory_space<vmem>>) semaphore(%dma_start3A_334 : memref<!tpu.dma_semaphore, #tpu.memory_space<semaphore_mem>>) {add = true}
      %add3A_335 = arith.constant 5 : i32
      %add3A_336 = arith.addi %add3A_306, %add3A_335 : i32
      %lt3A_337 = arith.constant 250 : i32
      %lt3A_338 = arith.cmpi slt, %add3A_336, %lt3A_337 : i32
      %convert_element_type3A_339 = arith.extui %lt3A_338 : i1 to i32
      %cond3A_340 = arith.constant 0 : i32
      %cond3A_341 = arith.cmpi ne, %convert_element_type3A_339, %cond3A_340 : i32
      scf.if %cond3A_341 {
        %add3A_381 = arith.constant 5 : i32
        %add3A_382 = arith.addi %add3A_306, %add3A_381 : i32
        %ge3A = arith.constant 5 : i32
        %ge3A_383 = arith.cmpi sge, %add3A_382, %ge3A : i32
        %convert_element_type3A_384 = arith.extui %ge3A_383 : i1 to i32
        %cond3A_385 = arith.constant 0 : i32
        %cond3A_386 = arith.cmpi ne, %convert_element_type3A_384, %cond3A_385 : i32
        scf.if %cond3A_386 {
          %dma_wait3A_403 = arith.constant 3 : i32
          %dma_wait3A_404 = arith.constant 0 : i32
          %dma_wait3A_405 = arith.constant 3 : i32
          %dma_wait3A_406 = arith.constant 0 : i32
          %dma_wait3A_407 = arith.constant 0 : i32
          %dma_wait3A_408 = tpu.memref_slice %arg9[%dma_wait3A_403, %dma_wait3A_406, %dma_wait3A_407] : memref<5x80x64xf32, #tpu.memory_space<vmem>> -> memref<1x80x64xf32, #tpu.memory_space<vmem>>
          %dma_wait3A_409 = tpu.memref_squeeze %dma_wait3A_408 : memref<1x80x64xf32, #tpu.memory_space<vmem>> -> memref<80x64xf32, #tpu.memory_space<vmem>>
          %dma_wait3A_410 = arith.constant 0 : i32
          %dma_wait3A_411 = tpu.memref_slice %arg8[%dma_wait3A_404, %dma_wait3A_410] : memref<250x80xi32, #tpu.memory_space<vmem>> -> memref<1x80xi32, #tpu.memory_space<vmem>>
          %dma_wait3A_412 = tpu.memref_squeeze %dma_wait3A_411 : memref<1x80xi32, #tpu.memory_space<vmem>> -> memref<80xi32, #tpu.memory_space<vmem>>
          %dma_wait3A_413 = arith.constant 0 : i32
          %dma_wait3A_414 = arith.constant 0 : i32
          %dma_wait3A_415 = tpu.memref_slice %arg10[%dma_wait3A_413, %dma_wait3A_414] : memref<10000x64xf32, #tpu.memory_space<vmem_shared>> -> memref<10000x64xf32, #tpu.memory_space<vmem_shared>>
          %dma_wait3A_416 = tpu.memref_slice %arg12[%dma_wait3A_405] : memref<5x!tpu.dma_semaphore, #tpu.memory_space<semaphore_mem>> -> memref<1x!tpu.dma_semaphore, #tpu.memory_space<semaphore_mem>>
          %dma_wait3A_417 = tpu.memref_squeeze %dma_wait3A_416 : memref<1x!tpu.dma_semaphore, #tpu.memory_space<semaphore_mem>> -> memref<!tpu.dma_semaphore, #tpu.memory_space<semaphore_mem>>
          tpu.wait_indirect_dma semaphore(%dma_wait3A_417 : memref<!tpu.dma_semaphore, #tpu.memory_space<semaphore_mem>>) src(%dma_wait3A_409 : memref<80x64xf32, #tpu.memory_space<vmem>>) dst(%dma_wait3A_415 : memref<10000x64xf32, #tpu.memory_space<vmem_shared>>)
        } else {
        }
        %add3A_387 = arith.constant 5 : i32
        %add3A_388 = arith.addi %add3A_306, %add3A_387 : i32
        %dma_start3A_389 = arith.constant 3 : i32
        %dma_start3A_390 = arith.constant 3 : i32
        %dma_start3A_391 = arith.constant 0 : i32
        %dma_start3A_392 = arith.constant 0 : i32
        %dma_start3A_393 = tpu.memref_slice %arg9[%dma_start3A_389, %dma_start3A_391, %dma_start3A_392] : memref<5x80x64xf32, #tpu.memory_space<vmem>> -> memref<1x80x64xf32, #tpu.memory_space<vmem>>
        %dma_start3A_394 = tpu.memref_squeeze %dma_start3A_393 : memref<1x80x64xf32, #tpu.memory_space<vmem>> -> memref<80x64xf32, #tpu.memory_space<vmem>>
        %dma_start3A_395 = arith.constant 0 : i32
        %dma_start3A_396 = tpu.memref_slice %arg7[%add3A_388, %dma_start3A_395] : memref<250x80xi32, #tpu.memory_space<vmem>> -> memref<1x80xi32, #tpu.memory_space<vmem>>
        %dma_start3A_397 = tpu.memref_squeeze %dma_start3A_396 : memref<1x80xi32, #tpu.memory_space<vmem>> -> memref<80xi32, #tpu.memory_space<vmem>>
        %dma_start3A_398 = arith.constant 0 : i32
        %dma_start3A_399 = arith.constant 0 : i32
        %dma_start3A_400 = tpu.memref_slice %arg4[%dma_start3A_398, %dma_start3A_399] : memref<20000x64xf32, #tpu.memory_space<hbm>> -> memref<20000x64xf32, #tpu.memory_space<hbm>>
        %dma_start3A_401 = tpu.memref_slice %arg11[%dma_start3A_390] : memref<5x!tpu.dma_semaphore, #tpu.memory_space<semaphore_mem>> -> memref<1x!tpu.dma_semaphore, #tpu.memory_space<semaphore_mem>>
        %dma_start3A_402 = tpu.memref_squeeze %dma_start3A_401 : memref<1x!tpu.dma_semaphore, #tpu.memory_space<semaphore_mem>> -> memref<!tpu.dma_semaphore, #tpu.memory_space<semaphore_mem>>
        tpu.enqueue_indirect_dma source(%dma_start3A_400 : memref<20000x64xf32, #tpu.memory_space<hbm>>) target(%dma_start3A_394 : memref<80x64xf32, #tpu.memory_space<vmem>>) offsets(%dma_start3A_397 : memref<80xi32, #tpu.memory_space<vmem>>) semaphore(%dma_start3A_402 : memref<!tpu.dma_semaphore, #tpu.memory_space<semaphore_mem>>)
      } else {
      }
      %mul3A_342 = arith.constant 5 : i32
      %mul3A_343 = arith.muli %scan3A_186, %mul3A_342 : i32
      %add3A_344 = arith.constant 4 : i32
      %add3A_345 = arith.addi %mul3A_343, %add3A_344 : i32
      %dma_wait3A_346 = arith.constant 4 : i32
      %dma_wait3A_347 = arith.constant 4 : i32
      %dma_wait3A_348 = arith.constant 0 : i32
      %dma_wait3A_349 = arith.constant 0 : i32
      %dma_wait3A_350 = tpu.memref_slice %arg9[%dma_wait3A_346, %dma_wait3A_348, %dma_wait3A_349] : memref<5x80x64xf32, #tpu.memory_space<vmem>> -> memref<1x80x64xf32, #tpu.memory_space<vmem>>
      %dma_wait3A_351 = tpu.memref_squeeze %dma_wait3A_350 : memref<1x80x64xf32, #tpu.memory_space<vmem>> -> memref<80x64xf32, #tpu.memory_space<vmem>>
      %dma_wait3A_352 = arith.constant 0 : i32
      %dma_wait3A_353 = tpu.memref_slice %arg7[%add3A_345, %dma_wait3A_352] : memref<250x80xi32, #tpu.memory_space<vmem>> -> memref<1x80xi32, #tpu.memory_space<vmem>>
      %dma_wait3A_354 = tpu.memref_squeeze %dma_wait3A_353 : memref<1x80xi32, #tpu.memory_space<vmem>> -> memref<80xi32, #tpu.memory_space<vmem>>
      %dma_wait3A_355 = arith.constant 0 : i32
      %dma_wait3A_356 = arith.constant 0 : i32
      %dma_wait3A_357 = tpu.memref_slice %arg4[%dma_wait3A_355, %dma_wait3A_356] : memref<20000x64xf32, #tpu.memory_space<hbm>> -> memref<20000x64xf32, #tpu.memory_space<hbm>>
      %dma_wait3A_358 = tpu.memref_slice %arg11[%dma_wait3A_347] : memref<5x!tpu.dma_semaphore, #tpu.memory_space<semaphore_mem>> -> memref<1x!tpu.dma_semaphore, #tpu.memory_space<semaphore_mem>>
      %dma_wait3A_359 = tpu.memref_squeeze %dma_wait3A_358 : memref<1x!tpu.dma_semaphore, #tpu.memory_space<semaphore_mem>> -> memref<!tpu.dma_semaphore, #tpu.memory_space<semaphore_mem>>
      tpu.wait_indirect_dma semaphore(%dma_wait3A_359 : memref<!tpu.dma_semaphore, #tpu.memory_space<semaphore_mem>>) src(%dma_wait3A_357 : memref<20000x64xf32, #tpu.memory_space<hbm>>) dst(%dma_wait3A_351 : memref<80x64xf32, #tpu.memory_space<vmem>>)
      %dma_start3A_360 = arith.constant 4 : i32
      %dma_start3A_361 = arith.constant 4 : i32
      %dma_start3A_362 = arith.constant 0 : i32
      %dma_start3A_363 = arith.constant 0 : i32
      %dma_start3A_364 = tpu.memref_slice %arg9[%dma_start3A_360, %dma_start3A_362, %dma_start3A_363] : memref<5x80x64xf32, #tpu.memory_space<vmem>> -> memref<1x80x64xf32, #tpu.memory_space<vmem>>
      %dma_start3A_365 = tpu.memref_squeeze %dma_start3A_364 : memref<1x80x64xf32, #tpu.memory_space<vmem>> -> memref<80x64xf32, #tpu.memory_space<vmem>>
      %dma_start3A_366 = arith.constant 0 : i32
      %dma_start3A_367 = tpu.memref_slice %arg8[%add3A_345, %dma_start3A_366] : memref<250x80xi32, #tpu.memory_space<vmem>> -> memref<1x80xi32, #tpu.memory_space<vmem>>
      %dma_start3A_368 = tpu.memref_squeeze %dma_start3A_367 : memref<1x80xi32, #tpu.memory_space<vmem>> -> memref<80xi32, #tpu.memory_space<vmem>>
      %dma_start3A_369 = arith.constant 0 : i32
      %dma_start3A_370 = arith.constant 0 : i32
      %dma_start3A_371 = tpu.memref_slice %arg10[%dma_start3A_369, %dma_start3A_370] : memref<10000x64xf32, #tpu.memory_space<vmem_shared>> -> memref<10000x64xf32, #tpu.memory_space<vmem_shared>>
      %dma_start3A_372 = tpu.memref_slice %arg12[%dma_start3A_361] : memref<5x!tpu.dma_semaphore, #tpu.memory_space<semaphore_mem>> -> memref<1x!tpu.dma_semaphore, #tpu.memory_space<semaphore_mem>>
      %dma_start3A_373 = tpu.memref_squeeze %dma_start3A_372 : memref<1x!tpu.dma_semaphore, #tpu.memory_space<semaphore_mem>> -> memref<!tpu.dma_semaphore, #tpu.memory_space<semaphore_mem>>
      tpu.enqueue_indirect_dma source(%dma_start3A_365 : memref<80x64xf32, #tpu.memory_space<vmem>>) target(%dma_start3A_371 : memref<10000x64xf32, #tpu.memory_space<vmem_shared>>) offsets(%dma_start3A_368 : memref<80xi32, #tpu.memory_space<vmem>>) semaphore(%dma_start3A_373 : memref<!tpu.dma_semaphore, #tpu.memory_space<semaphore_mem>>) {add = true}
      %add3A_374 = arith.constant 5 : i32
      %add3A_375 = arith.addi %add3A_345, %add3A_374 : i32
      %lt3A_376 = arith.constant 250 : i32
      %lt3A_377 = arith.cmpi slt, %add3A_375, %lt3A_376 : i32
      %convert_element_type3A_378 = arith.extui %lt3A_377 : i1 to i32
      %cond3A_379 = arith.constant 0 : i32
      %cond3A_380 = arith.cmpi ne, %convert_element_type3A_378, %cond3A_379 : i32
      scf.if %cond3A_380 {
        %add3A_381 = arith.constant 5 : i32
        %add3A_382 = arith.addi %add3A_345, %add3A_381 : i32
        %ge3A = arith.constant 5 : i32
        %ge3A_383 = arith.cmpi sge, %add3A_382, %ge3A : i32
        %convert_element_type3A_384 = arith.extui %ge3A_383 : i1 to i32
        %cond3A_385 = arith.constant 0 : i32
        %cond3A_386 = arith.cmpi ne, %convert_element_type3A_384, %cond3A_385 : i32
        scf.if %cond3A_386 {
          %dma_wait3A_403 = arith.constant 4 : i32
          %dma_wait3A_404 = arith.constant 0 : i32
          %dma_wait3A_405 = arith.constant 4 : i32
          %dma_wait3A_406 = arith.constant 0 : i32
          %dma_wait3A_407 = arith.constant 0 : i32
          %dma_wait3A_408 = tpu.memref_slice %arg9[%dma_wait3A_403, %dma_wait3A_406, %dma_wait3A_407] : memref<5x80x64xf32, #tpu.memory_space<vmem>> -> memref<1x80x64xf32, #tpu.memory_space<vmem>>
          %dma_wait3A_409 = tpu.memref_squeeze %dma_wait3A_408 : memref<1x80x64xf32, #tpu.memory_space<vmem>> -> memref<80x64xf32, #tpu.memory_space<vmem>>
          %dma_wait3A_410 = arith.constant 0 : i32
          %dma_wait3A_411 = tpu.memref_slice %arg8[%dma_wait3A_404, %dma_wait3A_410] : memref<250x80xi32, #tpu.memory_space<vmem>> -> memref<1x80xi32, #tpu.memory_space<vmem>>
          %dma_wait3A_412 = tpu.memref_squeeze %dma_wait3A_411 : memref<1x80xi32, #tpu.memory_space<vmem>> -> memref<80xi32, #tpu.memory_space<vmem>>
          %dma_wait3A_413 = arith.constant 0 : i32
          %dma_wait3A_414 = arith.constant 0 : i32
          %dma_wait3A_415 = tpu.memref_slice %arg10[%dma_wait3A_413, %dma_wait3A_414] : memref<10000x64xf32, #tpu.memory_space<vmem_shared>> -> memref<10000x64xf32, #tpu.memory_space<vmem_shared>>
          %dma_wait3A_416 = tpu.memref_slice %arg12[%dma_wait3A_405] : memref<5x!tpu.dma_semaphore, #tpu.memory_space<semaphore_mem>> -> memref<1x!tpu.dma_semaphore, #tpu.memory_space<semaphore_mem>>
          %dma_wait3A_417 = tpu.memref_squeeze %dma_wait3A_416 : memref<1x!tpu.dma_semaphore, #tpu.memory_space<semaphore_mem>> -> memref<!tpu.dma_semaphore, #tpu.memory_space<semaphore_mem>>
          tpu.wait_indirect_dma semaphore(%dma_wait3A_417 : memref<!tpu.dma_semaphore, #tpu.memory_space<semaphore_mem>>) src(%dma_wait3A_409 : memref<80x64xf32, #tpu.memory_space<vmem>>) dst(%dma_wait3A_415 : memref<10000x64xf32, #tpu.memory_space<vmem_shared>>)
        } else {
        }
        %add3A_387 = arith.constant 5 : i32
        %add3A_388 = arith.addi %add3A_345, %add3A_387 : i32
        %dma_start3A_389 = arith.constant 4 : i32
        %dma_start3A_390 = arith.constant 4 : i32
        %dma_start3A_391 = arith.constant 0 : i32
        %dma_start3A_392 = arith.constant 0 : i32
        %dma_start3A_393 = tpu.memref_slice %arg9[%dma_start3A_389, %dma_start3A_391, %dma_start3A_392] : memref<5x80x64xf32, #tpu.memory_space<vmem>> -> memref<1x80x64xf32, #tpu.memory_space<vmem>>
        %dma_start3A_394 = tpu.memref_squeeze %dma_start3A_393 : memref<1x80x64xf32, #tpu.memory_space<vmem>> -> memref<80x64xf32, #tpu.memory_space<vmem>>
        %dma_start3A_395 = arith.constant 0 : i32
        %dma_start3A_396 = tpu.memref_slice %arg7[%add3A_388, %dma_start3A_395] : memref<250x80xi32, #tpu.memory_space<vmem>> -> memref<1x80xi32, #tpu.memory_space<vmem>>
        %dma_start3A_397 = tpu.memref_squeeze %dma_start3A_396 : memref<1x80xi32, #tpu.memory_space<vmem>> -> memref<80xi32, #tpu.memory_space<vmem>>
        %dma_start3A_398 = arith.constant 0 : i32
        %dma_start3A_399 = arith.constant 0 : i32
        %dma_start3A_400 = tpu.memref_slice %arg4[%dma_start3A_398, %dma_start3A_399] : memref<20000x64xf32, #tpu.memory_space<hbm>> -> memref<20000x64xf32, #tpu.memory_space<hbm>>
        %dma_start3A_401 = tpu.memref_slice %arg11[%dma_start3A_390] : memref<5x!tpu.dma_semaphore, #tpu.memory_space<semaphore_mem>> -> memref<1x!tpu.dma_semaphore, #tpu.memory_space<semaphore_mem>>
        %dma_start3A_402 = tpu.memref_squeeze %dma_start3A_401 : memref<1x!tpu.dma_semaphore, #tpu.memory_space<semaphore_mem>> -> memref<!tpu.dma_semaphore, #tpu.memory_space<semaphore_mem>>
        tpu.enqueue_indirect_dma source(%dma_start3A_400 : memref<20000x64xf32, #tpu.memory_space<hbm>>) target(%dma_start3A_394 : memref<80x64xf32, #tpu.memory_space<vmem>>) offsets(%dma_start3A_397 : memref<80xi32, #tpu.memory_space<vmem>>) semaphore(%dma_start3A_402 : memref<!tpu.dma_semaphore, #tpu.memory_space<semaphore_mem>>)
      } else {
      }
    }
    %scan3A_99 = arith.constant 50 : i32
    %dma_wait3A = arith.constant 0 : i32
    %dma_wait3A_100 = arith.constant 0 : i32
    %dma_wait3A_101 = arith.constant 0 : i32
    %dma_wait3A_102 = arith.constant 0 : i32
    %dma_wait3A_103 = arith.constant 0 : i32
    %dma_wait3A_104 = tpu.memref_slice %arg9[%dma_wait3A, %dma_wait3A_102, %dma_wait3A_103] : memref<5x80x64xf32, #tpu.memory_space<vmem>> -> memref<1x80x64xf32, #tpu.memory_space<vmem>>
    %dma_wait3A_105 = tpu.memref_squeeze %dma_wait3A_104 : memref<1x80x64xf32, #tpu.memory_space<vmem>> -> memref<80x64xf32, #tpu.memory_space<vmem>>
    %dma_wait3A_106 = arith.constant 0 : i32
    %dma_wait3A_107 = tpu.memref_slice %arg8[%dma_wait3A_100, %dma_wait3A_106] : memref<250x80xi32, #tpu.memory_space<vmem>> -> memref<1x80xi32, #tpu.memory_space<vmem>>
    %dma_wait3A_108 = tpu.memref_squeeze %dma_wait3A_107 : memref<1x80xi32, #tpu.memory_space<vmem>> -> memref<80xi32, #tpu.memory_space<vmem>>
    %dma_wait3A_109 = arith.constant 0 : i32
    %dma_wait3A_110 = arith.constant 0 : i32
    %dma_wait3A_111 = tpu.memref_slice %arg10[%dma_wait3A_109, %dma_wait3A_110] : memref<10000x64xf32, #tpu.memory_space<vmem_shared>> -> memref<10000x64xf32, #tpu.memory_space<vmem_shared>>
    %dma_wait3A_112 = tpu.memref_slice %arg12[%dma_wait3A_101] : memref<5x!tpu.dma_semaphore, #tpu.memory_space<semaphore_mem>> -> memref<1x!tpu.dma_semaphore, #tpu.memory_space<semaphore_mem>>
    %dma_wait3A_113 = tpu.memref_squeeze %dma_wait3A_112 : memref<1x!tpu.dma_semaphore, #tpu.memory_space<semaphore_mem>> -> memref<!tpu.dma_semaphore, #tpu.memory_space<semaphore_mem>>
    tpu.wait_indirect_dma semaphore(%dma_wait3A_113 : memref<!tpu.dma_semaphore, #tpu.memory_space<semaphore_mem>>) src(%dma_wait3A_105 : memref<80x64xf32, #tpu.memory_space<vmem>>) dst(%dma_wait3A_111 : memref<10000x64xf32, #tpu.memory_space<vmem_shared>>)
    %dma_wait3A_114 = arith.constant 1 : i32
    %dma_wait3A_115 = arith.constant 0 : i32
    %dma_wait3A_116 = arith.constant 1 : i32
    %dma_wait3A_117 = arith.constant 0 : i32
    %dma_wait3A_118 = arith.constant 0 : i32
    %dma_wait3A_119 = tpu.memref_slice %arg9[%dma_wait3A_114, %dma_wait3A_117, %dma_wait3A_118] : memref<5x80x64xf32, #tpu.memory_space<vmem>> -> memref<1x80x64xf32, #tpu.memory_space<vmem>>
    %dma_wait3A_120 = tpu.memref_squeeze %dma_wait3A_119 : memref<1x80x64xf32, #tpu.memory_space<vmem>> -> memref<80x64xf32, #tpu.memory_space<vmem>>
    %dma_wait3A_121 = arith.constant 0 : i32
    %dma_wait3A_122 = tpu.memref_slice %arg8[%dma_wait3A_115, %dma_wait3A_121] : memref<250x80xi32, #tpu.memory_space<vmem>> -> memref<1x80xi32, #tpu.memory_space<vmem>>
    %dma_wait3A_123 = tpu.memref_squeeze %dma_wait3A_122 : memref<1x80xi32, #tpu.memory_space<vmem>> -> memref<80xi32, #tpu.memory_space<vmem>>
    %dma_wait3A_124 = arith.constant 0 : i32
    %dma_wait3A_125 = arith.constant 0 : i32
    %dma_wait3A_126 = tpu.memref_slice %arg10[%dma_wait3A_124, %dma_wait3A_125] : memref<10000x64xf32, #tpu.memory_space<vmem_shared>> -> memref<10000x64xf32, #tpu.memory_space<vmem_shared>>
    %dma_wait3A_127 = tpu.memref_slice %arg12[%dma_wait3A_116] : memref<5x!tpu.dma_semaphore, #tpu.memory_space<semaphore_mem>> -> memref<1x!tpu.dma_semaphore, #tpu.memory_space<semaphore_mem>>
    %dma_wait3A_128 = tpu.memref_squeeze %dma_wait3A_127 : memref<1x!tpu.dma_semaphore, #tpu.memory_space<semaphore_mem>> -> memref<!tpu.dma_semaphore, #tpu.memory_space<semaphore_mem>>
    tpu.wait_indirect_dma semaphore(%dma_wait3A_128 : memref<!tpu.dma_semaphore, #tpu.memory_space<semaphore_mem>>) src(%dma_wait3A_120 : memref<80x64xf32, #tpu.memory_space<vmem>>) dst(%dma_wait3A_126 : memref<10000x64xf32, #tpu.memory_space<vmem_shared>>)
    %dma_wait3A_129 = arith.constant 2 : i32
    %dma_wait3A_130 = arith.constant 0 : i32
    %dma_wait3A_131 = arith.constant 2 : i32
    %dma_wait3A_132 = arith.constant 0 : i32
    %dma_wait3A_133 = arith.constant 0 : i32
    %dma_wait3A_134 = tpu.memref_slice %arg9[%dma_wait3A_129, %dma_wait3A_132, %dma_wait3A_133] : memref<5x80x64xf32, #tpu.memory_space<vmem>> -> memref<1x80x64xf32, #tpu.memory_space<vmem>>
    %dma_wait3A_135 = tpu.memref_squeeze %dma_wait3A_134 : memref<1x80x64xf32, #tpu.memory_space<vmem>> -> memref<80x64xf32, #tpu.memory_space<vmem>>
    %dma_wait3A_136 = arith.constant 0 : i32
    %dma_wait3A_137 = tpu.memref_slice %arg8[%dma_wait3A_130, %dma_wait3A_136] : memref<250x80xi32, #tpu.memory_space<vmem>> -> memref<1x80xi32, #tpu.memory_space<vmem>>
    %dma_wait3A_138 = tpu.memref_squeeze %dma_wait3A_137 : memref<1x80xi32, #tpu.memory_space<vmem>> -> memref<80xi32, #tpu.memory_space<vmem>>
    %dma_wait3A_139 = arith.constant 0 : i32
    %dma_wait3A_140 = arith.constant 0 : i32
    %dma_wait3A_141 = tpu.memref_slice %arg10[%dma_wait3A_139, %dma_wait3A_140] : memref<10000x64xf32, #tpu.memory_space<vmem_shared>> -> memref<10000x64xf32, #tpu.memory_space<vmem_shared>>
    %dma_wait3A_142 = tpu.memref_slice %arg12[%dma_wait3A_131] : memref<5x!tpu.dma_semaphore, #tpu.memory_space<semaphore_mem>> -> memref<1x!tpu.dma_semaphore, #tpu.memory_space<semaphore_mem>>
    %dma_wait3A_143 = tpu.memref_squeeze %dma_wait3A_142 : memref<1x!tpu.dma_semaphore, #tpu.memory_space<semaphore_mem>> -> memref<!tpu.dma_semaphore, #tpu.memory_space<semaphore_mem>>
    tpu.wait_indirect_dma semaphore(%dma_wait3A_143 : memref<!tpu.dma_semaphore, #tpu.memory_space<semaphore_mem>>) src(%dma_wait3A_135 : memref<80x64xf32, #tpu.memory_space<vmem>>) dst(%dma_wait3A_141 : memref<10000x64xf32, #tpu.memory_space<vmem_shared>>)
    %dma_wait3A_144 = arith.constant 3 : i32
    %dma_wait3A_145 = arith.constant 0 : i32
    %dma_wait3A_146 = arith.constant 3 : i32
    %dma_wait3A_147 = arith.constant 0 : i32
    %dma_wait3A_148 = arith.constant 0 : i32
    %dma_wait3A_149 = tpu.memref_slice %arg9[%dma_wait3A_144, %dma_wait3A_147, %dma_wait3A_148] : memref<5x80x64xf32, #tpu.memory_space<vmem>> -> memref<1x80x64xf32, #tpu.memory_space<vmem>>
    %dma_wait3A_150 = tpu.memref_squeeze %dma_wait3A_149 : memref<1x80x64xf32, #tpu.memory_space<vmem>> -> memref<80x64xf32, #tpu.memory_space<vmem>>
    %dma_wait3A_151 = arith.constant 0 : i32
    %dma_wait3A_152 = tpu.memref_slice %arg8[%dma_wait3A_145, %dma_wait3A_151] : memref<250x80xi32, #tpu.memory_space<vmem>> -> memref<1x80xi32, #tpu.memory_space<vmem>>
    %dma_wait3A_153 = tpu.memref_squeeze %dma_wait3A_152 : memref<1x80xi32, #tpu.memory_space<vmem>> -> memref<80xi32, #tpu.memory_space<vmem>>
    %dma_wait3A_154 = arith.constant 0 : i32
    %dma_wait3A_155 = arith.constant 0 : i32
    %dma_wait3A_156 = tpu.memref_slice %arg10[%dma_wait3A_154, %dma_wait3A_155] : memref<10000x64xf32, #tpu.memory_space<vmem_shared>> -> memref<10000x64xf32, #tpu.memory_space<vmem_shared>>
    %dma_wait3A_157 = tpu.memref_slice %arg12[%dma_wait3A_146] : memref<5x!tpu.dma_semaphore, #tpu.memory_space<semaphore_mem>> -> memref<1x!tpu.dma_semaphore, #tpu.memory_space<semaphore_mem>>
    %dma_wait3A_158 = tpu.memref_squeeze %dma_wait3A_157 : memref<1x!tpu.dma_semaphore, #tpu.memory_space<semaphore_mem>> -> memref<!tpu.dma_semaphore, #tpu.memory_space<semaphore_mem>>
    tpu.wait_indirect_dma semaphore(%dma_wait3A_158 : memref<!tpu.dma_semaphore, #tpu.memory_space<semaphore_mem>>) src(%dma_wait3A_150 : memref<80x64xf32, #tpu.memory_space<vmem>>) dst(%dma_wait3A_156 : memref<10000x64xf32, #tpu.memory_space<vmem_shared>>)
    %dma_wait3A_159 = arith.constant 4 : i32
    %dma_wait3A_160 = arith.constant 0 : i32
    %dma_wait3A_161 = arith.constant 4 : i32
    %dma_wait3A_162 = arith.constant 0 : i32
    %dma_wait3A_163 = arith.constant 0 : i32
    %dma_wait3A_164 = tpu.memref_slice %arg9[%dma_wait3A_159, %dma_wait3A_162, %dma_wait3A_163] : memref<5x80x64xf32, #tpu.memory_space<vmem>> -> memref<1x80x64xf32, #tpu.memory_space<vmem>>
    %dma_wait3A_165 = tpu.memref_squeeze %dma_wait3A_164 : memref<1x80x64xf32, #tpu.memory_space<vmem>> -> memref<80x64xf32, #tpu.memory_space<vmem>>
    %dma_wait3A_166 = arith.constant 0 : i32
    %dma_wait3A_167 = tpu.memref_slice %arg8[%dma_wait3A_160, %dma_wait3A_166] : memref<250x80xi32, #tpu.memory_space<vmem>> -> memref<1x80xi32, #tpu.memory_space<vmem>>
    %dma_wait3A_168 = tpu.memref_squeeze %dma_wait3A_167 : memref<1x80xi32, #tpu.memory_space<vmem>> -> memref<80xi32, #tpu.memory_space<vmem>>
    %dma_wait3A_169 = arith.constant 0 : i32
    %dma_wait3A_170 = arith.constant 0 : i32
    %dma_wait3A_171 = tpu.memref_slice %arg10[%dma_wait3A_169, %dma_wait3A_170] : memref<10000x64xf32, #tpu.memory_space<vmem_shared>> -> memref<10000x64xf32, #tpu.memory_space<vmem_shared>>
    %dma_wait3A_172 = tpu.memref_slice %arg12[%dma_wait3A_161] : memref<5x!tpu.dma_semaphore, #tpu.memory_space<semaphore_mem>> -> memref<1x!tpu.dma_semaphore, #tpu.memory_space<semaphore_mem>>
    %dma_wait3A_173 = tpu.memref_squeeze %dma_wait3A_172 : memref<1x!tpu.dma_semaphore, #tpu.memory_space<semaphore_mem>> -> memref<!tpu.dma_semaphore, #tpu.memory_space<semaphore_mem>>
    tpu.wait_indirect_dma semaphore(%dma_wait3A_173 : memref<!tpu.dma_semaphore, #tpu.memory_space<semaphore_mem>>) src(%dma_wait3A_165 : memref<80x64xf32, #tpu.memory_space<vmem>>) dst(%dma_wait3A_171 : memref<10000x64xf32, #tpu.memory_space<vmem_shared>>)
    %barrier3A_174 = arith.constant 0 : index
    tpu.barrier barrier_id(%barrier3A_174)
    %mul3A_175 = arith.constant 624 : i32
    %mul3A_176 = arith.muli %arg1, %mul3A_175 : i32
    %mul3A_177 = arith.constant 10000 : i32
    %mul3A_178 = arith.muli %arg0, %mul3A_177 : i32
    %mul3A_179 = arith.constant 624 : i32
    %mul3A_180 = arith.muli %arg1, %mul3A_179 : i32
    %add3A = arith.addi %mul3A_178, %mul3A_180 : i32
    "tpu.region"() ({
      %run_scoped3A = tpu.sem_alloc : memref<!tpu.dma_semaphore, #tpu.memory_space<semaphore_mem>>
      %dma_start3A_186 = arith.constant 0 : i32
      %dma_start3A_187 = tpu.memref_slice %arg6[%add3A, %dma_start3A_186] : memref<20000x64xf32, #tpu.memory_space<hbm>> -> memref<624x64xf32, #tpu.memory_space<hbm>>
      %dma_start3A_188 = arith.constant 0 : i32
      %dma_start3A_189 = tpu.memref_slice %arg10[%mul3A_176, %dma_start3A_188] : memref<10000x64xf32, #tpu.memory_space<vmem_shared>> -> memref<624x64xf32, #tpu.memory_space<vmem_shared>>
      tpu.enqueue_dma source(%dma_start3A_189 : memref<624x64xf32, #tpu.memory_space<vmem_shared>>) target(%dma_start3A_187 : memref<624x64xf32, #tpu.memory_space<hbm>>) target_semaphore(%run_scoped3A : memref<!tpu.dma_semaphore, #tpu.memory_space<semaphore_mem>>)
      %dma_wait3A_190 = arith.constant 0 : i32
      %dma_wait3A_191 = tpu.memref_slice %arg6[%add3A, %dma_wait3A_190] : memref<20000x64xf32, #tpu.memory_space<hbm>> -> memref<624x64xf32, #tpu.memory_space<hbm>>
      %dma_wait3A_192 = arith.constant 0 : i32
      %dma_wait3A_193 = tpu.memref_slice %arg10[%mul3A_176, %dma_wait3A_192] : memref<10000x64xf32, #tpu.memory_space<vmem_shared>> -> memref<624x64xf32, #tpu.memory_space<vmem_shared>>
      tpu.wait_dma2 semaphore(%run_scoped3A : memref<!tpu.dma_semaphore, #tpu.memory_space<semaphore_mem>>) src(%dma_wait3A_193 : memref<624x64xf32, #tpu.memory_space<vmem_shared>>) dst(%dma_wait3A_191 : memref<624x64xf32, #tpu.memory_space<hbm>>)
      tpu.yield
    }) : () -> ()
    %eq3A_181 = arith.constant 15 : i32
    %eq3A_182 = arith.cmpi eq, %arg1, %eq3A_181 : i32
    %convert_element_type3A_183 = arith.extui %eq3A_182 : i1 to i32
    %cond3A_184 = arith.constant 0 : i32
    %cond3A_185 = arith.cmpi ne, %convert_element_type3A_183, %cond3A_184 : i32
    scf.if %cond3A_185 {
      %mul3A_186 = arith.constant 10000 : i32
      %mul3A_187 = arith.muli %arg0, %mul3A_186 : i32
      %add3A_188 = arith.constant 9984 : i32
      %add3A_189 = arith.addi %mul3A_187, %add3A_188 : i32
      "tpu.region"() ({
        %run_scoped3A = tpu.sem_alloc : memref<!tpu.dma_semaphore, #tpu.memory_space<semaphore_mem>>
        %dma_start3A_190 = arith.constant 0 : i32
        %dma_start3A_191 = tpu.memref_slice %arg6[%add3A_189, %dma_start3A_190] : memref<20000x64xf32, #tpu.memory_space<hbm>> -> memref<16x64xf32, #tpu.memory_space<hbm>>
        %dma_start3A_192 = arith.constant 9984 : i32
        %dma_start3A_193 = arith.constant 0 : i32
        %dma_start3A_194 = tpu.memref_slice %arg10[%dma_start3A_192, %dma_start3A_193] : memref<10000x64xf32, #tpu.memory_space<vmem_shared>> -> memref<16x64xf32, #tpu.memory_space<vmem_shared>>
        tpu.enqueue_dma source(%dma_start3A_194 : memref<16x64xf32, #tpu.memory_space<vmem_shared>>) target(%dma_start3A_191 : memref<16x64xf32, #tpu.memory_space<hbm>>) target_semaphore(%run_scoped3A : memref<!tpu.dma_semaphore, #tpu.memory_space<semaphore_mem>>)
        %dma_wait3A_195 = arith.constant 0 : i32
        %dma_wait3A_196 = tpu.memref_slice %arg6[%add3A_189, %dma_wait3A_195] : memref<20000x64xf32, #tpu.memory_space<hbm>> -> memref<16x64xf32, #tpu.memory_space<hbm>>
        %dma_wait3A_197 = arith.constant 9984 : i32
        %dma_wait3A_198 = arith.constant 0 : i32
        %dma_wait3A_199 = tpu.memref_slice %arg10[%dma_wait3A_197, %dma_wait3A_198] : memref<10000x64xf32, #tpu.memory_space<vmem_shared>> -> memref<16x64xf32, #tpu.memory_space<vmem_shared>>
        tpu.wait_dma2 semaphore(%run_scoped3A : memref<!tpu.dma_semaphore, #tpu.memory_space<semaphore_mem>>) src(%dma_wait3A_199 : memref<16x64xf32, #tpu.memory_space<vmem_shared>>) dst(%dma_wait3A_196 : memref<16x64xf32, #tpu.memory_space<hbm>>)
        tpu.yield
      }) : () -> ()
    } else {
    }
    return
  }
}

module attributes {stable_mosaic.version = 14 : i64} {
  func.func @_tc_mid_body(%arg0: i32, %arg1: memref<2x2000x64xf32, #tpu.memory_space<vmem>>, %arg2: memref<2x2000x64xf32, #tpu.memory_space<vmem>>, %arg3: memref<1x2x2000xf32, #tpu.memory_space<vmem>>, %arg4: memref<128x128xf32, #tpu.memory_space<vmem>>, %arg5: memref<128x128xf32, #tpu.memory_space<vmem>>, %arg6: memref<1x128xf32, #tpu.memory_space<vmem>>, %arg7: memref<128x64xf32, #tpu.memory_space<vmem>>, %arg8: memref<128x64xf32, #tpu.memory_space<vmem>>, %arg9: memref<2x2000x64xf32, #tpu.memory_space<vmem>>) attributes {dimension_semantics = [#tpu.dimension_semantics<arbitrary>], iteration_bounds = array<i64: 5>, scalar_prefetch = 0 : i64, scratch_operands = 0 : i64, tpu.core_type = #tpu.core_type<tc>, window_params = [{transform_indices = @transform_0, window_bounds = array<i64: 2, 2000, 64>}, {transform_indices = @transform_1, window_bounds = array<i64: 2, 2000, 64>}, {transform_indices = @transform_2, window_bounds = array<i64: 1, 2, 2000>}, {pipeline_mode = #tpu.pipeline_mode<synchronous>, transform_indices = @transform_3, window_bounds = array<i64: 128, 128>}, {pipeline_mode = #tpu.pipeline_mode<synchronous>, transform_indices = @transform_4, window_bounds = array<i64: 128, 128>}, {pipeline_mode = #tpu.pipeline_mode<synchronous>, transform_indices = @transform_5, window_bounds = array<i64: 1, 128>}, {pipeline_mode = #tpu.pipeline_mode<synchronous>, transform_indices = @transform_6, window_bounds = array<i64: 128, 64>}, {pipeline_mode = #tpu.pipeline_mode<synchronous>, transform_indices = @transform_7, window_bounds = array<i64: 128, 64>}, {transform_indices = @transform_8, window_bounds = array<i64: 2, 2000, 64>}]} {
    %get3A = arith.constant 0 : index
    %get3A_0 = arith.constant 0 : index
    %get3A_1 = arith.constant 0 : index
    %get3A_2 = vector.load %arg3[%get3A, %get3A_0, %get3A_1] : memref<1x2x2000xf32, #tpu.memory_space<vmem>>, vector<1x1x2000xf32>
    %get3A_3 = vector.shape_cast %get3A_2 : vector<1x1x2000xf32> to vector<1x2000xf32>
    %transpose3A = tpu.transpose %get3A_3, [1, 0] : vector<1x2000xf32> -> vector<2000x1xf32>
    %get3A_4 = arith.constant 0 : index
    %get3A_5 = arith.constant 1 : index
    %get3A_6 = arith.constant 0 : index
    %get3A_7 = vector.load %arg3[%get3A_4, %get3A_5, %get3A_6] : memref<1x2x2000xf32, #tpu.memory_space<vmem>>, vector<1x1x2000xf32>
    %get3A_8 = vector.shape_cast %get3A_7 : vector<1x1x2000xf32> to vector<1x2000xf32>
    %transpose3A_9 = tpu.transpose %get3A_8, [1, 0] : vector<1x2000xf32> -> vector<2000x1xf32>
    %gt3A = arith.constant 0.000000e+00 : f32
    %gt3A_10 = vector.broadcast %gt3A : f32 to vector<2000x1xf32>
    %gt3A_11 = arith.cmpf ogt, %transpose3A, %gt3A_10 : vector<2000x1xf32>
    %div3A = arith.constant 1.000000e+00 : f32
    %div3A_12 = vector.broadcast %div3A : f32 to vector<2000x1xf32>
    %div3A_13 = arith.divf %div3A_12, %transpose3A : vector<2000x1xf32>
    %jit3A = arith.constant 0.000000e+00 : f32
    %broadcast_in_dim3A = vector.broadcast %jit3A : f32 to vector<2000x1xf32>
    %select_n3A = arith.select %gt3A_11, %div3A_13, %broadcast_in_dim3A : vector<2000x1xi1>, vector<2000x1xf32>
    %gt3A_14 = arith.constant 0.000000e+00 : f32
    %gt3A_15 = vector.broadcast %gt3A_14 : f32 to vector<2000x1xf32>
    %gt3A_16 = arith.cmpf ogt, %transpose3A_9, %gt3A_15 : vector<2000x1xf32>
    %div3A_17 = arith.constant 1.000000e+00 : f32
    %div3A_18 = vector.broadcast %div3A_17 : f32 to vector<2000x1xf32>
    %div3A_19 = arith.divf %div3A_18, %transpose3A_9 : vector<2000x1xf32>
    %jit3A_20 = arith.constant 0.000000e+00 : f32
    %broadcast_in_dim3A_21 = vector.broadcast %jit3A_20 : f32 to vector<2000x1xf32>
    %select_n3A_22 = arith.select %gt3A_16, %div3A_19, %broadcast_in_dim3A_21 : vector<2000x1xi1>, vector<2000x1xf32>
    %get3A_23 = arith.constant 0 : index
    %get3A_24 = arith.constant 0 : index
    %get3A_25 = arith.constant 0 : index
    %get3A_26 = vector.load %arg1[%get3A_23, %get3A_24, %get3A_25] : memref<2x2000x64xf32, #tpu.memory_space<vmem>>, vector<1x2000x64xf32>
    %get3A_27 = vector.shape_cast %get3A_26 : vector<1x2000x64xf32> to vector<2000x64xf32>
    %mul3A = vector.broadcast %select_n3A : vector<2000x1xf32> to vector<2000x64xf32>
    %mul3A_28 = arith.mulf %get3A_27, %mul3A : vector<2000x64xf32>
    %get3A_29 = arith.constant 0 : index
    %get3A_30 = arith.constant 0 : index
    %get3A_31 = vector.load %arg4[%get3A_29, %get3A_30] : memref<128x128xf32, #tpu.memory_space<vmem>>, vector<64x128xf32>
    %dot_general3A = arith.constant dense<0.000000e+00> : vector<2000x128xf32>
    %dot_general3A_32 = tpu.matmul %mul3A_28, %get3A_31, %dot_general3A {dimension_numbers = #tpu.dot_dimension_numbers<[1], [0], [0], [1], [0, 0, 1, 1], [], []>, transpose_lhs_hint = false} : vector<2000x64xf32>, vector<64x128xf32>, vector<2000x128xf32> -> vector<2000x128xf32>
    %get3A_33 = arith.constant 0 : index
    %get3A_34 = arith.constant 0 : index
    %get3A_35 = arith.constant 0 : index
    %get3A_36 = vector.load %arg2[%get3A_33, %get3A_34, %get3A_35] : memref<2x2000x64xf32, #tpu.memory_space<vmem>>, vector<1x2000x64xf32>
    %get3A_37 = vector.shape_cast %get3A_36 : vector<1x2000x64xf32> to vector<2000x64xf32>
    %mul3A_38 = vector.broadcast %select_n3A : vector<2000x1xf32> to vector<2000x64xf32>
    %mul3A_39 = arith.mulf %get3A_37, %mul3A_38 : vector<2000x64xf32>
    %get3A_40 = arith.constant 64 : index
    %get3A_41 = arith.constant 0 : index
    %get3A_42 = vector.load %arg4[%get3A_40, %get3A_41] : memref<128x128xf32, #tpu.memory_space<vmem>>, vector<64x128xf32>
    %dot_general3A_43 = arith.constant dense<0.000000e+00> : vector<2000x128xf32>
    %dot_general3A_44 = tpu.matmul %mul3A_39, %get3A_42, %dot_general3A_43 {dimension_numbers = #tpu.dot_dimension_numbers<[1], [0], [0], [1], [0, 0, 1, 1], [], []>, transpose_lhs_hint = false} : vector<2000x64xf32>, vector<64x128xf32>, vector<2000x128xf32> -> vector<2000x128xf32>
    %add3A = arith.addf %dot_general3A_32, %dot_general3A_44 : vector<2000x128xf32>
    %get3A_45 = arith.constant 1 : index
    %get3A_46 = arith.constant 0 : index
    %get3A_47 = arith.constant 0 : index
    %get3A_48 = vector.load %arg1[%get3A_45, %get3A_46, %get3A_47] : memref<2x2000x64xf32, #tpu.memory_space<vmem>>, vector<1x2000x64xf32>
    %get3A_49 = vector.shape_cast %get3A_48 : vector<1x2000x64xf32> to vector<2000x64xf32>
    %mul3A_50 = vector.broadcast %select_n3A_22 : vector<2000x1xf32> to vector<2000x64xf32>
    %mul3A_51 = arith.mulf %get3A_49, %mul3A_50 : vector<2000x64xf32>
    %get3A_52 = arith.constant 0 : index
    %get3A_53 = arith.constant 0 : index
    %get3A_54 = vector.load %arg5[%get3A_52, %get3A_53] : memref<128x128xf32, #tpu.memory_space<vmem>>, vector<64x128xf32>
    %dot_general3A_55 = arith.constant dense<0.000000e+00> : vector<2000x128xf32>
    %dot_general3A_56 = tpu.matmul %mul3A_51, %get3A_54, %dot_general3A_55 {dimension_numbers = #tpu.dot_dimension_numbers<[1], [0], [0], [1], [0, 0, 1, 1], [], []>, transpose_lhs_hint = false} : vector<2000x64xf32>, vector<64x128xf32>, vector<2000x128xf32> -> vector<2000x128xf32>
    %add3A_57 = arith.addf %add3A, %dot_general3A_56 : vector<2000x128xf32>
    %get3A_58 = arith.constant 1 : index
    %get3A_59 = arith.constant 0 : index
    %get3A_60 = arith.constant 0 : index
    %get3A_61 = vector.load %arg2[%get3A_58, %get3A_59, %get3A_60] : memref<2x2000x64xf32, #tpu.memory_space<vmem>>, vector<1x2000x64xf32>
    %get3A_62 = vector.shape_cast %get3A_61 : vector<1x2000x64xf32> to vector<2000x64xf32>
    %mul3A_63 = vector.broadcast %select_n3A_22 : vector<2000x1xf32> to vector<2000x64xf32>
    %mul3A_64 = arith.mulf %get3A_62, %mul3A_63 : vector<2000x64xf32>
    %get3A_65 = arith.constant 64 : index
    %get3A_66 = arith.constant 0 : index
    %get3A_67 = vector.load %arg5[%get3A_65, %get3A_66] : memref<128x128xf32, #tpu.memory_space<vmem>>, vector<64x128xf32>
    %dot_general3A_68 = arith.constant dense<0.000000e+00> : vector<2000x128xf32>
    %dot_general3A_69 = tpu.matmul %mul3A_64, %get3A_67, %dot_general3A_68 {dimension_numbers = #tpu.dot_dimension_numbers<[1], [0], [0], [1], [0, 0, 1, 1], [], []>, transpose_lhs_hint = false} : vector<2000x64xf32>, vector<64x128xf32>, vector<2000x128xf32> -> vector<2000x128xf32>
    %add3A_70 = arith.addf %add3A_57, %dot_general3A_69 : vector<2000x128xf32>
    %mul3A_71 = arith.constant 5.000000e-01 : f32
    %mul3A_72 = vector.broadcast %mul3A_71 : f32 to vector<2000x128xf32>
    %mul3A_73 = arith.mulf %add3A_70, %mul3A_72 : vector<2000x128xf32>
    %get3A_74 = arith.constant 0 : index
    %get3A_75 = arith.constant 0 : index
    %get3A_76 = vector.load %arg6[%get3A_74, %get3A_75] : memref<1x128xf32, #tpu.memory_space<vmem>>, vector<1x128xf32>
    %add3A_77 = vector.broadcast %get3A_76 : vector<1x128xf32> to vector<2000x128xf32>
    %add3A_78 = arith.addf %mul3A_73, %add3A_77 : vector<2000x128xf32>
    %max3A = arith.constant 0.000000e+00 : f32
    %max3A_79 = vector.broadcast %max3A : f32 to vector<2000x128xf32>
    %max3A_80 = arith.maximumf %add3A_78, %max3A_79 : vector<2000x128xf32>
    %get3A_81 = arith.constant 0 : index
    %get3A_82 = arith.constant 0 : index
    %get3A_83 = vector.load %arg7[%get3A_81, %get3A_82] : memref<128x64xf32, #tpu.memory_space<vmem>>, vector<128x64xf32>
    %dot_general3A_84 = arith.constant dense<0.000000e+00> : vector<2000x64xf32>
    %dot_general3A_85 = tpu.matmul %max3A_80, %get3A_83, %dot_general3A_84 {dimension_numbers = #tpu.dot_dimension_numbers<[1], [0], [0], [1], [0, 0, 1, 1], [], []>, transpose_lhs_hint = false} : vector<2000x128xf32>, vector<128x64xf32>, vector<2000x64xf32> -> vector<2000x64xf32>
    %swap3A = arith.constant 0 : index
    %swap3A_86 = arith.constant 0 : index
    %swap3A_87 = arith.constant 0 : index
    %swap3A_88 = vector.load %arg9[%swap3A, %swap3A_86, %swap3A_87] : memref<2x2000x64xf32, #tpu.memory_space<vmem>>, vector<1x2000x64xf32>
    %swap3A_89 = vector.shape_cast %swap3A_88 : vector<1x2000x64xf32> to vector<2000x64xf32>
    %swap3A_90 = vector.shape_cast %dot_general3A_85 : vector<2000x64xf32> to vector<1x2000x64xf32>
    tpu.vector_store %arg9[%swap3A, %swap3A_86, %swap3A_87], %swap3A_90 {strides = array<i32>} : memref<2x2000x64xf32, #tpu.memory_space<vmem>>, vector<1x2000x64xf32>,
    %get3A_91 = arith.constant 0 : index
    %get3A_92 = arith.constant 0 : index
    %get3A_93 = vector.load %arg8[%get3A_91, %get3A_92] : memref<128x64xf32, #tpu.memory_space<vmem>>, vector<128x64xf32>
    %dot_general3A_94 = arith.constant dense<0.000000e+00> : vector<2000x64xf32>
    %dot_general3A_95 = tpu.matmul %max3A_80, %get3A_93, %dot_general3A_94 {dimension_numbers = #tpu.dot_dimension_numbers<[1], [0], [0], [1], [0, 0, 1, 1], [], []>, transpose_lhs_hint = false} : vector<2000x128xf32>, vector<128x64xf32>, vector<2000x64xf32> -> vector<2000x64xf32>
    %swap3A_96 = arith.constant 1 : index
    %swap3A_97 = arith.constant 0 : index
    %swap3A_98 = arith.constant 0 : index
    %swap3A_99 = vector.load %arg9[%swap3A_96, %swap3A_97, %swap3A_98] : memref<2x2000x64xf32, #tpu.memory_space<vmem>>, vector<1x2000x64xf32>
    %swap3A_100 = vector.shape_cast %swap3A_99 : vector<1x2000x64xf32> to vector<2000x64xf32>
    %swap3A_101 = vector.shape_cast %dot_general3A_95 : vector<2000x64xf32> to vector<1x2000x64xf32>
    tpu.vector_store %arg9[%swap3A_96, %swap3A_97, %swap3A_98], %swap3A_101 {strides = array<i32>} : memref<2x2000x64xf32, #tpu.memory_space<vmem>>, vector<1x2000x64xf32>,
    return
  }
  func.func @transform_0(%arg0: i32) -> (i32, i32, i32) {
    %c0_i32 = arith.constant 0 : i32
    %c0_i32_0 = arith.constant 0 : i32
    %c0_i32_1 = arith.constant 0 : i32
    return %c0_i32, %arg0, %c0_i32_0 : i32, i32, i32
  }
  func.func @transform_1(%arg0: i32) -> (i32, i32, i32) {
    %c0_i32 = arith.constant 0 : i32
    %c0_i32_0 = arith.constant 0 : i32
    %c0_i32_1 = arith.constant 0 : i32
    return %c0_i32, %arg0, %c0_i32_0 : i32, i32, i32
  }
  func.func @transform_2(%arg0: i32) -> (i32, i32, i32) {
    %c0_i32 = arith.constant 0 : i32
    %c0_i32_0 = arith.constant 0 : i32
    %c0_i32_1 = arith.constant 0 : i32
    return %arg0, %c0_i32, %c0_i32_0 : i32, i32, i32
  }
  func.func @transform_3(%arg0: i32) -> (i32, i32) {
    %c0_i32 = arith.constant 0 : i32
    %c0_i32_0 = arith.constant 0 : i32
    %c0_i32_1 = arith.constant 0 : i32
    return %c0_i32, %c0_i32_0 : i32, i32
  }
  func.func @transform_4(%arg0: i32) -> (i32, i32) {
    %c0_i32 = arith.constant 0 : i32
    %c0_i32_0 = arith.constant 0 : i32
    %c0_i32_1 = arith.constant 0 : i32
    return %c0_i32, %c0_i32_0 : i32, i32
  }
  func.func @transform_5(%arg0: i32) -> (i32, i32) {
    %c0_i32 = arith.constant 0 : i32
    %c0_i32_0 = arith.constant 0 : i32
    %c0_i32_1 = arith.constant 0 : i32
    return %c0_i32, %c0_i32_0 : i32, i32
  }
  func.func @transform_6(%arg0: i32) -> (i32, i32) {
    %c0_i32 = arith.constant 0 : i32
    %c0_i32_0 = arith.constant 0 : i32
    %c0_i32_1 = arith.constant 0 : i32
    return %c0_i32, %c0_i32_0 : i32, i32
  }
  func.func @transform_7(%arg0: i32) -> (i32, i32) {
    %c0_i32 = arith.constant 0 : i32
    %c0_i32_0 = arith.constant 0 : i32
    %c0_i32_1 = arith.constant 0 : i32
    return %c0_i32, %c0_i32_0 : i32, i32
  }
  func.func @transform_8(%arg0: i32) -> (i32, i32, i32) {
    %c0_i32 = arith.constant 0 : i32
    %c0_i32_0 = arith.constant 0 : i32
    %c0_i32_1 = arith.constant 0 : i32
    return %c0_i32, %arg0, %c0_i32_0 : i32, i32, i32
  }
}

module attributes {stable_mosaic.version = 14 : i64} {
  func.func @_tc_out_body(%arg0: i32, %arg1: memref<2x2000x64xf32, #tpu.memory_space<vmem>>, %arg2: memref<1x2x2000xf32, #tpu.memory_space<vmem>>, %arg3: memref<1x64xf32, #tpu.memory_space<vmem>>, %arg4: memref<2000x64xf32, #tpu.memory_space<vmem>>) attributes {dimension_semantics = [#tpu.dimension_semantics<arbitrary>], iteration_bounds = array<i64: 5>, scalar_prefetch = 0 : i64, scratch_operands = 0 : i64, tpu.core_type = #tpu.core_type<tc>, window_params = [{transform_indices = @transform_0, window_bounds = array<i64: 2, 2000, 64>}, {transform_indices = @transform_1, window_bounds = array<i64: 1, 2, 2000>}, {pipeline_mode = #tpu.pipeline_mode<synchronous>, transform_indices = @transform_2, window_bounds = array<i64: 1, 64>}, {transform_indices = @transform_3, window_bounds = array<i64: 2000, 64>}]} {
    %get3A = arith.constant 0 : index
    %get3A_0 = arith.constant 0 : index
    %get3A_1 = arith.constant 0 : index
    %get3A_2 = vector.load %arg2[%get3A, %get3A_0, %get3A_1] : memref<1x2x2000xf32, #tpu.memory_space<vmem>>, vector<1x1x2000xf32>
    %get3A_3 = vector.shape_cast %get3A_2 : vector<1x1x2000xf32> to vector<1x2000xf32>
    %transpose3A = tpu.transpose %get3A_3, [1, 0] : vector<1x2000xf32> -> vector<2000x1xf32>
    %get3A_4 = arith.constant 0 : index
    %get3A_5 = arith.constant 1 : index
    %get3A_6 = arith.constant 0 : index
    %get3A_7 = vector.load %arg2[%get3A_4, %get3A_5, %get3A_6] : memref<1x2x2000xf32, #tpu.memory_space<vmem>>, vector<1x1x2000xf32>
    %get3A_8 = vector.shape_cast %get3A_7 : vector<1x1x2000xf32> to vector<1x2000xf32>
    %transpose3A_9 = tpu.transpose %get3A_8, [1, 0] : vector<1x2000xf32> -> vector<2000x1xf32>
    %gt3A = arith.constant 0.000000e+00 : f32
    %gt3A_10 = vector.broadcast %gt3A : f32 to vector<2000x1xf32>
    %gt3A_11 = arith.cmpf ogt, %transpose3A, %gt3A_10 : vector<2000x1xf32>
    %div3A = arith.constant 1.000000e+00 : f32
    %div3A_12 = vector.broadcast %div3A : f32 to vector<2000x1xf32>
    %div3A_13 = arith.divf %div3A_12, %transpose3A : vector<2000x1xf32>
    %jit3A = arith.constant 0.000000e+00 : f32
    %broadcast_in_dim3A = vector.broadcast %jit3A : f32 to vector<2000x1xf32>
    %select_n3A = arith.select %gt3A_11, %div3A_13, %broadcast_in_dim3A : vector<2000x1xi1>, vector<2000x1xf32>
    %gt3A_14 = arith.constant 0.000000e+00 : f32
    %gt3A_15 = vector.broadcast %gt3A_14 : f32 to vector<2000x1xf32>
    %gt3A_16 = arith.cmpf ogt, %transpose3A_9, %gt3A_15 : vector<2000x1xf32>
    %div3A_17 = arith.constant 1.000000e+00 : f32
    %div3A_18 = vector.broadcast %div3A_17 : f32 to vector<2000x1xf32>
    %div3A_19 = arith.divf %div3A_18, %transpose3A_9 : vector<2000x1xf32>
    %jit3A_20 = arith.constant 0.000000e+00 : f32
    %broadcast_in_dim3A_21 = vector.broadcast %jit3A_20 : f32 to vector<2000x1xf32>
    %select_n3A_22 = arith.select %gt3A_16, %div3A_19, %broadcast_in_dim3A_21 : vector<2000x1xi1>, vector<2000x1xf32>
    %get3A_23 = arith.constant 0 : index
    %get3A_24 = arith.constant 0 : index
    %get3A_25 = arith.constant 0 : index
    %get3A_26 = vector.load %arg1[%get3A_23, %get3A_24, %get3A_25] : memref<2x2000x64xf32, #tpu.memory_space<vmem>>, vector<1x2000x64xf32>
    %get3A_27 = vector.shape_cast %get3A_26 : vector<1x2000x64xf32> to vector<2000x64xf32>
    %mul3A = vector.broadcast %select_n3A : vector<2000x1xf32> to vector<2000x64xf32>
    %mul3A_28 = arith.mulf %get3A_27, %mul3A : vector<2000x64xf32>
    %get3A_29 = arith.constant 1 : index
    %get3A_30 = arith.constant 0 : index
    %get3A_31 = arith.constant 0 : index
    %get3A_32 = vector.load %arg1[%get3A_29, %get3A_30, %get3A_31] : memref<2x2000x64xf32, #tpu.memory_space<vmem>>, vector<1x2000x64xf32>
    %get3A_33 = vector.shape_cast %get3A_32 : vector<1x2000x64xf32> to vector<2000x64xf32>
    %mul3A_34 = vector.broadcast %select_n3A_22 : vector<2000x1xf32> to vector<2000x64xf32>
    %mul3A_35 = arith.mulf %get3A_33, %mul3A_34 : vector<2000x64xf32>
    %add3A = arith.addf %mul3A_28, %mul3A_35 : vector<2000x64xf32>
    %mul3A_36 = arith.constant 5.000000e-01 : f32
    %mul3A_37 = vector.broadcast %mul3A_36 : f32 to vector<2000x64xf32>
    %mul3A_38 = arith.mulf %add3A, %mul3A_37 : vector<2000x64xf32>
    %get3A_39 = arith.constant 0 : index
    %get3A_40 = arith.constant 0 : index
    %get3A_41 = vector.load %arg3[%get3A_39, %get3A_40] : memref<1x64xf32, #tpu.memory_space<vmem>>, vector<1x64xf32>
    %add3A_42 = vector.broadcast %get3A_41 : vector<1x64xf32> to vector<2000x64xf32>
    %add3A_43 = arith.addf %mul3A_38, %add3A_42 : vector<2000x64xf32>
    %swap3A = arith.constant 0 : index
    %swap3A_44 = arith.constant 0 : index
    %swap3A_45 = vector.load %arg4[%swap3A, %swap3A_44] : memref<2000x64xf32, #tpu.memory_space<vmem>>, vector<2000x64xf32>
    tpu.vector_store %arg4[%swap3A, %swap3A_44], %add3A_43 {strides = array<i32>} : memref<2000x64xf32, #tpu.memory_space<vmem>>, vector<2000x64xf32>,
    return
  }
  func.func @transform_0(%arg0: i32) -> (i32, i32, i32) {
    %c0_i32 = arith.constant 0 : i32
    %c0_i32_0 = arith.constant 0 : i32
    %c0_i32_1 = arith.constant 0 : i32
    return %c0_i32, %arg0, %c0_i32_0 : i32, i32, i32
  }
  func.func @transform_1(%arg0: i32) -> (i32, i32, i32) {
    %c0_i32 = arith.constant 0 : i32
    %c0_i32_0 = arith.constant 0 : i32
    %c0_i32_1 = arith.constant 0 : i32
    return %arg0, %c0_i32, %c0_i32_0 : i32, i32, i32
  }
  func.func @transform_2(%arg0: i32) -> (i32, i32) {
    %c0_i32 = arith.constant 0 : i32
    %c0_i32_0 = arith.constant 0 : i32
    %c0_i32_1 = arith.constant 0 : i32
    return %c0_i32, %c0_i32_0 : i32, i32
  }
  func.func @transform_3(%arg0: i32) -> (i32, i32) {
    %c0_i32 = arith.constant 0 : i32
    %c0_i32_0 = arith.constant 0 : i32
    return %arg0, %c0_i32 : i32, i32
  }
}

</mosaic_0001>

<sc_bundles>
// kernel: kernel.6.cloned.1.call-start
scs
__scs_entry_jumppad:
0x0: {  	(pc) =	sbr.rel $0x88, $3  }
0x1: {  	(tag) =	ssettag $0x0;
	lr =	simm.s32 $0x1  }
0x2: {  	[smem:$0x3F98] =	sst lr;
	_ =	strace $0xD0000000  }
0x3: {  	_ = 	snop  }
0x4: {  	_ = 	snop  }
0x5: {  	_ = 	snop  }
0x6: {  	_ = 	snop  }
0x7: {  	_ = 	snop  }
__scs_overlays_trampoline_lowered:
0x8: {  	[smem:$0x3FA7] =	sst s0  }
0x9: {  	[smem:$0x3FA8] =	sst s1  }
0xa: {  	[smem:$0x3FA9] =	sst s2  }
0xb: {  	[smem:$0x3FAA] =	sst s3  }
0xc: {  	[smem:$0x3FAB] =	sst s4  }
0xd: {  	[smem:$0x3FAC] =	sst s5  }
0xe: {  	[smem:$0x3FAD] =	sst s6  }
0xf: {  	[smem:$0x3FAE] =	sst s7  }
0x10: {  	[smem:$0x3FAF] =	sst s8  }
0x11: {  	[smem:$0x3FB0] =	sst s9;
	s0 =	simm.s32 @!p0 $0x0  }
0x12: {  	s1 =	sld [smem:$0x3F96];
	s0 =	simm.s32 @p0 $0x1  }
0x13: {  	[smem:$0x3FB1] =	sst s0;
	s0 =	simm.s32 @!p1 $0x0  }
0x14: {  	s2 =	sld [smem:$0x3F95];
	s0 =	simm.s32 @p1 $0x1  }
0x15: {  	[smem:$0x3FB2] =	sst s0;
	s0 =	simm.s32 @!p2 $0x0  }
0x16: {  	s3 =	sld [smem:$0x3FDB];
	s0 =	simm.s32 @p2 $0x1  }
0x17: {  	s4 =	simm.s32 $0x1BF5;
	[smem:$0x3FB4] =	sst s0  }
0x18: {  	s0 =	sld [smem:$0x3F97];
	_ =	swait.ge [sflag:s4], $0x0  }
0x19: {  	s7 =	sld [smem:$0x3F98]  }
0x1a: {  	s8 =	sadd.s32 $0xFFFFE003, lr  }
0x1b: {  	s9 =	sadd.s32 $0xFFFFFEF7, lr;
	s5 =	simm.s32 $0xFFFFFFFF;
	p2 =	slt.u32 s8, $0xFFFFF086  }
0x1c: {  	p1 =	slt.u32 s9, $0xF7A;
	s5 =	simm.s32 @!p2 $0x0  }
0x1d: {  	s5 =	simm.s32 @p1 $0x1;
	p0 =	seq.s32 s7, s2  }
0x1e: {  	s7 =	smul.u32 @!p0 $0xF7A, s2;
	p2 =	seq.s32 @!p0 s5, $0x0  }
0x1f: {  	s9 =	smul.u32 $0xF7A, s1;
	s8 =	simm.s32 @!p0 $0x1BF5;
	p2 =	por !p2, p0  }
0x20: {  	[sflag:s8] =	ssyncset.s32 @!p0 $0xFFFFF086;
	s6 =	sadd.s32 @!p0 s3, s7;
	s7 =	simm.s32 @!p0 $0x108  }
0x21: {  	s3 =	sadd.s32 s3, s9;
	s6 =	sadd.s32 @!p0 $0x88, s6;
	s7 =	simm.s32 @p2 $0x1082  }
0x22: {  	[simem:s7], [sflag:s8] =	dma.local @!p0 [hbm:s6], $0xF7A  }
0x23: {  	s9 =	sor.u32 $0xD0000000, s2;
	s6 =	simm.s32 $0x108;
	_ =	swait.ge @!p0 [sflag:s8], $0x0  }
0x24: {  	s3 =	sadd.s32 $0x88, s3;
	s6 =	simm.s32 @!p1 $0x1082;
	[sflag:s4] =	ssyncset.s32 $0xFFFFF086  }
0x25: {  	[simem:s6], [sflag:s4] =	dma.local [hbm:s3], $0xF7A  }
0x26: {  	[smem:$0x3F98] =	sst s1;
	(tag) =	ssettag s2;
	_ =	strace s9  }
0x27: {  	s1 =	sld [smem:$0x3FA8]  }
0x28: {  	s2 =	sld [smem:$0x3FA9]  }
0x29: {  	s4 =	sld [smem:$0x3FAB]  }
0x2a: {  	p0 =	seq.s32 s5, $0x0;
	s5 =	sld [smem:$0x3FAC]  }
0x2b: {  	s6 =	sld [smem:$0x3FAD]  }
0x2c: {  	s7 =	sld [smem:$0x3FAE]  }
0x2d: {  	s3 =	simm.s32 $0x108;
	s8 =	sld [smem:$0x3FAF]  }
0x2e: {  	s3 =	simm.s32 @!p0 $0x1082;
	s9 =	sld [smem:$0x3FB0]  }
0x2f: {  	lr =	sadd.s32 s0, s3;
	s0 =	sld [smem:$0x3FA7]  }
0x30: {  	s3 =	sld [smem:$0x3FAA]  }
0x31: {  	[smem:$0x3FB3] =	sst s10  }
0x32: {  	s10 =	sld [smem:$0x3FB1];
	_ =	sdelay $0x3  }
0x33: {  	p0 =	seq.s32 s10, $0x1;
	s10 =	sld [smem:$0x3FB3];
	_ =	sdelay $0x3  }
0x34: {  	[smem:$0x3FB3] =	sst s10  }
0x35: {  	s10 =	sld [smem:$0x3FB2];
	_ =	sdelay $0x3  }
0x36: {  	p1 =	seq.s32 s10, $0x1;
	s10 =	sld [smem:$0x3FB3];
	_ =	sdelay $0x3  }
0x37: {  	[smem:$0x3FB3] =	sst s10  }
0x38: {  	s10 =	sld [smem:$0x3FB4]  }
0x39: {  	_ = 	snop;
	(pc) =	sbr.ind lr, $3  }
0x3a: {  	_ = 	snop  }
0x3b: {  	_ = 	snop  }
0x3c: {  	p2 =	seq.s32 s10, $0x1;
	s10 =	sld [smem:$0x3FB3]  }
0x3d: {  	_ =	shalt  }
0x3e: {  	_ =	shalt  }
0x3f: {  	_ =	shalt  }
0x40: {  	_ =	shalt  }
0x41: {  	_ =	shalt  }
0x42: {  	_ =	shalt  }
0x43: {  	_ =	shalt  }
0x44: {  	_ =	shalt  }
0x45: {  	_ =	shalt  }
0x46: {  	_ =	shalt  }
0x47: {  	_ =	shalt  }
0x48: {  	_ =	shalt  }
0x49: {  	_ =	shalt  }
0x4a: {  	_ =	shalt  }
0x4b: {  	_ =	shalt  }
0x4c: {  	_ =	shalt  }
0x4d: {  	_ =	shalt  }
0x4e: {  	_ =	shalt  }
0x4f: {  	_ =	shalt  }
0x50: {  	_ =	shalt  }
0x51: {  	_ =	shalt  }
0x52: {  	_ =	shalt  }
0x53: {  	_ =	shalt  }
0x54: {  	_ =	shalt  }
0x55: {  	_ =	shalt  }
0x56: {  	_ =	shalt  }
0x57: {  	_ =	shalt  }
0x58: {  	_ =	shalt  }
0x59: {  	_ =	shalt  }
0x5a: {  	_ =	shalt  }
0x5b: {  	_ =	shalt  }
0x5c: {  	_ =	shalt  }
0x5d: {  	_ =	shalt  }
0x5e: {  	_ =	shalt  }
0x5f: {  	_ =	shalt  }
0x60: {  	_ =	shalt  }
0x61: {  	_ =	shalt  }
0x62: {  	_ =	shalt  }
0x63: {  	_ =	shalt  }
0x64: {  	_ =	shalt  }
0x65: {  	_ =	shalt  }
0x66: {  	_ =	shalt  }
0x67: {  	_ =	shalt  }
0x68: {  	_ =	shalt  }
0x69: {  	_ =	shalt  }
0x6a: {  	_ =	shalt  }
0x6b: {  	_ =	shalt  }
0x6c: {  	_ =	shalt  }
0x6d: {  	_ =	shalt  }
0x6e: {  	_ =	shalt  }
0x6f: {  	_ =	shalt  }
0x70: {  	_ =	shalt  }
0x71: {  	_ =	shalt  }
0x72: {  	_ =	shalt  }
0x73: {  	_ =	shalt  }
0x74: {  	_ =	shalt  }
0x75: {  	_ =	shalt  }
0x76: {  	_ =	shalt  }
0x77: {  	_ =	shalt  }
0x78: {  	_ =	shalt  }
0x79: {  	_ =	shalt  }
0x7a: {  	_ =	shalt  }
0x7b: {  	_ =	shalt  }
0x7c: {  	_ =	shalt  }
0x7d: {  	_ =	shalt  }
0x7e: {  	_ =	shalt  }
0x7f: {  	_ =	shalt  }
0x80: {  	_ =	shalt  }
0x81: {  	_ =	shalt  }
0x82: {  	_ =	shalt  }
0x83: {  	_ =	shalt  }
0x84: {  	_ =	shalt  }
0x85: {  	_ =	shalt  }
0x86: {  	_ =	shalt  }
0x87: {  	_ =	shalt  }
.Lfunc_end0:
.L_simem_size_0:
called_computation_lowered:
.L_overlay_start_0:
0x88: {  	s2 =	sld [smem:$0x3FD9]  }
0x89: {  	s3 =	sld [smem:$0x3FFE];
	_ =	sdelay $0x1  }
0x8a: {  	s1 =	srdreg.scid  }
0x8b: {  	s0 =	sand.u32 $0x1, s1  }
0x8c: {  	s17 =	sshll.u32 s0, $0xA;
	s2 =	sadd.s32 s3, s2  }
0x8d: {  	s2 =	sadd.s32 s2, s17  }
0x8e: {  	[smem:$0x3FBF] =	sst s2  }
0x8f: {  	_ = 	snop  }
0x90: {  	s2 =	sld [smem:$0x3FC9]  }
0x91: {  	s18 =	sld [smem:$0x3FD0];
	(tm) =	ssettm $0x1  }
0x92: {  	s4 =	sld [smem:$0x3FFB];
	_ =	sdelay $0x3  }
0x93: {  	_ =	strace s4  }
0x94: {  	s4 =	sld [smem:$0x3FFC];
	_ =	sdelay $0x3  }
0x95: {  	_ =	strace s4  }
0x96: {  	s4 =	sld [smem:$0x3FFD];
	_ =	sdelay $0x3  }
0x97: {  	_ =	strace s4  }
0x98: {  	_ =	strace $0x8FFFFFFF  }
0x99: {  	s19 =	sld [smem:$0x3FDB];
	_ =	sdelay $0x1  }
0x9a: {  	s5 =	simm.s32 $_scs_section_size  }
0x9b: {  	s6 =	simm.s32 $_size__tile_overlayer_lowered;
	s7 =	simm.s32 $_tile_overlayer_lowered  }
0x9c: {  	s22 =	simm.s32 $0x1BFF;
	s21 =	sshll.u32 s7, $0x1;
	s4 =	sadd.s32 s5, s19  }
0x9d: {  	s8 =	simm.s32 $0x0;
	s20 =	sshll.u32 s6, $0x1;
	s6 =	sadd.s32 s21, s4  }
0x9e: {  	[timem:s8], [sflag:s22] =	dma.local [hbm:s6], s20  }
0x9f: {  	_ =	swait.ge [sflag:s22], s20  }
0xa0: {  	s5 =	ssub.s32 $0x0, s20;
	[sflag:s22] =	ssyncset.done $0x0  }
0xa1: {  	[sflag:s22] =	ssyncadd.s32 s5;
	_ =	sdelay $0x1  }
0xa2: {  	s23 =	simm.s32 $0x1B8B  }
0xa3: {  	_ =	swait.ge [sflag:s23], $0x1  }
0xa4: {  	[sflag:s23] =	ssyncset.done $0x0  }
0xa5: {  	s25 =	simm.s32 $0x1B8E;
	s24 =	sld [smem:$0x3FFE];
	[sflag:s23] =	ssyncadd.s32 $0xFFFFFFFF  }
0xa6: {  	s26 =	simm.s32 $execute0_lowered;
	[smem:$0x3FD2] =	sst s25  }
0xa7: {  	s6 =	sshll.u32 s26, $0x1;
	_ =	strace $0x80000046;
	[dreg:$0x1] =	wrdreg $0xFFFFFFFF  }
0xa8: {  	s28 =	simm.s32 $_size_execute0_lowered;
	s4 =	sadd.s32 s4, s6;
	[dreg:$0x0] =	wrdreg $0x0  }
0xa9: {  	s6 =	sshll.u32 s28, $0x1;
	[dreg:$0x2] =	wrdreg s4  }
0xaa: {  	[dreg:$0x3] =	wrdreg s6  }
0xab: {  	[dreg:$0x4] =	wrdreg $0xC0  }
0xac: {  	_ =	task [dreg:s8], $0x5FFFF  }
0xad: {  	[dreg:$0x1] =	wrdreg $0xFFFFFFFF  }
0xae: {  	[dreg:$0x0] =	wrdreg $0x60  }
0xaf: {  	[dreg:$0x2] =	wrdreg s18  }
0xb0: {  	[dreg:$0x3] =	wrdreg s24  }
0xb1: {  	[dreg:$0x4] =	wrdreg s2  }
0xb2: {  	[dreg:$0x5] =	wrdreg $0x103000  }
0xb3: {  	[dreg:$0x6] =	wrdreg $0x19F400  }
0xb4: {  	[dreg:$0x7] =	wrdreg $0x9  }
0xb5: {  	_ =	task.clear_ibuf [dreg:s8], $0x8FFFF;
	_ =	strace $0x90000046  }
0xb6: {  	s29 =	simm.s32 $0x9;
	_ =	strace $0x80000048  }
0xb7: {  	_ =	swait.ge [sflag:s29], $0x1  }
0xb8: {  	[sflag:s29] =	ssyncadd.s32 $0xFFFFFFFF  }
0xb9: {  	_ =	strace $0x90000048  }
0xba: {  	_ =	sfence  }
0xbb: {  	s30 =	sld [smem:$0x0];
	_ =	sdelay $0x2  }
0xbc: {  	s31 =	sshll.u32 s1, $0xD;
	s1 =	sshrl.u32 s1, $0x2  }
0xbd: {  	s3 =	sand.u32 $0x4000, s31;
	s1 =	sadd.s32 s1, s30  }
0xbe: {  	s0 =	sor.u32 s3, s0;
	s1 =	sshll.u32 s1, $0x11  }
0xbf: {  	s0 =	sor.u32 s1, s0  }
0xc0: {  	s0 =	sadd.s32 $0x8F2B, s0  }
0xc1: {  	[sflag:s0] =	ssyncadd.remote.s32 $0x1  }
0xc2: {  	_ =	sfence.sel $0xFFFF  }
0xc3: {  	[dreg:$0x0] =	wrdreg $0xFFFFFFFF;
	(pc) =	sbr.abs _section_cstart, $3  }
0xc4: {  	[dreg:$0x1] =	wrdreg $0xFFFFFFFF  }
0xc5: {  	_ =	task.clear_ibuf [dreg:s8], $0x2FFFF;
	_ =	strace $0x9FFFFFFF  }
0xc6: {  	(tm) =	ssettm $0x7FFFFFFF  }
0xc7: {  	_ =	shalt  }
tec
execute0_lowered:
.L_overlay_start_1:
0x0: {  	(tag) =	ssettag $0x1  }
0x1: {  	s0 =	rddreg [dreg:$0x0]  }
0x2: {  	s1 =	rddreg [dreg:$0x1]  }
0x3: {  	s2 =	rddreg [dreg:$0x2]  }
0x4: {  	s3 =	rddreg [dreg:$0x3]  }
0x5: {  	s4 =	rddreg [dreg:$0x4]  }
0x6: {  	s11 =	stileid.u32;
	s12 =	simm.s32 $0x0;
	s6 =	srdreg.scid  }
0x7: {  	s21 =	simm.s32 $0xB;
	s29 =	simm.s32 $0xC440;
	s31 =	simm.s32 $0xD840  }
0x8: {  	s30 =	simm.s32 $0x4;
	s5 =	smul.u32 $0x9C00, s11;
	[smem:$0x7FF] =	sst s12  }
0x9: {  	s9 =	sand.u32 $0x1, s6;
	s10 =	sadd.s32 $0x1C00, s1;
	s13 =	sadd.s32 $0x50C00, s1  }
0xa: {  	s14 =	sadd.s32 $0x29A00, s1;
	s15 =	sadd.s32 $0x29000, s1;
	s17 =	smul.u32 $0x270, s11  }
0xb: {  	s23 =	sshll.u32 s11, $0x6;
	s24 =	sadd.s32 $0x9C000, s3;
	s18 =	sadd.s32 $0x2700, s4  }
0xc: {  	s20 =	smul.u32 $0x9C4, s11;
	_ =	strace $0x80000047;
	s6 =	ssub.s32 $0x2, s9  }
0xd: {  	s22 =	sor.u32 $0x1C0B, s23;
	[dreg:$0x9] =	wrdreg s24;
	s25 =	smul.u32 $0x2710, s9  }
0xe: {  	s26 =	smul.u32 $0x9C400, s9;
	[dreg:$0xc] =	wrdreg s18;
	p0 =	seq.s32 s9, $0x1  }
0xf: {  	s7 =	sshrl.u32 s5, $0x3;
	s8 =	sshrl.u32 s6, $0x1;
	s28 =	sadd.s32 s17, s4  }
0x10: {  	s0 =	smov.u32 @p0 s10;
	p0 =	sne.s32 s11, $0xF;
	s11 =	simm.s32 $0xA0  }
0x11: {  	s10 =	simm.s32 $0x0;
	[dreg:$0x8] =	wrdreg s22;
	s7 =	sadd.s32 s7, s1  }
0x12: {  	s16 =	ssub.s32 s6, s8;
	s8 =	sadd.s32 s5, s3;
	s6 =	sadd.s32 $0x28E00, s1  }
0x13: {  	s18 =	sadd.s32 s17, s25;
	s1 =	sshrl.u32 s26, $0x3;
	s5 =	sshrl.u32 s25, $0x3  }
0x14: {  	s26 =	sadd.s32 s0, s20;
	s0 =	sadd.s32 $0x9C40, s0;
	[dreg:$0xb] =	wrdreg s28  }
0x15: {  	s17 =	simm.s32 $0x8;
	s7 =	sadd.s32 $0x15600, s7;
	[dreg:$0x14] =	wrdreg s26  }
0x16: {  	s23 =	sshll.u32 s18, $0x3;
	s1 =	sadd.s32 $0x13800, s1;
	[dreg:$0x6] =	wrdreg s8  }
0x17: {  	s9 =	sshrl.u32 s18, $0x3;
	s25 =	smax.u32 s16, $0x1;
	[dreg:$0xa] =	wrdreg s6  }
0x18: {  	s5 =	sadd.s32 s15, s5;
	s0 =	sadd.s32 s20, s0;
	[dreg:$0x13] =	wrdreg s25  }
0x19: {  	s26 =	simm.s32 $0xB040;
	s16 =	simm.s32 $0x7;
	[dreg:$0x15] =	wrdreg s0  }
0x1a: {  	s18 =	simm.s32 $0x9;
	s19 =	sadd.s32 s13, s23;
	[dreg:$0x7] =	wrdreg s7  }
0x1b: {  	s20 =	simm.s32 $0x2;
	s13 =	sadd.s32 s13, s1;
	[dreg:$0xd] =	wrdreg s19  }
0x1c: {  	s9 =	sadd.s32 s15, s9;
	s5 =	sadd.s32 $0x4E0, s5;
	[dreg:$0xe] =	wrdreg s13  }
0x1d: {  	s24 =	sadd.s32 s14, s23;
	s1 =	sadd.s32 s14, s1;
	[dreg:$0xf] =	wrdreg s9  }
0x1e: {  	s25 =	simm.s32 $0x9C40;
	s23 =	simm.s32 $0x1;
	[dreg:$0x10] =	wrdreg s5  }
0x1f: {  	s14 =	simm.s32 $0x5;
	s15 =	simm.s32 $0x6;
	[dreg:$0x11] =	wrdreg s24  }
0x20: {  	[dreg:$0x12] =	wrdreg s1;
	s24 =	simm.s32 $0x50;
	s1 =	simm.s32 $0xEC40  }
0x21: {  	v0 =	vimm.f32 $0.0e+00;
	v1 =	vimm.f32 $1.000000000e+00;
	s9 =	simm.s32 $0x10040;
	s13 =	simm.s32 $0x3;
	s19 =	simm.s32 $0xA  }
.LBB2_1:
0x22: {  	[tilespmem:$0x10090] =	vst v0  }
0x23: {  	[tilespmem:$0x100A0] =	vst v0  }
0x24: {  	[tilespmem:$0x100B0] =	vst v0  }
0x25: {  	[tilespmem:$0x100C0] =	vst v0  }
0x26: {  	[tilespmem:$0x100D0] =	vst v0  }
0x27: {  	[tilespmem:$0x100E0] =	vst v0  }
0x28: {  	[tilespmem:$0x100F0] =	vst v0  }
0x29: {  	[tilespmem:$0x10100] =	vst v0  }
0x2a: {  	[tilespmem:$0x10110] =	vst v0  }
0x2b: {  	[tilespmem:$0x10120] =	vst v0  }
0x2c: {  	[tilespmem:$0x10130] =	vst v0  }
0x2d: {  	[tilespmem:$0x10140] =	vst v0  }
0x2e: {  	[tilespmem:$0x10150] =	vst v0  }
0x2f: {  	[tilespmem:$0x10160] =	vst v0  }
0x30: {  	[tilespmem:$0x10170] =	vst v0  }
0x31: {  	[tilespmem:$0x10180] =	vst v0  }
0x32: {  	[tilespmem:$0x10190] =	vst v0  }
0x33: {  	[tilespmem:$0x101A0] =	vst v0  }
0x34: {  	[tilespmem:$0x101B0] =	vst v0  }
0x35: {  	[tilespmem:$0x101C0] =	vst v0  }
0x36: {  	[tilespmem:$0x101D0] =	vst v0  }
0x37: {  	[tilespmem:$0x101E0] =	vst v0  }
0x38: {  	[tilespmem:$0x101F0] =	vst v0  }
0x39: {  	[tilespmem:$0x10200] =	vst v0  }
0x3a: {  	[tilespmem:$0x10210] =	vst v0  }
0x3b: {  	[tilespmem:$0x10220] =	vst v0  }
0x3c: {  	[tilespmem:$0x10230] =	vst v0  }
0x3d: {  	[tilespmem:$0x10240] =	vst v0  }
0x3e: {  	[tilespmem:$0x10250] =	vst v0  }
0x3f: {  	[tilespmem:$0x10260] =	vst v0  }
0x40: {  	[tilespmem:$0x10270] =	vst v0  }
0x41: {  	[tilespmem:$0x10280] =	vst v0  }
0x42: {  	[tilespmem:$0x10290] =	vst v0  }
0x43: {  	[tilespmem:$0x102A0] =	vst v0  }
0x44: {  	[tilespmem:$0x102B0] =	vst v0  }
0x45: {  	[tilespmem:$0x102C0] =	vst v0  }
0x46: {  	[tilespmem:$0x102D0] =	vst v0  }
0x47: {  	[dreg:$0x16] =	wrdreg s10;
	[tilespmem:$0x102E0] =	vst v0;
	s0 =	sshrl.u32 s8, $0x3  }
0x48: {  	[tilespmem:$0x102F0] =	vst v0;
	[dreg:$0x17] =	wrdreg s0  }
0x49: {  	[spmem:s0], [sflag:s22] =	dma.local [hbm:s7], $0x1380  }
0x4a: {  	_ =	swait.ge [sflag:s21], $0x1380  }
0x4b: {  	[sflag:s21] =	ssyncset.done $0x0  }
0x4c: {  	s5 =	simm.s32 @p0 $0x10090;
	[sflag:s21] =	ssyncadd.s32 $0xFFFFEC80  }
0x4d: {  	[spmem:s28] =	stream.linear.scatter @p0 [tilespmem:s5], [sflag:$0xB], $0x270, $0x38;
	[tilespmem:$0x1A1B8] =	vst v63  }
0x4e: {  	s5 =	simm.s32 @p0 $0xB  }
0x4f: {  	_ =	swait.ge @p0 [sflag:s5], $0x270  }
0x50: {  	s0 =	rddreg [dreg:$0x9]  }
0x51: {  	[sflag:s5] =	ssyncset.done @p0 $0x0;
	s0 =	sshrl.u32 @!p0 s0, $0x3  }
0x52: {  	[sflag:s5] =	ssyncadd.s32 @p0 $0xFFFFFD90;
	s5 =	simm.s32 @!p0 $0xB;
	[dreg:$0x18] =	wrdreg s0  }
0x53: {  	[spmem:s0], [sflag:s22] =	dma.local @!p0 [hbm:s6], $0x80  }
0x54: {  	_ =	swait.ge @!p0 [sflag:s5], $0x80  }
0x55: {  	[sflag:s5] =	ssyncset.done @!p0 $0x0  }
0x56: {  	s10 =	simm.s32 @!p0 $0x10090;
	[sflag:s5] =	ssyncadd.s32 @!p0 $0xFFFFFF80  }
0x57: {  	[spmem:s28] =	stream.linear.scatter @!p0 [tilespmem:s10], [sflag:$0xB], $0x270, $0x38;
	[tilespmem:$0x1A1B8] =	vst v63  }
0x58: {  	_ =	swait.ge @!p0 [sflag:s5], $0x270  }
0x59: {  	[sflag:s5] =	ssyncset.done @!p0 $0x0  }
0x5a: {  	s0 =	rddreg [dreg:$0xc];
	[sflag:s5] =	ssyncadd.s32 @!p0 $0xFFFFFD90  }
0x5b: {  	[spmem:s0] =	stream.linear.scatter @!p0 [tilespmem:s10], [sflag:$0xB], $0x10, $0x38;
	[tilespmem:$0x1A1B8] =	vst v63  }
0x5c: {  	_ =	swait.ge @!p0 [sflag:s5], $0x10  }
0x5d: {  	[sflag:s5] =	ssyncset.done @!p0 $0x0  }
0x5e: {  	s10 =	rddreg [dreg:$0x14];
	[sflag:s5] =	ssyncadd.s32 @!p0 $0xFFFFFFF0  }
0x5f: {  	[tilespmem:s12], [sflag:$0xB] =	stream.linear.gather [hbm4b:s10+s12], $0x4E20, $0x38;
	[tilespmem:$0x1A1B8] =	vst v63  }
0x60: {  	_ =	swait.ge [sflag:s21], $0x4E20  }
0x61: {  	[sflag:s21] =	ssyncset.done $0x0  }
0x62: {  	s28 =	simm.s32 $0x4E20;
	s22 =	rddreg [dreg:$0x15];
	[sflag:s21] =	ssyncadd.s32 $0xFFFFB1E0  }
0x63: {  	[tilespmem:s28], [sflag:$0xB] =	stream.linear.gather [hbm4b:s22+s12], $0x4E20, $0x38;
	[tilespmem:$0x1A1B8] =	vst v63  }
0x64: {  	_ =	swait.ge [sflag:s21], $0x4E20  }
0x65: {  	[sflag:s21] =	ssyncset.done $0x0  }
0x66: {  	[sflag:s21] =	ssyncadd.s32 $0xFFFFB1E0  }
0x67: {  	[tilespmem:$0x10040] =	vst v1  }
0x68: {  	[tilespmem:$0x10050] =	vst v1  }
0x69: {  	[tilespmem:$0x10060] =	vst v1  }
0x6a: {  	[tilespmem:$0x10070] =	vst v1  }
0x6b: {  	s5 =	simm.s32 $0x0;
	[tilespmem:$0x10080] =	vst v1  }
0x6c: {  	v5 =	vld [tilespmem:s5+$0x0]  }
0x6d: {  	v4 =	vld [tilespmem:s5+$0x10]  }
0x6e: {  	v3 =	vld [tilespmem:s5+$0x20]  }
0x6f: {  	s10 =	simm.s32 $0x140;
	v2 =	vld [tilespmem:s5+$0x30]  }
.LBB2_2:
0x70: {  	p1 =	sne.s32 s10, $0x13740;
	v6 =	vld [tilespmem:s5+$0x40]  }
0x71: {  	v5 =	vshll.u32 v5, $0x1  }
.Ltmp0:
0x72: {  	s12 =	sshra.s32 s10, $0x2;
	[tilespmem:s5+$0x0] =	vst v5;
	v4 =	vshll.u32 v4, $0x1;
	(pc) =	sbr.rel @p1 .LBB2_2-.Ltmp0, $4  }
0x73: {  	v5 =	vld [tilespmem:s12+$0x0];
	[tilespmem:s5+$0x10] =	vst v4;
	v3 =	vshll.u32 v3, $0x1  }
0x74: {  	v4 =	vld [tilespmem:s12+$0x10];
	[tilespmem:s5+$0x20] =	vst v3;
	v2 =	vshll.u32 v2, $0x1  }
0x75: {  	v3 =	vld [tilespmem:s12+$0x20];
	[tilespmem:s5+$0x30] =	vst v2;
	v6 =	vshll.u32 v6, $0x1  }
0x76: {  	s10 =	sadd.s32 $0x140, s10;
	v2 =	vld [tilespmem:s12+$0x30];
	[tilespmem:s5+$0x40] =	vst v6;
	s5 =	smov.u32 s12  }
0x77: {  	v6 =	vld [tilespmem:s5+$0x40]  }
0x78: {  	v5 =	vshll.u32 v5, $0x1  }
0x79: {  	[tilespmem:s5+$0x0] =	vst v5;
	v4 =	vshll.u32 v4, $0x1  }
0x7a: {  	[tilespmem:s5+$0x10] =	vst v4;
	v3 =	vshll.u32 v3, $0x1  }
0x7b: {  	[tilespmem:s5+$0x20] =	vst v3;
	v2 =	vshll.u32 v2, $0x1  }
0x7c: {  	[tilespmem:s5+$0x30] =	vst v2;
	v2 =	vshll.u32 v6, $0x1  }
0x7d: {  	[tilespmem:s5+$0x40] =	vst v2  }
0x7e: {  	s5 =	simm.s32 $0x0;
	[bflag:$0x0] =	sbarrier.arrive $0xFFFF  }
0x7f: {  	[tilespmem:s25], [sflag:$0x1] =	stream.indirect.gather [hbm4b:s2+s24], $0x40, s5, s24, $0xb8;
	[tilespmem:$0x1A1B8] =	vst v63  }
0x80: {  	_ = 	snop  }
0x81: {  	[tilespmem:s26], [sflag:$0x2] =	stream.indirect.gather [hbm4b:s2+s24], $0x40, s24, s24, $0xb8;
	[tilespmem:$0x1A1B8] =	vst v63  }
0x82: {  	_ = 	snop  }
0x83: {  	[tilespmem:s29], [sflag:$0x3] =	stream.indirect.gather [hbm4b:s2+s24], $0x40, s11, s24, $0xb8;
	[tilespmem:$0x1A1B8] =	vst v63  }
0x84: {  	s0 =	simm.s32 $0xF0  }
0x85: {  	[tilespmem:s31], [sflag:$0x4] =	stream.indirect.gather [hbm4b:s2+s24], $0x40, s0, s24, $0xb8;
	[tilespmem:$0x1A1B8] =	vst v63  }
0x86: {  	s28 =	simm.s32 $0x140  }
0x87: {  	[tilespmem:s1], [sflag:$0x5] =	stream.indirect.gather [hbm4b:s2+s24], $0x40, s28, s24, $0xb8;
	[tilespmem:$0x1A1B8] =	vst v63  }
.LBB2_4:
0x88: {  	_ =	swait.ge [sflag:s23], $0x1400  }
0x89: {  	s10 =	sshra.s32 s5, $0x2;
	[sflag:s23] =	ssyncset.done $0x0  }
0x8a: {  	s12 =	sadd.s32 $0x4E20, s10;
	[sflag:s23] =	ssyncadd.s32 $0xFFFFEC00  }
0x8b: {  	[spmem:s3] =	stream.indirect.scatter.add.f32 [tilespmem:s25], [sflag:$0x6], $0x40, s12, s24, $0xb8;
	[tilespmem:$0x1A1B8] =	vst v63  }
0x8c: {  	p1 =	seq.s32 s5, $0x13240  }
0x8d: {  	[spmem:s4] =	stream.indirect.scatter.add.f32 [tilespmem:s9], [sflag:$0x6], $0x1, s12, s24, $0xb8;
	[tilespmem:$0x1A1B8] =	vst v63  }
0x8e: {  	s12 =	simm.s32 @p1 $0x2  }
0x8f: {  	_ =	swait.ge @p1 [sflag:s12], $0x1400  }
0x90: {  	[sflag:s12] =	ssyncset.done @p1 $0x0  }
0x91: {  	[sflag:s12] =	ssyncadd.s32 @p1 $0xFFFFEC00;
	s12 =	sshra.s32 @p1 s5, $0x2  }
0x92: {  	s7 =	simm.s32 @p1 $0x50;
	s11 =	simm.s32 @p1 $0xB040;
	s6 =	sadd.s32 @p1 $0x4E70, s12  }
0x93: {  	[spmem:s3] =	stream.indirect.scatter.add.f32 @p1 [tilespmem:s11], [sflag:$0x7], $0x40, s6, s7, $0xb8;
	[tilespmem:$0x1A1B8] =	vst v63  }
0x94: {  	s11 =	simm.s32 @p1 $0x10040  }
0x95: {  	[spmem:s4] =	stream.indirect.scatter.add.f32 @p1 [tilespmem:s11], [sflag:$0x7], $0x1, s6, s7, $0xb8;
	[tilespmem:$0x1A1B8] =	vst v63  }
0x96: {  	s6 =	simm.s32 @!p1 $0x6  }
0x97: {  	_ =	swait.ge @!p1 [sflag:s6], $0x1400  }
0x98: {  	[sflag:s6] =	ssyncset.done @!p1 $0x0  }
0x99: {  	[sflag:s6] =	ssyncadd.s32 @!p1 $0xFFFFEC00  }
0x9a: {  	_ =	swait.ge @!p1 [sflag:s6], $0x50  }
0x9b: {  	[sflag:s6] =	ssyncset.done @!p1 $0x0  }
0x9c: {  	[sflag:s6] =	ssyncadd.s32 @!p1 $0xFFFFFFB0;
	s6 =	sshra.s32 @!p1 s5, $0x2  }
0x9d: {  	s28 =	simm.s32 @!p1 $0x50;
	s0 =	simm.s32 @!p1 $0x9C40;
	s22 =	sadd.s32 @!p1 $0x190, s6  }
0x9e: {  	[tilespmem:s0], [sflag:$0x1] =	stream.indirect.gather @!p1 [hbm4b:s2+s28], $0x40, s22, s28, $0xb8;
	[tilespmem:$0x1A1B8] =	vst v63  }
0x9f: {  	s0 =	simm.s32 @!p1 $0x2  }
0xa0: {  	_ =	swait.ge @!p1 [sflag:s0], $0x1400  }
0xa1: {  	[sflag:s0] =	ssyncset.done @!p1 $0x0  }
0xa2: {  	s22 =	simm.s32 @!p1 $0xB040;
	[sflag:s0] =	ssyncadd.s32 @!p1 $0xFFFFEC00;
	s0 =	sadd.s32 @!p1 $0x4E70, s6  }
0xa3: {  	[spmem:s3] =	stream.indirect.scatter.add.f32 @!p1 [tilespmem:s22], [sflag:$0x7], $0x40, s0, s28, $0xb8;
	[tilespmem:$0x1A1B8] =	vst v63  }
0xa4: {  	s8 =	simm.s32 @!p1 $0x10040  }
0xa5: {  	[spmem:s4] =	stream.indirect.scatter.add.f32 @!p1 [tilespmem:s8], [sflag:$0x7], $0x1, s0, s28, $0xb8;
	[tilespmem:$0x1A1B8] =	vst v63  }
0xa6: {  	s0 =	simm.s32 @!p1 $0x7  }
0xa7: {  	_ =	swait.ge @!p1 [sflag:s0], $0x1400  }
0xa8: {  	[sflag:s0] =	ssyncset.done @!p1 $0x0  }
0xa9: {  	[sflag:s0] =	ssyncadd.s32 @!p1 $0xFFFFEC00  }
0xaa: {  	_ =	swait.ge @!p1 [sflag:s0], $0x50  }
0xab: {  	[sflag:s0] =	ssyncset.done @!p1 $0x0  }
0xac: {  	[sflag:s0] =	ssyncadd.s32 @!p1 $0xFFFFFFB0;
	s0 =	sadd.s32 @!p1 $0x1E0, s6  }
0xad: {  	[tilespmem:s22], [sflag:$0x2] =	stream.indirect.gather @!p1 [hbm4b:s2+s28], $0x40, s0, s28, $0xb8;
	[tilespmem:$0x1A1B8] =	vst v63  }
0xae: {  	_ =	swait.ge [sflag:s13], $0x1400  }
0xaf: {  	[sflag:s13] =	ssyncset.done $0x0  }
0xb0: {  	s22 =	sadd.s32 $0x4EC0, s10;
	[sflag:s13] =	ssyncadd.s32 $0xFFFFEC00  }
0xb1: {  	[spmem:s3] =	stream.indirect.scatter.add.f32 [tilespmem:s29], [sflag:$0x8], $0x40, s22, s24, $0xb8;
	[tilespmem:$0x1A1B8] =	vst v63  }
0xb2: {  	s0 =	simm.s32 @p1 $0x4  }
0xb3: {  	[spmem:s4] =	stream.indirect.scatter.add.f32 [tilespmem:s9], [sflag:$0x8], $0x1, s22, s24, $0xb8;
	[tilespmem:$0x1A1B8] =	vst v63  }
0xb4: {  	_ =	swait.ge @p1 [sflag:s0], $0x1400  }
0xb5: {  	[sflag:s0] =	ssyncset.done @p1 $0x0  }
0xb6: {  	[sflag:s0] =	ssyncadd.s32 @p1 $0xFFFFEC00;
	s0 =	sadd.s32 @p1 $0x4F10, s12;
	s12 =	simm.s32 @p1 $0xD840  }
0xb7: {  	[spmem:s3] =	stream.indirect.scatter.add.f32 @p1 [tilespmem:s12], [sflag:$0x9], $0x40, s0, s7, $0xb8;
	[tilespmem:$0x1A1B8] =	vst v63  }
0xb8: {  	_ = 	snop  }
0xb9: {  	[spmem:s4] =	stream.indirect.scatter.add.f32 @p1 [tilespmem:s11], [sflag:$0x9], $0x1, s0, s7, $0xb8;
	[tilespmem:$0x1A1B8] =	vst v63  }
0xba: {  	s0 =	simm.s32 @!p1 $0x8  }
0xbb: {  	_ =	swait.ge @!p1 [sflag:s0], $0x1400  }
0xbc: {  	[sflag:s0] =	ssyncset.done @!p1 $0x0  }
0xbd: {  	[sflag:s0] =	ssyncadd.s32 @!p1 $0xFFFFEC00  }
0xbe: {  	_ =	swait.ge @!p1 [sflag:s0], $0x50  }
0xbf: {  	[sflag:s0] =	ssyncset.done @!p1 $0x0  }
0xc0: {  	s7 =	simm.s32 @!p1 $0xC440;
	[sflag:s0] =	ssyncadd.s32 @!p1 $0xFFFFFFB0;
	s0 =	sadd.s32 @!p1 $0x230, s6  }
0xc1: {  	[tilespmem:s7], [sflag:$0x3] =	stream.indirect.gather @!p1 [hbm4b:s2+s28], $0x40, s0, s28, $0xb8;
	[tilespmem:$0x1A1B8] =	vst v63  }
0xc2: {  	s0 =	simm.s32 @!p1 $0x4  }
0xc3: {  	_ =	swait.ge @!p1 [sflag:s0], $0x1400  }
0xc4: {  	[sflag:s0] =	ssyncset.done @!p1 $0x0  }
0xc5: {  	s7 =	simm.s32 @!p1 $0xD840;
	[sflag:s0] =	ssyncadd.s32 @!p1 $0xFFFFEC00;
	s0 =	sadd.s32 @!p1 $0x4F10, s6  }
0xc6: {  	[spmem:s3] =	stream.indirect.scatter.add.f32 @!p1 [tilespmem:s7], [sflag:$0x9], $0x40, s0, s28, $0xb8;
	[tilespmem:$0x1A1B8] =	vst v63  }
0xc7: {  	_ = 	snop  }
0xc8: {  	[spmem:s4] =	stream.indirect.scatter.add.f32 @!p1 [tilespmem:s8], [sflag:$0x9], $0x1, s0, s28, $0xb8;
	[tilespmem:$0x1A1B8] =	vst v63  }
0xc9: {  	s0 =	simm.s32 @!p1 $0x9  }
0xca: {  	_ =	swait.ge @!p1 [sflag:s0], $0x1400  }
0xcb: {  	[sflag:s0] =	ssyncset.done @!p1 $0x0  }
0xcc: {  	[sflag:s0] =	ssyncadd.s32 @!p1 $0xFFFFEC00  }
0xcd: {  	_ =	swait.ge @!p1 [sflag:s0], $0x50  }
0xce: {  	[sflag:s0] =	ssyncset.done @!p1 $0x0  }
0xcf: {  	[sflag:s0] =	ssyncadd.s32 @!p1 $0xFFFFFFB0;
	s0 =	sadd.s32 @!p1 $0x280, s6  }
0xd0: {  	[tilespmem:s7], [sflag:$0x4] =	stream.indirect.gather @!p1 [hbm4b:s2+s28], $0x40, s0, s28, $0xb8;
	[tilespmem:$0x1A1B8] =	vst v63  }
0xd1: {  	_ =	swait.ge [sflag:s14], $0x1400  }
.Ltmp1:
0xd2: {  	[sflag:s14] =	ssyncset.done $0x0;
	(pc) =	sbr.rel @p1 .LBB2_6-.Ltmp1, $4  }
0xd3: {  	s28 =	sadd.s32 $0x4F60, s10;
	[sflag:s14] =	ssyncadd.s32 $0xFFFFEC00  }
0xd4: {  	[spmem:s3] =	stream.indirect.scatter.add.f32 [tilespmem:s1], [sflag:$0xA], $0x40, s28, s24, $0xb8;
	[tilespmem:$0x1A1B8] =	vst v63  }
0xd5: {  	_ = 	snop  }
0xd6: {  	[spmem:s4] =	stream.indirect.scatter.add.f32 [tilespmem:s9], [sflag:$0xA], $0x1, s28, s24, $0xb8;
	[tilespmem:$0x1A1B8] =	vst v63  }
0xd7: {  	_ =	swait.ge [sflag:s19], $0x1400  }
0xd8: {  	[sflag:s19] =	ssyncset.done $0x0  }
.Ltmp2:
0xd9: {  	[sflag:s19] =	ssyncadd.s32 $0xFFFFEC00;
	(pc) =	sbr.rel .LBB2_4-.Ltmp2, $4  }
0xda: {  	_ =	swait.ge [sflag:s19], $0x50  }
0xdb: {  	[sflag:s19] =	ssyncset.done $0x0  }
0xdc: {  	s0 =	sadd.s32 $0x2D0, s10;
	s5 =	sadd.s32 $0x640, s5;
	[sflag:s19] =	ssyncadd.s32 $0xFFFFFFB0  }
0xdd: {  	[tilespmem:s1], [sflag:$0x5] =	stream.indirect.gather [hbm4b:s2+s24], $0x40, s0, s24, $0xb8;
	[tilespmem:$0x1A1B8] =	vst v63  }
.LBB2_6:
0xde: {  	_ =	swait.ge [sflag:s15], $0x1400  }
0xdf: {  	[sflag:s15] =	ssyncset.done $0x0  }
0xe0: {  	[sflag:s15] =	ssyncadd.s32 $0xFFFFEC00  }
0xe1: {  	_ =	swait.ge [sflag:s15], $0x50  }
0xe2: {  	[sflag:s15] =	ssyncset.done $0x0  }
0xe3: {  	[sflag:s15] =	ssyncadd.s32 $0xFFFFFFB0  }
0xe4: {  	_ =	swait.ge [sflag:s16], $0x1400  }
0xe5: {  	[sflag:s16] =	ssyncset.done $0x0  }
0xe6: {  	[sflag:s16] =	ssyncadd.s32 $0xFFFFEC00  }
0xe7: {  	_ =	swait.ge [sflag:s16], $0x50  }
0xe8: {  	[sflag:s16] =	ssyncset.done $0x0  }
0xe9: {  	[sflag:s16] =	ssyncadd.s32 $0xFFFFFFB0  }
0xea: {  	_ =	swait.ge [sflag:s17], $0x1400  }
0xeb: {  	[sflag:s17] =	ssyncset.done $0x0  }
0xec: {  	[sflag:s17] =	ssyncadd.s32 $0xFFFFEC00  }
0xed: {  	_ =	swait.ge [sflag:s17], $0x50  }
0xee: {  	[sflag:s17] =	ssyncset.done $0x0  }
0xef: {  	[sflag:s17] =	ssyncadd.s32 $0xFFFFFFB0  }
0xf0: {  	_ =	swait.ge [sflag:s18], $0x1400  }
0xf1: {  	[sflag:s18] =	ssyncset.done $0x0  }
0xf2: {  	[sflag:s18] =	ssyncadd.s32 $0xFFFFEC00  }
0xf3: {  	_ =	swait.ge [sflag:s18], $0x50  }
0xf4: {  	[sflag:s18] =	ssyncset.done $0x0  }
0xf5: {  	[sflag:s18] =	ssyncadd.s32 $0xFFFFFFB0  }
0xf6: {  	_ =	swait.ge [sflag:s19], $0x1400  }
0xf7: {  	[sflag:s19] =	ssyncset.done $0x0  }
0xf8: {  	[sflag:s19] =	ssyncadd.s32 $0xFFFFEC00  }
0xf9: {  	_ =	swait.ge [sflag:s19], $0x50  }
0xfa: {  	[sflag:s19] =	ssyncset.done $0x0  }
0xfb: {  	[sflag:s19] =	ssyncadd.s32 $0xFFFFFFB0  }
0xfc: {  	[bflag:$0x0] =	sbarrier.arrive $0xFFFF  }
0xfd: {  	s22 =	rddreg [dreg:$0x8]  }
0xfe: {  	s0 =	rddreg [dreg:$0xd]  }
0xff: {  	s5 =	rddreg [dreg:$0x17]  }
0x100: {  	[hbm:s0], [sflag:s22] =	dma.local [spmem:s5], $0x1380  }
0x101: {  	_ =	swait.ge [sflag:s21], $0x1380  }
0x102: {  	[sflag:s21] =	ssyncset.done $0x0;
	s0 =	rddreg [dreg:$0xe]  }
0x103: {  	s11 =	rddreg [dreg:$0x18];
	[sflag:s21] =	ssyncadd.s32 $0xFFFFEC80  }
0x104: {  	[hbm:s0], [sflag:s22] =	dma.local @!p0 [spmem:s11], $0x80  }
0x105: {  	s0 =	simm.s32 @!p0 $0xB  }
0x106: {  	_ =	swait.ge @!p0 [sflag:s0], $0x80  }
0x107: {  	[sflag:s0] =	ssyncset.done @!p0 $0x0  }
0x108: {  	s6 =	simm.s32 $0x10090;
	s28 =	rddreg [dreg:$0xb];
	[sflag:s0] =	ssyncadd.s32 @!p0 $0xFFFFFF80  }
0x109: {  	[tilespmem:s6], [sflag:$0xB] =	stream.linear.gather [spmem:s28], $0x270, $0x38;
	[tilespmem:$0x1A1B8] =	vst v63  }
0x10a: {  	_ =	swait.ge [sflag:s21], $0x270  }
0x10b: {  	[sflag:s21] =	ssyncset.done $0x0  }
0x10c: {  	s12 =	simm.s32 $0x0;
	s10 =	rddreg [dreg:$0xf];
	[sflag:s21] =	ssyncadd.s32 $0xFFFFFD90  }
0x10d: {  	[hbm4b:s10+s12] =	stream.linear.scatter [tilespmem:s6], [sflag:$0xB], $0x270, $0x38;
	[tilespmem:$0x1A1B8] =	vst v63  }
0x10e: {  	_ =	swait.ge [sflag:s21], $0x270  }
0x10f: {  	[sflag:s21] =	ssyncset.done $0x0  }
0x110: {  	[sflag:s21] =	ssyncadd.s32 $0xFFFFFD90  }
0x111: {  	[bflag:$0x0] =	sbarrier.arrive @p0 $0xFFFF  }
0x112: {  	s8 =	rddreg [dreg:$0x6]  }
0x113: {  	s7 =	rddreg [dreg:$0x7];
	s5 =	sshrl.u32 @p0 s8, $0x3  }
0x114: {  	[spmem:s5], [sflag:s22] =	dma.local @p0 [hbm:s7], $0x1380  }
0x115: {  	s5 =	simm.s32 @p0 $0xB  }
0x116: {  	_ =	swait.ge @p0 [sflag:s5], $0x1380  }
0x117: {  	[sflag:s5] =	ssyncset.done @p0 $0x0  }
0x118: {  	s6 =	rddreg [dreg:$0xc];
	[sflag:s5] =	ssyncadd.s32 @p0 $0xFFFFEC80;
	s5 =	simm.s32 @!p0 $0x10090  }
0x119: {  	[tilespmem:s5], [sflag:$0xB] =	stream.linear.gather @!p0 [spmem:s6], $0x10, $0x38;
	[tilespmem:$0x1A1B8] =	vst v63  }
0x11a: {  	_ =	swait.ge @!p0 [sflag:s0], $0x10  }
0x11b: {  	[sflag:s0] =	ssyncset.done @!p0 $0x0  }
0x11c: {  	s6 =	simm.s32 @!p0 $0x0;
	s10 =	rddreg [dreg:$0x10];
	[sflag:s0] =	ssyncadd.s32 @!p0 $0xFFFFFFF0  }
0x11d: {  	[hbm4b:s10+s6] =	stream.linear.scatter @!p0 [tilespmem:s5], [sflag:$0xB], $0x10, $0x38;
	[tilespmem:$0x1A1B8] =	vst v63  }
0x11e: {  	_ =	swait.ge @!p0 [sflag:s0], $0x10  }
0x11f: {  	[sflag:s0] =	ssyncset.done @!p0 $0x0  }
0x120: {  	[sflag:s0] =	ssyncadd.s32 @!p0 $0xFFFFFFF0  }
0x121: {  	s5 =	sshrl.u32 @!p0 s8, $0x3;
	[bflag:$0x0] =	sbarrier.arrive @!p0 $0xFFFF  }
0x122: {  	[spmem:s5], [sflag:s22] =	dma.local @!p0 [hbm:s7], $0x1380  }
0x123: {  	_ =	swait.ge @!p0 [sflag:s0], $0x1380  }
0x124: {  	[sflag:s0] =	ssyncset.done @!p0 $0x0  }
0x125: {  	s6 =	rddreg [dreg:$0xa];
	[sflag:s0] =	ssyncadd.s32 @!p0 $0xFFFFEC80  }
0x126: {  	[spmem:s11], [sflag:s22] =	dma.local @!p0 [hbm:s6], $0x80  }
0x127: {  	_ =	swait.ge @!p0 [sflag:s0], $0x80  }
0x128: {  	[sflag:s0] =	ssyncset.done @!p0 $0x0  }
0x129: {  	s5 =	simm.s32 $0x0;
	[sflag:s0] =	ssyncadd.s32 @!p0 $0xFFFFFF80  }
0x12a: {  	v5 =	vld [tilespmem:s5+$0x0]  }
0x12b: {  	v4 =	vld [tilespmem:s5+$0x10]  }
0x12c: {  	v3 =	vld [tilespmem:s5+$0x20]  }
0x12d: {  	s10 =	simm.s32 $0x140;
	s11 =	simm.s32 $0xA0;
	v2 =	vld [tilespmem:s5+$0x30]  }
.LBB2_7:
0x12e: {  	p1 =	sne.s32 s10, $0x13740;
	v6 =	vld [tilespmem:s5+$0x40]  }
0x12f: {  	v5 =	vadd.s32 $0x1, v5  }
.Ltmp3:
0x130: {  	s0 =	sshra.s32 s10, $0x2;
	[tilespmem:s5+$0x0] =	vst v5;
	v4 =	vadd.s32 $0x1, v4;
	(pc) =	sbr.rel @p1 .LBB2_7-.Ltmp3, $4  }
0x131: {  	v5 =	vld [tilespmem:s0+$0x0];
	[tilespmem:s5+$0x10] =	vst v4;
	v3 =	vadd.s32 $0x1, v3  }
0x132: {  	v4 =	vld [tilespmem:s0+$0x10];
	[tilespmem:s5+$0x20] =	vst v3;
	v2 =	vadd.s32 $0x1, v2  }
0x133: {  	v3 =	vld [tilespmem:s0+$0x20];
	[tilespmem:s5+$0x30] =	vst v2;
	v6 =	vadd.s32 $0x1, v6  }
0x134: {  	s10 =	sadd.s32 $0x140, s10;
	v2 =	vld [tilespmem:s0+$0x30];
	[tilespmem:s5+$0x40] =	vst v6;
	s5 =	smov.u32 s0  }
0x135: {  	v6 =	vld [tilespmem:s5+$0x40]  }
0x136: {  	v5 =	vadd.s32 $0x1, v5  }
0x137: {  	[tilespmem:s5+$0x0] =	vst v5;
	v4 =	vadd.s32 $0x1, v4  }
0x138: {  	[tilespmem:s5+$0x10] =	vst v4;
	v3 =	vadd.s32 $0x1, v3  }
0x139: {  	[tilespmem:s5+$0x20] =	vst v3;
	v2 =	vadd.s32 $0x1, v2  }
0x13a: {  	[tilespmem:s5+$0x30] =	vst v2;
	v2 =	vadd.s32 $0x1, v6  }
0x13b: {  	[tilespmem:s5+$0x40] =	vst v2  }
0x13c: {  	s0 =	simm.s32 $0x0;
	[bflag:$0x0] =	sbarrier.arrive $0xFFFF  }
0x13d: {  	[tilespmem:s25], [sflag:$0x1] =	stream.indirect.gather [hbm4b:s2+s24], $0x40, s0, s24, $0xb8;
	[tilespmem:$0x1A1B8] =	vst v63  }
0x13e: {  	_ = 	snop  }
0x13f: {  	[tilespmem:s26], [sflag:$0x2] =	stream.indirect.gather [hbm4b:s2+s24], $0x40, s24, s24, $0xb8;
	[tilespmem:$0x1A1B8] =	vst v63  }
0x140: {  	_ = 	snop  }
0x141: {  	[tilespmem:s29], [sflag:$0x3] =	stream.indirect.gather [hbm4b:s2+s24], $0x40, s11, s24, $0xb8;
	[tilespmem:$0x1A1B8] =	vst v63  }
0x142: {  	s10 =	simm.s32 $0xF0  }
0x143: {  	[tilespmem:s31], [sflag:$0x4] =	stream.indirect.gather [hbm4b:s2+s24], $0x40, s10, s24, $0xb8;
	[tilespmem:$0x1A1B8] =	vst v63  }
0x144: {  	s5 =	simm.s32 $0x140  }
0x145: {  	[tilespmem:s1], [sflag:$0x5] =	stream.indirect.gather [hbm4b:s2+s24], $0x40, s5, s24, $0xb8;
	[tilespmem:$0x1A1B8] =	vst v63  }
0x146: {  	_ =	swait.ge [sflag:s23], $0x1400  }
0x147: {  	[sflag:s23] =	ssyncset.done $0x0  }
0x148: {  	s10 =	simm.s32 $0x4E20;
	[sflag:s23] =	ssyncadd.s32 $0xFFFFEC00  }
0x149: {  	[spmem:s3] =	stream.indirect.scatter.add.f32 [tilespmem:s25], [sflag:$0x6], $0x40, s10, s24, $0xb8;
	[tilespmem:$0x1A1B8] =	vst v63  }
0x14a: {  	_ =	swait.ge [sflag:s15], $0x1400  }
0x14b: {  	[sflag:s15] =	ssyncset.done $0x0  }
0x14c: {  	s5 =	simm.s32 $0x190;
	[sflag:s15] =	ssyncadd.s32 $0xFFFFEC00  }
0x14d: {  	[tilespmem:s25], [sflag:$0x1] =	stream.indirect.gather [hbm4b:s2+s24], $0x40, s5, s24, $0xb8;
	[tilespmem:$0x1A1B8] =	vst v63  }
0x14e: {  	_ =	swait.ge [sflag:s20], $0x1400  }
0x14f: {  	[sflag:s20] =	ssyncset.done $0x0  }
0x150: {  	s10 =	simm.s32 $0x4E70;
	[sflag:s20] =	ssyncadd.s32 $0xFFFFEC00  }
0x151: {  	[spmem:s3] =	stream.indirect.scatter.add.f32 [tilespmem:s26], [sflag:$0x7], $0x40, s10, s24, $0xb8;
	[tilespmem:$0x1A1B8] =	vst v63  }
0x152: {  	_ =	swait.ge [sflag:s16], $0x1400  }
0x153: {  	[sflag:s16] =	ssyncset.done $0x0  }
0x154: {  	s5 =	simm.s32 $0x1E0;
	[sflag:s16] =	ssyncadd.s32 $0xFFFFEC00  }
0x155: {  	[tilespmem:s26], [sflag:$0x2] =	stream.indirect.gather [hbm4b:s2+s24], $0x40, s5, s24, $0xb8;
	[tilespmem:$0x1A1B8] =	vst v63  }
0x156: {  	_ =	swait.ge [sflag:s13], $0x1400  }
0x157: {  	[sflag:s13] =	ssyncset.done $0x0  }
0x158: {  	s10 =	simm.s32 $0x4EC0;
	[sflag:s13] =	ssyncadd.s32 $0xFFFFEC00  }
0x159: {  	[spmem:s3] =	stream.indirect.scatter.add.f32 [tilespmem:s29], [sflag:$0x8], $0x40, s10, s24, $0xb8;
	[tilespmem:$0x1A1B8] =	vst v63  }
0x15a: {  	_ =	swait.ge [sflag:s17], $0x1400  }
0x15b: {  	[sflag:s17] =	ssyncset.done $0x0  }
0x15c: {  	s5 =	simm.s32 $0x230;
	[sflag:s17] =	ssyncadd.s32 $0xFFFFEC00  }
0x15d: {  	[tilespmem:s29], [sflag:$0x3] =	stream.indirect.gather [hbm4b:s2+s24], $0x40, s5, s24, $0xb8;
	[tilespmem:$0x1A1B8] =	vst v63  }
0x15e: {  	_ =	swait.ge [sflag:s30], $0x1400  }
0x15f: {  	[sflag:s30] =	ssyncset.done $0x0  }
0x160: {  	s10 =	simm.s32 $0x4F10;
	[sflag:s30] =	ssyncadd.s32 $0xFFFFEC00  }
0x161: {  	[spmem:s3] =	stream.indirect.scatter.add.f32 [tilespmem:s31], [sflag:$0x9], $0x40, s10, s24, $0xb8;
	[tilespmem:$0x1A1B8] =	vst v63  }
0x162: {  	_ =	swait.ge [sflag:s18], $0x1400  }
0x163: {  	[sflag:s18] =	ssyncset.done $0x0  }
0x164: {  	s5 =	simm.s32 $0x280;
	[sflag:s18] =	ssyncadd.s32 $0xFFFFEC00  }
0x165: {  	[tilespmem:s31], [sflag:$0x4] =	stream.indirect.gather [hbm4b:s2+s24], $0x40, s5, s24, $0xb8;
	[tilespmem:$0x1A1B8] =	vst v63  }
0x166: {  	_ =	swait.ge [sflag:s14], $0x1400  }
0x167: {  	[sflag:s14] =	ssyncset.done $0x0  }
0x168: {  	s10 =	simm.s32 $0x4F60;
	[sflag:s14] =	ssyncadd.s32 $0xFFFFEC00  }
0x169: {  	[spmem:s3] =	stream.indirect.scatter.add.f32 [tilespmem:s1], [sflag:$0xA], $0x40, s10, s24, $0xb8;
	[tilespmem:$0x1A1B8] =	vst v63  }
0x16a: {  	_ =	swait.ge [sflag:s19], $0x1400  }
0x16b: {  	[sflag:s19] =	ssyncset.done $0x0  }
0x16c: {  	s5 =	simm.s32 $0x640;
	s10 =	simm.s32 $0x2D0;
	[sflag:s19] =	ssyncadd.s32 $0xFFFFEC00  }
.LBB2_9:
0x16d: {  	[tilespmem:s1], [sflag:$0x5] =	stream.indirect.gather [hbm4b:s2+s24], $0x40, s10, s24, $0xb8;
	[tilespmem:$0x1A1B8] =	vst v63  }
0x16e: {  	s0 =	smov.u32 s5  }
0x16f: {  	p1 =	sne.s32 s5, $0x12C00;
	s5 =	sadd.s32 $0x640, s5;
	_ =	swait.ge [sflag:s23], $0x1400  }
0x170: {  	s10 =	sshra.s32 s0, $0x2;
	[sflag:s23] =	ssyncset.done $0x0  }
0x171: {  	s0 =	sadd.s32 $0x4E20, s10;
	[sflag:s23] =	ssyncadd.s32 $0xFFFFEC00  }
0x172: {  	[spmem:s3] =	stream.indirect.scatter.add.f32 [tilespmem:s25], [sflag:$0x6], $0x40, s0, s24, $0xb8;
	[tilespmem:$0x1A1B8] =	vst v63  }
0x173: {  	_ =	swait.ge [sflag:s15], $0x1400  }
0x174: {  	[sflag:s15] =	ssyncset.done $0x0  }
0x175: {  	s0 =	sadd.s32 $0x190, s10;
	[sflag:s15] =	ssyncadd.s32 $0xFFFFEC00  }
0x176: {  	[tilespmem:s25], [sflag:$0x1] =	stream.indirect.gather [hbm4b:s2+s24], $0x40, s0, s24, $0xb8;
	[tilespmem:$0x1A1B8] =	vst v63  }
0x177: {  	_ =	swait.ge [sflag:s20], $0x1400  }
0x178: {  	[sflag:s20] =	ssyncset.done $0x0  }
0x179: {  	s0 =	sadd.s32 $0x4E70, s10;
	[sflag:s20] =	ssyncadd.s32 $0xFFFFEC00  }
0x17a: {  	[spmem:s3] =	stream.indirect.scatter.add.f32 [tilespmem:s26], [sflag:$0x7], $0x40, s0, s24, $0xb8;
	[tilespmem:$0x1A1B8] =	vst v63  }
0x17b: {  	_ =	swait.ge [sflag:s16], $0x1400  }
0x17c: {  	[sflag:s16] =	ssyncset.done $0x0  }
0x17d: {  	s0 =	sadd.s32 $0x1E0, s10;
	[sflag:s16] =	ssyncadd.s32 $0xFFFFEC00  }
0x17e: {  	[tilespmem:s26], [sflag:$0x2] =	stream.indirect.gather [hbm4b:s2+s24], $0x40, s0, s24, $0xb8;
	[tilespmem:$0x1A1B8] =	vst v63  }
0x17f: {  	_ =	swait.ge [sflag:s13], $0x1400  }
0x180: {  	[sflag:s13] =	ssyncset.done $0x0  }
0x181: {  	s0 =	sadd.s32 $0x4EC0, s10;
	[sflag:s13] =	ssyncadd.s32 $0xFFFFEC00  }
0x182: {  	[spmem:s3] =	stream.indirect.scatter.add.f32 [tilespmem:s29], [sflag:$0x8], $0x40, s0, s24, $0xb8;
	[tilespmem:$0x1A1B8] =	vst v63  }
0x183: {  	_ =	swait.ge [sflag:s17], $0x1400  }
0x184: {  	[sflag:s17] =	ssyncset.done $0x0  }
0x185: {  	s0 =	sadd.s32 $0x230, s10;
	[sflag:s17] =	ssyncadd.s32 $0xFFFFEC00  }
0x186: {  	[tilespmem:s29], [sflag:$0x3] =	stream.indirect.gather [hbm4b:s2+s24], $0x40, s0, s24, $0xb8;
	[tilespmem:$0x1A1B8] =	vst v63  }
0x187: {  	_ =	swait.ge [sflag:s30], $0x1400  }
0x188: {  	[sflag:s30] =	ssyncset.done $0x0  }
0x189: {  	s0 =	sadd.s32 $0x4F10, s10;
	[sflag:s30] =	ssyncadd.s32 $0xFFFFEC00  }
0x18a: {  	[spmem:s3] =	stream.indirect.scatter.add.f32 [tilespmem:s31], [sflag:$0x9], $0x40, s0, s24, $0xb8;
	[tilespmem:$0x1A1B8] =	vst v63  }
0x18b: {  	_ =	swait.ge [sflag:s18], $0x1400  }
0x18c: {  	[sflag:s18] =	ssyncset.done $0x0  }
0x18d: {  	s0 =	sadd.s32 $0x280, s10;
	[sflag:s18] =	ssyncadd.s32 $0xFFFFEC00  }
0x18e: {  	[tilespmem:s31], [sflag:$0x4] =	stream.indirect.gather [hbm4b:s2+s24], $0x40, s0, s24, $0xb8;
	[tilespmem:$0x1A1B8] =	vst v63  }
0x18f: {  	_ =	swait.ge [sflag:s14], $0x1400  }
0x190: {  	[sflag:s14] =	ssyncset.done $0x0  }
.Ltmp4:
0x191: {  	s0 =	sadd.s32 $0x4F60, s10;
	[sflag:s14] =	ssyncadd.s32 $0xFFFFEC00;
	(pc) =	sbr.rel @p1 .LBB2_9-.Ltmp4, $4  }
0x192: {  	[spmem:s3] =	stream.indirect.scatter.add.f32 [tilespmem:s1], [sflag:$0xA], $0x40, s0, s24, $0xb8;
	[tilespmem:$0x1A1B8] =	vst v63  }
0x193: {  	_ =	swait.ge [sflag:s19], $0x1400  }
0x194: {  	[sflag:s19] =	ssyncset.done $0x0  }
0x195: {  	s10 =	sadd.s32 $0x2D0, s10;
	[sflag:s19] =	ssyncadd.s32 $0xFFFFEC00  }
0x196: {  	[tilespmem:s1], [sflag:$0x5] =	stream.indirect.gather [hbm4b:s2+s24], $0x40, s10, s24, $0xb8;
	[tilespmem:$0x1A1B8] =	vst v63  }
0x197: {  	_ =	swait.ge [sflag:s23], $0x1400  }
0x198: {  	[sflag:s23] =	ssyncset.done $0x0  }
0x199: {  	s0 =	simm.s32 $0x9AB0;
	[sflag:s23] =	ssyncadd.s32 $0xFFFFEC00  }
0x19a: {  	[spmem:s3] =	stream.indirect.scatter.add.f32 [tilespmem:s25], [sflag:$0x6], $0x40, s0, s24, $0xb8;
	[tilespmem:$0x1A1B8] =	vst v63  }
0x19b: {  	_ =	swait.ge [sflag:s20], $0x1400  }
0x19c: {  	[sflag:s20] =	ssyncset.done $0x0  }
0x19d: {  	s10 =	simm.s32 $0x9B00;
	[sflag:s20] =	ssyncadd.s32 $0xFFFFEC00  }
0x19e: {  	[spmem:s3] =	stream.indirect.scatter.add.f32 [tilespmem:s26], [sflag:$0x7], $0x40, s10, s24, $0xb8;
	[tilespmem:$0x1A1B8] =	vst v63  }
0x19f: {  	_ =	swait.ge [sflag:s13], $0x1400  }
0x1a0: {  	[sflag:s13] =	ssyncset.done $0x0  }
0x1a1: {  	s5 =	simm.s32 $0x9B50;
	[sflag:s13] =	ssyncadd.s32 $0xFFFFEC00  }
0x1a2: {  	[spmem:s3] =	stream.indirect.scatter.add.f32 [tilespmem:s29], [sflag:$0x8], $0x40, s5, s24, $0xb8;
	[tilespmem:$0x1A1B8] =	vst v63  }
0x1a3: {  	_ =	swait.ge [sflag:s30], $0x1400  }
0x1a4: {  	[sflag:s30] =	ssyncset.done $0x0  }
0x1a5: {  	s10 =	simm.s32 $0x9BA0;
	[sflag:s30] =	ssyncadd.s32 $0xFFFFEC00  }
0x1a6: {  	[spmem:s3] =	stream.indirect.scatter.add.f32 [tilespmem:s31], [sflag:$0x9], $0x40, s10, s24, $0xb8;
	[tilespmem:$0x1A1B8] =	vst v63  }
0x1a7: {  	_ =	swait.ge [sflag:s14], $0x1400  }
0x1a8: {  	[sflag:s14] =	ssyncset.done $0x0  }
0x1a9: {  	s5 =	simm.s32 $0x9BF0;
	[sflag:s14] =	ssyncadd.s32 $0xFFFFEC00  }
0x1aa: {  	[spmem:s3] =	stream.indirect.scatter.add.f32 [tilespmem:s1], [sflag:$0xA], $0x40, s5, s24, $0xb8;
	[tilespmem:$0x1A1B8] =	vst v63  }
0x1ab: {  	_ =	swait.ge [sflag:s15], $0x1400  }
0x1ac: {  	[sflag:s15] =	ssyncset.done $0x0  }
0x1ad: {  	[sflag:s15] =	ssyncadd.s32 $0xFFFFEC00  }
0x1ae: {  	_ =	swait.ge [sflag:s16], $0x1400  }
0x1af: {  	[sflag:s16] =	ssyncset.done $0x0  }
0x1b0: {  	[sflag:s16] =	ssyncadd.s32 $0xFFFFEC00  }
0x1b1: {  	_ =	swait.ge [sflag:s17], $0x1400  }
0x1b2: {  	[sflag:s17] =	ssyncset.done $0x0  }
0x1b3: {  	[sflag:s17] =	ssyncadd.s32 $0xFFFFEC00  }
0x1b4: {  	_ =	swait.ge [sflag:s18], $0x1400  }
0x1b5: {  	[sflag:s18] =	ssyncset.done $0x0  }
0x1b6: {  	[sflag:s18] =	ssyncadd.s32 $0xFFFFEC00  }
0x1b7: {  	_ =	swait.ge [sflag:s19], $0x1400  }
0x1b8: {  	[sflag:s19] =	ssyncset.done $0x0  }
0x1b9: {  	[sflag:s19] =	ssyncadd.s32 $0xFFFFEC00  }
0x1ba: {  	[bflag:$0x0] =	sbarrier.arrive $0xFFFF  }
0x1bb: {  	s10 =	rddreg [dreg:$0x11]  }
0x1bc: {  	s5 =	rddreg [dreg:$0x17]  }
0x1bd: {  	[hbm:s10], [sflag:s22] =	dma.local [spmem:s5], $0x1380  }
0x1be: {  	_ =	swait.ge [sflag:s21], $0x1380  }
0x1bf: {  	[sflag:s21] =	ssyncset.done $0x0;
	s0 =	rddreg [dreg:$0x12]  }
0x1c0: {  	s5 =	rddreg [dreg:$0x18];
	[sflag:s21] =	ssyncadd.s32 $0xFFFFEC80  }
0x1c1: {  	[hbm:s0], [sflag:s22] =	dma.local @!p0 [spmem:s5], $0x80  }
0x1c2: {  	s0 =	simm.s32 @!p0 $0xB  }
0x1c3: {  	_ =	swait.ge @!p0 [sflag:s0], $0x80  }
0x1c4: {  	s5 =	rddreg [dreg:$0x16]  }
0x1c5: {  	s10 =	sadd.s32 $0x1, s5;
	s5 =	rddreg [dreg:$0x13]  }
0x1c6: {  	p1 =	sne.s32 s10, s5  }
.Ltmp5:
0x1c7: {  	_ = 	snop;
	(pc) =	sbr.rel @p1 .LBB2_1-.Ltmp5, $3  }
0x1c8: {  	_ =	sdelay $0x1  }
0x1c9: {  	[sflag:s0] =	ssyncset.done @!p0 $0x0  }
0x1ca: {  	[sflag:s0] =	ssyncadd.s32 @!p0 $0xFFFFFF80  }
0x1cb: {  	_ =	sfence.sel $0x180000  }
0x1cc: {  	[bflag:$0x0] =	sbarrier.arrive $0xFFFF  }
0x1cd: {  	_ =	strace $0x90000047  }
0x1ce: {  	s0 =	stileid.u32;
	[bflag:$0x2] =	sbarrier.arrive $0xFFFF  }
0x1cf: {  	p0 =	sne.s32 s0, $0x0;
	s0 =	rddreg [dreg:$0x5]  }
0x1d0: {  	s0 =	sadd.s32 @!p0 $0x100000, s0  }
0x1d1: {  	[sflag:s0] =	ssyncadd.tile.s32 @!p0 $0x1;
	_ =	shalt  }
.Lfunc_end2:
_tile_overlayer_lowered:
.L_overlay_start_2:
0x1d2: {  	(tag) =	ssettag $0x2  }
0x1d3: {  	s0 =	rddreg [dreg:$0x0];
	s2 =	stileid.u32  }
0x1d4: {  	s1 =	rddreg [dreg:$0x1];
	p0 =	sne.s32 s2, $0x0  }
0x1d5: {  	s3 =	rddreg [dreg:$0x2];
	[bflag:$0x3] =	sbarrier.arrive $0xFFFF;
	s2 =	simm.s32 @!p0 $0x1C0B  }
0x1d6: {  	[timem:s3], [sflag:s2] =	dma.local @!p0 [hbm:s0], s1  }
0x1d7: {  	s0 =	simm.s32 @!p0 $0xB  }
0x1d8: {  	_ =	swait.ge @!p0 [sflag:s0], s1  }
0x1d9: {  	s1 =	ssub.s32 @!p0 $0x0, s1;
	[sflag:s0] =	ssyncset.done @!p0 $0x0  }
0x1da: {  	[sflag:s0] =	ssyncadd.s32 @!p0 s1  }
0x1db: {  	[bflag:$0x3] =	sbarrier.arrive $0xFFFF  }
0x1dc: {  	_ =	shalt  }

// kernel: kernel.9.cloned.1.call-start
scs
__scs_entry_jumppad:
0x0: {  	(pc) =	sbr.rel $0x88, $3  }
0x1: {  	(tag) =	ssettag $0x0;
	lr =	simm.s32 $0x1  }
0x2: {  	[smem:$0x3F98] =	sst lr;
	_ =	strace $0xD0000000  }
0x3: {  	_ = 	snop  }
0x4: {  	_ = 	snop  }
0x5: {  	_ = 	snop  }
0x6: {  	_ = 	snop  }
0x7: {  	_ = 	snop  }
__scs_overlays_trampoline_lowered:
0x8: {  	[smem:$0x3FA7] =	sst s0  }
0x9: {  	[smem:$0x3FA8] =	sst s1  }
0xa: {  	[smem:$0x3FA9] =	sst s2  }
0xb: {  	[smem:$0x3FAA] =	sst s3  }
0xc: {  	[smem:$0x3FAB] =	sst s4  }
0xd: {  	[smem:$0x3FAC] =	sst s5  }
0xe: {  	[smem:$0x3FAD] =	sst s6  }
0xf: {  	[smem:$0x3FAE] =	sst s7  }
0x10: {  	[smem:$0x3FAF] =	sst s8  }
0x11: {  	[smem:$0x3FB0] =	sst s9;
	s0 =	simm.s32 @!p0 $0x0  }
0x12: {  	s1 =	sld [smem:$0x3F96];
	s0 =	simm.s32 @p0 $0x1  }
0x13: {  	[smem:$0x3FB1] =	sst s0;
	s0 =	simm.s32 @!p1 $0x0  }
0x14: {  	s2 =	sld [smem:$0x3F95];
	s0 =	simm.s32 @p1 $0x1  }
0x15: {  	[smem:$0x3FB2] =	sst s0;
	s0 =	simm.s32 @!p2 $0x0  }
0x16: {  	s3 =	sld [smem:$0x3FDB];
	s0 =	simm.s32 @p2 $0x1  }
0x17: {  	s4 =	simm.s32 $0x1BF5;
	[smem:$0x3FB4] =	sst s0  }
0x18: {  	s0 =	sld [smem:$0x3F97];
	_ =	swait.ge [sflag:s4], $0x0  }
0x19: {  	s7 =	sld [smem:$0x3F98]  }
0x1a: {  	s8 =	sadd.s32 $0xFFFFE003, lr  }
0x1b: {  	s9 =	sadd.s32 $0xFFFFFEF7, lr;
	s5 =	simm.s32 $0xFFFFFFFF;
	p2 =	slt.u32 s8, $0xFFFFF086  }
0x1c: {  	p1 =	slt.u32 s9, $0xF7A;
	s5 =	simm.s32 @!p2 $0x0  }
0x1d: {  	s5 =	simm.s32 @p1 $0x1;
	p0 =	seq.s32 s7, s2  }
0x1e: {  	s7 =	smul.u32 @!p0 $0xF7A, s2;
	p2 =	seq.s32 @!p0 s5, $0x0  }
0x1f: {  	s9 =	smul.u32 $0xF7A, s1;
	s8 =	simm.s32 @!p0 $0x1BF5;
	p2 =	por !p2, p0  }
0x20: {  	[sflag:s8] =	ssyncset.s32 @!p0 $0xFFFFF086;
	s6 =	sadd.s32 @!p0 s3, s7;
	s7 =	simm.s32 @!p0 $0x108  }
0x21: {  	s3 =	sadd.s32 s3, s9;
	s6 =	sadd.s32 @!p0 $0x88, s6;
	s7 =	simm.s32 @p2 $0x1082  }
0x22: {  	[simem:s7], [sflag:s8] =	dma.local @!p0 [hbm:s6], $0xF7A  }
0x23: {  	s9 =	sor.u32 $0xD0000000, s2;
	s6 =	simm.s32 $0x108;
	_ =	swait.ge @!p0 [sflag:s8], $0x0  }
0x24: {  	s3 =	sadd.s32 $0x88, s3;
	s6 =	simm.s32 @!p1 $0x1082;
	[sflag:s4] =	ssyncset.s32 $0xFFFFF086  }
0x25: {  	[simem:s6], [sflag:s4] =	dma.local [hbm:s3], $0xF7A  }
0x26: {  	[smem:$0x3F98] =	sst s1;
	(tag) =	ssettag s2;
	_ =	strace s9  }
0x27: {  	s1 =	sld [smem:$0x3FA8]  }
0x28: {  	s2 =	sld [smem:$0x3FA9]  }
0x29: {  	s4 =	sld [smem:$0x3FAB]  }
0x2a: {  	p0 =	seq.s32 s5, $0x0;
	s5 =	sld [smem:$0x3FAC]  }
0x2b: {  	s6 =	sld [smem:$0x3FAD]  }
0x2c: {  	s7 =	sld [smem:$0x3FAE]  }
0x2d: {  	s3 =	simm.s32 $0x108;
	s8 =	sld [smem:$0x3FAF]  }
0x2e: {  	s3 =	simm.s32 @!p0 $0x1082;
	s9 =	sld [smem:$0x3FB0]  }
0x2f: {  	lr =	sadd.s32 s0, s3;
	s0 =	sld [smem:$0x3FA7]  }
0x30: {  	s3 =	sld [smem:$0x3FAA]  }
0x31: {  	[smem:$0x3FB3] =	sst s10  }
0x32: {  	s10 =	sld [smem:$0x3FB1];
	_ =	sdelay $0x3  }
0x33: {  	p0 =	seq.s32 s10, $0x1;
	s10 =	sld [smem:$0x3FB3];
	_ =	sdelay $0x3  }
0x34: {  	[smem:$0x3FB3] =	sst s10  }
0x35: {  	s10 =	sld [smem:$0x3FB2];
	_ =	sdelay $0x3  }
0x36: {  	p1 =	seq.s32 s10, $0x1;
	s10 =	sld [smem:$0x3FB3];
	_ =	sdelay $0x3  }
0x37: {  	[smem:$0x3FB3] =	sst s10  }
0x38: {  	s10 =	sld [smem:$0x3FB4]  }
0x39: {  	_ = 	snop;
	(pc) =	sbr.ind lr, $3  }
0x3a: {  	_ = 	snop  }
0x3b: {  	_ = 	snop  }
0x3c: {  	p2 =	seq.s32 s10, $0x1;
	s10 =	sld [smem:$0x3FB3]  }
0x3d: {  	_ =	shalt  }
0x3e: {  	_ =	shalt  }
0x3f: {  	_ =	shalt  }
0x40: {  	_ =	shalt  }
0x41: {  	_ =	shalt  }
0x42: {  	_ =	shalt  }
0x43: {  	_ =	shalt  }
0x44: {  	_ =	shalt  }
0x45: {  	_ =	shalt  }
0x46: {  	_ =	shalt  }
0x47: {  	_ =	shalt  }
0x48: {  	_ =	shalt  }
0x49: {  	_ =	shalt  }
0x4a: {  	_ =	shalt  }
0x4b: {  	_ =	shalt  }
0x4c: {  	_ =	shalt  }
0x4d: {  	_ =	shalt  }
0x4e: {  	_ =	shalt  }
0x4f: {  	_ =	shalt  }
0x50: {  	_ =	shalt  }
0x51: {  	_ =	shalt  }
0x52: {  	_ =	shalt  }
0x53: {  	_ =	shalt  }
0x54: {  	_ =	shalt  }
0x55: {  	_ =	shalt  }
0x56: {  	_ =	shalt  }
0x57: {  	_ =	shalt  }
0x58: {  	_ =	shalt  }
0x59: {  	_ =	shalt  }
0x5a: {  	_ =	shalt  }
0x5b: {  	_ =	shalt  }
0x5c: {  	_ =	shalt  }
0x5d: {  	_ =	shalt  }
0x5e: {  	_ =	shalt  }
0x5f: {  	_ =	shalt  }
0x60: {  	_ =	shalt  }
0x61: {  	_ =	shalt  }
0x62: {  	_ =	shalt  }
0x63: {  	_ =	shalt  }
0x64: {  	_ =	shalt  }
0x65: {  	_ =	shalt  }
0x66: {  	_ =	shalt  }
0x67: {  	_ =	shalt  }
0x68: {  	_ =	shalt  }
0x69: {  	_ =	shalt  }
0x6a: {  	_ =	shalt  }
0x6b: {  	_ =	shalt  }
0x6c: {  	_ =	shalt  }
0x6d: {  	_ =	shalt  }
0x6e: {  	_ =	shalt  }
0x6f: {  	_ =	shalt  }
0x70: {  	_ =	shalt  }
0x71: {  	_ =	shalt  }
0x72: {  	_ =	shalt  }
0x73: {  	_ =	shalt  }
0x74: {  	_ =	shalt  }
0x75: {  	_ =	shalt  }
0x76: {  	_ =	shalt  }
0x77: {  	_ =	shalt  }
0x78: {  	_ =	shalt  }
0x79: {  	_ =	shalt  }
0x7a: {  	_ =	shalt  }
0x7b: {  	_ =	shalt  }
0x7c: {  	_ =	shalt  }
0x7d: {  	_ =	shalt  }
0x7e: {  	_ =	shalt  }
0x7f: {  	_ =	shalt  }
0x80: {  	_ =	shalt  }
0x81: {  	_ =	shalt  }
0x82: {  	_ =	shalt  }
0x83: {  	_ =	shalt  }
0x84: {  	_ =	shalt  }
0x85: {  	_ =	shalt  }
0x86: {  	_ =	shalt  }
0x87: {  	_ =	shalt  }
.Lfunc_end0:
.L_simem_size_0:
called_computation.1_lowered:
.L_overlay_start_0:
0x88: {  	s2 =	sld [smem:$0x3FD9]  }
0x89: {  	s3 =	sld [smem:$0x3FFE];
	_ =	sdelay $0x1  }
0x8a: {  	s1 =	srdreg.scid  }
0x8b: {  	s0 =	sand.u32 $0x1, s1  }
0x8c: {  	s17 =	sshll.u32 s0, $0xA;
	s2 =	sadd.s32 s3, s2  }
0x8d: {  	s2 =	sadd.s32 s2, s17  }
0x8e: {  	[smem:$0x3FBF] =	sst s2  }
0x8f: {  	_ = 	snop  }
0x90: {  	s2 =	sld [smem:$0x3FD0];
	(tm) =	ssettm $0x1  }
0x91: {  	s18 =	sld [smem:$0x3FFB];
	_ =	sdelay $0x3  }
0x92: {  	_ =	strace s18  }
0x93: {  	s3 =	sld [smem:$0x3FFC];
	_ =	sdelay $0x3  }
0x94: {  	_ =	strace s3  }
0x95: {  	s3 =	sld [smem:$0x3FFD];
	_ =	sdelay $0x3  }
0x96: {  	_ =	strace s3  }
0x97: {  	_ =	strace $0x8FFFFFFF  }
0x98: {  	s19 =	sld [smem:$0x3FDB];
	_ =	sdelay $0x1  }
0x99: {  	s4 =	simm.s32 $_scs_section_size  }
0x9a: {  	s5 =	simm.s32 $_size__tile_overlayer_lowered;
	s6 =	simm.s32 $_tile_overlayer_lowered  }
0x9b: {  	s22 =	simm.s32 $0x1BFF;
	s21 =	sshll.u32 s6, $0x1;
	s3 =	sadd.s32 s4, s19  }
0x9c: {  	s7 =	simm.s32 $0x0;
	s20 =	sshll.u32 s5, $0x1;
	s5 =	sadd.s32 s21, s3  }
0x9d: {  	[timem:s7], [sflag:s22] =	dma.local [hbm:s5], s20  }
0x9e: {  	_ =	swait.ge [sflag:s22], s20  }
0x9f: {  	s4 =	ssub.s32 $0x0, s20;
	[sflag:s22] =	ssyncset.done $0x0  }
0xa0: {  	[sflag:s22] =	ssyncadd.s32 s4;
	_ =	sdelay $0x1  }
0xa1: {  	s23 =	simm.s32 $0x1B8B  }
0xa2: {  	_ =	swait.ge [sflag:s23], $0x1  }
0xa3: {  	[sflag:s23] =	ssyncset.done $0x0  }
0xa4: {  	s25 =	simm.s32 $0x1B8E;
	s24 =	sld [smem:$0x3FFE];
	[sflag:s23] =	ssyncadd.s32 $0xFFFFFFFF  }
0xa5: {  	s26 =	simm.s32 $execute0_lowered;
	[smem:$0x3FD2] =	sst s25  }
0xa6: {  	s5 =	sshll.u32 s26, $0x1;
	_ =	strace $0x80000049;
	[dreg:$0x1] =	wrdreg $0xFFFFFFFF  }
0xa7: {  	s28 =	simm.s32 $_size_execute0_lowered;
	s3 =	sadd.s32 s3, s5;
	[dreg:$0x0] =	wrdreg $0x0  }
0xa8: {  	s5 =	sshll.u32 s28, $0x1;
	[dreg:$0x2] =	wrdreg s3  }
0xa9: {  	[dreg:$0x3] =	wrdreg s5  }
0xaa: {  	[dreg:$0x4] =	wrdreg $0xC0  }
0xab: {  	_ =	task [dreg:s7], $0x5FFFF  }
0xac: {  	[dreg:$0x1] =	wrdreg $0xFFFFFFFF  }
0xad: {  	[dreg:$0x0] =	wrdreg $0x60  }
0xae: {  	[dreg:$0x2] =	wrdreg s2  }
0xaf: {  	[dreg:$0x3] =	wrdreg s24  }
0xb0: {  	[dreg:$0x4] =	wrdreg $0x100400  }
0xb1: {  	[dreg:$0x5] =	wrdreg $0x9  }
0xb2: {  	_ =	task.clear_ibuf [dreg:s7], $0x6FFFF;
	_ =	strace $0x90000049  }
0xb3: {  	s29 =	simm.s32 $0x9;
	_ =	strace $0x8000004B  }
0xb4: {  	_ =	swait.ge [sflag:s29], $0x1  }
0xb5: {  	[sflag:s29] =	ssyncadd.s32 $0xFFFFFFFF  }
0xb6: {  	_ =	strace $0x9000004B  }
0xb7: {  	_ =	sfence  }
0xb8: {  	s30 =	sld [smem:$0x0];
	_ =	sdelay $0x2  }
0xb9: {  	s31 =	sshll.u32 s1, $0xD;
	s1 =	sshrl.u32 s1, $0x2  }
0xba: {  	s3 =	sand.u32 $0x4000, s31;
	s1 =	sadd.s32 s1, s30  }
0xbb: {  	s0 =	sor.u32 s3, s0;
	s1 =	sshll.u32 s1, $0x11  }
0xbc: {  	s0 =	sor.u32 s1, s0  }
0xbd: {  	s0 =	sadd.s32 $0x8F2B, s0  }
0xbe: {  	[sflag:s0] =	ssyncadd.remote.s32 $0x1  }
0xbf: {  	_ =	sfence.sel $0xFFFF  }
0xc0: {  	[dreg:$0x0] =	wrdreg $0xFFFFFFFF;
	(pc) =	sbr.abs _section_cstart, $3  }
0xc1: {  	[dreg:$0x1] =	wrdreg $0xFFFFFFFF  }
0xc2: {  	_ =	task.clear_ibuf [dreg:s7], $0x2FFFF;
	_ =	strace $0x9FFFFFFF  }
0xc3: {  	(tm) =	ssettm $0x7FFFFFFF  }
tec
execute0_lowered:
.L_overlay_start_1:
0x0: {  	(tag) =	ssettag $0x1  }
0x1: {  	s0 =	rddreg [dreg:$0x0]  }
0x2: {  	s1 =	rddreg [dreg:$0x1]  }
0x3: {  	s2 =	rddreg [dreg:$0x2]  }
0x4: {  	s3 =	simm.s32 $0x0;
	s13 =	stileid.u32;
	s4 =	srdreg.scid  }
0x5: {  	s17 =	simm.s32 $0x50;
	s18 =	simm.s32 $0x9C40;
	s19 =	simm.s32 $0xB040  }
0x6: {  	s28 =	simm.s32 $0x6;
	s29 =	simm.s32 $0x2;
	s30 =	simm.s32 $0x7  }
0x7: {  	s31 =	simm.s32 $0x3;
	s16 =	simm.s32 $0x9;
	[smem:$0x7FF] =	sst s3  }
0x8: {  	s20 =	smul.u32 $0x9C00, s13;
	s5 =	sand.u32 $0x1, s4;
	s11 =	sadd.s32 $0x1C00, s1  }
0x9: {  	s4 =	sadd.s32 $0x29000, s1;
	s9 =	sadd.s32 $0x50200, s1;
	s21 =	smul.u32 $0x270, s13  }
0xa: {  	s22 =	sshll.u32 s13, $0x6;
	s14 =	sadd.s32 $0x9C000, s2;
	s15 =	smul.u32 $0x9C4, s13  }
0xb: {  	_ =	strace $0x8000004A;
	s7 =	ssub.s32 $0x2, s5;
	s24 =	smul.u32 $0x2710, s5  }
0xc: {  	s12 =	smul.u32 $0x9C400, s5;
	p0 =	seq.s32 s5, $0x1;
	s6 =	sshrl.u32 s20, $0x3  }
0xd: {  	s8 =	sshrl.u32 s7, $0x1;
	s3 =	sadd.s32 s20, s2;
	s0 =	smov.u32 @p0 s11  }
0xe: {  	p0 =	sne.s32 s13, $0xF;
	s13 =	simm.s32 $0xB;
	s20 =	simm.s32 $0x5  }
0xf: {  	s6 =	sadd.s32 s6, s1;
	s10 =	ssub.s32 s7, s8;
	s1 =	sadd.s32 $0x28E00, s1  }
0x10: {  	s23 =	sadd.s32 s21, s24;
	s25 =	sshrl.u32 s12, $0x3;
	s11 =	sadd.s32 s0, s15  }
0x11: {  	s0 =	sadd.s32 $0x9C40, s0;
	s12 =	sshrl.u32 s3, $0x3;
	s14 =	sshrl.u32 @!p0 s14, $0x3  }
0x12: {  	s21 =	simm.s32 $0xC440;
	v0 =	vmov s24;
	s24 =	simm.s32 $0x0;
	s6 =	sadd.s32 $0x15600, s6  }
0x13: {  	[dreg:$0x5] =	wrdreg s1;
	s1 =	sshll.u32 s23, $0x3;
	s26 =	sadd.s32 s9, s25  }
0x14: {  	s10 =	smax.u32 s10, $0x1;
	s15 =	sadd.s32 s15, s0;
	s23 =	simm.s32 $0xD840  }
0x15: {  	s25 =	simm.s32 $0xEC40;
	s0 =	simm.s32 $0x8;
	[dreg:$0x4] =	wrdreg s6  }
0x16: {  	s6 =	sor.u32 $0x1C0B, s22;
	s8 =	sadd.s32 s9, s1;
	s9 =	sadd.s32 $0x13800, s26  }
0x17: {  	s26 =	simm.s32 $0x1;
	s1 =	simm.s32 $0x4;
	s22 =	simm.s32 $0xA  }
.LBB2_1:
0x18: {  	s3 =	rddreg [dreg:$0x4]  }
0x19: {  	[spmem:s12], [sflag:s6] =	dma.local [hbm:s3], $0x1380  }
0x1a: {  	_ =	swait.ge [sflag:s13], $0x1380  }
0x1b: {  	[sflag:s13] =	ssyncset.done $0x0  }
0x1c: {  	s3 =	rddreg [dreg:$0x5];
	[sflag:s13] =	ssyncadd.s32 $0xFFFFEC80  }
0x1d: {  	[spmem:s14], [sflag:s6] =	dma.local @!p0 [hbm:s3], $0x80  }
0x1e: {  	s3 =	simm.s32 @!p0 $0xB  }
0x1f: {  	_ =	swait.ge @!p0 [sflag:s3], $0x80  }
0x20: {  	[sflag:s3] =	ssyncset.done @!p0 $0x0  }
0x21: {  	s7 =	simm.s32 $0x0;
	[sflag:s3] =	ssyncadd.s32 @!p0 $0xFFFFFF80  }
0x22: {  	[tilespmem:s7], [sflag:$0xB] =	stream.linear.gather [hbm4b:s11+s7], $0x4E20, $0x38;
	[tilespmem:$0x19C80] =	vst v63  }
0x23: {  	_ =	swait.ge [sflag:s13], $0x4E20  }
0x24: {  	[sflag:s13] =	ssyncset.done $0x0  }
0x25: {  	s5 =	simm.s32 $0x4E20;
	[sflag:s13] =	ssyncadd.s32 $0xFFFFB1E0  }
0x26: {  	[tilespmem:s5], [sflag:$0xB] =	stream.linear.gather [hbm4b:s15+s7], $0x4E20, $0x38;
	[tilespmem:$0x19C80] =	vst v63  }
0x27: {  	_ =	swait.ge [sflag:s13], $0x4E20  }
0x28: {  	[sflag:s13] =	ssyncset.done $0x0  }
0x29: {  	s3 =	simm.s32 $0x0;
	[sflag:s13] =	ssyncadd.s32 $0xFFFFB1E0  }
0x2a: {  	v4 =	vld [tilespmem:s3+$0x0]  }
0x2b: {  	v3 =	vld [tilespmem:s3+$0x10]  }
0x2c: {  	v2 =	vld [tilespmem:s3+$0x20]  }
0x2d: {  	s5 =	simm.s32 $0x140;
	v1 =	vld [tilespmem:s3+$0x30]  }
.LBB2_2:
0x2e: {  	p1 =	sne.s32 s5, $0x13740;
	v5 =	vld [tilespmem:s3+$0x40]  }
0x2f: {  	v4 =	vadd.s32 v0, v4  }
.Ltmp0:
0x30: {  	s7 =	sshra.s32 s5, $0x2;
	[tilespmem:s3+$0x0] =	vst v4;
	v3 =	vadd.s32 v0, v3;
	(pc) =	sbr.rel @p1 .LBB2_2-.Ltmp0, $4  }
0x31: {  	v4 =	vld [tilespmem:s7+$0x0];
	[tilespmem:s3+$0x10] =	vst v3;
	v2 =	vadd.s32 v0, v2  }
0x32: {  	v3 =	vld [tilespmem:s7+$0x10];
	[tilespmem:s3+$0x20] =	vst v2;
	v1 =	vadd.s32 v0, v1  }
0x33: {  	v2 =	vld [tilespmem:s7+$0x20];
	[tilespmem:s3+$0x30] =	vst v1;
	v5 =	vadd.s32 v0, v5  }
0x34: {  	s5 =	sadd.s32 $0x140, s5;
	v1 =	vld [tilespmem:s7+$0x30];
	[tilespmem:s3+$0x40] =	vst v5;
	s3 =	smov.u32 s7  }
0x35: {  	v5 =	vld [tilespmem:s3+$0x40]  }
0x36: {  	v4 =	vadd.s32 v0, v4  }
0x37: {  	[tilespmem:s3+$0x0] =	vst v4;
	v3 =	vadd.s32 v0, v3  }
0x38: {  	[tilespmem:s3+$0x10] =	vst v3;
	v2 =	vadd.s32 v0, v2  }
0x39: {  	[tilespmem:s3+$0x20] =	vst v2;
	v1 =	vadd.s32 v0, v1  }
0x3a: {  	[tilespmem:s3+$0x30] =	vst v1;
	v1 =	vadd.s32 v0, v5  }
0x3b: {  	[tilespmem:s3+$0x40] =	vst v1  }
0x3c: {  	s7 =	simm.s32 $0x0;
	[bflag:$0x0] =	sbarrier.arrive $0xFFFF  }
0x3d: {  	[tilespmem:s18], [sflag:$0x1] =	stream.indirect.gather [hbm4b:s4+s17], $0x40, s7, s17, $0xb8;
	[tilespmem:$0x19C80] =	vst v63  }
0x3e: {  	_ = 	snop  }
0x3f: {  	[tilespmem:s19], [sflag:$0x2] =	stream.indirect.gather [hbm4b:s4+s17], $0x40, s17, s17, $0xb8;
	[tilespmem:$0x19C80] =	vst v63  }
0x40: {  	s5 =	simm.s32 $0xA0  }
0x41: {  	[tilespmem:s21], [sflag:$0x3] =	stream.indirect.gather [hbm4b:s4+s17], $0x40, s5, s17, $0xb8;
	[tilespmem:$0x19C80] =	vst v63  }
0x42: {  	s7 =	simm.s32 $0xF0  }
0x43: {  	[tilespmem:s23], [sflag:$0x4] =	stream.indirect.gather [hbm4b:s4+s17], $0x40, s7, s17, $0xb8;
	[tilespmem:$0x19C80] =	vst v63  }
0x44: {  	s5 =	simm.s32 $0x140  }
0x45: {  	[tilespmem:s25], [sflag:$0x5] =	stream.indirect.gather [hbm4b:s4+s17], $0x40, s5, s17, $0xb8;
	[tilespmem:$0x19C80] =	vst v63  }
0x46: {  	_ =	swait.ge [sflag:s26], $0x1400  }
0x47: {  	[sflag:s26] =	ssyncset.done $0x0  }
0x48: {  	s7 =	simm.s32 $0x4E20;
	[sflag:s26] =	ssyncadd.s32 $0xFFFFEC00  }
0x49: {  	[spmem:s2] =	stream.indirect.scatter.add.f32 [tilespmem:s18], [sflag:$0x6], $0x40, s7, s17, $0xb8;
	[tilespmem:$0x19C80] =	vst v63  }
0x4a: {  	_ =	swait.ge [sflag:s28], $0x1400  }
0x4b: {  	[sflag:s28] =	ssyncset.done $0x0  }
0x4c: {  	s5 =	simm.s32 $0x190;
	[sflag:s28] =	ssyncadd.s32 $0xFFFFEC00  }
0x4d: {  	[tilespmem:s18], [sflag:$0x1] =	stream.indirect.gather [hbm4b:s4+s17], $0x40, s5, s17, $0xb8;
	[tilespmem:$0x19C80] =	vst v63  }
0x4e: {  	_ =	swait.ge [sflag:s29], $0x1400  }
0x4f: {  	[sflag:s29] =	ssyncset.done $0x0  }
0x50: {  	s7 =	simm.s32 $0x4E70;
	[sflag:s29] =	ssyncadd.s32 $0xFFFFEC00  }
0x51: {  	[spmem:s2] =	stream.indirect.scatter.add.f32 [tilespmem:s19], [sflag:$0x7], $0x40, s7, s17, $0xb8;
	[tilespmem:$0x19C80] =	vst v63  }
0x52: {  	_ =	swait.ge [sflag:s30], $0x1400  }
0x53: {  	[sflag:s30] =	ssyncset.done $0x0  }
0x54: {  	s5 =	simm.s32 $0x1E0;
	[sflag:s30] =	ssyncadd.s32 $0xFFFFEC00  }
0x55: {  	[tilespmem:s19], [sflag:$0x2] =	stream.indirect.gather [hbm4b:s4+s17], $0x40, s5, s17, $0xb8;
	[tilespmem:$0x19C80] =	vst v63  }
0x56: {  	_ =	swait.ge [sflag:s31], $0x1400  }
0x57: {  	[sflag:s31] =	ssyncset.done $0x0  }
0x58: {  	s7 =	simm.s32 $0x4EC0;
	[sflag:s31] =	ssyncadd.s32 $0xFFFFEC00  }
0x59: {  	[spmem:s2] =	stream.indirect.scatter.add.f32 [tilespmem:s21], [sflag:$0x8], $0x40, s7, s17, $0xb8;
	[tilespmem:$0x19C80] =	vst v63  }
0x5a: {  	_ =	swait.ge [sflag:s0], $0x1400  }
0x5b: {  	[sflag:s0] =	ssyncset.done $0x0  }
0x5c: {  	s5 =	simm.s32 $0x230;
	[sflag:s0] =	ssyncadd.s32 $0xFFFFEC00  }
0x5d: {  	[tilespmem:s21], [sflag:$0x3] =	stream.indirect.gather [hbm4b:s4+s17], $0x40, s5, s17, $0xb8;
	[tilespmem:$0x19C80] =	vst v63  }
0x5e: {  	_ =	swait.ge [sflag:s1], $0x1400  }
0x5f: {  	[sflag:s1] =	ssyncset.done $0x0  }
0x60: {  	s7 =	simm.s32 $0x4F10;
	[sflag:s1] =	ssyncadd.s32 $0xFFFFEC00  }
0x61: {  	[spmem:s2] =	stream.indirect.scatter.add.f32 [tilespmem:s23], [sflag:$0x9], $0x40, s7, s17, $0xb8;
	[tilespmem:$0x19C80] =	vst v63  }
0x62: {  	_ =	swait.ge [sflag:s16], $0x1400  }
0x63: {  	[sflag:s16] =	ssyncset.done $0x0  }
0x64: {  	s5 =	simm.s32 $0x280;
	[sflag:s16] =	ssyncadd.s32 $0xFFFFEC00  }
0x65: {  	[tilespmem:s23], [sflag:$0x4] =	stream.indirect.gather [hbm4b:s4+s17], $0x40, s5, s17, $0xb8;
	[tilespmem:$0x19C80] =	vst v63  }
0x66: {  	_ =	swait.ge [sflag:s20], $0x1400  }
0x67: {  	[sflag:s20] =	ssyncset.done $0x0  }
0x68: {  	s7 =	simm.s32 $0x4F60;
	[sflag:s20] =	ssyncadd.s32 $0xFFFFEC00  }
0x69: {  	[spmem:s2] =	stream.indirect.scatter.add.f32 [tilespmem:s25], [sflag:$0xA], $0x40, s7, s17, $0xb8;
	[tilespmem:$0x19C80] =	vst v63  }
0x6a: {  	_ =	swait.ge [sflag:s22], $0x1400  }
0x6b: {  	[sflag:s22] =	ssyncset.done $0x0  }
0x6c: {  	s3 =	simm.s32 $0x640;
	s5 =	simm.s32 $0x2D0;
	[sflag:s22] =	ssyncadd.s32 $0xFFFFEC00  }
.LBB2_4:
0x6d: {  	[tilespmem:s25], [sflag:$0x5] =	stream.indirect.gather [hbm4b:s4+s17], $0x40, s5, s17, $0xb8;
	[tilespmem:$0x19C80] =	vst v63  }
0x6e: {  	s5 =	smov.u32 s3  }
0x6f: {  	p1 =	sne.s32 s3, $0x12C00;
	s3 =	sadd.s32 $0x640, s3;
	_ =	swait.ge [sflag:s26], $0x1400  }
0x70: {  	s5 =	sshra.s32 s5, $0x2;
	[sflag:s26] =	ssyncset.done $0x0  }
0x71: {  	s7 =	sadd.s32 $0x4E20, s5;
	[sflag:s26] =	ssyncadd.s32 $0xFFFFEC00  }
0x72: {  	[spmem:s2] =	stream.indirect.scatter.add.f32 [tilespmem:s18], [sflag:$0x6], $0x40, s7, s17, $0xb8;
	[tilespmem:$0x19C80] =	vst v63  }
0x73: {  	_ =	swait.ge [sflag:s28], $0x1400  }
0x74: {  	[sflag:s28] =	ssyncset.done $0x0  }
0x75: {  	s7 =	sadd.s32 $0x190, s5;
	[sflag:s28] =	ssyncadd.s32 $0xFFFFEC00  }
0x76: {  	[tilespmem:s18], [sflag:$0x1] =	stream.indirect.gather [hbm4b:s4+s17], $0x40, s7, s17, $0xb8;
	[tilespmem:$0x19C80] =	vst v63  }
0x77: {  	_ =	swait.ge [sflag:s29], $0x1400  }
0x78: {  	[sflag:s29] =	ssyncset.done $0x0  }
0x79: {  	s7 =	sadd.s32 $0x4E70, s5;
	[sflag:s29] =	ssyncadd.s32 $0xFFFFEC00  }
0x7a: {  	[spmem:s2] =	stream.indirect.scatter.add.f32 [tilespmem:s19], [sflag:$0x7], $0x40, s7, s17, $0xb8;
	[tilespmem:$0x19C80] =	vst v63  }
0x7b: {  	_ =	swait.ge [sflag:s30], $0x1400  }
0x7c: {  	[sflag:s30] =	ssyncset.done $0x0  }
0x7d: {  	s7 =	sadd.s32 $0x1E0, s5;
	[sflag:s30] =	ssyncadd.s32 $0xFFFFEC00  }
0x7e: {  	[tilespmem:s19], [sflag:$0x2] =	stream.indirect.gather [hbm4b:s4+s17], $0x40, s7, s17, $0xb8;
	[tilespmem:$0x19C80] =	vst v63  }
0x7f: {  	_ =	swait.ge [sflag:s31], $0x1400  }
0x80: {  	[sflag:s31] =	ssyncset.done $0x0  }
0x81: {  	s7 =	sadd.s32 $0x4EC0, s5;
	[sflag:s31] =	ssyncadd.s32 $0xFFFFEC00  }
0x82: {  	[spmem:s2] =	stream.indirect.scatter.add.f32 [tilespmem:s21], [sflag:$0x8], $0x40, s7, s17, $0xb8;
	[tilespmem:$0x19C80] =	vst v63  }
0x83: {  	_ =	swait.ge [sflag:s0], $0x1400  }
0x84: {  	[sflag:s0] =	ssyncset.done $0x0  }
0x85: {  	s7 =	sadd.s32 $0x230, s5;
	[sflag:s0] =	ssyncadd.s32 $0xFFFFEC00  }
0x86: {  	[tilespmem:s21], [sflag:$0x3] =	stream.indirect.gather [hbm4b:s4+s17], $0x40, s7, s17, $0xb8;
	[tilespmem:$0x19C80] =	vst v63  }
0x87: {  	_ =	swait.ge [sflag:s1], $0x1400  }
0x88: {  	[sflag:s1] =	ssyncset.done $0x0  }
0x89: {  	s7 =	sadd.s32 $0x4F10, s5;
	[sflag:s1] =	ssyncadd.s32 $0xFFFFEC00  }
0x8a: {  	[spmem:s2] =	stream.indirect.scatter.add.f32 [tilespmem:s23], [sflag:$0x9], $0x40, s7, s17, $0xb8;
	[tilespmem:$0x19C80] =	vst v63  }
0x8b: {  	_ =	swait.ge [sflag:s16], $0x1400  }
0x8c: {  	[sflag:s16] =	ssyncset.done $0x0  }
0x8d: {  	s7 =	sadd.s32 $0x280, s5;
	[sflag:s16] =	ssyncadd.s32 $0xFFFFEC00  }
0x8e: {  	[tilespmem:s23], [sflag:$0x4] =	stream.indirect.gather [hbm4b:s4+s17], $0x40, s7, s17, $0xb8;
	[tilespmem:$0x19C80] =	vst v63  }
0x8f: {  	_ =	swait.ge [sflag:s20], $0x1400  }
0x90: {  	[sflag:s20] =	ssyncset.done $0x0  }
.Ltmp1:
0x91: {  	s7 =	sadd.s32 $0x4F60, s5;
	[sflag:s20] =	ssyncadd.s32 $0xFFFFEC00;
	(pc) =	sbr.rel @p1 .LBB2_4-.Ltmp1, $4  }
0x92: {  	[spmem:s2] =	stream.indirect.scatter.add.f32 [tilespmem:s25], [sflag:$0xA], $0x40, s7, s17, $0xb8;
	[tilespmem:$0x19C80] =	vst v63  }
0x93: {  	_ =	swait.ge [sflag:s22], $0x1400  }
0x94: {  	[sflag:s22] =	ssyncset.done $0x0  }
0x95: {  	s5 =	sadd.s32 $0x2D0, s5;
	[sflag:s22] =	ssyncadd.s32 $0xFFFFEC00  }
0x96: {  	[tilespmem:s25], [sflag:$0x5] =	stream.indirect.gather [hbm4b:s4+s17], $0x40, s5, s17, $0xb8;
	[tilespmem:$0x19C80] =	vst v63  }
0x97: {  	_ =	swait.ge [sflag:s26], $0x1400  }
0x98: {  	[sflag:s26] =	ssyncset.done $0x0  }
0x99: {  	s3 =	simm.s32 $0x9AB0;
	[sflag:s26] =	ssyncadd.s32 $0xFFFFEC00  }
0x9a: {  	[spmem:s2] =	stream.indirect.scatter.add.f32 [tilespmem:s18], [sflag:$0x6], $0x40, s3, s17, $0xb8;
	[tilespmem:$0x19C80] =	vst v63  }
0x9b: {  	_ =	swait.ge [sflag:s29], $0x1400  }
0x9c: {  	[sflag:s29] =	ssyncset.done $0x0  }
0x9d: {  	s5 =	simm.s32 $0x9B00;
	[sflag:s29] =	ssyncadd.s32 $0xFFFFEC00  }
0x9e: {  	[spmem:s2] =	stream.indirect.scatter.add.f32 [tilespmem:s19], [sflag:$0x7], $0x40, s5, s17, $0xb8;
	[tilespmem:$0x19C80] =	vst v63  }
0x9f: {  	_ =	swait.ge [sflag:s31], $0x1400  }
0xa0: {  	[sflag:s31] =	ssyncset.done $0x0  }
0xa1: {  	s7 =	simm.s32 $0x9B50;
	[sflag:s31] =	ssyncadd.s32 $0xFFFFEC00  }
0xa2: {  	[spmem:s2] =	stream.indirect.scatter.add.f32 [tilespmem:s21], [sflag:$0x8], $0x40, s7, s17, $0xb8;
	[tilespmem:$0x19C80] =	vst v63  }
0xa3: {  	_ =	swait.ge [sflag:s1], $0x1400  }
0xa4: {  	[sflag:s1] =	ssyncset.done $0x0  }
0xa5: {  	s5 =	simm.s32 $0x9BA0;
	[sflag:s1] =	ssyncadd.s32 $0xFFFFEC00  }
0xa6: {  	[spmem:s2] =	stream.indirect.scatter.add.f32 [tilespmem:s23], [sflag:$0x9], $0x40, s5, s17, $0xb8;
	[tilespmem:$0x19C80] =	vst v63  }
0xa7: {  	_ =	swait.ge [sflag:s20], $0x1400  }
0xa8: {  	[sflag:s20] =	ssyncset.done $0x0  }
0xa9: {  	s7 =	simm.s32 $0x9BF0;
	[sflag:s20] =	ssyncadd.s32 $0xFFFFEC00  }
0xaa: {  	[spmem:s2] =	stream.indirect.scatter.add.f32 [tilespmem:s25], [sflag:$0xA], $0x40, s7, s17, $0xb8;
	[tilespmem:$0x19C80] =	vst v63  }
0xab: {  	_ =	swait.ge [sflag:s28], $0x1400  }
0xac: {  	[sflag:s28] =	ssyncset.done $0x0  }
0xad: {  	[sflag:s28] =	ssyncadd.s32 $0xFFFFEC00  }
0xae: {  	_ =	swait.ge [sflag:s30], $0x1400  }
0xaf: {  	[sflag:s30] =	ssyncset.done $0x0  }
0xb0: {  	[sflag:s30] =	ssyncadd.s32 $0xFFFFEC00  }
0xb1: {  	_ =	swait.ge [sflag:s0], $0x1400  }
0xb2: {  	[sflag:s0] =	ssyncset.done $0x0  }
0xb3: {  	[sflag:s0] =	ssyncadd.s32 $0xFFFFEC00  }
0xb4: {  	_ =	swait.ge [sflag:s16], $0x1400  }
0xb5: {  	[sflag:s16] =	ssyncset.done $0x0  }
0xb6: {  	[sflag:s16] =	ssyncadd.s32 $0xFFFFEC00  }
0xb7: {  	_ =	swait.ge [sflag:s22], $0x1400  }
0xb8: {  	[sflag:s22] =	ssyncset.done $0x0  }
0xb9: {  	[sflag:s22] =	ssyncadd.s32 $0xFFFFEC00  }
0xba: {  	[bflag:$0x0] =	sbarrier.arrive $0xFFFF  }
0xbb: {  	[hbm:s8], [sflag:s6] =	dma.local [spmem:s12], $0x1380  }
0xbc: {  	s24 =	sadd.s32 $0x1, s24;
	_ =	swait.ge [sflag:s13], $0x1380  }
0xbd: {  	p1 =	sne.s32 s24, s10;
	[sflag:s13] =	ssyncset.done $0x0  }
.Ltmp2:
0xbe: {  	s3 =	simm.s32 @!p0 $0xB;
	[sflag:s13] =	ssyncadd.s32 $0xFFFFEC80;
	(pc) =	sbr.rel @p1 .LBB2_1-.Ltmp2, $4  }
0xbf: {  	[hbm:s9], [sflag:s6] =	dma.local @!p0 [spmem:s14], $0x80  }
0xc0: {  	_ =	swait.ge @!p0 [sflag:s3], $0x80  }
0xc1: {  	[sflag:s3] =	ssyncset.done @!p0 $0x0  }
0xc2: {  	[sflag:s3] =	ssyncadd.s32 @!p0 $0xFFFFFF80  }
0xc3: {  	_ =	sfence.sel $0x180000  }
0xc4: {  	[bflag:$0x0] =	sbarrier.arrive $0xFFFF  }
0xc5: {  	_ =	strace $0x9000004A  }
0xc6: {  	s0 =	stileid.u32;
	[bflag:$0x2] =	sbarrier.arrive $0xFFFF  }
0xc7: {  	p0 =	sne.s32 s0, $0x0;
	s0 =	rddreg [dreg:$0x3]  }
0xc8: {  	s0 =	sadd.s32 @!p0 $0x100000, s0  }
0xc9: {  	[sflag:s0] =	ssyncadd.tile.s32 @!p0 $0x1;
	_ =	shalt  }
.Lfunc_end2:
_tile_overlayer_lowered:
.L_overlay_start_2:
0xca: {  	(tag) =	ssettag $0x2  }
0xcb: {  	s0 =	rddreg [dreg:$0x0];
	s2 =	stileid.u32  }
0xcc: {  	s1 =	rddreg [dreg:$0x1];
	p0 =	sne.s32 s2, $0x0  }
0xcd: {  	s3 =	rddreg [dreg:$0x2];
	[bflag:$0x3] =	sbarrier.arrive $0xFFFF;
	s2 =	simm.s32 @!p0 $0x1C0B  }
0xce: {  	[timem:s3], [sflag:s2] =	dma.local @!p0 [hbm:s0], s1  }
0xcf: {  	s0 =	simm.s32 @!p0 $0xB  }
0xd0: {  	_ =	swait.ge @!p0 [sflag:s0], s1  }
0xd1: {  	s1 =	ssub.s32 @!p0 $0x0, s1;
	[sflag:s0] =	ssyncset.done @!p0 $0x0  }
0xd2: {  	[sflag:s0] =	ssyncadd.s32 @!p0 s1  }
0xd3: {  	[bflag:$0x3] =	sbarrier.arrive $0xFFFF  }
0xd4: {  	_ =	shalt  }

</sc_bundles>
